<compile_context>
chip_gen: v7x
topology: tpu7x:2x2x1
jax: 0.10.2.dev20260603
libtpu: 0.0.44.dev20260713+nightly
codegen_flags: <defaults>
</compile_context>

<pallas_src>
import dataclasses
import functools

import jax
import jax.numpy as jnp
from jax import lax
from jax.experimental import pallas as pl
from jax.experimental.pallas import tpu as pltpu
from jax.experimental.pallas import tpu_sc as plsc

N = 10000
D = 128
E = 320000

NC = 2
NS = 16
NW = NC * NS
RW = D // NW
CE = 4096
CH = (E + NW * CE - 1) // (NW * CE) * NW
EP = CH * CE
EPW = EP // NW
NP = 10240

_f32 = jnp.float32


def _sc_params():
    cp = pltpu.CompilerParams()
    if "needs_layout_passes" in pltpu.CompilerParams.__dataclass_fields__:
        cp = dataclasses.replace(cp, needs_layout_passes=False)
    return cp


def _vector_mesh():
    return plsc.VectorSubcoreMesh(core_axis_name="c", subcore_axis_name="s")


def _degree_kernel(src_p, dst_p):

    @functools.partial(
        pl.kernel,
        out_type=[
            jax.ShapeDtypeStruct((NW, NP), _f32),
            jax.ShapeDtypeStruct((NW, NP), _f32),
        ],
        mesh=_vector_mesh(),
        scratch_types=[
            pltpu.VMEM((NP,), _f32),
            pltpu.VMEM((NP,), _f32),
            pltpu.VMEM((EPW,), jnp.int32),
            pltpu.VMEM((EPW,), jnp.int32),
            pltpu.SemaphoreType.DMA,
        ],
        compiler_params=_sc_params(),
    )
    def k(src_hbm, dst_hbm, dgo_hbm, dgi_hbm, dgo_v, dgi_v, sidx_v, didx_v, sem):
        cid = lax.axis_index("c")
        sid = lax.axis_index("s")
        w = cid * NS + sid

        pltpu.async_copy(src_hbm.at[pl.ds(w * EPW, EPW)], sidx_v, sem).wait()
        pltpu.async_copy(dst_hbm.at[pl.ds(w * EPW, EPW)], didx_v, sem).wait()

        @pl.loop(0, NP // 16)
        def _(i):
            dgo_v[pl.ds(i * 16, 16)] = jnp.zeros((16,), _f32)
            dgi_v[pl.ds(i * 16, 16)] = jnp.zeros((16,), _f32)

        ones16 = jnp.ones((16,), _f32)

        @pl.loop(0, EPW // 16)
        def _(g):
            s16 = sidx_v[pl.ds(g * 16, 16)]
            d16 = didx_v[pl.ds(g * 16, 16)]
            plsc.addupdate_scatter(dgo_v, [s16], ones16)
            plsc.addupdate_scatter(dgi_v, [d16], ones16)

        pltpu.sync_copy(dgo_v, dgo_hbm.at[w])
        pltpu.sync_copy(dgi_v, dgi_hbm.at[w])

    return k(src_p, dst_p)


def _agg_kernel(xT, src_p, dst_p):

    @functools.partial(
        pl.kernel,
        out_type=jax.ShapeDtypeStruct((D, NP), _f32),
        mesh=_vector_mesh(),
        scratch_types=[
            pltpu.VMEM((RW, N), _f32),
            pltpu.VMEM((RW, NP), _f32),
            pltpu.VMEM((2, CE), jnp.int32),
            pltpu.VMEM((2, CE), jnp.int32),
            pltpu.SemaphoreType.DMA,
            pltpu.SemaphoreType.DMA,
            pltpu.SemaphoreType.DMA,
        ],
        compiler_params=_sc_params(),
    )
    def k(xT_hbm, src_hbm, dst_hbm, out_hbm, tab_v, acc_v, sidx_v, didx_v,
          sem_t, sem_s, sem_d):
        cid = lax.axis_index("c")
        sid = lax.axis_index("s")
        w = cid * NS + sid

        tab_cp = pltpu.async_copy(xT_hbm.at[pl.ds(w * RW, RW)], tab_v, sem_t)

        pltpu.async_copy(src_hbm.at[pl.ds(0, CE)], sidx_v.at[0], sem_s).wait()
        pltpu.async_copy(dst_hbm.at[pl.ds(0, CE)], didx_v.at[0], sem_d).wait()

        @pl.loop(0, RW)
        def _(r):
            @pl.loop(0, NP // 16)
            def _(i):
                acc_v[r, pl.ds(i * 16, 16)] = jnp.zeros((16,), _f32)

        tab_cp.wait()

        UG = 4

        def do_chunk(buf):
            @plsc.parallel_loop(0, CE // (16 * UG), unroll=4)
            def _(g):
                svecs = []
                dvecs = []
                for u in range(UG):
                    off = pl.ds((g * UG + u) * 16, 16)
                    svecs.append(sidx_v[buf, off])
                    dvecs.append(didx_v[buf, off])
                vals = []
                for u in range(UG):
                    for r in range(RW):
                        r16 = jnp.full((16,), r, jnp.int32)
                        vals.append(plsc.load_gather(tab_v, [r16, svecs[u]]))
                for u in range(UG):
                    for r in range(RW):
                        r16 = jnp.full((16,), r, jnp.int32)
                        plsc.addupdate_scatter(acc_v, [r16, dvecs[u]],
                                               vals[u * RW + r])

        @pl.loop(0, CH // 2)
        def _(jj):
            j = jj * 2
            nxt = (j + 1) * CE
            cp_s = pltpu.async_copy(src_hbm.at[pl.ds(nxt, CE)], sidx_v.at[1], sem_s)
            cp_d = pltpu.async_copy(dst_hbm.at[pl.ds(nxt, CE)], didx_v.at[1], sem_d)
            do_chunk(0)
            cp_s.wait()
            cp_d.wait()

            @pl.when(j + 2 < CH)
            def _():
                nxt2 = (j + 2) * CE
                cp_s2 = pltpu.async_copy(src_hbm.at[pl.ds(nxt2, CE)],
                                         sidx_v.at[0], sem_s)
                cp_d2 = pltpu.async_copy(dst_hbm.at[pl.ds(nxt2, CE)],
                                         didx_v.at[0], sem_d)
                do_chunk(1)
                cp_s2.wait()
                cp_d2.wait()

            @pl.when(j + 2 >= CH)
            def _():
                do_chunk(1)

        if CH % 2 == 1:
            pltpu.async_copy(src_hbm.at[pl.ds((CH - 1) * CE, CE)],
                             sidx_v.at[0], sem_s).wait()
            pltpu.async_copy(dst_hbm.at[pl.ds((CH - 1) * CE, CE)],
                             didx_v.at[0], sem_d).wait()
            do_chunk(0)

        pltpu.sync_copy(acc_v, out_hbm.at[pl.ds(w * RW, RW)])

    return k(xT, src_p, dst_p)


def _norms_kernel(dgo_p, dgi_p, features):

    def body(dgo_ref, dgi_ref, x_ref, xsT_ref, ndr_ref, nsr_ref):
        do = jnp.sum(dgo_ref[...], axis=0, keepdims=True)[:, :N]
        di = jnp.sum(dgi_ref[...], axis=0, keepdims=True)[:, :N]
        ns = jnp.where(do > 0, lax.rsqrt(jnp.maximum(do, 1e-12)), 0.0)
        nd = jnp.where(di > 0, lax.rsqrt(jnp.maximum(di, 1e-12)), 0.0)
        nsr_ref[...] = ns
        ndr_ref[...] = nd
        xsT_ref[...] = jnp.transpose(x_ref[...]) * ns

    return pl.pallas_call(
        body,
        out_shape=[
            jax.ShapeDtypeStruct((D, N), _f32),
            jax.ShapeDtypeStruct((1, N), _f32),
            jax.ShapeDtypeStruct((1, N), _f32),
        ],
    )(dgo_p, dgi_p, features)


def _layer_kernel(aggT, ndr, nsr, Wt, b, last):

    def body(p_ref, nd_ref, ns_ref, w_ref, b_ref, o_ref):
        t = p_ref[:, :N] * nd_ref[...]
        yT = jnp.dot(w_ref[...], t, preferred_element_type=_f32,
                     precision=lax.Precision.HIGHEST) + b_ref[...]
        if last:
            o_ref[...] = jnp.transpose(yT)
        else:
            o_ref[...] = jnp.maximum(yT, 0.0) * ns_ref[...]

    out_shape = (jax.ShapeDtypeStruct((N, D), _f32) if last
                 else jax.ShapeDtypeStruct((D, N), _f32))
    return pl.pallas_call(body, out_shape=out_shape)(aggT, ndr, nsr, Wt, b)


def kernel(features, edge_index, W0, b0, W1, b1, W2, b2):
    src = edge_index[0]
    dst = edge_index[1]
    pad = EP - E
    pad_dst = (N + (jnp.arange(pad, dtype=jnp.int32) % (NP - N))).astype(jnp.int32)
    src_p = jnp.concatenate([src, jnp.zeros((pad,), jnp.int32)])
    dst_p = jnp.concatenate([dst, pad_dst])

    dgo_p, dgi_p = _degree_kernel(src_p, dst_p)
    hT, ndr, nsr = _norms_kernel(dgo_p, dgi_p, features)

    for W, b, last in ((W0, b0, False), (W1, b1, False), (W2, b2, True)):
        aggT = _agg_kernel(hT, src_p, dst_p)
        hT = _layer_kernel(aggT, ndr, nsr, W.T, b.reshape(D, 1), last)
    return hT

# --- scband reference (transcript-rebuilt; emitter-appended) ---
"""Pipeline reference for scband-gcn-39556648796270 (READ-ONLY COPY).

The authoritative reference and input builder live on the scoring server;
editing this copy changes nothing except your own understanding.
"""

import jax, jax.numpy as jnp
import numpy as np

N = 10000
E = 320000
D_IN = 128
D_HID = 128
D_OUT = 128


def setup_inputs(seed: int = 0) -> dict:
    key = jax.random.key(seed)
    ks = jax.random.split(key, 8)
    features = jax.random.normal(ks[0], (N, D_IN), dtype=jnp.float32)
    edge_index = jax.random.randint(ks[1], (2, E), 0, N, dtype=jnp.int32)
    # Glorot-ish init for the three GraphConv layers (n_layer=2 hidden + 1 output)
    W0 = jax.random.normal(ks[2], (D_IN, D_HID), dtype=jnp.float32) * (1.0 / np.sqrt(D_IN))
    b0 = jnp.zeros((D_HID,), dtype=jnp.float32)
    W1 = jax.random.normal(ks[3], (D_HID, D_HID), dtype=jnp.float32) * (1.0 / np.sqrt(D_HID))
    b1 = jnp.zeros((D_HID,), dtype=jnp.float32)
    W2 = jax.random.normal(ks[4], (D_HID, D_OUT), dtype=jnp.float32) * (1.0 / np.sqrt(D_HID))
    b2 = jnp.zeros((D_OUT,), dtype=jnp.float32)
    return {"features": features, "edge_index": edge_index,
            "W0": W0, "b0": b0, "W1": W1, "b1": b1, "W2": W2, "b2": b2}


def _graph_conv(x, W, b, src, dst, norm_src, norm_dst):
    # DGL GraphConv with norm='both': out = D_in^{-1/2} A D_out^{-1/2} (X W) + b
    h = x @ W
    m = h[src] * norm_src[src][:, None]          # gather + src-degree normalization
    agg = jax.ops.segment_sum(m, dst, num_segments=N)  # scatter-add by dst
    return agg * norm_dst[:, None] + b


def reference(features, edge_index, W0, b0, W1, b1, W2, b2):
    src = edge_index[0]
    dst = edge_index[1]
    ones = jnp.ones((E,), dtype=jnp.float32)
    deg_out = jax.ops.segment_sum(ones, src, num_segments=N)
    deg_in = jax.ops.segment_sum(ones, dst, num_segments=N)
    norm_src = jnp.where(deg_out > 0, jax.lax.rsqrt(jnp.maximum(deg_out, 1e-12)), 0.0)
    norm_dst = jnp.where(deg_in > 0, jax.lax.rsqrt(jnp.maximum(deg_in, 1e-12)), 0.0)

    h = features
    h = _graph_conv(h, W0, b0, src, dst, norm_src, norm_dst)
    h = jax.nn.relu(h)
    # dropout p=0.0 -> identity (eval determinism)
    h = _graph_conv(h, W1, b1, src, dst, norm_src, norm_dst)
    h = jax.nn.relu(h)
    h = _graph_conv(h, W2, b2, src, dst, norm_src, norm_dst)
    return h

if __name__ == "__main__":
    import jax
    _d = setup_inputs()
    print(jax.jit(kernel)(*tuple(_d.values())))

</pallas_src>

<mosaic_0001>
#map = affine_map<(d0, d1) -> (0)>
#map1 = affine_map<(d0, d1) -> (0, 0)>
module attributes {stable_mosaic.version = 14 : i64} {
  func.func @k(%arg0: i32, %arg1: i32, %arg2: memref<393216xi32, #tpu.memory_space<hbm>>, %arg3: memref<393216xi32, #tpu.memory_space<hbm>>, %arg4: memref<32x10240xf32, #tpu.memory_space<hbm>>, %arg5: memref<32x10240xf32, #tpu.memory_space<hbm>>, %arg6: memref<10240xf32, #tpu.memory_space<vmem>>, %arg7: memref<10240xf32, #tpu.memory_space<vmem>>, %arg8: memref<12288xi32, #tpu.memory_space<vmem>>, %arg9: memref<12288xi32, #tpu.memory_space<vmem>>, %arg10: memref<!tpu.dma_semaphore, #tpu.memory_space<semaphore_mem>>) attributes {dimension_semantics = [#tpu.dimension_semantics<core_parallel>, #tpu.dimension_semantics<subcore_parallel>], iteration_bounds = array<i64: 2, 16>, scalar_prefetch = 0 : i64, scratch_operands = 5 : i64, tpu.core_type = #tpu.core_type<sc_vector_subcore>, window_params = [{transform_indices = #map}, {transform_indices = #map}, {transform_indices = #map1}, {transform_indices = #map1}]} {
    %mul3A = arith.constant 16 : i32
    %mul3A_0 = arith.muli %arg0, %mul3A : i32
    %add3A = arith.addi %mul3A_0, %arg1 : i32
    %mul3A_1 = arith.constant 12288 : i32
    %mul3A_2 = arith.muli %add3A, %mul3A_1 : i32
    %dma_start3A = tpu.memref_slice %arg2[%mul3A_2] : memref<393216xi32, #tpu.memory_space<hbm>> -> memref<12288xi32, #tpu.memory_space<hbm>>
    %dma_start3A_3 = tpu.memref_slice %arg2[%mul3A_2] : memref<393216xi32, #tpu.memory_space<hbm>> -> memref<12288xi32, #tpu.memory_space<hbm>>
    tpu.enqueue_dma source(%dma_start3A_3 : memref<12288xi32, #tpu.memory_space<hbm>>) target(%arg8 : memref<12288xi32, #tpu.memory_space<vmem>>) target_semaphore(%arg10 : memref<!tpu.dma_semaphore, #tpu.memory_space<semaphore_mem>>)
    %dma_wait3A = tpu.memref_slice %arg2[%mul3A_2] : memref<393216xi32, #tpu.memory_space<hbm>> -> memref<12288xi32, #tpu.memory_space<hbm>>
    %dma_wait3A_4 = tpu.memref_slice %arg2[%mul3A_2] : memref<393216xi32, #tpu.memory_space<hbm>> -> memref<12288xi32, #tpu.memory_space<hbm>>
    tpu.wait_dma2 semaphore(%arg10 : memref<!tpu.dma_semaphore, #tpu.memory_space<semaphore_mem>>) src(%dma_wait3A_4 : memref<12288xi32, #tpu.memory_space<hbm>>) dst(%arg8 : memref<12288xi32, #tpu.memory_space<vmem>>)
    %mul3A_5 = arith.constant 12288 : i32
    %mul3A_6 = arith.muli %add3A, %mul3A_5 : i32
    %dma_start3A_7 = tpu.memref_slice %arg3[%mul3A_6] : memref<393216xi32, #tpu.memory_space<hbm>> -> memref<12288xi32, #tpu.memory_space<hbm>>
    %dma_start3A_8 = tpu.memref_slice %arg3[%mul3A_6] : memref<393216xi32, #tpu.memory_space<hbm>> -> memref<12288xi32, #tpu.memory_space<hbm>>
    tpu.enqueue_dma source(%dma_start3A_8 : memref<12288xi32, #tpu.memory_space<hbm>>) target(%arg9 : memref<12288xi32, #tpu.memory_space<vmem>>) target_semaphore(%arg10 : memref<!tpu.dma_semaphore, #tpu.memory_space<semaphore_mem>>)
    %dma_wait3A_9 = tpu.memref_slice %arg3[%mul3A_6] : memref<393216xi32, #tpu.memory_space<hbm>> -> memref<12288xi32, #tpu.memory_space<hbm>>
    %dma_wait3A_10 = tpu.memref_slice %arg3[%mul3A_6] : memref<393216xi32, #tpu.memory_space<hbm>> -> memref<12288xi32, #tpu.memory_space<hbm>>
    tpu.wait_dma2 semaphore(%arg10 : memref<!tpu.dma_semaphore, #tpu.memory_space<semaphore_mem>>) src(%dma_wait3A_10 : memref<12288xi32, #tpu.memory_space<hbm>>) dst(%arg9 : memref<12288xi32, #tpu.memory_space<vmem>>)
    %scan3A = arith.constant 0 : i32
    %scan3A_11 = arith.constant 640 : i32
    %scan3A_12 = arith.addi %scan3A, %scan3A_11 : i32
    %scan3A_13 = arith.constant 1 : i32
    scf.for %scan3A_21 = %scan3A to %scan3A_12 step %scan3A_13  : i32 {
      %mul3A_22 = arith.constant 1 : i32
      %mul3A_23 = arith.muli %scan3A_21, %mul3A_22 : i32
      %add3A_24 = arith.constant 0 : i32
      %add3A_25 = arith.addi %add3A_24, %mul3A_23 : i32
      %broadcast_in_dim3A_26 = arith.constant 0.000000e+00 : f32
      %broadcast_in_dim3A_27 = vector.broadcast %broadcast_in_dim3A_26 : f32 to vector<16xf32>
      %mul3A_28 = arith.constant 16 : i32
      %mul3A_29 = arith.muli %add3A_25, %mul3A_28 : i32
      %swap3A = arith.index_cast %mul3A_29 : i32 to index
      %swap3A_30 = tpu.vector_load %arg6[%swap3A] {strides = array<i32>} : memref<10240xf32, #tpu.memory_space<vmem>>, vector<16xf32>,
      tpu.vector_store %arg6[%swap3A], %broadcast_in_dim3A_27 {strides = array<i32>} : memref<10240xf32, #tpu.memory_space<vmem>>, vector<16xf32>,
      %broadcast_in_dim3A_31 = arith.constant 0.000000e+00 : f32
      %broadcast_in_dim3A_32 = vector.broadcast %broadcast_in_dim3A_31 : f32 to vector<16xf32>
      %mul3A_33 = arith.constant 16 : i32
      %mul3A_34 = arith.muli %add3A_25, %mul3A_33 : i32
      %swap3A_35 = arith.index_cast %mul3A_34 : i32 to index
      %swap3A_36 = tpu.vector_load %arg7[%swap3A_35] {strides = array<i32>} : memref<10240xf32, #tpu.memory_space<vmem>>, vector<16xf32>,
      tpu.vector_store %arg7[%swap3A_35], %broadcast_in_dim3A_32 {strides = array<i32>} : memref<10240xf32, #tpu.memory_space<vmem>>, vector<16xf32>,
    }
    %scan3A_14 = arith.constant 640 : i32
    %broadcast_in_dim3A = arith.constant 1.000000e+00 : f32
    %broadcast_in_dim3A_15 = vector.broadcast %broadcast_in_dim3A : f32 to vector<16xf32>
    %scan3A_16 = arith.constant 0 : i32
    %scan3A_17 = arith.constant 768 : i32
    %scan3A_18 = arith.addi %scan3A_16, %scan3A_17 : i32
    %scan3A_19 = arith.constant 1 : i32
    scf.for %scan3A_21 = %scan3A_16 to %scan3A_18 step %scan3A_19  : i32 {
      %mul3A_22 = arith.constant 1 : i32
      %mul3A_23 = arith.muli %scan3A_21, %mul3A_22 : i32
      %add3A_24 = arith.constant 0 : i32
      %add3A_25 = arith.addi %add3A_24, %mul3A_23 : i32
      %mul3A_26 = arith.constant 16 : i32
      %mul3A_27 = arith.muli %add3A_25, %mul3A_26 : i32
      %get3A = arith.index_cast %mul3A_27 : i32 to index
      %get3A_28 = tpu.vector_load %arg8[%get3A] {strides = array<i32>} : memref<12288xi32, #tpu.memory_space<vmem>>, vector<16xi32>,
      %mul3A_29 = arith.constant 16 : i32
      %mul3A_30 = arith.muli %add3A_25, %mul3A_29 : i32
      %get3A_31 = arith.index_cast %mul3A_30 : i32 to index
      %get3A_32 = tpu.vector_load %arg9[%get3A_31] {strides = array<i32>} : memref<12288xi32, #tpu.memory_space<vmem>>, vector<16xi32>,
      tpu.vector_store_idx %arg6[%get3A_28], %broadcast_in_dim3A_15 {add = true} : memref<10240xf32, #tpu.memory_space<vmem>>[vector<16xi32>], vector<16xf32>,
      tpu.vector_store_idx %arg7[%get3A_32], %broadcast_in_dim3A_15 {add = true} : memref<10240xf32, #tpu.memory_space<vmem>>[vector<16xi32>], vector<16xf32>,
    }
    %scan3A_20 = arith.constant 768 : i32
    "tpu.region"() ({
      %run_scoped3A = tpu.sem_alloc : memref<!tpu.dma_semaphore, #tpu.memory_space<semaphore_mem>>
      %dma_start3A_21 = arith.constant 0 : i32
      %dma_start3A_22 = tpu.memref_slice %arg4[%add3A, %dma_start3A_21] : memref<32x10240xf32, #tpu.memory_space<hbm>> -> memref<1x10240xf32, #tpu.memory_space<hbm>>
      %dma_start3A_23 = tpu.memref_squeeze %dma_start3A_22 : memref<1x10240xf32, #tpu.memory_space<hbm>> -> memref<10240xf32, #tpu.memory_space<hbm>>
      %dma_start3A_24 = arith.constant 0 : i32
      %dma_start3A_25 = tpu.memref_slice %arg4[%add3A, %dma_start3A_24] : memref<32x10240xf32, #tpu.memory_space<hbm>> -> memref<1x10240xf32, #tpu.memory_space<hbm>>
      %dma_start3A_26 = tpu.memref_squeeze %dma_start3A_25 : memref<1x10240xf32, #tpu.memory_space<hbm>> -> memref<10240xf32, #tpu.memory_space<hbm>>
      tpu.enqueue_dma source(%arg6 : memref<10240xf32, #tpu.memory_space<vmem>>) target(%dma_start3A_26 : memref<10240xf32, #tpu.memory_space<hbm>>) target_semaphore(%run_scoped3A : memref<!tpu.dma_semaphore, #tpu.memory_space<semaphore_mem>>)
      %dma_wait3A_27 = arith.constant 0 : i32
      %dma_wait3A_28 = tpu.memref_slice %arg4[%add3A, %dma_wait3A_27] : memref<32x10240xf32, #tpu.memory_space<hbm>> -> memref<1x10240xf32, #tpu.memory_space<hbm>>
      %dma_wait3A_29 = tpu.memref_squeeze %dma_wait3A_28 : memref<1x10240xf32, #tpu.memory_space<hbm>> -> memref<10240xf32, #tpu.memory_space<hbm>>
      %dma_wait3A_30 = arith.constant 0 : i32
      %dma_wait3A_31 = tpu.memref_slice %arg4[%add3A, %dma_wait3A_30] : memref<32x10240xf32, #tpu.memory_space<hbm>> -> memref<1x10240xf32, #tpu.memory_space<hbm>>
      %dma_wait3A_32 = tpu.memref_squeeze %dma_wait3A_31 : memref<1x10240xf32, #tpu.memory_space<hbm>> -> memref<10240xf32, #tpu.memory_space<hbm>>
      tpu.wait_dma2 semaphore(%run_scoped3A : memref<!tpu.dma_semaphore, #tpu.memory_space<semaphore_mem>>) src(%arg6 : memref<10240xf32, #tpu.memory_space<vmem>>) dst(%dma_wait3A_32 : memref<10240xf32, #tpu.memory_space<hbm>>)
      tpu.yield
    }) : () -> ()
    "tpu.region"() ({
      %run_scoped3A = tpu.sem_alloc : memref<!tpu.dma_semaphore, #tpu.memory_space<semaphore_mem>>
      %dma_start3A_21 = arith.constant 0 : i32
      %dma_start3A_22 = tpu.memref_slice %arg5[%add3A, %dma_start3A_21] : memref<32x10240xf32, #tpu.memory_space<hbm>> -> memref<1x10240xf32, #tpu.memory_space<hbm>>
      %dma_start3A_23 = tpu.memref_squeeze %dma_start3A_22 : memref<1x10240xf32, #tpu.memory_space<hbm>> -> memref<10240xf32, #tpu.memory_space<hbm>>
      %dma_start3A_24 = arith.constant 0 : i32
      %dma_start3A_25 = tpu.memref_slice %arg5[%add3A, %dma_start3A_24] : memref<32x10240xf32, #tpu.memory_space<hbm>> -> memref<1x10240xf32, #tpu.memory_space<hbm>>
      %dma_start3A_26 = tpu.memref_squeeze %dma_start3A_25 : memref<1x10240xf32, #tpu.memory_space<hbm>> -> memref<10240xf32, #tpu.memory_space<hbm>>
      tpu.enqueue_dma source(%arg7 : memref<10240xf32, #tpu.memory_space<vmem>>) target(%dma_start3A_26 : memref<10240xf32, #tpu.memory_space<hbm>>) target_semaphore(%run_scoped3A : memref<!tpu.dma_semaphore, #tpu.memory_space<semaphore_mem>>)
      %dma_wait3A_27 = arith.constant 0 : i32
      %dma_wait3A_28 = tpu.memref_slice %arg5[%add3A, %dma_wait3A_27] : memref<32x10240xf32, #tpu.memory_space<hbm>> -> memref<1x10240xf32, #tpu.memory_space<hbm>>
      %dma_wait3A_29 = tpu.memref_squeeze %dma_wait3A_28 : memref<1x10240xf32, #tpu.memory_space<hbm>> -> memref<10240xf32, #tpu.memory_space<hbm>>
      %dma_wait3A_30 = arith.constant 0 : i32
      %dma_wait3A_31 = tpu.memref_slice %arg5[%add3A, %dma_wait3A_30] : memref<32x10240xf32, #tpu.memory_space<hbm>> -> memref<1x10240xf32, #tpu.memory_space<hbm>>
      %dma_wait3A_32 = tpu.memref_squeeze %dma_wait3A_31 : memref<1x10240xf32, #tpu.memory_space<hbm>> -> memref<10240xf32, #tpu.memory_space<hbm>>
      tpu.wait_dma2 semaphore(%run_scoped3A : memref<!tpu.dma_semaphore, #tpu.memory_space<semaphore_mem>>) src(%arg7 : memref<10240xf32, #tpu.memory_space<vmem>>) dst(%dma_wait3A_32 : memref<10240xf32, #tpu.memory_space<hbm>>)
      tpu.yield
    }) : () -> ()
    return
  }
}

#map = affine_map<(d0, d1) -> (0, 0)>
#map1 = affine_map<(d0, d1) -> (0)>
module attributes {stable_mosaic.version = 14 : i64} {
  func.func @k(%arg0: i32, %arg1: i32, %arg2: memref<128x10000xf32, #tpu.memory_space<hbm>>, %arg3: memref<393216xi32, #tpu.memory_space<hbm>>, %arg4: memref<393216xi32, #tpu.memory_space<hbm>>, %arg5: memref<128x10240xf32, #tpu.memory_space<hbm>>, %arg6: memref<4x10000xf32, #tpu.memory_space<vmem>>, %arg7: memref<4x10240xf32, #tpu.memory_space<vmem>>, %arg8: memref<2x4096xi32, #tpu.memory_space<vmem>>, %arg9: memref<2x4096xi32, #tpu.memory_space<vmem>>, %arg10: memref<!tpu.dma_semaphore, #tpu.memory_space<semaphore_mem>>, %arg11: memref<!tpu.dma_semaphore, #tpu.memory_space<semaphore_mem>>, %arg12: memref<!tpu.dma_semaphore, #tpu.memory_space<semaphore_mem>>) attributes {dimension_semantics = [#tpu.dimension_semantics<core_parallel>, #tpu.dimension_semantics<subcore_parallel>], iteration_bounds = array<i64: 2, 16>, scalar_prefetch = 0 : i64, scratch_operands = 7 : i64, tpu.core_type = #tpu.core_type<sc_vector_subcore>, window_params = [{transform_indices = #map}, {transform_indices = #map1}, {transform_indices = #map1}, {transform_indices = #map}]} {
    %mul3A = arith.constant 16 : i32
    %mul3A_0 = arith.muli %arg0, %mul3A : i32
    %add3A = arith.addi %mul3A_0, %arg1 : i32
    %mul3A_1 = arith.constant 4 : i32
    %mul3A_2 = arith.muli %add3A, %mul3A_1 : i32
    %dma_start3A = arith.constant 0 : i32
    %dma_start3A_3 = tpu.memref_slice %arg2[%mul3A_2, %dma_start3A] : memref<128x10000xf32, #tpu.memory_space<hbm>> -> memref<4x10000xf32, #tpu.memory_space<hbm>>
    %dma_start3A_4 = arith.constant 0 : i32
    %dma_start3A_5 = tpu.memref_slice %arg2[%mul3A_2, %dma_start3A_4] : memref<128x10000xf32, #tpu.memory_space<hbm>> -> memref<4x10000xf32, #tpu.memory_space<hbm>>
    tpu.enqueue_dma source(%dma_start3A_5 : memref<4x10000xf32, #tpu.memory_space<hbm>>) target(%arg6 : memref<4x10000xf32, #tpu.memory_space<vmem>>) target_semaphore(%arg10 : memref<!tpu.dma_semaphore, #tpu.memory_space<semaphore_mem>>)
    %dma_start3A_6 = arith.constant 0 : i32
    %dma_start3A_7 = arith.constant 0 : i32
    %dma_start3A_8 = tpu.memref_slice %arg8[%dma_start3A_6, %dma_start3A_7] : memref<2x4096xi32, #tpu.memory_space<vmem>> -> memref<1x4096xi32, #tpu.memory_space<vmem>>
    %dma_start3A_9 = tpu.memref_squeeze %dma_start3A_8 : memref<1x4096xi32, #tpu.memory_space<vmem>> -> memref<4096xi32, #tpu.memory_space<vmem>>
    %dma_start3A_10 = arith.constant 0 : i32
    %dma_start3A_11 = tpu.memref_slice %arg3[%dma_start3A_10] : memref<393216xi32, #tpu.memory_space<hbm>> -> memref<4096xi32, #tpu.memory_space<hbm>>
    %dma_start3A_12 = arith.constant 0 : i32
    %dma_start3A_13 = tpu.memref_slice %arg8[%dma_start3A_6, %dma_start3A_12] : memref<2x4096xi32, #tpu.memory_space<vmem>> -> memref<1x4096xi32, #tpu.memory_space<vmem>>
    %dma_start3A_14 = tpu.memref_squeeze %dma_start3A_13 : memref<1x4096xi32, #tpu.memory_space<vmem>> -> memref<4096xi32, #tpu.memory_space<vmem>>
    %dma_start3A_15 = arith.constant 0 : i32
    %dma_start3A_16 = tpu.memref_slice %arg3[%dma_start3A_15] : memref<393216xi32, #tpu.memory_space<hbm>> -> memref<4096xi32, #tpu.memory_space<hbm>>
    tpu.enqueue_dma source(%dma_start3A_16 : memref<4096xi32, #tpu.memory_space<hbm>>) target(%dma_start3A_14 : memref<4096xi32, #tpu.memory_space<vmem>>) target_semaphore(%arg11 : memref<!tpu.dma_semaphore, #tpu.memory_space<semaphore_mem>>)
    %dma_wait3A = arith.constant 0 : i32
    %dma_wait3A_17 = arith.constant 0 : i32
    %dma_wait3A_18 = tpu.memref_slice %arg8[%dma_wait3A, %dma_wait3A_17] : memref<2x4096xi32, #tpu.memory_space<vmem>> -> memref<1x4096xi32, #tpu.memory_space<vmem>>
    %dma_wait3A_19 = tpu.memref_squeeze %dma_wait3A_18 : memref<1x4096xi32, #tpu.memory_space<vmem>> -> memref<4096xi32, #tpu.memory_space<vmem>>
    %dma_wait3A_20 = arith.constant 0 : i32
    %dma_wait3A_21 = tpu.memref_slice %arg3[%dma_wait3A_20] : memref<393216xi32, #tpu.memory_space<hbm>> -> memref<4096xi32, #tpu.memory_space<hbm>>
    %dma_wait3A_22 = arith.constant 0 : i32
    %dma_wait3A_23 = tpu.memref_slice %arg8[%dma_wait3A, %dma_wait3A_22] : memref<2x4096xi32, #tpu.memory_space<vmem>> -> memref<1x4096xi32, #tpu.memory_space<vmem>>
    %dma_wait3A_24 = tpu.memref_squeeze %dma_wait3A_23 : memref<1x4096xi32, #tpu.memory_space<vmem>> -> memref<4096xi32, #tpu.memory_space<vmem>>
    %dma_wait3A_25 = arith.constant 0 : i32
    %dma_wait3A_26 = tpu.memref_slice %arg3[%dma_wait3A_25] : memref<393216xi32, #tpu.memory_space<hbm>> -> memref<4096xi32, #tpu.memory_space<hbm>>
    tpu.wait_dma2 semaphore(%arg11 : memref<!tpu.dma_semaphore, #tpu.memory_space<semaphore_mem>>) src(%dma_wait3A_26 : memref<4096xi32, #tpu.memory_space<hbm>>) dst(%dma_wait3A_24 : memref<4096xi32, #tpu.memory_space<vmem>>)
    %dma_start3A_27 = arith.constant 0 : i32
    %dma_start3A_28 = arith.constant 0 : i32
    %dma_start3A_29 = tpu.memref_slice %arg9[%dma_start3A_27, %dma_start3A_28] : memref<2x4096xi32, #tpu.memory_space<vmem>> -> memref<1x4096xi32, #tpu.memory_space<vmem>>
    %dma_start3A_30 = tpu.memref_squeeze %dma_start3A_29 : memref<1x4096xi32, #tpu.memory_space<vmem>> -> memref<4096xi32, #tpu.memory_space<vmem>>
    %dma_start3A_31 = arith.constant 0 : i32
    %dma_start3A_32 = tpu.memref_slice %arg4[%dma_start3A_31] : memref<393216xi32, #tpu.memory_space<hbm>> -> memref<4096xi32, #tpu.memory_space<hbm>>
    %dma_start3A_33 = arith.constant 0 : i32
    %dma_start3A_34 = tpu.memref_slice %arg9[%dma_start3A_27, %dma_start3A_33] : memref<2x4096xi32, #tpu.memory_space<vmem>> -> memref<1x4096xi32, #tpu.memory_space<vmem>>
    %dma_start3A_35 = tpu.memref_squeeze %dma_start3A_34 : memref<1x4096xi32, #tpu.memory_space<vmem>> -> memref<4096xi32, #tpu.memory_space<vmem>>
    %dma_start3A_36 = arith.constant 0 : i32
    %dma_start3A_37 = tpu.memref_slice %arg4[%dma_start3A_36] : memref<393216xi32, #tpu.memory_space<hbm>> -> memref<4096xi32, #tpu.memory_space<hbm>>
    tpu.enqueue_dma source(%dma_start3A_37 : memref<4096xi32, #tpu.memory_space<hbm>>) target(%dma_start3A_35 : memref<4096xi32, #tpu.memory_space<vmem>>) target_semaphore(%arg12 : memref<!tpu.dma_semaphore, #tpu.memory_space<semaphore_mem>>)
    %dma_wait3A_38 = arith.constant 0 : i32
    %dma_wait3A_39 = arith.constant 0 : i32
    %dma_wait3A_40 = tpu.memref_slice %arg9[%dma_wait3A_38, %dma_wait3A_39] : memref<2x4096xi32, #tpu.memory_space<vmem>> -> memref<1x4096xi32, #tpu.memory_space<vmem>>
    %dma_wait3A_41 = tpu.memref_squeeze %dma_wait3A_40 : memref<1x4096xi32, #tpu.memory_space<vmem>> -> memref<4096xi32, #tpu.memory_space<vmem>>
    %dma_wait3A_42 = arith.constant 0 : i32
    %dma_wait3A_43 = tpu.memref_slice %arg4[%dma_wait3A_42] : memref<393216xi32, #tpu.memory_space<hbm>> -> memref<4096xi32, #tpu.memory_space<hbm>>
    %dma_wait3A_44 = arith.constant 0 : i32
    %dma_wait3A_45 = tpu.memref_slice %arg9[%dma_wait3A_38, %dma_wait3A_44] : memref<2x4096xi32, #tpu.memory_space<vmem>> -> memref<1x4096xi32, #tpu.memory_space<vmem>>
    %dma_wait3A_46 = tpu.memref_squeeze %dma_wait3A_45 : memref<1x4096xi32, #tpu.memory_space<vmem>> -> memref<4096xi32, #tpu.memory_space<vmem>>
    %dma_wait3A_47 = arith.constant 0 : i32
    %dma_wait3A_48 = tpu.memref_slice %arg4[%dma_wait3A_47] : memref<393216xi32, #tpu.memory_space<hbm>> -> memref<4096xi32, #tpu.memory_space<hbm>>
    tpu.wait_dma2 semaphore(%arg12 : memref<!tpu.dma_semaphore, #tpu.memory_space<semaphore_mem>>) src(%dma_wait3A_48 : memref<4096xi32, #tpu.memory_space<hbm>>) dst(%dma_wait3A_46 : memref<4096xi32, #tpu.memory_space<vmem>>)
    %scan3A = arith.constant 0 : i32
    %scan3A_49 = arith.constant 4 : i32
    %scan3A_50 = arith.addi %scan3A, %scan3A_49 : i32
    %scan3A_51 = arith.constant 1 : i32
    scf.for %scan3A_64 = %scan3A to %scan3A_50 step %scan3A_51  : i32 {
      %mul3A_65 = arith.constant 1 : i32
      %mul3A_66 = arith.muli %scan3A_64, %mul3A_65 : i32
      %add3A_67 = arith.constant 0 : i32
      %add3A_68 = arith.addi %add3A_67, %mul3A_66 : i32
      %scan3A_69 = arith.constant 0 : i32
      %scan3A_70 = arith.constant 640 : i32
      %scan3A_71 = arith.addi %scan3A_69, %scan3A_70 : i32
      %scan3A_72 = arith.constant 1 : i32
      scf.for %scan3A_74 = %scan3A_69 to %scan3A_71 step %scan3A_72  : i32 {
        %mul3A_75 = arith.constant 1 : i32
        %mul3A_76 = arith.muli %scan3A_74, %mul3A_75 : i32
        %add3A_77 = arith.constant 0 : i32
        %add3A_78 = arith.addi %add3A_77, %mul3A_76 : i32
        %broadcast_in_dim3A = arith.constant 0.000000e+00 : f32
        %broadcast_in_dim3A_79 = vector.broadcast %broadcast_in_dim3A : f32 to vector<16xf32>
        %mul3A_80 = arith.constant 16 : i32
        %mul3A_81 = arith.muli %add3A_78, %mul3A_80 : i32
        %swap3A = arith.index_cast %add3A_68 : i32 to index
        %swap3A_82 = arith.index_cast %mul3A_81 : i32 to index
        %swap3A_83 = tpu.vector_load %arg7[%swap3A, %swap3A_82] {strides = array<i32>} : memref<4x10240xf32, #tpu.memory_space<vmem>>, vector<16xf32>,
        tpu.vector_store %arg7[%swap3A, %swap3A_82], %broadcast_in_dim3A_79 {strides = array<i32>} : memref<4x10240xf32, #tpu.memory_space<vmem>>, vector<16xf32>,
      }
      %scan3A_73 = arith.constant 640 : i32
    }
    %scan3A_52 = arith.constant 4 : i32
    %dma_wait3A_53 = arith.constant 0 : i32
    %dma_wait3A_54 = tpu.memref_slice %arg2[%mul3A_2, %dma_wait3A_53] : memref<128x10000xf32, #tpu.memory_space<hbm>> -> memref<4x10000xf32, #tpu.memory_space<hbm>>
    %dma_wait3A_55 = arith.constant 0 : i32
    %dma_wait3A_56 = tpu.memref_slice %arg2[%mul3A_2, %dma_wait3A_55] : memref<128x10000xf32, #tpu.memory_space<hbm>> -> memref<4x10000xf32, #tpu.memory_space<hbm>>
    tpu.wait_dma2 semaphore(%arg10 : memref<!tpu.dma_semaphore, #tpu.memory_space<semaphore_mem>>) src(%dma_wait3A_56 : memref<4x10000xf32, #tpu.memory_space<hbm>>) dst(%arg6 : memref<4x10000xf32, #tpu.memory_space<vmem>>)
    %scan3A_57 = arith.constant 0 : i32
    %scan3A_58 = arith.constant 48 : i32
    %scan3A_59 = arith.addi %scan3A_57, %scan3A_58 : i32
    %scan3A_60 = arith.constant 1 : i32
    scf.for %scan3A_64 = %scan3A_57 to %scan3A_59 step %scan3A_60  : i32 {
      %mul3A_65 = arith.constant 1 : i32
      %mul3A_66 = arith.muli %scan3A_64, %mul3A_65 : i32
      %add3A_67 = arith.constant 0 : i32
      %add3A_68 = arith.addi %add3A_67, %mul3A_66 : i32
      %mul3A_69 = arith.constant 2 : i32
      %mul3A_70 = arith.muli %add3A_68, %mul3A_69 : i32
      %add3A_71 = arith.constant 1 : i32
      %add3A_72 = arith.addi %mul3A_70, %add3A_71 : i32
      %mul3A_73 = arith.constant 4096 : i32
      %mul3A_74 = arith.muli %add3A_72, %mul3A_73 : i32
      %dma_start3A_75 = arith.constant 1 : i32
      %dma_start3A_76 = arith.constant 0 : i32
      %dma_start3A_77 = tpu.memref_slice %arg8[%dma_start3A_75, %dma_start3A_76] : memref<2x4096xi32, #tpu.memory_space<vmem>> -> memref<1x4096xi32, #tpu.memory_space<vmem>>
      %dma_start3A_78 = tpu.memref_squeeze %dma_start3A_77 : memref<1x4096xi32, #tpu.memory_space<vmem>> -> memref<4096xi32, #tpu.memory_space<vmem>>
      %dma_start3A_79 = tpu.memref_slice %arg3[%mul3A_74] : memref<393216xi32, #tpu.memory_space<hbm>> -> memref<4096xi32, #tpu.memory_space<hbm>>
      %dma_start3A_80 = arith.constant 0 : i32
      %dma_start3A_81 = tpu.memref_slice %arg8[%dma_start3A_75, %dma_start3A_80] : memref<2x4096xi32, #tpu.memory_space<vmem>> -> memref<1x4096xi32, #tpu.memory_space<vmem>>
      %dma_start3A_82 = tpu.memref_squeeze %dma_start3A_81 : memref<1x4096xi32, #tpu.memory_space<vmem>> -> memref<4096xi32, #tpu.memory_space<vmem>>
      %dma_start3A_83 = tpu.memref_slice %arg3[%mul3A_74] : memref<393216xi32, #tpu.memory_space<hbm>> -> memref<4096xi32, #tpu.memory_space<hbm>>
      tpu.enqueue_dma source(%dma_start3A_83 : memref<4096xi32, #tpu.memory_space<hbm>>) target(%dma_start3A_82 : memref<4096xi32, #tpu.memory_space<vmem>>) target_semaphore(%arg11 : memref<!tpu.dma_semaphore, #tpu.memory_space<semaphore_mem>>)
      %dma_start3A_84 = arith.constant 1 : i32
      %dma_start3A_85 = arith.constant 0 : i32
      %dma_start3A_86 = tpu.memref_slice %arg9[%dma_start3A_84, %dma_start3A_85] : memref<2x4096xi32, #tpu.memory_space<vmem>> -> memref<1x4096xi32, #tpu.memory_space<vmem>>
      %dma_start3A_87 = tpu.memref_squeeze %dma_start3A_86 : memref<1x4096xi32, #tpu.memory_space<vmem>> -> memref<4096xi32, #tpu.memory_space<vmem>>
      %dma_start3A_88 = tpu.memref_slice %arg4[%mul3A_74] : memref<393216xi32, #tpu.memory_space<hbm>> -> memref<4096xi32, #tpu.memory_space<hbm>>
      %dma_start3A_89 = arith.constant 0 : i32
      %dma_start3A_90 = tpu.memref_slice %arg9[%dma_start3A_84, %dma_start3A_89] : memref<2x4096xi32, #tpu.memory_space<vmem>> -> memref<1x4096xi32, #tpu.memory_space<vmem>>
      %dma_start3A_91 = tpu.memref_squeeze %dma_start3A_90 : memref<1x4096xi32, #tpu.memory_space<vmem>> -> memref<4096xi32, #tpu.memory_space<vmem>>
      %dma_start3A_92 = tpu.memref_slice %arg4[%mul3A_74] : memref<393216xi32, #tpu.memory_space<hbm>> -> memref<4096xi32, #tpu.memory_space<hbm>>
      tpu.enqueue_dma source(%dma_start3A_92 : memref<4096xi32, #tpu.memory_space<hbm>>) target(%dma_start3A_91 : memref<4096xi32, #tpu.memory_space<vmem>>) target_semaphore(%arg12 : memref<!tpu.dma_semaphore, #tpu.memory_space<semaphore_mem>>)
      %parallel_loop3A = arith.constant 0 : i32
      %parallel_loop3A_93 = arith.constant 64 : i32
      %parallel_loop3A_94 = arith.constant 1 : i32
      scf.for %parallel_loop3A_123 = %parallel_loop3A to %parallel_loop3A_93 step %parallel_loop3A_94  : i32 {
        %parallel_loop3A_124 = arith.constant 4 : i32
        %parallel_loop3A_125 = arith.muli %parallel_loop3A_123, %parallel_loop3A_124 : i32
        %parallel_loop3A_126 = arith.constant 0 : i32
        %parallel_loop3A_127 = arith.addi %parallel_loop3A_125, %parallel_loop3A_126 : i32
        %parallel_loop3A_128 = arith.constant 16 : i32
        %parallel_loop3A_129 = arith.muli %parallel_loop3A_127, %parallel_loop3A_128 : i32
        %parallel_loop3A_130 = arith.constant 0 : i32
        %parallel_loop3A_131 = arith.index_cast %parallel_loop3A_130 : i32 to index
        %parallel_loop3A_132 = arith.index_cast %parallel_loop3A_129 : i32 to index
        %parallel_loop3A_133 = tpu.vector_load %arg8[%parallel_loop3A_131, %parallel_loop3A_132] {strides = array<i32>} : memref<2x4096xi32, #tpu.memory_space<vmem>>, vector<16xi32>,
        %parallel_loop3A_134 = arith.constant 0 : i32
        %parallel_loop3A_135 = arith.index_cast %parallel_loop3A_134 : i32 to index
        %parallel_loop3A_136 = arith.index_cast %parallel_loop3A_129 : i32 to index
        %parallel_loop3A_137 = tpu.vector_load %arg9[%parallel_loop3A_135, %parallel_loop3A_136] {strides = array<i32>} : memref<2x4096xi32, #tpu.memory_space<vmem>>, vector<16xi32>,
        %parallel_loop3A_138 = arith.constant 4 : i32
        %parallel_loop3A_139 = arith.muli %parallel_loop3A_123, %parallel_loop3A_138 : i32
        %parallel_loop3A_140 = arith.constant 1 : i32
        %parallel_loop3A_141 = arith.addi %parallel_loop3A_139, %parallel_loop3A_140 : i32
        %parallel_loop3A_142 = arith.constant 16 : i32
        %parallel_loop3A_143 = arith.muli %parallel_loop3A_141, %parallel_loop3A_142 : i32
        %parallel_loop3A_144 = arith.constant 0 : i32
        %parallel_loop3A_145 = arith.index_cast %parallel_loop3A_144 : i32 to index
        %parallel_loop3A_146 = arith.index_cast %parallel_loop3A_143 : i32 to index
        %parallel_loop3A_147 = tpu.vector_load %arg8[%parallel_loop3A_145, %parallel_loop3A_146] {strides = array<i32>} : memref<2x4096xi32, #tpu.memory_space<vmem>>, vector<16xi32>,
        %parallel_loop3A_148 = arith.constant 0 : i32
        %parallel_loop3A_149 = arith.index_cast %parallel_loop3A_148 : i32 to index
        %parallel_loop3A_150 = arith.index_cast %parallel_loop3A_143 : i32 to index
        %parallel_loop3A_151 = tpu.vector_load %arg9[%parallel_loop3A_149, %parallel_loop3A_150] {strides = array<i32>} : memref<2x4096xi32, #tpu.memory_space<vmem>>, vector<16xi32>,
        %parallel_loop3A_152 = arith.constant 4 : i32
        %parallel_loop3A_153 = arith.muli %parallel_loop3A_123, %parallel_loop3A_152 : i32
        %parallel_loop3A_154 = arith.constant 2 : i32
        %parallel_loop3A_155 = arith.addi %parallel_loop3A_153, %parallel_loop3A_154 : i32
        %parallel_loop3A_156 = arith.constant 16 : i32
        %parallel_loop3A_157 = arith.muli %parallel_loop3A_155, %parallel_loop3A_156 : i32
        %parallel_loop3A_158 = arith.constant 0 : i32
        %parallel_loop3A_159 = arith.index_cast %parallel_loop3A_158 : i32 to index
        %parallel_loop3A_160 = arith.index_cast %parallel_loop3A_157 : i32 to index
        %parallel_loop3A_161 = tpu.vector_load %arg8[%parallel_loop3A_159, %parallel_loop3A_160] {strides = array<i32>} : memref<2x4096xi32, #tpu.memory_space<vmem>>, vector<16xi32>,
        %parallel_loop3A_162 = arith.constant 0 : i32
        %parallel_loop3A_163 = arith.index_cast %parallel_loop3A_162 : i32 to index
        %parallel_loop3A_164 = arith.index_cast %parallel_loop3A_157 : i32 to index
        %parallel_loop3A_165 = tpu.vector_load %arg9[%parallel_loop3A_163, %parallel_loop3A_164] {strides = array<i32>} : memref<2x4096xi32, #tpu.memory_space<vmem>>, vector<16xi32>,
        %parallel_loop3A_166 = arith.constant 4 : i32
        %parallel_loop3A_167 = arith.muli %parallel_loop3A_123, %parallel_loop3A_166 : i32
        %parallel_loop3A_168 = arith.constant 3 : i32
        %parallel_loop3A_169 = arith.addi %parallel_loop3A_167, %parallel_loop3A_168 : i32
        %parallel_loop3A_170 = arith.constant 16 : i32
        %parallel_loop3A_171 = arith.muli %parallel_loop3A_169, %parallel_loop3A_170 : i32
        %parallel_loop3A_172 = arith.constant 0 : i32
        %parallel_loop3A_173 = arith.index_cast %parallel_loop3A_172 : i32 to index
        %parallel_loop3A_174 = arith.index_cast %parallel_loop3A_171 : i32 to index
        %parallel_loop3A_175 = tpu.vector_load %arg8[%parallel_loop3A_173, %parallel_loop3A_174] {strides = array<i32>} : memref<2x4096xi32, #tpu.memory_space<vmem>>, vector<16xi32>,
        %parallel_loop3A_176 = arith.constant 0 : i32
        %parallel_loop3A_177 = arith.index_cast %parallel_loop3A_176 : i32 to index
        %parallel_loop3A_178 = arith.index_cast %parallel_loop3A_171 : i32 to index
        %parallel_loop3A_179 = tpu.vector_load %arg9[%parallel_loop3A_177, %parallel_loop3A_178] {strides = array<i32>} : memref<2x4096xi32, #tpu.memory_space<vmem>>, vector<16xi32>,
        %parallel_loop3A_180 = arith.constant 0 : i32
        %parallel_loop3A_181 = vector.broadcast %parallel_loop3A_180 : i32 to vector<16xi32>
        %parallel_loop3A_182 = tpu.vector_load_idx %arg6[%parallel_loop3A_181, %parallel_loop3A_133] : memref<4x10000xf32, #tpu.memory_space<vmem>>[vector<16xi32>, vector<16xi32>], vector<16xf32>,
        %parallel_loop3A_183 = arith.constant 1 : i32
        %parallel_loop3A_184 = vector.broadcast %parallel_loop3A_183 : i32 to vector<16xi32>
        %parallel_loop3A_185 = tpu.vector_load_idx %arg6[%parallel_loop3A_184, %parallel_loop3A_133] : memref<4x10000xf32, #tpu.memory_space<vmem>>[vector<16xi32>, vector<16xi32>], vector<16xf32>,
        %parallel_loop3A_186 = arith.constant 2 : i32
        %parallel_loop3A_187 = vector.broadcast %parallel_loop3A_186 : i32 to vector<16xi32>
        %parallel_loop3A_188 = tpu.vector_load_idx %arg6[%parallel_loop3A_187, %parallel_loop3A_133] : memref<4x10000xf32, #tpu.memory_space<vmem>>[vector<16xi32>, vector<16xi32>], vector<16xf32>,
        %parallel_loop3A_189 = arith.constant 3 : i32
        %parallel_loop3A_190 = vector.broadcast %parallel_loop3A_189 : i32 to vector<16xi32>
        %parallel_loop3A_191 = tpu.vector_load_idx %arg6[%parallel_loop3A_190, %parallel_loop3A_133] : memref<4x10000xf32, #tpu.memory_space<vmem>>[vector<16xi32>, vector<16xi32>], vector<16xf32>,
        %parallel_loop3A_192 = arith.constant 0 : i32
        %parallel_loop3A_193 = vector.broadcast %parallel_loop3A_192 : i32 to vector<16xi32>
        %parallel_loop3A_194 = tpu.vector_load_idx %arg6[%parallel_loop3A_193, %parallel_loop3A_147] : memref<4x10000xf32, #tpu.memory_space<vmem>>[vector<16xi32>, vector<16xi32>], vector<16xf32>,
        %parallel_loop3A_195 = arith.constant 1 : i32
        %parallel_loop3A_196 = vector.broadcast %parallel_loop3A_195 : i32 to vector<16xi32>
        %parallel_loop3A_197 = tpu.vector_load_idx %arg6[%parallel_loop3A_196, %parallel_loop3A_147] : memref<4x10000xf32, #tpu.memory_space<vmem>>[vector<16xi32>, vector<16xi32>], vector<16xf32>,
        %parallel_loop3A_198 = arith.constant 2 : i32
        %parallel_loop3A_199 = vector.broadcast %parallel_loop3A_198 : i32 to vector<16xi32>
        %parallel_loop3A_200 = tpu.vector_load_idx %arg6[%parallel_loop3A_199, %parallel_loop3A_147] : memref<4x10000xf32, #tpu.memory_space<vmem>>[vector<16xi32>, vector<16xi32>], vector<16xf32>,
        %parallel_loop3A_201 = arith.constant 3 : i32
        %parallel_loop3A_202 = vector.broadcast %parallel_loop3A_201 : i32 to vector<16xi32>
        %parallel_loop3A_203 = tpu.vector_load_idx %arg6[%parallel_loop3A_202, %parallel_loop3A_147] : memref<4x10000xf32, #tpu.memory_space<vmem>>[vector<16xi32>, vector<16xi32>], vector<16xf32>,
        %parallel_loop3A_204 = arith.constant 0 : i32
        %parallel_loop3A_205 = vector.broadcast %parallel_loop3A_204 : i32 to vector<16xi32>
        %parallel_loop3A_206 = tpu.vector_load_idx %arg6[%parallel_loop3A_205, %parallel_loop3A_161] : memref<4x10000xf32, #tpu.memory_space<vmem>>[vector<16xi32>, vector<16xi32>], vector<16xf32>,
        %parallel_loop3A_207 = arith.constant 1 : i32
        %parallel_loop3A_208 = vector.broadcast %parallel_loop3A_207 : i32 to vector<16xi32>
        %parallel_loop3A_209 = tpu.vector_load_idx %arg6[%parallel_loop3A_208, %parallel_loop3A_161] : memref<4x10000xf32, #tpu.memory_space<vmem>>[vector<16xi32>, vector<16xi32>], vector<16xf32>,
        %parallel_loop3A_210 = arith.constant 2 : i32
        %parallel_loop3A_211 = vector.broadcast %parallel_loop3A_210 : i32 to vector<16xi32>
        %parallel_loop3A_212 = tpu.vector_load_idx %arg6[%parallel_loop3A_211, %parallel_loop3A_161] : memref<4x10000xf32, #tpu.memory_space<vmem>>[vector<16xi32>, vector<16xi32>], vector<16xf32>,
        %parallel_loop3A_213 = arith.constant 3 : i32
        %parallel_loop3A_214 = vector.broadcast %parallel_loop3A_213 : i32 to vector<16xi32>
        %parallel_loop3A_215 = tpu.vector_load_idx %arg6[%parallel_loop3A_214, %parallel_loop3A_161] : memref<4x10000xf32, #tpu.memory_space<vmem>>[vector<16xi32>, vector<16xi32>], vector<16xf32>,
        %parallel_loop3A_216 = arith.constant 0 : i32
        %parallel_loop3A_217 = vector.broadcast %parallel_loop3A_216 : i32 to vector<16xi32>
        %parallel_loop3A_218 = tpu.vector_load_idx %arg6[%parallel_loop3A_217, %parallel_loop3A_175] : memref<4x10000xf32, #tpu.memory_space<vmem>>[vector<16xi32>, vector<16xi32>], vector<16xf32>,
        %parallel_loop3A_219 = arith.constant 1 : i32
        %parallel_loop3A_220 = vector.broadcast %parallel_loop3A_219 : i32 to vector<16xi32>
        %parallel_loop3A_221 = tpu.vector_load_idx %arg6[%parallel_loop3A_220, %parallel_loop3A_175] : memref<4x10000xf32, #tpu.memory_space<vmem>>[vector<16xi32>, vector<16xi32>], vector<16xf32>,
        %parallel_loop3A_222 = arith.constant 2 : i32
        %parallel_loop3A_223 = vector.broadcast %parallel_loop3A_222 : i32 to vector<16xi32>
        %parallel_loop3A_224 = tpu.vector_load_idx %arg6[%parallel_loop3A_223, %parallel_loop3A_175] : memref<4x10000xf32, #tpu.memory_space<vmem>>[vector<16xi32>, vector<16xi32>], vector<16xf32>,
        %parallel_loop3A_225 = arith.constant 3 : i32
        %parallel_loop3A_226 = vector.broadcast %parallel_loop3A_225 : i32 to vector<16xi32>
        %parallel_loop3A_227 = tpu.vector_load_idx %arg6[%parallel_loop3A_226, %parallel_loop3A_175] : memref<4x10000xf32, #tpu.memory_space<vmem>>[vector<16xi32>, vector<16xi32>], vector<16xf32>,
        %parallel_loop3A_228 = arith.constant 0 : i32
        %parallel_loop3A_229 = vector.broadcast %parallel_loop3A_228 : i32 to vector<16xi32>
        tpu.vector_store_idx %arg7[%parallel_loop3A_229, %parallel_loop3A_137], %parallel_loop3A_182 {add = true} : memref<4x10240xf32, #tpu.memory_space<vmem>>[vector<16xi32>, vector<16xi32>], vector<16xf32>,
        %parallel_loop3A_230 = arith.constant 1 : i32
        %parallel_loop3A_231 = vector.broadcast %parallel_loop3A_230 : i32 to vector<16xi32>
        tpu.vector_store_idx %arg7[%parallel_loop3A_231, %parallel_loop3A_137], %parallel_loop3A_185 {add = true} : memref<4x10240xf32, #tpu.memory_space<vmem>>[vector<16xi32>, vector<16xi32>], vector<16xf32>,
        %parallel_loop3A_232 = arith.constant 2 : i32
        %parallel_loop3A_233 = vector.broadcast %parallel_loop3A_232 : i32 to vector<16xi32>
        tpu.vector_store_idx %arg7[%parallel_loop3A_233, %parallel_loop3A_137], %parallel_loop3A_188 {add = true} : memref<4x10240xf32, #tpu.memory_space<vmem>>[vector<16xi32>, vector<16xi32>], vector<16xf32>,
        %parallel_loop3A_234 = arith.constant 3 : i32
        %parallel_loop3A_235 = vector.broadcast %parallel_loop3A_234 : i32 to vector<16xi32>
        tpu.vector_store_idx %arg7[%parallel_loop3A_235, %parallel_loop3A_137], %parallel_loop3A_191 {add = true} : memref<4x10240xf32, #tpu.memory_space<vmem>>[vector<16xi32>, vector<16xi32>], vector<16xf32>,
        %parallel_loop3A_236 = arith.constant 0 : i32
        %parallel_loop3A_237 = vector.broadcast %parallel_loop3A_236 : i32 to vector<16xi32>
        tpu.vector_store_idx %arg7[%parallel_loop3A_237, %parallel_loop3A_151], %parallel_loop3A_194 {add = true} : memref<4x10240xf32, #tpu.memory_space<vmem>>[vector<16xi32>, vector<16xi32>], vector<16xf32>,
        %parallel_loop3A_238 = arith.constant 1 : i32
        %parallel_loop3A_239 = vector.broadcast %parallel_loop3A_238 : i32 to vector<16xi32>
        tpu.vector_store_idx %arg7[%parallel_loop3A_239, %parallel_loop3A_151], %parallel_loop3A_197 {add = true} : memref<4x10240xf32, #tpu.memory_space<vmem>>[vector<16xi32>, vector<16xi32>], vector<16xf32>,
        %parallel_loop3A_240 = arith.constant 2 : i32
        %parallel_loop3A_241 = vector.broadcast %parallel_loop3A_240 : i32 to vector<16xi32>
        tpu.vector_store_idx %arg7[%parallel_loop3A_241, %parallel_loop3A_151], %parallel_loop3A_200 {add = true} : memref<4x10240xf32, #tpu.memory_space<vmem>>[vector<16xi32>, vector<16xi32>], vector<16xf32>,
        %parallel_loop3A_242 = arith.constant 3 : i32
        %parallel_loop3A_243 = vector.broadcast %parallel_loop3A_242 : i32 to vector<16xi32>
        tpu.vector_store_idx %arg7[%parallel_loop3A_243, %parallel_loop3A_151], %parallel_loop3A_203 {add = true} : memref<4x10240xf32, #tpu.memory_space<vmem>>[vector<16xi32>, vector<16xi32>], vector<16xf32>,
        %parallel_loop3A_244 = arith.constant 0 : i32
        %parallel_loop3A_245 = vector.broadcast %parallel_loop3A_244 : i32 to vector<16xi32>
        tpu.vector_store_idx %arg7[%parallel_loop3A_245, %parallel_loop3A_165], %parallel_loop3A_206 {add = true} : memref<4x10240xf32, #tpu.memory_space<vmem>>[vector<16xi32>, vector<16xi32>], vector<16xf32>,
        %parallel_loop3A_246 = arith.constant 1 : i32
        %parallel_loop3A_247 = vector.broadcast %parallel_loop3A_246 : i32 to vector<16xi32>
        tpu.vector_store_idx %arg7[%parallel_loop3A_247, %parallel_loop3A_165], %parallel_loop3A_209 {add = true} : memref<4x10240xf32, #tpu.memory_space<vmem>>[vector<16xi32>, vector<16xi32>], vector<16xf32>,
        %parallel_loop3A_248 = arith.constant 2 : i32
        %parallel_loop3A_249 = vector.broadcast %parallel_loop3A_248 : i32 to vector<16xi32>
        tpu.vector_store_idx %arg7[%parallel_loop3A_249, %parallel_loop3A_165], %parallel_loop3A_212 {add = true} : memref<4x10240xf32, #tpu.memory_space<vmem>>[vector<16xi32>, vector<16xi32>], vector<16xf32>,
        %parallel_loop3A_250 = arith.constant 3 : i32
        %parallel_loop3A_251 = vector.broadcast %parallel_loop3A_250 : i32 to vector<16xi32>
        tpu.vector_store_idx %arg7[%parallel_loop3A_251, %parallel_loop3A_165], %parallel_loop3A_215 {add = true} : memref<4x10240xf32, #tpu.memory_space<vmem>>[vector<16xi32>, vector<16xi32>], vector<16xf32>,
        %parallel_loop3A_252 = arith.constant 0 : i32
        %parallel_loop3A_253 = vector.broadcast %parallel_loop3A_252 : i32 to vector<16xi32>
        tpu.vector_store_idx %arg7[%parallel_loop3A_253, %parallel_loop3A_179], %parallel_loop3A_218 {add = true} : memref<4x10240xf32, #tpu.memory_space<vmem>>[vector<16xi32>, vector<16xi32>], vector<16xf32>,
        %parallel_loop3A_254 = arith.constant 1 : i32
        %parallel_loop3A_255 = vector.broadcast %parallel_loop3A_254 : i32 to vector<16xi32>
        tpu.vector_store_idx %arg7[%parallel_loop3A_255, %parallel_loop3A_179], %parallel_loop3A_221 {add = true} : memref<4x10240xf32, #tpu.memory_space<vmem>>[vector<16xi32>, vector<16xi32>], vector<16xf32>,
        %parallel_loop3A_256 = arith.constant 2 : i32
        %parallel_loop3A_257 = vector.broadcast %parallel_loop3A_256 : i32 to vector<16xi32>
        tpu.vector_store_idx %arg7[%parallel_loop3A_257, %parallel_loop3A_179], %parallel_loop3A_224 {add = true} : memref<4x10240xf32, #tpu.memory_space<vmem>>[vector<16xi32>, vector<16xi32>], vector<16xf32>,
        %parallel_loop3A_258 = arith.constant 3 : i32
        %parallel_loop3A_259 = vector.broadcast %parallel_loop3A_258 : i32 to vector<16xi32>
        tpu.vector_store_idx %arg7[%parallel_loop3A_259, %parallel_loop3A_179], %parallel_loop3A_227 {add = true} : memref<4x10240xf32, #tpu.memory_space<vmem>>[vector<16xi32>, vector<16xi32>], vector<16xf32>,
      } {sc.loop_unroll_factor = 4 : i64, sc.parallel_access}
      %dma_wait3A_95 = arith.constant 1 : i32
      %dma_wait3A_96 = arith.constant 0 : i32
      %dma_wait3A_97 = tpu.memref_slice %arg8[%dma_wait3A_95, %dma_wait3A_96] : memref<2x4096xi32, #tpu.memory_space<vmem>> -> memref<1x4096xi32, #tpu.memory_space<vmem>>
      %dma_wait3A_98 = tpu.memref_squeeze %dma_wait3A_97 : memref<1x4096xi32, #tpu.memory_space<vmem>> -> memref<4096xi32, #tpu.memory_space<vmem>>
      %dma_wait3A_99 = tpu.memref_slice %arg3[%mul3A_74] : memref<393216xi32, #tpu.memory_space<hbm>> -> memref<4096xi32, #tpu.memory_space<hbm>>
      %dma_wait3A_100 = arith.constant 0 : i32
      %dma_wait3A_101 = tpu.memref_slice %arg8[%dma_wait3A_95, %dma_wait3A_100] : memref<2x4096xi32, #tpu.memory_space<vmem>> -> memref<1x4096xi32, #tpu.memory_space<vmem>>
      %dma_wait3A_102 = tpu.memref_squeeze %dma_wait3A_101 : memref<1x4096xi32, #tpu.memory_space<vmem>> -> memref<4096xi32, #tpu.memory_space<vmem>>
      %dma_wait3A_103 = tpu.memref_slice %arg3[%mul3A_74] : memref<393216xi32, #tpu.memory_space<hbm>> -> memref<4096xi32, #tpu.memory_space<hbm>>
      tpu.wait_dma2 semaphore(%arg11 : memref<!tpu.dma_semaphore, #tpu.memory_space<semaphore_mem>>) src(%dma_wait3A_103 : memref<4096xi32, #tpu.memory_space<hbm>>) dst(%dma_wait3A_102 : memref<4096xi32, #tpu.memory_space<vmem>>)
      %dma_wait3A_104 = arith.constant 1 : i32
      %dma_wait3A_105 = arith.constant 0 : i32
      %dma_wait3A_106 = tpu.memref_slice %arg9[%dma_wait3A_104, %dma_wait3A_105] : memref<2x4096xi32, #tpu.memory_space<vmem>> -> memref<1x4096xi32, #tpu.memory_space<vmem>>
      %dma_wait3A_107 = tpu.memref_squeeze %dma_wait3A_106 : memref<1x4096xi32, #tpu.memory_space<vmem>> -> memref<4096xi32, #tpu.memory_space<vmem>>
      %dma_wait3A_108 = tpu.memref_slice %arg4[%mul3A_74] : memref<393216xi32, #tpu.memory_space<hbm>> -> memref<4096xi32, #tpu.memory_space<hbm>>
      %dma_wait3A_109 = arith.constant 0 : i32
      %dma_wait3A_110 = tpu.memref_slice %arg9[%dma_wait3A_104, %dma_wait3A_109] : memref<2x4096xi32, #tpu.memory_space<vmem>> -> memref<1x4096xi32, #tpu.memory_space<vmem>>
      %dma_wait3A_111 = tpu.memref_squeeze %dma_wait3A_110 : memref<1x4096xi32, #tpu.memory_space<vmem>> -> memref<4096xi32, #tpu.memory_space<vmem>>
      %dma_wait3A_112 = tpu.memref_slice %arg4[%mul3A_74] : memref<393216xi32, #tpu.memory_space<hbm>> -> memref<4096xi32, #tpu.memory_space<hbm>>
      tpu.wait_dma2 semaphore(%arg12 : memref<!tpu.dma_semaphore, #tpu.memory_space<semaphore_mem>>) src(%dma_wait3A_112 : memref<4096xi32, #tpu.memory_space<hbm>>) dst(%dma_wait3A_111 : memref<4096xi32, #tpu.memory_space<vmem>>)
      %add3A_113 = arith.constant 2 : i32
      %add3A_114 = arith.addi %mul3A_70, %add3A_113 : i32
      %lt3A = arith.constant 96 : i32
      %lt3A_115 = arith.cmpi slt, %add3A_114, %lt3A : i32
      %convert_element_type3A = arith.extui %lt3A_115 : i1 to i32
      %cond3A = arith.constant 0 : i32
      %cond3A_116 = arith.cmpi ne, %convert_element_type3A, %cond3A : i32
      scf.if %cond3A_116 {
        %add3A_123 = arith.constant 2 : i32
        %add3A_124 = arith.addi %mul3A_70, %add3A_123 : i32
        %mul3A_125 = arith.constant 4096 : i32
        %mul3A_126 = arith.muli %add3A_124, %mul3A_125 : i32
        %dma_start3A_127 = arith.constant 0 : i32
        %dma_start3A_128 = arith.constant 0 : i32
        %dma_start3A_129 = tpu.memref_slice %arg8[%dma_start3A_127, %dma_start3A_128] : memref<2x4096xi32, #tpu.memory_space<vmem>> -> memref<1x4096xi32, #tpu.memory_space<vmem>>
        %dma_start3A_130 = tpu.memref_squeeze %dma_start3A_129 : memref<1x4096xi32, #tpu.memory_space<vmem>> -> memref<4096xi32, #tpu.memory_space<vmem>>
        %dma_start3A_131 = tpu.memref_slice %arg3[%mul3A_126] : memref<393216xi32, #tpu.memory_space<hbm>> -> memref<4096xi32, #tpu.memory_space<hbm>>
        %dma_start3A_132 = arith.constant 0 : i32
        %dma_start3A_133 = tpu.memref_slice %arg8[%dma_start3A_127, %dma_start3A_132] : memref<2x4096xi32, #tpu.memory_space<vmem>> -> memref<1x4096xi32, #tpu.memory_space<vmem>>
        %dma_start3A_134 = tpu.memref_squeeze %dma_start3A_133 : memref<1x4096xi32, #tpu.memory_space<vmem>> -> memref<4096xi32, #tpu.memory_space<vmem>>
        %dma_start3A_135 = tpu.memref_slice %arg3[%mul3A_126] : memref<393216xi32, #tpu.memory_space<hbm>> -> memref<4096xi32, #tpu.memory_space<hbm>>
        tpu.enqueue_dma source(%dma_start3A_135 : memref<4096xi32, #tpu.memory_space<hbm>>) target(%dma_start3A_134 : memref<4096xi32, #tpu.memory_space<vmem>>) target_semaphore(%arg11 : memref<!tpu.dma_semaphore, #tpu.memory_space<semaphore_mem>>)
        %dma_start3A_136 = arith.constant 0 : i32
        %dma_start3A_137 = arith.constant 0 : i32
        %dma_start3A_138 = tpu.memref_slice %arg9[%dma_start3A_136, %dma_start3A_137] : memref<2x4096xi32, #tpu.memory_space<vmem>> -> memref<1x4096xi32, #tpu.memory_space<vmem>>
        %dma_start3A_139 = tpu.memref_squeeze %dma_start3A_138 : memref<1x4096xi32, #tpu.memory_space<vmem>> -> memref<4096xi32, #tpu.memory_space<vmem>>
        %dma_start3A_140 = tpu.memref_slice %arg4[%mul3A_126] : memref<393216xi32, #tpu.memory_space<hbm>> -> memref<4096xi32, #tpu.memory_space<hbm>>
        %dma_start3A_141 = arith.constant 0 : i32
        %dma_start3A_142 = tpu.memref_slice %arg9[%dma_start3A_136, %dma_start3A_141] : memref<2x4096xi32, #tpu.memory_space<vmem>> -> memref<1x4096xi32, #tpu.memory_space<vmem>>
        %dma_start3A_143 = tpu.memref_squeeze %dma_start3A_142 : memref<1x4096xi32, #tpu.memory_space<vmem>> -> memref<4096xi32, #tpu.memory_space<vmem>>
        %dma_start3A_144 = tpu.memref_slice %arg4[%mul3A_126] : memref<393216xi32, #tpu.memory_space<hbm>> -> memref<4096xi32, #tpu.memory_space<hbm>>
        tpu.enqueue_dma source(%dma_start3A_144 : memref<4096xi32, #tpu.memory_space<hbm>>) target(%dma_start3A_143 : memref<4096xi32, #tpu.memory_space<vmem>>) target_semaphore(%arg12 : memref<!tpu.dma_semaphore, #tpu.memory_space<semaphore_mem>>)
        %parallel_loop3A_145 = arith.constant 0 : i32
        %parallel_loop3A_146 = arith.constant 64 : i32
        %parallel_loop3A_147 = arith.constant 1 : i32
        scf.for %parallel_loop3A_166 = %parallel_loop3A_145 to %parallel_loop3A_146 step %parallel_loop3A_147  : i32 {
          %parallel_loop3A_167 = arith.constant 4 : i32
          %parallel_loop3A_168 = arith.muli %parallel_loop3A_166, %parallel_loop3A_167 : i32
          %parallel_loop3A_169 = arith.constant 0 : i32
          %parallel_loop3A_170 = arith.addi %parallel_loop3A_168, %parallel_loop3A_169 : i32
          %parallel_loop3A_171 = arith.constant 16 : i32
          %parallel_loop3A_172 = arith.muli %parallel_loop3A_170, %parallel_loop3A_171 : i32
          %parallel_loop3A_173 = arith.constant 1 : i32
          %parallel_loop3A_174 = arith.index_cast %parallel_loop3A_173 : i32 to index
          %parallel_loop3A_175 = arith.index_cast %parallel_loop3A_172 : i32 to index
          %parallel_loop3A_176 = tpu.vector_load %arg8[%parallel_loop3A_174, %parallel_loop3A_175] {strides = array<i32>} : memref<2x4096xi32, #tpu.memory_space<vmem>>, vector<16xi32>,
          %parallel_loop3A_177 = arith.constant 1 : i32
          %parallel_loop3A_178 = arith.index_cast %parallel_loop3A_177 : i32 to index
          %parallel_loop3A_179 = arith.index_cast %parallel_loop3A_172 : i32 to index
          %parallel_loop3A_180 = tpu.vector_load %arg9[%parallel_loop3A_178, %parallel_loop3A_179] {strides = array<i32>} : memref<2x4096xi32, #tpu.memory_space<vmem>>, vector<16xi32>,
          %parallel_loop3A_181 = arith.constant 4 : i32
          %parallel_loop3A_182 = arith.muli %parallel_loop3A_166, %parallel_loop3A_181 : i32
          %parallel_loop3A_183 = arith.constant 1 : i32
          %parallel_loop3A_184 = arith.addi %parallel_loop3A_182, %parallel_loop3A_183 : i32
          %parallel_loop3A_185 = arith.constant 16 : i32
          %parallel_loop3A_186 = arith.muli %parallel_loop3A_184, %parallel_loop3A_185 : i32
          %parallel_loop3A_187 = arith.constant 1 : i32
          %parallel_loop3A_188 = arith.index_cast %parallel_loop3A_187 : i32 to index
          %parallel_loop3A_189 = arith.index_cast %parallel_loop3A_186 : i32 to index
          %parallel_loop3A_190 = tpu.vector_load %arg8[%parallel_loop3A_188, %parallel_loop3A_189] {strides = array<i32>} : memref<2x4096xi32, #tpu.memory_space<vmem>>, vector<16xi32>,
          %parallel_loop3A_191 = arith.constant 1 : i32
          %parallel_loop3A_192 = arith.index_cast %parallel_loop3A_191 : i32 to index
          %parallel_loop3A_193 = arith.index_cast %parallel_loop3A_186 : i32 to index
          %parallel_loop3A_194 = tpu.vector_load %arg9[%parallel_loop3A_192, %parallel_loop3A_193] {strides = array<i32>} : memref<2x4096xi32, #tpu.memory_space<vmem>>, vector<16xi32>,
          %parallel_loop3A_195 = arith.constant 4 : i32
          %parallel_loop3A_196 = arith.muli %parallel_loop3A_166, %parallel_loop3A_195 : i32
          %parallel_loop3A_197 = arith.constant 2 : i32
          %parallel_loop3A_198 = arith.addi %parallel_loop3A_196, %parallel_loop3A_197 : i32
          %parallel_loop3A_199 = arith.constant 16 : i32
          %parallel_loop3A_200 = arith.muli %parallel_loop3A_198, %parallel_loop3A_199 : i32
          %parallel_loop3A_201 = arith.constant 1 : i32
          %parallel_loop3A_202 = arith.index_cast %parallel_loop3A_201 : i32 to index
          %parallel_loop3A_203 = arith.index_cast %parallel_loop3A_200 : i32 to index
          %parallel_loop3A_204 = tpu.vector_load %arg8[%parallel_loop3A_202, %parallel_loop3A_203] {strides = array<i32>} : memref<2x4096xi32, #tpu.memory_space<vmem>>, vector<16xi32>,
          %parallel_loop3A_205 = arith.constant 1 : i32
          %parallel_loop3A_206 = arith.index_cast %parallel_loop3A_205 : i32 to index
          %parallel_loop3A_207 = arith.index_cast %parallel_loop3A_200 : i32 to index
          %parallel_loop3A_208 = tpu.vector_load %arg9[%parallel_loop3A_206, %parallel_loop3A_207] {strides = array<i32>} : memref<2x4096xi32, #tpu.memory_space<vmem>>, vector<16xi32>,
          %parallel_loop3A_209 = arith.constant 4 : i32
          %parallel_loop3A_210 = arith.muli %parallel_loop3A_166, %parallel_loop3A_209 : i32
          %parallel_loop3A_211 = arith.constant 3 : i32
          %parallel_loop3A_212 = arith.addi %parallel_loop3A_210, %parallel_loop3A_211 : i32
          %parallel_loop3A_213 = arith.constant 16 : i32
          %parallel_loop3A_214 = arith.muli %parallel_loop3A_212, %parallel_loop3A_213 : i32
          %parallel_loop3A_215 = arith.constant 1 : i32
          %parallel_loop3A_216 = arith.index_cast %parallel_loop3A_215 : i32 to index
          %parallel_loop3A_217 = arith.index_cast %parallel_loop3A_214 : i32 to index
          %parallel_loop3A_218 = tpu.vector_load %arg8[%parallel_loop3A_216, %parallel_loop3A_217] {strides = array<i32>} : memref<2x4096xi32, #tpu.memory_space<vmem>>, vector<16xi32>,
          %parallel_loop3A_219 = arith.constant 1 : i32
          %parallel_loop3A_220 = arith.index_cast %parallel_loop3A_219 : i32 to index
          %parallel_loop3A_221 = arith.index_cast %parallel_loop3A_214 : i32 to index
          %parallel_loop3A_222 = tpu.vector_load %arg9[%parallel_loop3A_220, %parallel_loop3A_221] {strides = array<i32>} : memref<2x4096xi32, #tpu.memory_space<vmem>>, vector<16xi32>,
          %parallel_loop3A_223 = arith.constant 0 : i32
          %parallel_loop3A_224 = vector.broadcast %parallel_loop3A_223 : i32 to vector<16xi32>
          %parallel_loop3A_225 = tpu.vector_load_idx %arg6[%parallel_loop3A_224, %parallel_loop3A_176] : memref<4x10000xf32, #tpu.memory_space<vmem>>[vector<16xi32>, vector<16xi32>], vector<16xf32>,
          %parallel_loop3A_226 = arith.constant 1 : i32
          %parallel_loop3A_227 = vector.broadcast %parallel_loop3A_226 : i32 to vector<16xi32>
          %parallel_loop3A_228 = tpu.vector_load_idx %arg6[%parallel_loop3A_227, %parallel_loop3A_176] : memref<4x10000xf32, #tpu.memory_space<vmem>>[vector<16xi32>, vector<16xi32>], vector<16xf32>,
          %parallel_loop3A_229 = arith.constant 2 : i32
          %parallel_loop3A_230 = vector.broadcast %parallel_loop3A_229 : i32 to vector<16xi32>
          %parallel_loop3A_231 = tpu.vector_load_idx %arg6[%parallel_loop3A_230, %parallel_loop3A_176] : memref<4x10000xf32, #tpu.memory_space<vmem>>[vector<16xi32>, vector<16xi32>], vector<16xf32>,
          %parallel_loop3A_232 = arith.constant 3 : i32
          %parallel_loop3A_233 = vector.broadcast %parallel_loop3A_232 : i32 to vector<16xi32>
          %parallel_loop3A_234 = tpu.vector_load_idx %arg6[%parallel_loop3A_233, %parallel_loop3A_176] : memref<4x10000xf32, #tpu.memory_space<vmem>>[vector<16xi32>, vector<16xi32>], vector<16xf32>,
          %parallel_loop3A_235 = arith.constant 0 : i32
          %parallel_loop3A_236 = vector.broadcast %parallel_loop3A_235 : i32 to vector<16xi32>
          %parallel_loop3A_237 = tpu.vector_load_idx %arg6[%parallel_loop3A_236, %parallel_loop3A_190] : memref<4x10000xf32, #tpu.memory_space<vmem>>[vector<16xi32>, vector<16xi32>], vector<16xf32>,
          %parallel_loop3A_238 = arith.constant 1 : i32
          %parallel_loop3A_239 = vector.broadcast %parallel_loop3A_238 : i32 to vector<16xi32>
          %parallel_loop3A_240 = tpu.vector_load_idx %arg6[%parallel_loop3A_239, %parallel_loop3A_190] : memref<4x10000xf32, #tpu.memory_space<vmem>>[vector<16xi32>, vector<16xi32>], vector<16xf32>,
          %parallel_loop3A_241 = arith.constant 2 : i32
          %parallel_loop3A_242 = vector.broadcast %parallel_loop3A_241 : i32 to vector<16xi32>
          %parallel_loop3A_243 = tpu.vector_load_idx %arg6[%parallel_loop3A_242, %parallel_loop3A_190] : memref<4x10000xf32, #tpu.memory_space<vmem>>[vector<16xi32>, vector<16xi32>], vector<16xf32>,
          %parallel_loop3A_244 = arith.constant 3 : i32
          %parallel_loop3A_245 = vector.broadcast %parallel_loop3A_244 : i32 to vector<16xi32>
          %parallel_loop3A_246 = tpu.vector_load_idx %arg6[%parallel_loop3A_245, %parallel_loop3A_190] : memref<4x10000xf32, #tpu.memory_space<vmem>>[vector<16xi32>, vector<16xi32>], vector<16xf32>,
          %parallel_loop3A_247 = arith.constant 0 : i32
          %parallel_loop3A_248 = vector.broadcast %parallel_loop3A_247 : i32 to vector<16xi32>
          %parallel_loop3A_249 = tpu.vector_load_idx %arg6[%parallel_loop3A_248, %parallel_loop3A_204] : memref<4x10000xf32, #tpu.memory_space<vmem>>[vector<16xi32>, vector<16xi32>], vector<16xf32>,
          %parallel_loop3A_250 = arith.constant 1 : i32
          %parallel_loop3A_251 = vector.broadcast %parallel_loop3A_250 : i32 to vector<16xi32>
          %parallel_loop3A_252 = tpu.vector_load_idx %arg6[%parallel_loop3A_251, %parallel_loop3A_204] : memref<4x10000xf32, #tpu.memory_space<vmem>>[vector<16xi32>, vector<16xi32>], vector<16xf32>,
          %parallel_loop3A_253 = arith.constant 2 : i32
          %parallel_loop3A_254 = vector.broadcast %parallel_loop3A_253 : i32 to vector<16xi32>
          %parallel_loop3A_255 = tpu.vector_load_idx %arg6[%parallel_loop3A_254, %parallel_loop3A_204] : memref<4x10000xf32, #tpu.memory_space<vmem>>[vector<16xi32>, vector<16xi32>], vector<16xf32>,
          %parallel_loop3A_256 = arith.constant 3 : i32
          %parallel_loop3A_257 = vector.broadcast %parallel_loop3A_256 : i32 to vector<16xi32>
          %parallel_loop3A_258 = tpu.vector_load_idx %arg6[%parallel_loop3A_257, %parallel_loop3A_204] : memref<4x10000xf32, #tpu.memory_space<vmem>>[vector<16xi32>, vector<16xi32>], vector<16xf32>,
          %parallel_loop3A_259 = arith.constant 0 : i32
          %parallel_loop3A_260 = vector.broadcast %parallel_loop3A_259 : i32 to vector<16xi32>
          %parallel_loop3A_261 = tpu.vector_load_idx %arg6[%parallel_loop3A_260, %parallel_loop3A_218] : memref<4x10000xf32, #tpu.memory_space<vmem>>[vector<16xi32>, vector<16xi32>], vector<16xf32>,
          %parallel_loop3A_262 = arith.constant 1 : i32
          %parallel_loop3A_263 = vector.broadcast %parallel_loop3A_262 : i32 to vector<16xi32>
          %parallel_loop3A_264 = tpu.vector_load_idx %arg6[%parallel_loop3A_263, %parallel_loop3A_218] : memref<4x10000xf32, #tpu.memory_space<vmem>>[vector<16xi32>, vector<16xi32>], vector<16xf32>,
          %parallel_loop3A_265 = arith.constant 2 : i32
          %parallel_loop3A_266 = vector.broadcast %parallel_loop3A_265 : i32 to vector<16xi32>
          %parallel_loop3A_267 = tpu.vector_load_idx %arg6[%parallel_loop3A_266, %parallel_loop3A_218] : memref<4x10000xf32, #tpu.memory_space<vmem>>[vector<16xi32>, vector<16xi32>], vector<16xf32>,
          %parallel_loop3A_268 = arith.constant 3 : i32
          %parallel_loop3A_269 = vector.broadcast %parallel_loop3A_268 : i32 to vector<16xi32>
          %parallel_loop3A_270 = tpu.vector_load_idx %arg6[%parallel_loop3A_269, %parallel_loop3A_218] : memref<4x10000xf32, #tpu.memory_space<vmem>>[vector<16xi32>, vector<16xi32>], vector<16xf32>,
          %parallel_loop3A_271 = arith.constant 0 : i32
          %parallel_loop3A_272 = vector.broadcast %parallel_loop3A_271 : i32 to vector<16xi32>
          tpu.vector_store_idx %arg7[%parallel_loop3A_272, %parallel_loop3A_180], %parallel_loop3A_225 {add = true} : memref<4x10240xf32, #tpu.memory_space<vmem>>[vector<16xi32>, vector<16xi32>], vector<16xf32>,
          %parallel_loop3A_273 = arith.constant 1 : i32
          %parallel_loop3A_274 = vector.broadcast %parallel_loop3A_273 : i32 to vector<16xi32>
          tpu.vector_store_idx %arg7[%parallel_loop3A_274, %parallel_loop3A_180], %parallel_loop3A_228 {add = true} : memref<4x10240xf32, #tpu.memory_space<vmem>>[vector<16xi32>, vector<16xi32>], vector<16xf32>,
          %parallel_loop3A_275 = arith.constant 2 : i32
          %parallel_loop3A_276 = vector.broadcast %parallel_loop3A_275 : i32 to vector<16xi32>
          tpu.vector_store_idx %arg7[%parallel_loop3A_276, %parallel_loop3A_180], %parallel_loop3A_231 {add = true} : memref<4x10240xf32, #tpu.memory_space<vmem>>[vector<16xi32>, vector<16xi32>], vector<16xf32>,
          %parallel_loop3A_277 = arith.constant 3 : i32
          %parallel_loop3A_278 = vector.broadcast %parallel_loop3A_277 : i32 to vector<16xi32>
          tpu.vector_store_idx %arg7[%parallel_loop3A_278, %parallel_loop3A_180], %parallel_loop3A_234 {add = true} : memref<4x10240xf32, #tpu.memory_space<vmem>>[vector<16xi32>, vector<16xi32>], vector<16xf32>,
          %parallel_loop3A_279 = arith.constant 0 : i32
          %parallel_loop3A_280 = vector.broadcast %parallel_loop3A_279 : i32 to vector<16xi32>
          tpu.vector_store_idx %arg7[%parallel_loop3A_280, %parallel_loop3A_194], %parallel_loop3A_237 {add = true} : memref<4x10240xf32, #tpu.memory_space<vmem>>[vector<16xi32>, vector<16xi32>], vector<16xf32>,
          %parallel_loop3A_281 = arith.constant 1 : i32
          %parallel_loop3A_282 = vector.broadcast %parallel_loop3A_281 : i32 to vector<16xi32>
          tpu.vector_store_idx %arg7[%parallel_loop3A_282, %parallel_loop3A_194], %parallel_loop3A_240 {add = true} : memref<4x10240xf32, #tpu.memory_space<vmem>>[vector<16xi32>, vector<16xi32>], vector<16xf32>,
          %parallel_loop3A_283 = arith.constant 2 : i32
          %parallel_loop3A_284 = vector.broadcast %parallel_loop3A_283 : i32 to vector<16xi32>
          tpu.vector_store_idx %arg7[%parallel_loop3A_284, %parallel_loop3A_194], %parallel_loop3A_243 {add = true} : memref<4x10240xf32, #tpu.memory_space<vmem>>[vector<16xi32>, vector<16xi32>], vector<16xf32>,
          %parallel_loop3A_285 = arith.constant 3 : i32
          %parallel_loop3A_286 = vector.broadcast %parallel_loop3A_285 : i32 to vector<16xi32>
          tpu.vector_store_idx %arg7[%parallel_loop3A_286, %parallel_loop3A_194], %parallel_loop3A_246 {add = true} : memref<4x10240xf32, #tpu.memory_space<vmem>>[vector<16xi32>, vector<16xi32>], vector<16xf32>,
          %parallel_loop3A_287 = arith.constant 0 : i32
          %parallel_loop3A_288 = vector.broadcast %parallel_loop3A_287 : i32 to vector<16xi32>
          tpu.vector_store_idx %arg7[%parallel_loop3A_288, %parallel_loop3A_208], %parallel_loop3A_249 {add = true} : memref<4x10240xf32, #tpu.memory_space<vmem>>[vector<16xi32>, vector<16xi32>], vector<16xf32>,
          %parallel_loop3A_289 = arith.constant 1 : i32
          %parallel_loop3A_290 = vector.broadcast %parallel_loop3A_289 : i32 to vector<16xi32>
          tpu.vector_store_idx %arg7[%parallel_loop3A_290, %parallel_loop3A_208], %parallel_loop3A_252 {add = true} : memref<4x10240xf32, #tpu.memory_space<vmem>>[vector<16xi32>, vector<16xi32>], vector<16xf32>,
          %parallel_loop3A_291 = arith.constant 2 : i32
          %parallel_loop3A_292 = vector.broadcast %parallel_loop3A_291 : i32 to vector<16xi32>
          tpu.vector_store_idx %arg7[%parallel_loop3A_292, %parallel_loop3A_208], %parallel_loop3A_255 {add = true} : memref<4x10240xf32, #tpu.memory_space<vmem>>[vector<16xi32>, vector<16xi32>], vector<16xf32>,
          %parallel_loop3A_293 = arith.constant 3 : i32
          %parallel_loop3A_294 = vector.broadcast %parallel_loop3A_293 : i32 to vector<16xi32>
          tpu.vector_store_idx %arg7[%parallel_loop3A_294, %parallel_loop3A_208], %parallel_loop3A_258 {add = true} : memref<4x10240xf32, #tpu.memory_space<vmem>>[vector<16xi32>, vector<16xi32>], vector<16xf32>,
          %parallel_loop3A_295 = arith.constant 0 : i32
          %parallel_loop3A_296 = vector.broadcast %parallel_loop3A_295 : i32 to vector<16xi32>
          tpu.vector_store_idx %arg7[%parallel_loop3A_296, %parallel_loop3A_222], %parallel_loop3A_261 {add = true} : memref<4x10240xf32, #tpu.memory_space<vmem>>[vector<16xi32>, vector<16xi32>], vector<16xf32>,
          %parallel_loop3A_297 = arith.constant 1 : i32
          %parallel_loop3A_298 = vector.broadcast %parallel_loop3A_297 : i32 to vector<16xi32>
          tpu.vector_store_idx %arg7[%parallel_loop3A_298, %parallel_loop3A_222], %parallel_loop3A_264 {add = true} : memref<4x10240xf32, #tpu.memory_space<vmem>>[vector<16xi32>, vector<16xi32>], vector<16xf32>,
          %parallel_loop3A_299 = arith.constant 2 : i32
          %parallel_loop3A_300 = vector.broadcast %parallel_loop3A_299 : i32 to vector<16xi32>
          tpu.vector_store_idx %arg7[%parallel_loop3A_300, %parallel_loop3A_222], %parallel_loop3A_267 {add = true} : memref<4x10240xf32, #tpu.memory_space<vmem>>[vector<16xi32>, vector<16xi32>], vector<16xf32>,
          %parallel_loop3A_301 = arith.constant 3 : i32
          %parallel_loop3A_302 = vector.broadcast %parallel_loop3A_301 : i32 to vector<16xi32>
          tpu.vector_store_idx %arg7[%parallel_loop3A_302, %parallel_loop3A_222], %parallel_loop3A_270 {add = true} : memref<4x10240xf32, #tpu.memory_space<vmem>>[vector<16xi32>, vector<16xi32>], vector<16xf32>,
        } {sc.loop_unroll_factor = 4 : i64, sc.parallel_access}
        %dma_wait3A_148 = arith.constant 0 : i32
        %dma_wait3A_149 = arith.constant 0 : i32
        %dma_wait3A_150 = tpu.memref_slice %arg8[%dma_wait3A_148, %dma_wait3A_149] : memref<2x4096xi32, #tpu.memory_space<vmem>> -> memref<1x4096xi32, #tpu.memory_space<vmem>>
        %dma_wait3A_151 = tpu.memref_squeeze %dma_wait3A_150 : memref<1x4096xi32, #tpu.memory_space<vmem>> -> memref<4096xi32, #tpu.memory_space<vmem>>
        %dma_wait3A_152 = tpu.memref_slice %arg3[%mul3A_126] : memref<393216xi32, #tpu.memory_space<hbm>> -> memref<4096xi32, #tpu.memory_space<hbm>>
        %dma_wait3A_153 = arith.constant 0 : i32
        %dma_wait3A_154 = tpu.memref_slice %arg8[%dma_wait3A_148, %dma_wait3A_153] : memref<2x4096xi32, #tpu.memory_space<vmem>> -> memref<1x4096xi32, #tpu.memory_space<vmem>>
        %dma_wait3A_155 = tpu.memref_squeeze %dma_wait3A_154 : memref<1x4096xi32, #tpu.memory_space<vmem>> -> memref<4096xi32, #tpu.memory_space<vmem>>
        %dma_wait3A_156 = tpu.memref_slice %arg3[%mul3A_126] : memref<393216xi32, #tpu.memory_space<hbm>> -> memref<4096xi32, #tpu.memory_space<hbm>>
        tpu.wait_dma2 semaphore(%arg11 : memref<!tpu.dma_semaphore, #tpu.memory_space<semaphore_mem>>) src(%dma_wait3A_156 : memref<4096xi32, #tpu.memory_space<hbm>>) dst(%dma_wait3A_155 : memref<4096xi32, #tpu.memory_space<vmem>>)
        %dma_wait3A_157 = arith.constant 0 : i32
        %dma_wait3A_158 = arith.constant 0 : i32
        %dma_wait3A_159 = tpu.memref_slice %arg9[%dma_wait3A_157, %dma_wait3A_158] : memref<2x4096xi32, #tpu.memory_space<vmem>> -> memref<1x4096xi32, #tpu.memory_space<vmem>>
        %dma_wait3A_160 = tpu.memref_squeeze %dma_wait3A_159 : memref<1x4096xi32, #tpu.memory_space<vmem>> -> memref<4096xi32, #tpu.memory_space<vmem>>
        %dma_wait3A_161 = tpu.memref_slice %arg4[%mul3A_126] : memref<393216xi32, #tpu.memory_space<hbm>> -> memref<4096xi32, #tpu.memory_space<hbm>>
        %dma_wait3A_162 = arith.constant 0 : i32
        %dma_wait3A_163 = tpu.memref_slice %arg9[%dma_wait3A_157, %dma_wait3A_162] : memref<2x4096xi32, #tpu.memory_space<vmem>> -> memref<1x4096xi32, #tpu.memory_space<vmem>>
        %dma_wait3A_164 = tpu.memref_squeeze %dma_wait3A_163 : memref<1x4096xi32, #tpu.memory_space<vmem>> -> memref<4096xi32, #tpu.memory_space<vmem>>
        %dma_wait3A_165 = tpu.memref_slice %arg4[%mul3A_126] : memref<393216xi32, #tpu.memory_space<hbm>> -> memref<4096xi32, #tpu.memory_space<hbm>>
        tpu.wait_dma2 semaphore(%arg12 : memref<!tpu.dma_semaphore, #tpu.memory_space<semaphore_mem>>) src(%dma_wait3A_165 : memref<4096xi32, #tpu.memory_space<hbm>>) dst(%dma_wait3A_164 : memref<4096xi32, #tpu.memory_space<vmem>>)
      } else {
      }
      %add3A_117 = arith.constant 2 : i32
      %add3A_118 = arith.addi %mul3A_70, %add3A_117 : i32
      %ge3A = arith.constant 96 : i32
      %ge3A_119 = arith.cmpi sge, %add3A_118, %ge3A : i32
      %convert_element_type3A_120 = arith.extui %ge3A_119 : i1 to i32
      %cond3A_121 = arith.constant 0 : i32
      %cond3A_122 = arith.cmpi ne, %convert_element_type3A_120, %cond3A_121 : i32
      scf.if %cond3A_122 {
        %parallel_loop3A_123 = arith.constant 0 : i32
        %parallel_loop3A_124 = arith.constant 64 : i32
        %parallel_loop3A_125 = arith.constant 1 : i32
        scf.for %parallel_loop3A_126 = %parallel_loop3A_123 to %parallel_loop3A_124 step %parallel_loop3A_125  : i32 {
          %parallel_loop3A_127 = arith.constant 4 : i32
          %parallel_loop3A_128 = arith.muli %parallel_loop3A_126, %parallel_loop3A_127 : i32
          %parallel_loop3A_129 = arith.constant 0 : i32
          %parallel_loop3A_130 = arith.addi %parallel_loop3A_128, %parallel_loop3A_129 : i32
          %parallel_loop3A_131 = arith.constant 16 : i32
          %parallel_loop3A_132 = arith.muli %parallel_loop3A_130, %parallel_loop3A_131 : i32
          %parallel_loop3A_133 = arith.constant 1 : i32
          %parallel_loop3A_134 = arith.index_cast %parallel_loop3A_133 : i32 to index
          %parallel_loop3A_135 = arith.index_cast %parallel_loop3A_132 : i32 to index
          %parallel_loop3A_136 = tpu.vector_load %arg8[%parallel_loop3A_134, %parallel_loop3A_135] {strides = array<i32>} : memref<2x4096xi32, #tpu.memory_space<vmem>>, vector<16xi32>,
          %parallel_loop3A_137 = arith.constant 1 : i32
          %parallel_loop3A_138 = arith.index_cast %parallel_loop3A_137 : i32 to index
          %parallel_loop3A_139 = arith.index_cast %parallel_loop3A_132 : i32 to index
          %parallel_loop3A_140 = tpu.vector_load %arg9[%parallel_loop3A_138, %parallel_loop3A_139] {strides = array<i32>} : memref<2x4096xi32, #tpu.memory_space<vmem>>, vector<16xi32>,
          %parallel_loop3A_141 = arith.constant 4 : i32
          %parallel_loop3A_142 = arith.muli %parallel_loop3A_126, %parallel_loop3A_141 : i32
          %parallel_loop3A_143 = arith.constant 1 : i32
          %parallel_loop3A_144 = arith.addi %parallel_loop3A_142, %parallel_loop3A_143 : i32
          %parallel_loop3A_145 = arith.constant 16 : i32
          %parallel_loop3A_146 = arith.muli %parallel_loop3A_144, %parallel_loop3A_145 : i32
          %parallel_loop3A_147 = arith.constant 1 : i32
          %parallel_loop3A_148 = arith.index_cast %parallel_loop3A_147 : i32 to index
          %parallel_loop3A_149 = arith.index_cast %parallel_loop3A_146 : i32 to index
          %parallel_loop3A_150 = tpu.vector_load %arg8[%parallel_loop3A_148, %parallel_loop3A_149] {strides = array<i32>} : memref<2x4096xi32, #tpu.memory_space<vmem>>, vector<16xi32>,
          %parallel_loop3A_151 = arith.constant 1 : i32
          %parallel_loop3A_152 = arith.index_cast %parallel_loop3A_151 : i32 to index
          %parallel_loop3A_153 = arith.index_cast %parallel_loop3A_146 : i32 to index
          %parallel_loop3A_154 = tpu.vector_load %arg9[%parallel_loop3A_152, %parallel_loop3A_153] {strides = array<i32>} : memref<2x4096xi32, #tpu.memory_space<vmem>>, vector<16xi32>,
          %parallel_loop3A_155 = arith.constant 4 : i32
          %parallel_loop3A_156 = arith.muli %parallel_loop3A_126, %parallel_loop3A_155 : i32
          %parallel_loop3A_157 = arith.constant 2 : i32
          %parallel_loop3A_158 = arith.addi %parallel_loop3A_156, %parallel_loop3A_157 : i32
          %parallel_loop3A_159 = arith.constant 16 : i32
          %parallel_loop3A_160 = arith.muli %parallel_loop3A_158, %parallel_loop3A_159 : i32
          %parallel_loop3A_161 = arith.constant 1 : i32
          %parallel_loop3A_162 = arith.index_cast %parallel_loop3A_161 : i32 to index
          %parallel_loop3A_163 = arith.index_cast %parallel_loop3A_160 : i32 to index
          %parallel_loop3A_164 = tpu.vector_load %arg8[%parallel_loop3A_162, %parallel_loop3A_163] {strides = array<i32>} : memref<2x4096xi32, #tpu.memory_space<vmem>>, vector<16xi32>,
          %parallel_loop3A_165 = arith.constant 1 : i32
          %parallel_loop3A_166 = arith.index_cast %parallel_loop3A_165 : i32 to index
          %parallel_loop3A_167 = arith.index_cast %parallel_loop3A_160 : i32 to index
          %parallel_loop3A_168 = tpu.vector_load %arg9[%parallel_loop3A_166, %parallel_loop3A_167] {strides = array<i32>} : memref<2x4096xi32, #tpu.memory_space<vmem>>, vector<16xi32>,
          %parallel_loop3A_169 = arith.constant 4 : i32
          %parallel_loop3A_170 = arith.muli %parallel_loop3A_126, %parallel_loop3A_169 : i32
          %parallel_loop3A_171 = arith.constant 3 : i32
          %parallel_loop3A_172 = arith.addi %parallel_loop3A_170, %parallel_loop3A_171 : i32
          %parallel_loop3A_173 = arith.constant 16 : i32
          %parallel_loop3A_174 = arith.muli %parallel_loop3A_172, %parallel_loop3A_173 : i32
          %parallel_loop3A_175 = arith.constant 1 : i32
          %parallel_loop3A_176 = arith.index_cast %parallel_loop3A_175 : i32 to index
          %parallel_loop3A_177 = arith.index_cast %parallel_loop3A_174 : i32 to index
          %parallel_loop3A_178 = tpu.vector_load %arg8[%parallel_loop3A_176, %parallel_loop3A_177] {strides = array<i32>} : memref<2x4096xi32, #tpu.memory_space<vmem>>, vector<16xi32>,
          %parallel_loop3A_179 = arith.constant 1 : i32
          %parallel_loop3A_180 = arith.index_cast %parallel_loop3A_179 : i32 to index
          %parallel_loop3A_181 = arith.index_cast %parallel_loop3A_174 : i32 to index
          %parallel_loop3A_182 = tpu.vector_load %arg9[%parallel_loop3A_180, %parallel_loop3A_181] {strides = array<i32>} : memref<2x4096xi32, #tpu.memory_space<vmem>>, vector<16xi32>,
          %parallel_loop3A_183 = arith.constant 0 : i32
          %parallel_loop3A_184 = vector.broadcast %parallel_loop3A_183 : i32 to vector<16xi32>
          %parallel_loop3A_185 = tpu.vector_load_idx %arg6[%parallel_loop3A_184, %parallel_loop3A_136] : memref<4x10000xf32, #tpu.memory_space<vmem>>[vector<16xi32>, vector<16xi32>], vector<16xf32>,
          %parallel_loop3A_186 = arith.constant 1 : i32
          %parallel_loop3A_187 = vector.broadcast %parallel_loop3A_186 : i32 to vector<16xi32>
          %parallel_loop3A_188 = tpu.vector_load_idx %arg6[%parallel_loop3A_187, %parallel_loop3A_136] : memref<4x10000xf32, #tpu.memory_space<vmem>>[vector<16xi32>, vector<16xi32>], vector<16xf32>,
          %parallel_loop3A_189 = arith.constant 2 : i32
          %parallel_loop3A_190 = vector.broadcast %parallel_loop3A_189 : i32 to vector<16xi32>
          %parallel_loop3A_191 = tpu.vector_load_idx %arg6[%parallel_loop3A_190, %parallel_loop3A_136] : memref<4x10000xf32, #tpu.memory_space<vmem>>[vector<16xi32>, vector<16xi32>], vector<16xf32>,
          %parallel_loop3A_192 = arith.constant 3 : i32
          %parallel_loop3A_193 = vector.broadcast %parallel_loop3A_192 : i32 to vector<16xi32>
          %parallel_loop3A_194 = tpu.vector_load_idx %arg6[%parallel_loop3A_193, %parallel_loop3A_136] : memref<4x10000xf32, #tpu.memory_space<vmem>>[vector<16xi32>, vector<16xi32>], vector<16xf32>,
          %parallel_loop3A_195 = arith.constant 0 : i32
          %parallel_loop3A_196 = vector.broadcast %parallel_loop3A_195 : i32 to vector<16xi32>
          %parallel_loop3A_197 = tpu.vector_load_idx %arg6[%parallel_loop3A_196, %parallel_loop3A_150] : memref<4x10000xf32, #tpu.memory_space<vmem>>[vector<16xi32>, vector<16xi32>], vector<16xf32>,
          %parallel_loop3A_198 = arith.constant 1 : i32
          %parallel_loop3A_199 = vector.broadcast %parallel_loop3A_198 : i32 to vector<16xi32>
          %parallel_loop3A_200 = tpu.vector_load_idx %arg6[%parallel_loop3A_199, %parallel_loop3A_150] : memref<4x10000xf32, #tpu.memory_space<vmem>>[vector<16xi32>, vector<16xi32>], vector<16xf32>,
          %parallel_loop3A_201 = arith.constant 2 : i32
          %parallel_loop3A_202 = vector.broadcast %parallel_loop3A_201 : i32 to vector<16xi32>
          %parallel_loop3A_203 = tpu.vector_load_idx %arg6[%parallel_loop3A_202, %parallel_loop3A_150] : memref<4x10000xf32, #tpu.memory_space<vmem>>[vector<16xi32>, vector<16xi32>], vector<16xf32>,
          %parallel_loop3A_204 = arith.constant 3 : i32
          %parallel_loop3A_205 = vector.broadcast %parallel_loop3A_204 : i32 to vector<16xi32>
          %parallel_loop3A_206 = tpu.vector_load_idx %arg6[%parallel_loop3A_205, %parallel_loop3A_150] : memref<4x10000xf32, #tpu.memory_space<vmem>>[vector<16xi32>, vector<16xi32>], vector<16xf32>,
          %parallel_loop3A_207 = arith.constant 0 : i32
          %parallel_loop3A_208 = vector.broadcast %parallel_loop3A_207 : i32 to vector<16xi32>
          %parallel_loop3A_209 = tpu.vector_load_idx %arg6[%parallel_loop3A_208, %parallel_loop3A_164] : memref<4x10000xf32, #tpu.memory_space<vmem>>[vector<16xi32>, vector<16xi32>], vector<16xf32>,
          %parallel_loop3A_210 = arith.constant 1 : i32
          %parallel_loop3A_211 = vector.broadcast %parallel_loop3A_210 : i32 to vector<16xi32>
          %parallel_loop3A_212 = tpu.vector_load_idx %arg6[%parallel_loop3A_211, %parallel_loop3A_164] : memref<4x10000xf32, #tpu.memory_space<vmem>>[vector<16xi32>, vector<16xi32>], vector<16xf32>,
          %parallel_loop3A_213 = arith.constant 2 : i32
          %parallel_loop3A_214 = vector.broadcast %parallel_loop3A_213 : i32 to vector<16xi32>
          %parallel_loop3A_215 = tpu.vector_load_idx %arg6[%parallel_loop3A_214, %parallel_loop3A_164] : memref<4x10000xf32, #tpu.memory_space<vmem>>[vector<16xi32>, vector<16xi32>], vector<16xf32>,
          %parallel_loop3A_216 = arith.constant 3 : i32
          %parallel_loop3A_217 = vector.broadcast %parallel_loop3A_216 : i32 to vector<16xi32>
          %parallel_loop3A_218 = tpu.vector_load_idx %arg6[%parallel_loop3A_217, %parallel_loop3A_164] : memref<4x10000xf32, #tpu.memory_space<vmem>>[vector<16xi32>, vector<16xi32>], vector<16xf32>,
          %parallel_loop3A_219 = arith.constant 0 : i32
          %parallel_loop3A_220 = vector.broadcast %parallel_loop3A_219 : i32 to vector<16xi32>
          %parallel_loop3A_221 = tpu.vector_load_idx %arg6[%parallel_loop3A_220, %parallel_loop3A_178] : memref<4x10000xf32, #tpu.memory_space<vmem>>[vector<16xi32>, vector<16xi32>], vector<16xf32>,
          %parallel_loop3A_222 = arith.constant 1 : i32
          %parallel_loop3A_223 = vector.broadcast %parallel_loop3A_222 : i32 to vector<16xi32>
          %parallel_loop3A_224 = tpu.vector_load_idx %arg6[%parallel_loop3A_223, %parallel_loop3A_178] : memref<4x10000xf32, #tpu.memory_space<vmem>>[vector<16xi32>, vector<16xi32>], vector<16xf32>,
          %parallel_loop3A_225 = arith.constant 2 : i32
          %parallel_loop3A_226 = vector.broadcast %parallel_loop3A_225 : i32 to vector<16xi32>
          %parallel_loop3A_227 = tpu.vector_load_idx %arg6[%parallel_loop3A_226, %parallel_loop3A_178] : memref<4x10000xf32, #tpu.memory_space<vmem>>[vector<16xi32>, vector<16xi32>], vector<16xf32>,
          %parallel_loop3A_228 = arith.constant 3 : i32
          %parallel_loop3A_229 = vector.broadcast %parallel_loop3A_228 : i32 to vector<16xi32>
          %parallel_loop3A_230 = tpu.vector_load_idx %arg6[%parallel_loop3A_229, %parallel_loop3A_178] : memref<4x10000xf32, #tpu.memory_space<vmem>>[vector<16xi32>, vector<16xi32>], vector<16xf32>,
          %parallel_loop3A_231 = arith.constant 0 : i32
          %parallel_loop3A_232 = vector.broadcast %parallel_loop3A_231 : i32 to vector<16xi32>
          tpu.vector_store_idx %arg7[%parallel_loop3A_232, %parallel_loop3A_140], %parallel_loop3A_185 {add = true} : memref<4x10240xf32, #tpu.memory_space<vmem>>[vector<16xi32>, vector<16xi32>], vector<16xf32>,
          %parallel_loop3A_233 = arith.constant 1 : i32
          %parallel_loop3A_234 = vector.broadcast %parallel_loop3A_233 : i32 to vector<16xi32>
          tpu.vector_store_idx %arg7[%parallel_loop3A_234, %parallel_loop3A_140], %parallel_loop3A_188 {add = true} : memref<4x10240xf32, #tpu.memory_space<vmem>>[vector<16xi32>, vector<16xi32>], vector<16xf32>,
          %parallel_loop3A_235 = arith.constant 2 : i32
          %parallel_loop3A_236 = vector.broadcast %parallel_loop3A_235 : i32 to vector<16xi32>
          tpu.vector_store_idx %arg7[%parallel_loop3A_236, %parallel_loop3A_140], %parallel_loop3A_191 {add = true} : memref<4x10240xf32, #tpu.memory_space<vmem>>[vector<16xi32>, vector<16xi32>], vector<16xf32>,
          %parallel_loop3A_237 = arith.constant 3 : i32
          %parallel_loop3A_238 = vector.broadcast %parallel_loop3A_237 : i32 to vector<16xi32>
          tpu.vector_store_idx %arg7[%parallel_loop3A_238, %parallel_loop3A_140], %parallel_loop3A_194 {add = true} : memref<4x10240xf32, #tpu.memory_space<vmem>>[vector<16xi32>, vector<16xi32>], vector<16xf32>,
          %parallel_loop3A_239 = arith.constant 0 : i32
          %parallel_loop3A_240 = vector.broadcast %parallel_loop3A_239 : i32 to vector<16xi32>
          tpu.vector_store_idx %arg7[%parallel_loop3A_240, %parallel_loop3A_154], %parallel_loop3A_197 {add = true} : memref<4x10240xf32, #tpu.memory_space<vmem>>[vector<16xi32>, vector<16xi32>], vector<16xf32>,
          %parallel_loop3A_241 = arith.constant 1 : i32
          %parallel_loop3A_242 = vector.broadcast %parallel_loop3A_241 : i32 to vector<16xi32>
          tpu.vector_store_idx %arg7[%parallel_loop3A_242, %parallel_loop3A_154], %parallel_loop3A_200 {add = true} : memref<4x10240xf32, #tpu.memory_space<vmem>>[vector<16xi32>, vector<16xi32>], vector<16xf32>,
          %parallel_loop3A_243 = arith.constant 2 : i32
          %parallel_loop3A_244 = vector.broadcast %parallel_loop3A_243 : i32 to vector<16xi32>
          tpu.vector_store_idx %arg7[%parallel_loop3A_244, %parallel_loop3A_154], %parallel_loop3A_203 {add = true} : memref<4x10240xf32, #tpu.memory_space<vmem>>[vector<16xi32>, vector<16xi32>], vector<16xf32>,
          %parallel_loop3A_245 = arith.constant 3 : i32
          %parallel_loop3A_246 = vector.broadcast %parallel_loop3A_245 : i32 to vector<16xi32>
          tpu.vector_store_idx %arg7[%parallel_loop3A_246, %parallel_loop3A_154], %parallel_loop3A_206 {add = true} : memref<4x10240xf32, #tpu.memory_space<vmem>>[vector<16xi32>, vector<16xi32>], vector<16xf32>,
          %parallel_loop3A_247 = arith.constant 0 : i32
          %parallel_loop3A_248 = vector.broadcast %parallel_loop3A_247 : i32 to vector<16xi32>
          tpu.vector_store_idx %arg7[%parallel_loop3A_248, %parallel_loop3A_168], %parallel_loop3A_209 {add = true} : memref<4x10240xf32, #tpu.memory_space<vmem>>[vector<16xi32>, vector<16xi32>], vector<16xf32>,
          %parallel_loop3A_249 = arith.constant 1 : i32
          %parallel_loop3A_250 = vector.broadcast %parallel_loop3A_249 : i32 to vector<16xi32>
          tpu.vector_store_idx %arg7[%parallel_loop3A_250, %parallel_loop3A_168], %parallel_loop3A_212 {add = true} : memref<4x10240xf32, #tpu.memory_space<vmem>>[vector<16xi32>, vector<16xi32>], vector<16xf32>,
          %parallel_loop3A_251 = arith.constant 2 : i32
          %parallel_loop3A_252 = vector.broadcast %parallel_loop3A_251 : i32 to vector<16xi32>
          tpu.vector_store_idx %arg7[%parallel_loop3A_252, %parallel_loop3A_168], %parallel_loop3A_215 {add = true} : memref<4x10240xf32, #tpu.memory_space<vmem>>[vector<16xi32>, vector<16xi32>], vector<16xf32>,
          %parallel_loop3A_253 = arith.constant 3 : i32
          %parallel_loop3A_254 = vector.broadcast %parallel_loop3A_253 : i32 to vector<16xi32>
          tpu.vector_store_idx %arg7[%parallel_loop3A_254, %parallel_loop3A_168], %parallel_loop3A_218 {add = true} : memref<4x10240xf32, #tpu.memory_space<vmem>>[vector<16xi32>, vector<16xi32>], vector<16xf32>,
          %parallel_loop3A_255 = arith.constant 0 : i32
          %parallel_loop3A_256 = vector.broadcast %parallel_loop3A_255 : i32 to vector<16xi32>
          tpu.vector_store_idx %arg7[%parallel_loop3A_256, %parallel_loop3A_182], %parallel_loop3A_221 {add = true} : memref<4x10240xf32, #tpu.memory_space<vmem>>[vector<16xi32>, vector<16xi32>], vector<16xf32>,
          %parallel_loop3A_257 = arith.constant 1 : i32
          %parallel_loop3A_258 = vector.broadcast %parallel_loop3A_257 : i32 to vector<16xi32>
          tpu.vector_store_idx %arg7[%parallel_loop3A_258, %parallel_loop3A_182], %parallel_loop3A_224 {add = true} : memref<4x10240xf32, #tpu.memory_space<vmem>>[vector<16xi32>, vector<16xi32>], vector<16xf32>,
          %parallel_loop3A_259 = arith.constant 2 : i32
          %parallel_loop3A_260 = vector.broadcast %parallel_loop3A_259 : i32 to vector<16xi32>
          tpu.vector_store_idx %arg7[%parallel_loop3A_260, %parallel_loop3A_182], %parallel_loop3A_227 {add = true} : memref<4x10240xf32, #tpu.memory_space<vmem>>[vector<16xi32>, vector<16xi32>], vector<16xf32>,
          %parallel_loop3A_261 = arith.constant 3 : i32
          %parallel_loop3A_262 = vector.broadcast %parallel_loop3A_261 : i32 to vector<16xi32>
          tpu.vector_store_idx %arg7[%parallel_loop3A_262, %parallel_loop3A_182], %parallel_loop3A_230 {add = true} : memref<4x10240xf32, #tpu.memory_space<vmem>>[vector<16xi32>, vector<16xi32>], vector<16xf32>,
        } {sc.loop_unroll_factor = 4 : i64, sc.parallel_access}
      } else {
      }
    }
    %scan3A_61 = arith.constant 48 : i32
    %mul3A_62 = arith.constant 4 : i32
    %mul3A_63 = arith.muli %add3A, %mul3A_62 : i32
    "tpu.region"() ({
      %run_scoped3A = tpu.sem_alloc : memref<!tpu.dma_semaphore, #tpu.memory_space<semaphore_mem>>
      %dma_start3A_64 = arith.constant 0 : i32
      %dma_start3A_65 = tpu.memref_slice %arg5[%mul3A_63, %dma_start3A_64] : memref<128x10240xf32, #tpu.memory_space<hbm>> -> memref<4x10240xf32, #tpu.memory_space<hbm>>
      %dma_start3A_66 = arith.constant 0 : i32
      %dma_start3A_67 = tpu.memref_slice %arg5[%mul3A_63, %dma_start3A_66] : memref<128x10240xf32, #tpu.memory_space<hbm>> -> memref<4x10240xf32, #tpu.memory_space<hbm>>
      tpu.enqueue_dma source(%arg7 : memref<4x10240xf32, #tpu.memory_space<vmem>>) target(%dma_start3A_67 : memref<4x10240xf32, #tpu.memory_space<hbm>>) target_semaphore(%run_scoped3A : memref<!tpu.dma_semaphore, #tpu.memory_space<semaphore_mem>>)
      %dma_wait3A_68 = arith.constant 0 : i32
      %dma_wait3A_69 = tpu.memref_slice %arg5[%mul3A_63, %dma_wait3A_68] : memref<128x10240xf32, #tpu.memory_space<hbm>> -> memref<4x10240xf32, #tpu.memory_space<hbm>>
      %dma_wait3A_70 = arith.constant 0 : i32
      %dma_wait3A_71 = tpu.memref_slice %arg5[%mul3A_63, %dma_wait3A_70] : memref<128x10240xf32, #tpu.memory_space<hbm>> -> memref<4x10240xf32, #tpu.memory_space<hbm>>
      tpu.wait_dma2 semaphore(%run_scoped3A : memref<!tpu.dma_semaphore, #tpu.memory_space<semaphore_mem>>) src(%arg7 : memref<4x10240xf32, #tpu.memory_space<vmem>>) dst(%dma_wait3A_71 : memref<4x10240xf32, #tpu.memory_space<hbm>>)
      tpu.yield
    }) : () -> ()
    return
  }
}

#map = affine_map<(d0, d1) -> (0, 0)>
#map1 = affine_map<(d0, d1) -> (0)>
module attributes {stable_mosaic.version = 14 : i64} {
  func.func @k(%arg0: i32, %arg1: i32, %arg2: memref<128x10000xf32, #tpu.memory_space<hbm>>, %arg3: memref<393216xi32, #tpu.memory_space<hbm>>, %arg4: memref<393216xi32, #tpu.memory_space<hbm>>, %arg5: memref<128x10240xf32, #tpu.memory_space<hbm>>, %arg6: memref<4x10000xf32, #tpu.memory_space<vmem>>, %arg7: memref<4x10240xf32, #tpu.memory_space<vmem>>, %arg8: memref<2x4096xi32, #tpu.memory_space<vmem>>, %arg9: memref<2x4096xi32, #tpu.memory_space<vmem>>, %arg10: memref<!tpu.dma_semaphore, #tpu.memory_space<semaphore_mem>>, %arg11: memref<!tpu.dma_semaphore, #tpu.memory_space<semaphore_mem>>, %arg12: memref<!tpu.dma_semaphore, #tpu.memory_space<semaphore_mem>>) attributes {dimension_semantics = [#tpu.dimension_semantics<core_parallel>, #tpu.dimension_semantics<subcore_parallel>], iteration_bounds = array<i64: 2, 16>, scalar_prefetch = 0 : i64, scratch_operands = 7 : i64, tpu.core_type = #tpu.core_type<sc_vector_subcore>, window_params = [{transform_indices = #map}, {transform_indices = #map1}, {transform_indices = #map1}, {transform_indices = #map}]} {
    %mul3A = arith.constant 16 : i32
    %mul3A_0 = arith.muli %arg0, %mul3A : i32
    %add3A = arith.addi %mul3A_0, %arg1 : i32
    %mul3A_1 = arith.constant 4 : i32
    %mul3A_2 = arith.muli %add3A, %mul3A_1 : i32
    %dma_start3A = arith.constant 0 : i32
    %dma_start3A_3 = tpu.memref_slice %arg2[%mul3A_2, %dma_start3A] : memref<128x10000xf32, #tpu.memory_space<hbm>> -> memref<4x10000xf32, #tpu.memory_space<hbm>>
    %dma_start3A_4 = arith.constant 0 : i32
    %dma_start3A_5 = tpu.memref_slice %arg2[%mul3A_2, %dma_start3A_4] : memref<128x10000xf32, #tpu.memory_space<hbm>> -> memref<4x10000xf32, #tpu.memory_space<hbm>>
    tpu.enqueue_dma source(%dma_start3A_5 : memref<4x10000xf32, #tpu.memory_space<hbm>>) target(%arg6 : memref<4x10000xf32, #tpu.memory_space<vmem>>) target_semaphore(%arg10 : memref<!tpu.dma_semaphore, #tpu.memory_space<semaphore_mem>>)
    %dma_start3A_6 = arith.constant 0 : i32
    %dma_start3A_7 = arith.constant 0 : i32
    %dma_start3A_8 = tpu.memref_slice %arg8[%dma_start3A_6, %dma_start3A_7] : memref<2x4096xi32, #tpu.memory_space<vmem>> -> memref<1x4096xi32, #tpu.memory_space<vmem>>
    %dma_start3A_9 = tpu.memref_squeeze %dma_start3A_8 : memref<1x4096xi32, #tpu.memory_space<vmem>> -> memref<4096xi32, #tpu.memory_space<vmem>>
    %dma_start3A_10 = arith.constant 0 : i32
    %dma_start3A_11 = tpu.memref_slice %arg3[%dma_start3A_10] : memref<393216xi32, #tpu.memory_space<hbm>> -> memref<4096xi32, #tpu.memory_space<hbm>>
    %dma_start3A_12 = arith.constant 0 : i32
    %dma_start3A_13 = tpu.memref_slice %arg8[%dma_start3A_6, %dma_start3A_12] : memref<2x4096xi32, #tpu.memory_space<vmem>> -> memref<1x4096xi32, #tpu.memory_space<vmem>>
    %dma_start3A_14 = tpu.memref_squeeze %dma_start3A_13 : memref<1x4096xi32, #tpu.memory_space<vmem>> -> memref<4096xi32, #tpu.memory_space<vmem>>
    %dma_start3A_15 = arith.constant 0 : i32
    %dma_start3A_16 = tpu.memref_slice %arg3[%dma_start3A_15] : memref<393216xi32, #tpu.memory_space<hbm>> -> memref<4096xi32, #tpu.memory_space<hbm>>
    tpu.enqueue_dma source(%dma_start3A_16 : memref<4096xi32, #tpu.memory_space<hbm>>) target(%dma_start3A_14 : memref<4096xi32, #tpu.memory_space<vmem>>) target_semaphore(%arg11 : memref<!tpu.dma_semaphore, #tpu.memory_space<semaphore_mem>>)
    %dma_wait3A = arith.constant 0 : i32
    %dma_wait3A_17 = arith.constant 0 : i32
    %dma_wait3A_18 = tpu.memref_slice %arg8[%dma_wait3A, %dma_wait3A_17] : memref<2x4096xi32, #tpu.memory_space<vmem>> -> memref<1x4096xi32, #tpu.memory_space<vmem>>
    %dma_wait3A_19 = tpu.memref_squeeze %dma_wait3A_18 : memref<1x4096xi32, #tpu.memory_space<vmem>> -> memref<4096xi32, #tpu.memory_space<vmem>>
    %dma_wait3A_20 = arith.constant 0 : i32
    %dma_wait3A_21 = tpu.memref_slice %arg3[%dma_wait3A_20] : memref<393216xi32, #tpu.memory_space<hbm>> -> memref<4096xi32, #tpu.memory_space<hbm>>
    %dma_wait3A_22 = arith.constant 0 : i32
    %dma_wait3A_23 = tpu.memref_slice %arg8[%dma_wait3A, %dma_wait3A_22] : memref<2x4096xi32, #tpu.memory_space<vmem>> -> memref<1x4096xi32, #tpu.memory_space<vmem>>
    %dma_wait3A_24 = tpu.memref_squeeze %dma_wait3A_23 : memref<1x4096xi32, #tpu.memory_space<vmem>> -> memref<4096xi32, #tpu.memory_space<vmem>>
    %dma_wait3A_25 = arith.constant 0 : i32
    %dma_wait3A_26 = tpu.memref_slice %arg3[%dma_wait3A_25] : memref<393216xi32, #tpu.memory_space<hbm>> -> memref<4096xi32, #tpu.memory_space<hbm>>
    tpu.wait_dma2 semaphore(%arg11 : memref<!tpu.dma_semaphore, #tpu.memory_space<semaphore_mem>>) src(%dma_wait3A_26 : memref<4096xi32, #tpu.memory_space<hbm>>) dst(%dma_wait3A_24 : memref<4096xi32, #tpu.memory_space<vmem>>)
    %dma_start3A_27 = arith.constant 0 : i32
    %dma_start3A_28 = arith.constant 0 : i32
    %dma_start3A_29 = tpu.memref_slice %arg9[%dma_start3A_27, %dma_start3A_28] : memref<2x4096xi32, #tpu.memory_space<vmem>> -> memref<1x4096xi32, #tpu.memory_space<vmem>>
    %dma_start3A_30 = tpu.memref_squeeze %dma_start3A_29 : memref<1x4096xi32, #tpu.memory_space<vmem>> -> memref<4096xi32, #tpu.memory_space<vmem>>
    %dma_start3A_31 = arith.constant 0 : i32
    %dma_start3A_32 = tpu.memref_slice %arg4[%dma_start3A_31] : memref<393216xi32, #tpu.memory_space<hbm>> -> memref<4096xi32, #tpu.memory_space<hbm>>
    %dma_start3A_33 = arith.constant 0 : i32
    %dma_start3A_34 = tpu.memref_slice %arg9[%dma_start3A_27, %dma_start3A_33] : memref<2x4096xi32, #tpu.memory_space<vmem>> -> memref<1x4096xi32, #tpu.memory_space<vmem>>
    %dma_start3A_35 = tpu.memref_squeeze %dma_start3A_34 : memref<1x4096xi32, #tpu.memory_space<vmem>> -> memref<4096xi32, #tpu.memory_space<vmem>>
    %dma_start3A_36 = arith.constant 0 : i32
    %dma_start3A_37 = tpu.memref_slice %arg4[%dma_start3A_36] : memref<393216xi32, #tpu.memory_space<hbm>> -> memref<4096xi32, #tpu.memory_space<hbm>>
    tpu.enqueue_dma source(%dma_start3A_37 : memref<4096xi32, #tpu.memory_space<hbm>>) target(%dma_start3A_35 : memref<4096xi32, #tpu.memory_space<vmem>>) target_semaphore(%arg12 : memref<!tpu.dma_semaphore, #tpu.memory_space<semaphore_mem>>)
    %dma_wait3A_38 = arith.constant 0 : i32
    %dma_wait3A_39 = arith.constant 0 : i32
    %dma_wait3A_40 = tpu.memref_slice %arg9[%dma_wait3A_38, %dma_wait3A_39] : memref<2x4096xi32, #tpu.memory_space<vmem>> -> memref<1x4096xi32, #tpu.memory_space<vmem>>
    %dma_wait3A_41 = tpu.memref_squeeze %dma_wait3A_40 : memref<1x4096xi32, #tpu.memory_space<vmem>> -> memref<4096xi32, #tpu.memory_space<vmem>>
    %dma_wait3A_42 = arith.constant 0 : i32
    %dma_wait3A_43 = tpu.memref_slice %arg4[%dma_wait3A_42] : memref<393216xi32, #tpu.memory_space<hbm>> -> memref<4096xi32, #tpu.memory_space<hbm>>
    %dma_wait3A_44 = arith.constant 0 : i32
    %dma_wait3A_45 = tpu.memref_slice %arg9[%dma_wait3A_38, %dma_wait3A_44] : memref<2x4096xi32, #tpu.memory_space<vmem>> -> memref<1x4096xi32, #tpu.memory_space<vmem>>
    %dma_wait3A_46 = tpu.memref_squeeze %dma_wait3A_45 : memref<1x4096xi32, #tpu.memory_space<vmem>> -> memref<4096xi32, #tpu.memory_space<vmem>>
    %dma_wait3A_47 = arith.constant 0 : i32
    %dma_wait3A_48 = tpu.memref_slice %arg4[%dma_wait3A_47] : memref<393216xi32, #tpu.memory_space<hbm>> -> memref<4096xi32, #tpu.memory_space<hbm>>
    tpu.wait_dma2 semaphore(%arg12 : memref<!tpu.dma_semaphore, #tpu.memory_space<semaphore_mem>>) src(%dma_wait3A_48 : memref<4096xi32, #tpu.memory_space<hbm>>) dst(%dma_wait3A_46 : memref<4096xi32, #tpu.memory_space<vmem>>)
    %scan3A = arith.constant 0 : i32
    %scan3A_49 = arith.constant 4 : i32
    %scan3A_50 = arith.addi %scan3A, %scan3A_49 : i32
    %scan3A_51 = arith.constant 1 : i32
    scf.for %scan3A_64 = %scan3A to %scan3A_50 step %scan3A_51  : i32 {
      %mul3A_65 = arith.constant 1 : i32
      %mul3A_66 = arith.muli %scan3A_64, %mul3A_65 : i32
      %add3A_67 = arith.constant 0 : i32
      %add3A_68 = arith.addi %add3A_67, %mul3A_66 : i32
      %scan3A_69 = arith.constant 0 : i32
      %scan3A_70 = arith.constant 640 : i32
      %scan3A_71 = arith.addi %scan3A_69, %scan3A_70 : i32
      %scan3A_72 = arith.constant 1 : i32
      scf.for %scan3A_74 = %scan3A_69 to %scan3A_71 step %scan3A_72  : i32 {
        %mul3A_75 = arith.constant 1 : i32
        %mul3A_76 = arith.muli %scan3A_74, %mul3A_75 : i32
        %add3A_77 = arith.constant 0 : i32
        %add3A_78 = arith.addi %add3A_77, %mul3A_76 : i32
        %broadcast_in_dim3A = arith.constant 0.000000e+00 : f32
        %broadcast_in_dim3A_79 = vector.broadcast %broadcast_in_dim3A : f32 to vector<16xf32>
        %mul3A_80 = arith.constant 16 : i32
        %mul3A_81 = arith.muli %add3A_78, %mul3A_80 : i32
        %swap3A = arith.index_cast %add3A_68 : i32 to index
        %swap3A_82 = arith.index_cast %mul3A_81 : i32 to index
        %swap3A_83 = tpu.vector_load %arg7[%swap3A, %swap3A_82] {strides = array<i32>} : memref<4x10240xf32, #tpu.memory_space<vmem>>, vector<16xf32>,
        tpu.vector_store %arg7[%swap3A, %swap3A_82], %broadcast_in_dim3A_79 {strides = array<i32>} : memref<4x10240xf32, #tpu.memory_space<vmem>>, vector<16xf32>,
      }
      %scan3A_73 = arith.constant 640 : i32
    }
    %scan3A_52 = arith.constant 4 : i32
    %dma_wait3A_53 = arith.constant 0 : i32
    %dma_wait3A_54 = tpu.memref_slice %arg2[%mul3A_2, %dma_wait3A_53] : memref<128x10000xf32, #tpu.memory_space<hbm>> -> memref<4x10000xf32, #tpu.memory_space<hbm>>
    %dma_wait3A_55 = arith.constant 0 : i32
    %dma_wait3A_56 = tpu.memref_slice %arg2[%mul3A_2, %dma_wait3A_55] : memref<128x10000xf32, #tpu.memory_space<hbm>> -> memref<4x10000xf32, #tpu.memory_space<hbm>>
    tpu.wait_dma2 semaphore(%arg10 : memref<!tpu.dma_semaphore, #tpu.memory_space<semaphore_mem>>) src(%dma_wait3A_56 : memref<4x10000xf32, #tpu.memory_space<hbm>>) dst(%arg6 : memref<4x10000xf32, #tpu.memory_space<vmem>>)
    %scan3A_57 = arith.constant 0 : i32
    %scan3A_58 = arith.constant 48 : i32
    %scan3A_59 = arith.addi %scan3A_57, %scan3A_58 : i32
    %scan3A_60 = arith.constant 1 : i32
    scf.for %scan3A_64 = %scan3A_57 to %scan3A_59 step %scan3A_60  : i32 {
      %mul3A_65 = arith.constant 1 : i32
      %mul3A_66 = arith.muli %scan3A_64, %mul3A_65 : i32
      %add3A_67 = arith.constant 0 : i32
      %add3A_68 = arith.addi %add3A_67, %mul3A_66 : i32
      %mul3A_69 = arith.constant 2 : i32
      %mul3A_70 = arith.muli %add3A_68, %mul3A_69 : i32
      %add3A_71 = arith.constant 1 : i32
      %add3A_72 = arith.addi %mul3A_70, %add3A_71 : i32
      %mul3A_73 = arith.constant 4096 : i32
      %mul3A_74 = arith.muli %add3A_72, %mul3A_73 : i32
      %dma_start3A_75 = arith.constant 1 : i32
      %dma_start3A_76 = arith.constant 0 : i32
      %dma_start3A_77 = tpu.memref_slice %arg8[%dma_start3A_75, %dma_start3A_76] : memref<2x4096xi32, #tpu.memory_space<vmem>> -> memref<1x4096xi32, #tpu.memory_space<vmem>>
      %dma_start3A_78 = tpu.memref_squeeze %dma_start3A_77 : memref<1x4096xi32, #tpu.memory_space<vmem>> -> memref<4096xi32, #tpu.memory_space<vmem>>
      %dma_start3A_79 = tpu.memref_slice %arg3[%mul3A_74] : memref<393216xi32, #tpu.memory_space<hbm>> -> memref<4096xi32, #tpu.memory_space<hbm>>
      %dma_start3A_80 = arith.constant 0 : i32
      %dma_start3A_81 = tpu.memref_slice %arg8[%dma_start3A_75, %dma_start3A_80] : memref<2x4096xi32, #tpu.memory_space<vmem>> -> memref<1x4096xi32, #tpu.memory_space<vmem>>
      %dma_start3A_82 = tpu.memref_squeeze %dma_start3A_81 : memref<1x4096xi32, #tpu.memory_space<vmem>> -> memref<4096xi32, #tpu.memory_space<vmem>>
      %dma_start3A_83 = tpu.memref_slice %arg3[%mul3A_74] : memref<393216xi32, #tpu.memory_space<hbm>> -> memref<4096xi32, #tpu.memory_space<hbm>>
      tpu.enqueue_dma source(%dma_start3A_83 : memref<4096xi32, #tpu.memory_space<hbm>>) target(%dma_start3A_82 : memref<4096xi32, #tpu.memory_space<vmem>>) target_semaphore(%arg11 : memref<!tpu.dma_semaphore, #tpu.memory_space<semaphore_mem>>)
      %dma_start3A_84 = arith.constant 1 : i32
      %dma_start3A_85 = arith.constant 0 : i32
      %dma_start3A_86 = tpu.memref_slice %arg9[%dma_start3A_84, %dma_start3A_85] : memref<2x4096xi32, #tpu.memory_space<vmem>> -> memref<1x4096xi32, #tpu.memory_space<vmem>>
      %dma_start3A_87 = tpu.memref_squeeze %dma_start3A_86 : memref<1x4096xi32, #tpu.memory_space<vmem>> -> memref<4096xi32, #tpu.memory_space<vmem>>
      %dma_start3A_88 = tpu.memref_slice %arg4[%mul3A_74] : memref<393216xi32, #tpu.memory_space<hbm>> -> memref<4096xi32, #tpu.memory_space<hbm>>
      %dma_start3A_89 = arith.constant 0 : i32
      %dma_start3A_90 = tpu.memref_slice %arg9[%dma_start3A_84, %dma_start3A_89] : memref<2x4096xi32, #tpu.memory_space<vmem>> -> memref<1x4096xi32, #tpu.memory_space<vmem>>
      %dma_start3A_91 = tpu.memref_squeeze %dma_start3A_90 : memref<1x4096xi32, #tpu.memory_space<vmem>> -> memref<4096xi32, #tpu.memory_space<vmem>>
      %dma_start3A_92 = tpu.memref_slice %arg4[%mul3A_74] : memref<393216xi32, #tpu.memory_space<hbm>> -> memref<4096xi32, #tpu.memory_space<hbm>>
      tpu.enqueue_dma source(%dma_start3A_92 : memref<4096xi32, #tpu.memory_space<hbm>>) target(%dma_start3A_91 : memref<4096xi32, #tpu.memory_space<vmem>>) target_semaphore(%arg12 : memref<!tpu.dma_semaphore, #tpu.memory_space<semaphore_mem>>)
      %parallel_loop3A = arith.constant 0 : i32
      %parallel_loop3A_93 = arith.constant 64 : i32
      %parallel_loop3A_94 = arith.constant 1 : i32
      scf.for %parallel_loop3A_123 = %parallel_loop3A to %parallel_loop3A_93 step %parallel_loop3A_94  : i32 {
        %parallel_loop3A_124 = arith.constant 4 : i32
        %parallel_loop3A_125 = arith.muli %parallel_loop3A_123, %parallel_loop3A_124 : i32
        %parallel_loop3A_126 = arith.constant 0 : i32
        %parallel_loop3A_127 = arith.addi %parallel_loop3A_125, %parallel_loop3A_126 : i32
        %parallel_loop3A_128 = arith.constant 16 : i32
        %parallel_loop3A_129 = arith.muli %parallel_loop3A_127, %parallel_loop3A_128 : i32
        %parallel_loop3A_130 = arith.constant 0 : i32
        %parallel_loop3A_131 = arith.index_cast %parallel_loop3A_130 : i32 to index
        %parallel_loop3A_132 = arith.index_cast %parallel_loop3A_129 : i32 to index
        %parallel_loop3A_133 = tpu.vector_load %arg8[%parallel_loop3A_131, %parallel_loop3A_132] {strides = array<i32>} : memref<2x4096xi32, #tpu.memory_space<vmem>>, vector<16xi32>,
        %parallel_loop3A_134 = arith.constant 0 : i32
        %parallel_loop3A_135 = arith.index_cast %parallel_loop3A_134 : i32 to index
        %parallel_loop3A_136 = arith.index_cast %parallel_loop3A_129 : i32 to index
        %parallel_loop3A_137 = tpu.vector_load %arg9[%parallel_loop3A_135, %parallel_loop3A_136] {strides = array<i32>} : memref<2x4096xi32, #tpu.memory_space<vmem>>, vector<16xi32>,
        %parallel_loop3A_138 = arith.constant 4 : i32
        %parallel_loop3A_139 = arith.muli %parallel_loop3A_123, %parallel_loop3A_138 : i32
        %parallel_loop3A_140 = arith.constant 1 : i32
        %parallel_loop3A_141 = arith.addi %parallel_loop3A_139, %parallel_loop3A_140 : i32
        %parallel_loop3A_142 = arith.constant 16 : i32
        %parallel_loop3A_143 = arith.muli %parallel_loop3A_141, %parallel_loop3A_142 : i32
        %parallel_loop3A_144 = arith.constant 0 : i32
        %parallel_loop3A_145 = arith.index_cast %parallel_loop3A_144 : i32 to index
        %parallel_loop3A_146 = arith.index_cast %parallel_loop3A_143 : i32 to index
        %parallel_loop3A_147 = tpu.vector_load %arg8[%parallel_loop3A_145, %parallel_loop3A_146] {strides = array<i32>} : memref<2x4096xi32, #tpu.memory_space<vmem>>, vector<16xi32>,
        %parallel_loop3A_148 = arith.constant 0 : i32
        %parallel_loop3A_149 = arith.index_cast %parallel_loop3A_148 : i32 to index
        %parallel_loop3A_150 = arith.index_cast %parallel_loop3A_143 : i32 to index
        %parallel_loop3A_151 = tpu.vector_load %arg9[%parallel_loop3A_149, %parallel_loop3A_150] {strides = array<i32>} : memref<2x4096xi32, #tpu.memory_space<vmem>>, vector<16xi32>,
        %parallel_loop3A_152 = arith.constant 4 : i32
        %parallel_loop3A_153 = arith.muli %parallel_loop3A_123, %parallel_loop3A_152 : i32
        %parallel_loop3A_154 = arith.constant 2 : i32
        %parallel_loop3A_155 = arith.addi %parallel_loop3A_153, %parallel_loop3A_154 : i32
        %parallel_loop3A_156 = arith.constant 16 : i32
        %parallel_loop3A_157 = arith.muli %parallel_loop3A_155, %parallel_loop3A_156 : i32
        %parallel_loop3A_158 = arith.constant 0 : i32
        %parallel_loop3A_159 = arith.index_cast %parallel_loop3A_158 : i32 to index
        %parallel_loop3A_160 = arith.index_cast %parallel_loop3A_157 : i32 to index
        %parallel_loop3A_161 = tpu.vector_load %arg8[%parallel_loop3A_159, %parallel_loop3A_160] {strides = array<i32>} : memref<2x4096xi32, #tpu.memory_space<vmem>>, vector<16xi32>,
        %parallel_loop3A_162 = arith.constant 0 : i32
        %parallel_loop3A_163 = arith.index_cast %parallel_loop3A_162 : i32 to index
        %parallel_loop3A_164 = arith.index_cast %parallel_loop3A_157 : i32 to index
        %parallel_loop3A_165 = tpu.vector_load %arg9[%parallel_loop3A_163, %parallel_loop3A_164] {strides = array<i32>} : memref<2x4096xi32, #tpu.memory_space<vmem>>, vector<16xi32>,
        %parallel_loop3A_166 = arith.constant 4 : i32
        %parallel_loop3A_167 = arith.muli %parallel_loop3A_123, %parallel_loop3A_166 : i32
        %parallel_loop3A_168 = arith.constant 3 : i32
        %parallel_loop3A_169 = arith.addi %parallel_loop3A_167, %parallel_loop3A_168 : i32
        %parallel_loop3A_170 = arith.constant 16 : i32
        %parallel_loop3A_171 = arith.muli %parallel_loop3A_169, %parallel_loop3A_170 : i32
        %parallel_loop3A_172 = arith.constant 0 : i32
        %parallel_loop3A_173 = arith.index_cast %parallel_loop3A_172 : i32 to index
        %parallel_loop3A_174 = arith.index_cast %parallel_loop3A_171 : i32 to index
        %parallel_loop3A_175 = tpu.vector_load %arg8[%parallel_loop3A_173, %parallel_loop3A_174] {strides = array<i32>} : memref<2x4096xi32, #tpu.memory_space<vmem>>, vector<16xi32>,
        %parallel_loop3A_176 = arith.constant 0 : i32
        %parallel_loop3A_177 = arith.index_cast %parallel_loop3A_176 : i32 to index
        %parallel_loop3A_178 = arith.index_cast %parallel_loop3A_171 : i32 to index
        %parallel_loop3A_179 = tpu.vector_load %arg9[%parallel_loop3A_177, %parallel_loop3A_178] {strides = array<i32>} : memref<2x4096xi32, #tpu.memory_space<vmem>>, vector<16xi32>,
        %parallel_loop3A_180 = arith.constant 0 : i32
        %parallel_loop3A_181 = vector.broadcast %parallel_loop3A_180 : i32 to vector<16xi32>
        %parallel_loop3A_182 = tpu.vector_load_idx %arg6[%parallel_loop3A_181, %parallel_loop3A_133] : memref<4x10000xf32, #tpu.memory_space<vmem>>[vector<16xi32>, vector<16xi32>], vector<16xf32>,
        %parallel_loop3A_183 = arith.constant 1 : i32
        %parallel_loop3A_184 = vector.broadcast %parallel_loop3A_183 : i32 to vector<16xi32>
        %parallel_loop3A_185 = tpu.vector_load_idx %arg6[%parallel_loop3A_184, %parallel_loop3A_133] : memref<4x10000xf32, #tpu.memory_space<vmem>>[vector<16xi32>, vector<16xi32>], vector<16xf32>,
        %parallel_loop3A_186 = arith.constant 2 : i32
        %parallel_loop3A_187 = vector.broadcast %parallel_loop3A_186 : i32 to vector<16xi32>
        %parallel_loop3A_188 = tpu.vector_load_idx %arg6[%parallel_loop3A_187, %parallel_loop3A_133] : memref<4x10000xf32, #tpu.memory_space<vmem>>[vector<16xi32>, vector<16xi32>], vector<16xf32>,
        %parallel_loop3A_189 = arith.constant 3 : i32
        %parallel_loop3A_190 = vector.broadcast %parallel_loop3A_189 : i32 to vector<16xi32>
        %parallel_loop3A_191 = tpu.vector_load_idx %arg6[%parallel_loop3A_190, %parallel_loop3A_133] : memref<4x10000xf32, #tpu.memory_space<vmem>>[vector<16xi32>, vector<16xi32>], vector<16xf32>,
        %parallel_loop3A_192 = arith.constant 0 : i32
        %parallel_loop3A_193 = vector.broadcast %parallel_loop3A_192 : i32 to vector<16xi32>
        %parallel_loop3A_194 = tpu.vector_load_idx %arg6[%parallel_loop3A_193, %parallel_loop3A_147] : memref<4x10000xf32, #tpu.memory_space<vmem>>[vector<16xi32>, vector<16xi32>], vector<16xf32>,
        %parallel_loop3A_195 = arith.constant 1 : i32
        %parallel_loop3A_196 = vector.broadcast %parallel_loop3A_195 : i32 to vector<16xi32>
        %parallel_loop3A_197 = tpu.vector_load_idx %arg6[%parallel_loop3A_196, %parallel_loop3A_147] : memref<4x10000xf32, #tpu.memory_space<vmem>>[vector<16xi32>, vector<16xi32>], vector<16xf32>,
        %parallel_loop3A_198 = arith.constant 2 : i32
        %parallel_loop3A_199 = vector.broadcast %parallel_loop3A_198 : i32 to vector<16xi32>
        %parallel_loop3A_200 = tpu.vector_load_idx %arg6[%parallel_loop3A_199, %parallel_loop3A_147] : memref<4x10000xf32, #tpu.memory_space<vmem>>[vector<16xi32>, vector<16xi32>], vector<16xf32>,
        %parallel_loop3A_201 = arith.constant 3 : i32
        %parallel_loop3A_202 = vector.broadcast %parallel_loop3A_201 : i32 to vector<16xi32>
        %parallel_loop3A_203 = tpu.vector_load_idx %arg6[%parallel_loop3A_202, %parallel_loop3A_147] : memref<4x10000xf32, #tpu.memory_space<vmem>>[vector<16xi32>, vector<16xi32>], vector<16xf32>,
        %parallel_loop3A_204 = arith.constant 0 : i32
        %parallel_loop3A_205 = vector.broadcast %parallel_loop3A_204 : i32 to vector<16xi32>
        %parallel_loop3A_206 = tpu.vector_load_idx %arg6[%parallel_loop3A_205, %parallel_loop3A_161] : memref<4x10000xf32, #tpu.memory_space<vmem>>[vector<16xi32>, vector<16xi32>], vector<16xf32>,
        %parallel_loop3A_207 = arith.constant 1 : i32
        %parallel_loop3A_208 = vector.broadcast %parallel_loop3A_207 : i32 to vector<16xi32>
        %parallel_loop3A_209 = tpu.vector_load_idx %arg6[%parallel_loop3A_208, %parallel_loop3A_161] : memref<4x10000xf32, #tpu.memory_space<vmem>>[vector<16xi32>, vector<16xi32>], vector<16xf32>,
        %parallel_loop3A_210 = arith.constant 2 : i32
        %parallel_loop3A_211 = vector.broadcast %parallel_loop3A_210 : i32 to vector<16xi32>
        %parallel_loop3A_212 = tpu.vector_load_idx %arg6[%parallel_loop3A_211, %parallel_loop3A_161] : memref<4x10000xf32, #tpu.memory_space<vmem>>[vector<16xi32>, vector<16xi32>], vector<16xf32>,
        %parallel_loop3A_213 = arith.constant 3 : i32
        %parallel_loop3A_214 = vector.broadcast %parallel_loop3A_213 : i32 to vector<16xi32>
        %parallel_loop3A_215 = tpu.vector_load_idx %arg6[%parallel_loop3A_214, %parallel_loop3A_161] : memref<4x10000xf32, #tpu.memory_space<vmem>>[vector<16xi32>, vector<16xi32>], vector<16xf32>,
        %parallel_loop3A_216 = arith.constant 0 : i32
        %parallel_loop3A_217 = vector.broadcast %parallel_loop3A_216 : i32 to vector<16xi32>
        %parallel_loop3A_218 = tpu.vector_load_idx %arg6[%parallel_loop3A_217, %parallel_loop3A_175] : memref<4x10000xf32, #tpu.memory_space<vmem>>[vector<16xi32>, vector<16xi32>], vector<16xf32>,
        %parallel_loop3A_219 = arith.constant 1 : i32
        %parallel_loop3A_220 = vector.broadcast %parallel_loop3A_219 : i32 to vector<16xi32>
        %parallel_loop3A_221 = tpu.vector_load_idx %arg6[%parallel_loop3A_220, %parallel_loop3A_175] : memref<4x10000xf32, #tpu.memory_space<vmem>>[vector<16xi32>, vector<16xi32>], vector<16xf32>,
        %parallel_loop3A_222 = arith.constant 2 : i32
        %parallel_loop3A_223 = vector.broadcast %parallel_loop3A_222 : i32 to vector<16xi32>
        %parallel_loop3A_224 = tpu.vector_load_idx %arg6[%parallel_loop3A_223, %parallel_loop3A_175] : memref<4x10000xf32, #tpu.memory_space<vmem>>[vector<16xi32>, vector<16xi32>], vector<16xf32>,
        %parallel_loop3A_225 = arith.constant 3 : i32
        %parallel_loop3A_226 = vector.broadcast %parallel_loop3A_225 : i32 to vector<16xi32>
        %parallel_loop3A_227 = tpu.vector_load_idx %arg6[%parallel_loop3A_226, %parallel_loop3A_175] : memref<4x10000xf32, #tpu.memory_space<vmem>>[vector<16xi32>, vector<16xi32>], vector<16xf32>,
        %parallel_loop3A_228 = arith.constant 0 : i32
        %parallel_loop3A_229 = vector.broadcast %parallel_loop3A_228 : i32 to vector<16xi32>
        tpu.vector_store_idx %arg7[%parallel_loop3A_229, %parallel_loop3A_137], %parallel_loop3A_182 {add = true} : memref<4x10240xf32, #tpu.memory_space<vmem>>[vector<16xi32>, vector<16xi32>], vector<16xf32>,
        %parallel_loop3A_230 = arith.constant 1 : i32
        %parallel_loop3A_231 = vector.broadcast %parallel_loop3A_230 : i32 to vector<16xi32>
        tpu.vector_store_idx %arg7[%parallel_loop3A_231, %parallel_loop3A_137], %parallel_loop3A_185 {add = true} : memref<4x10240xf32, #tpu.memory_space<vmem>>[vector<16xi32>, vector<16xi32>], vector<16xf32>,
        %parallel_loop3A_232 = arith.constant 2 : i32
        %parallel_loop3A_233 = vector.broadcast %parallel_loop3A_232 : i32 to vector<16xi32>
        tpu.vector_store_idx %arg7[%parallel_loop3A_233, %parallel_loop3A_137], %parallel_loop3A_188 {add = true} : memref<4x10240xf32, #tpu.memory_space<vmem>>[vector<16xi32>, vector<16xi32>], vector<16xf32>,
        %parallel_loop3A_234 = arith.constant 3 : i32
        %parallel_loop3A_235 = vector.broadcast %parallel_loop3A_234 : i32 to vector<16xi32>
        tpu.vector_store_idx %arg7[%parallel_loop3A_235, %parallel_loop3A_137], %parallel_loop3A_191 {add = true} : memref<4x10240xf32, #tpu.memory_space<vmem>>[vector<16xi32>, vector<16xi32>], vector<16xf32>,
        %parallel_loop3A_236 = arith.constant 0 : i32
        %parallel_loop3A_237 = vector.broadcast %parallel_loop3A_236 : i32 to vector<16xi32>
        tpu.vector_store_idx %arg7[%parallel_loop3A_237, %parallel_loop3A_151], %parallel_loop3A_194 {add = true} : memref<4x10240xf32, #tpu.memory_space<vmem>>[vector<16xi32>, vector<16xi32>], vector<16xf32>,
        %parallel_loop3A_238 = arith.constant 1 : i32
        %parallel_loop3A_239 = vector.broadcast %parallel_loop3A_238 : i32 to vector<16xi32>
        tpu.vector_store_idx %arg7[%parallel_loop3A_239, %parallel_loop3A_151], %parallel_loop3A_197 {add = true} : memref<4x10240xf32, #tpu.memory_space<vmem>>[vector<16xi32>, vector<16xi32>], vector<16xf32>,
        %parallel_loop3A_240 = arith.constant 2 : i32
        %parallel_loop3A_241 = vector.broadcast %parallel_loop3A_240 : i32 to vector<16xi32>
        tpu.vector_store_idx %arg7[%parallel_loop3A_241, %parallel_loop3A_151], %parallel_loop3A_200 {add = true} : memref<4x10240xf32, #tpu.memory_space<vmem>>[vector<16xi32>, vector<16xi32>], vector<16xf32>,
        %parallel_loop3A_242 = arith.constant 3 : i32
        %parallel_loop3A_243 = vector.broadcast %parallel_loop3A_242 : i32 to vector<16xi32>
        tpu.vector_store_idx %arg7[%parallel_loop3A_243, %parallel_loop3A_151], %parallel_loop3A_203 {add = true} : memref<4x10240xf32, #tpu.memory_space<vmem>>[vector<16xi32>, vector<16xi32>], vector<16xf32>,
        %parallel_loop3A_244 = arith.constant 0 : i32
        %parallel_loop3A_245 = vector.broadcast %parallel_loop3A_244 : i32 to vector<16xi32>
        tpu.vector_store_idx %arg7[%parallel_loop3A_245, %parallel_loop3A_165], %parallel_loop3A_206 {add = true} : memref<4x10240xf32, #tpu.memory_space<vmem>>[vector<16xi32>, vector<16xi32>], vector<16xf32>,
        %parallel_loop3A_246 = arith.constant 1 : i32
        %parallel_loop3A_247 = vector.broadcast %parallel_loop3A_246 : i32 to vector<16xi32>
        tpu.vector_store_idx %arg7[%parallel_loop3A_247, %parallel_loop3A_165], %parallel_loop3A_209 {add = true} : memref<4x10240xf32, #tpu.memory_space<vmem>>[vector<16xi32>, vector<16xi32>], vector<16xf32>,
        %parallel_loop3A_248 = arith.constant 2 : i32
        %parallel_loop3A_249 = vector.broadcast %parallel_loop3A_248 : i32 to vector<16xi32>
        tpu.vector_store_idx %arg7[%parallel_loop3A_249, %parallel_loop3A_165], %parallel_loop3A_212 {add = true} : memref<4x10240xf32, #tpu.memory_space<vmem>>[vector<16xi32>, vector<16xi32>], vector<16xf32>,
        %parallel_loop3A_250 = arith.constant 3 : i32
        %parallel_loop3A_251 = vector.broadcast %parallel_loop3A_250 : i32 to vector<16xi32>
        tpu.vector_store_idx %arg7[%parallel_loop3A_251, %parallel_loop3A_165], %parallel_loop3A_215 {add = true} : memref<4x10240xf32, #tpu.memory_space<vmem>>[vector<16xi32>, vector<16xi32>], vector<16xf32>,
        %parallel_loop3A_252 = arith.constant 0 : i32
        %parallel_loop3A_253 = vector.broadcast %parallel_loop3A_252 : i32 to vector<16xi32>
        tpu.vector_store_idx %arg7[%parallel_loop3A_253, %parallel_loop3A_179], %parallel_loop3A_218 {add = true} : memref<4x10240xf32, #tpu.memory_space<vmem>>[vector<16xi32>, vector<16xi32>], vector<16xf32>,
        %parallel_loop3A_254 = arith.constant 1 : i32
        %parallel_loop3A_255 = vector.broadcast %parallel_loop3A_254 : i32 to vector<16xi32>
        tpu.vector_store_idx %arg7[%parallel_loop3A_255, %parallel_loop3A_179], %parallel_loop3A_221 {add = true} : memref<4x10240xf32, #tpu.memory_space<vmem>>[vector<16xi32>, vector<16xi32>], vector<16xf32>,
        %parallel_loop3A_256 = arith.constant 2 : i32
        %parallel_loop3A_257 = vector.broadcast %parallel_loop3A_256 : i32 to vector<16xi32>
        tpu.vector_store_idx %arg7[%parallel_loop3A_257, %parallel_loop3A_179], %parallel_loop3A_224 {add = true} : memref<4x10240xf32, #tpu.memory_space<vmem>>[vector<16xi32>, vector<16xi32>], vector<16xf32>,
        %parallel_loop3A_258 = arith.constant 3 : i32
        %parallel_loop3A_259 = vector.broadcast %parallel_loop3A_258 : i32 to vector<16xi32>
        tpu.vector_store_idx %arg7[%parallel_loop3A_259, %parallel_loop3A_179], %parallel_loop3A_227 {add = true} : memref<4x10240xf32, #tpu.memory_space<vmem>>[vector<16xi32>, vector<16xi32>], vector<16xf32>,
      } {sc.loop_unroll_factor = 4 : i64, sc.parallel_access}
      %dma_wait3A_95 = arith.constant 1 : i32
      %dma_wait3A_96 = arith.constant 0 : i32
      %dma_wait3A_97 = tpu.memref_slice %arg8[%dma_wait3A_95, %dma_wait3A_96] : memref<2x4096xi32, #tpu.memory_space<vmem>> -> memref<1x4096xi32, #tpu.memory_space<vmem>>
      %dma_wait3A_98 = tpu.memref_squeeze %dma_wait3A_97 : memref<1x4096xi32, #tpu.memory_space<vmem>> -> memref<4096xi32, #tpu.memory_space<vmem>>
      %dma_wait3A_99 = tpu.memref_slice %arg3[%mul3A_74] : memref<393216xi32, #tpu.memory_space<hbm>> -> memref<4096xi32, #tpu.memory_space<hbm>>
      %dma_wait3A_100 = arith.constant 0 : i32
      %dma_wait3A_101 = tpu.memref_slice %arg8[%dma_wait3A_95, %dma_wait3A_100] : memref<2x4096xi32, #tpu.memory_space<vmem>> -> memref<1x4096xi32, #tpu.memory_space<vmem>>
      %dma_wait3A_102 = tpu.memref_squeeze %dma_wait3A_101 : memref<1x4096xi32, #tpu.memory_space<vmem>> -> memref<4096xi32, #tpu.memory_space<vmem>>
      %dma_wait3A_103 = tpu.memref_slice %arg3[%mul3A_74] : memref<393216xi32, #tpu.memory_space<hbm>> -> memref<4096xi32, #tpu.memory_space<hbm>>
      tpu.wait_dma2 semaphore(%arg11 : memref<!tpu.dma_semaphore, #tpu.memory_space<semaphore_mem>>) src(%dma_wait3A_103 : memref<4096xi32, #tpu.memory_space<hbm>>) dst(%dma_wait3A_102 : memref<4096xi32, #tpu.memory_space<vmem>>)
      %dma_wait3A_104 = arith.constant 1 : i32
      %dma_wait3A_105 = arith.constant 0 : i32
      %dma_wait3A_106 = tpu.memref_slice %arg9[%dma_wait3A_104, %dma_wait3A_105] : memref<2x4096xi32, #tpu.memory_space<vmem>> -> memref<1x4096xi32, #tpu.memory_space<vmem>>
      %dma_wait3A_107 = tpu.memref_squeeze %dma_wait3A_106 : memref<1x4096xi32, #tpu.memory_space<vmem>> -> memref<4096xi32, #tpu.memory_space<vmem>>
      %dma_wait3A_108 = tpu.memref_slice %arg4[%mul3A_74] : memref<393216xi32, #tpu.memory_space<hbm>> -> memref<4096xi32, #tpu.memory_space<hbm>>
      %dma_wait3A_109 = arith.constant 0 : i32
      %dma_wait3A_110 = tpu.memref_slice %arg9[%dma_wait3A_104, %dma_wait3A_109] : memref<2x4096xi32, #tpu.memory_space<vmem>> -> memref<1x4096xi32, #tpu.memory_space<vmem>>
      %dma_wait3A_111 = tpu.memref_squeeze %dma_wait3A_110 : memref<1x4096xi32, #tpu.memory_space<vmem>> -> memref<4096xi32, #tpu.memory_space<vmem>>
      %dma_wait3A_112 = tpu.memref_slice %arg4[%mul3A_74] : memref<393216xi32, #tpu.memory_space<hbm>> -> memref<4096xi32, #tpu.memory_space<hbm>>
      tpu.wait_dma2 semaphore(%arg12 : memref<!tpu.dma_semaphore, #tpu.memory_space<semaphore_mem>>) src(%dma_wait3A_112 : memref<4096xi32, #tpu.memory_space<hbm>>) dst(%dma_wait3A_111 : memref<4096xi32, #tpu.memory_space<vmem>>)
      %add3A_113 = arith.constant 2 : i32
      %add3A_114 = arith.addi %mul3A_70, %add3A_113 : i32
      %lt3A = arith.constant 96 : i32
      %lt3A_115 = arith.cmpi slt, %add3A_114, %lt3A : i32
      %convert_element_type3A = arith.extui %lt3A_115 : i1 to i32
      %cond3A = arith.constant 0 : i32
      %cond3A_116 = arith.cmpi ne, %convert_element_type3A, %cond3A : i32
      scf.if %cond3A_116 {
        %add3A_123 = arith.constant 2 : i32
        %add3A_124 = arith.addi %mul3A_70, %add3A_123 : i32
        %mul3A_125 = arith.constant 4096 : i32
        %mul3A_126 = arith.muli %add3A_124, %mul3A_125 : i32
        %dma_start3A_127 = arith.constant 0 : i32
        %dma_start3A_128 = arith.constant 0 : i32
        %dma_start3A_129 = tpu.memref_slice %arg8[%dma_start3A_127, %dma_start3A_128] : memref<2x4096xi32, #tpu.memory_space<vmem>> -> memref<1x4096xi32, #tpu.memory_space<vmem>>
        %dma_start3A_130 = tpu.memref_squeeze %dma_start3A_129 : memref<1x4096xi32, #tpu.memory_space<vmem>> -> memref<4096xi32, #tpu.memory_space<vmem>>
        %dma_start3A_131 = tpu.memref_slice %arg3[%mul3A_126] : memref<393216xi32, #tpu.memory_space<hbm>> -> memref<4096xi32, #tpu.memory_space<hbm>>
        %dma_start3A_132 = arith.constant 0 : i32
        %dma_start3A_133 = tpu.memref_slice %arg8[%dma_start3A_127, %dma_start3A_132] : memref<2x4096xi32, #tpu.memory_space<vmem>> -> memref<1x4096xi32, #tpu.memory_space<vmem>>
        %dma_start3A_134 = tpu.memref_squeeze %dma_start3A_133 : memref<1x4096xi32, #tpu.memory_space<vmem>> -> memref<4096xi32, #tpu.memory_space<vmem>>
        %dma_start3A_135 = tpu.memref_slice %arg3[%mul3A_126] : memref<393216xi32, #tpu.memory_space<hbm>> -> memref<4096xi32, #tpu.memory_space<hbm>>
        tpu.enqueue_dma source(%dma_start3A_135 : memref<4096xi32, #tpu.memory_space<hbm>>) target(%dma_start3A_134 : memref<4096xi32, #tpu.memory_space<vmem>>) target_semaphore(%arg11 : memref<!tpu.dma_semaphore, #tpu.memory_space<semaphore_mem>>)
        %dma_start3A_136 = arith.constant 0 : i32
        %dma_start3A_137 = arith.constant 0 : i32
        %dma_start3A_138 = tpu.memref_slice %arg9[%dma_start3A_136, %dma_start3A_137] : memref<2x4096xi32, #tpu.memory_space<vmem>> -> memref<1x4096xi32, #tpu.memory_space<vmem>>
        %dma_start3A_139 = tpu.memref_squeeze %dma_start3A_138 : memref<1x4096xi32, #tpu.memory_space<vmem>> -> memref<4096xi32, #tpu.memory_space<vmem>>
        %dma_start3A_140 = tpu.memref_slice %arg4[%mul3A_126] : memref<393216xi32, #tpu.memory_space<hbm>> -> memref<4096xi32, #tpu.memory_space<hbm>>
        %dma_start3A_141 = arith.constant 0 : i32
        %dma_start3A_142 = tpu.memref_slice %arg9[%dma_start3A_136, %dma_start3A_141] : memref<2x4096xi32, #tpu.memory_space<vmem>> -> memref<1x4096xi32, #tpu.memory_space<vmem>>
        %dma_start3A_143 = tpu.memref_squeeze %dma_start3A_142 : memref<1x4096xi32, #tpu.memory_space<vmem>> -> memref<4096xi32, #tpu.memory_space<vmem>>
        %dma_start3A_144 = tpu.memref_slice %arg4[%mul3A_126] : memref<393216xi32, #tpu.memory_space<hbm>> -> memref<4096xi32, #tpu.memory_space<hbm>>
        tpu.enqueue_dma source(%dma_start3A_144 : memref<4096xi32, #tpu.memory_space<hbm>>) target(%dma_start3A_143 : memref<4096xi32, #tpu.memory_space<vmem>>) target_semaphore(%arg12 : memref<!tpu.dma_semaphore, #tpu.memory_space<semaphore_mem>>)
        %parallel_loop3A_145 = arith.constant 0 : i32
        %parallel_loop3A_146 = arith.constant 64 : i32
        %parallel_loop3A_147 = arith.constant 1 : i32
        scf.for %parallel_loop3A_166 = %parallel_loop3A_145 to %parallel_loop3A_146 step %parallel_loop3A_147  : i32 {
          %parallel_loop3A_167 = arith.constant 4 : i32
          %parallel_loop3A_168 = arith.muli %parallel_loop3A_166, %parallel_loop3A_167 : i32
          %parallel_loop3A_169 = arith.constant 0 : i32
          %parallel_loop3A_170 = arith.addi %parallel_loop3A_168, %parallel_loop3A_169 : i32
          %parallel_loop3A_171 = arith.constant 16 : i32
          %parallel_loop3A_172 = arith.muli %parallel_loop3A_170, %parallel_loop3A_171 : i32
          %parallel_loop3A_173 = arith.constant 1 : i32
          %parallel_loop3A_174 = arith.index_cast %parallel_loop3A_173 : i32 to index
          %parallel_loop3A_175 = arith.index_cast %parallel_loop3A_172 : i32 to index
          %parallel_loop3A_176 = tpu.vector_load %arg8[%parallel_loop3A_174, %parallel_loop3A_175] {strides = array<i32>} : memref<2x4096xi32, #tpu.memory_space<vmem>>, vector<16xi32>,
          %parallel_loop3A_177 = arith.constant 1 : i32
          %parallel_loop3A_178 = arith.index_cast %parallel_loop3A_177 : i32 to index
          %parallel_loop3A_179 = arith.index_cast %parallel_loop3A_172 : i32 to index
          %parallel_loop3A_180 = tpu.vector_load %arg9[%parallel_loop3A_178, %parallel_loop3A_179] {strides = array<i32>} : memref<2x4096xi32, #tpu.memory_space<vmem>>, vector<16xi32>,
          %parallel_loop3A_181 = arith.constant 4 : i32
          %parallel_loop3A_182 = arith.muli %parallel_loop3A_166, %parallel_loop3A_181 : i32
          %parallel_loop3A_183 = arith.constant 1 : i32
          %parallel_loop3A_184 = arith.addi %parallel_loop3A_182, %parallel_loop3A_183 : i32
          %parallel_loop3A_185 = arith.constant 16 : i32
          %parallel_loop3A_186 = arith.muli %parallel_loop3A_184, %parallel_loop3A_185 : i32
          %parallel_loop3A_187 = arith.constant 1 : i32
          %parallel_loop3A_188 = arith.index_cast %parallel_loop3A_187 : i32 to index
          %parallel_loop3A_189 = arith.index_cast %parallel_loop3A_186 : i32 to index
          %parallel_loop3A_190 = tpu.vector_load %arg8[%parallel_loop3A_188, %parallel_loop3A_189] {strides = array<i32>} : memref<2x4096xi32, #tpu.memory_space<vmem>>, vector<16xi32>,
          %parallel_loop3A_191 = arith.constant 1 : i32
          %parallel_loop3A_192 = arith.index_cast %parallel_loop3A_191 : i32 to index
          %parallel_loop3A_193 = arith.index_cast %parallel_loop3A_186 : i32 to index
          %parallel_loop3A_194 = tpu.vector_load %arg9[%parallel_loop3A_192, %parallel_loop3A_193] {strides = array<i32>} : memref<2x4096xi32, #tpu.memory_space<vmem>>, vector<16xi32>,
          %parallel_loop3A_195 = arith.constant 4 : i32
          %parallel_loop3A_196 = arith.muli %parallel_loop3A_166, %parallel_loop3A_195 : i32
          %parallel_loop3A_197 = arith.constant 2 : i32
          %parallel_loop3A_198 = arith.addi %parallel_loop3A_196, %parallel_loop3A_197 : i32
          %parallel_loop3A_199 = arith.constant 16 : i32
          %parallel_loop3A_200 = arith.muli %parallel_loop3A_198, %parallel_loop3A_199 : i32
          %parallel_loop3A_201 = arith.constant 1 : i32
          %parallel_loop3A_202 = arith.index_cast %parallel_loop3A_201 : i32 to index
          %parallel_loop3A_203 = arith.index_cast %parallel_loop3A_200 : i32 to index
          %parallel_loop3A_204 = tpu.vector_load %arg8[%parallel_loop3A_202, %parallel_loop3A_203] {strides = array<i32>} : memref<2x4096xi32, #tpu.memory_space<vmem>>, vector<16xi32>,
          %parallel_loop3A_205 = arith.constant 1 : i32
          %parallel_loop3A_206 = arith.index_cast %parallel_loop3A_205 : i32 to index
          %parallel_loop3A_207 = arith.index_cast %parallel_loop3A_200 : i32 to index
          %parallel_loop3A_208 = tpu.vector_load %arg9[%parallel_loop3A_206, %parallel_loop3A_207] {strides = array<i32>} : memref<2x4096xi32, #tpu.memory_space<vmem>>, vector<16xi32>,
          %parallel_loop3A_209 = arith.constant 4 : i32
          %parallel_loop3A_210 = arith.muli %parallel_loop3A_166, %parallel_loop3A_209 : i32
          %parallel_loop3A_211 = arith.constant 3 : i32
          %parallel_loop3A_212 = arith.addi %parallel_loop3A_210, %parallel_loop3A_211 : i32
          %parallel_loop3A_213 = arith.constant 16 : i32
          %parallel_loop3A_214 = arith.muli %parallel_loop3A_212, %parallel_loop3A_213 : i32
          %parallel_loop3A_215 = arith.constant 1 : i32
          %parallel_loop3A_216 = arith.index_cast %parallel_loop3A_215 : i32 to index
          %parallel_loop3A_217 = arith.index_cast %parallel_loop3A_214 : i32 to index
          %parallel_loop3A_218 = tpu.vector_load %arg8[%parallel_loop3A_216, %parallel_loop3A_217] {strides = array<i32>} : memref<2x4096xi32, #tpu.memory_space<vmem>>, vector<16xi32>,
          %parallel_loop3A_219 = arith.constant 1 : i32
          %parallel_loop3A_220 = arith.index_cast %parallel_loop3A_219 : i32 to index
          %parallel_loop3A_221 = arith.index_cast %parallel_loop3A_214 : i32 to index
          %parallel_loop3A_222 = tpu.vector_load %arg9[%parallel_loop3A_220, %parallel_loop3A_221] {strides = array<i32>} : memref<2x4096xi32, #tpu.memory_space<vmem>>, vector<16xi32>,
          %parallel_loop3A_223 = arith.constant 0 : i32
          %parallel_loop3A_224 = vector.broadcast %parallel_loop3A_223 : i32 to vector<16xi32>
          %parallel_loop3A_225 = tpu.vector_load_idx %arg6[%parallel_loop3A_224, %parallel_loop3A_176] : memref<4x10000xf32, #tpu.memory_space<vmem>>[vector<16xi32>, vector<16xi32>], vector<16xf32>,
          %parallel_loop3A_226 = arith.constant 1 : i32
          %parallel_loop3A_227 = vector.broadcast %parallel_loop3A_226 : i32 to vector<16xi32>
          %parallel_loop3A_228 = tpu.vector_load_idx %arg6[%parallel_loop3A_227, %parallel_loop3A_176] : memref<4x10000xf32, #tpu.memory_space<vmem>>[vector<16xi32>, vector<16xi32>], vector<16xf32>,
          %parallel_loop3A_229 = arith.constant 2 : i32
          %parallel_loop3A_230 = vector.broadcast %parallel_loop3A_229 : i32 to vector<16xi32>
          %parallel_loop3A_231 = tpu.vector_load_idx %arg6[%parallel_loop3A_230, %parallel_loop3A_176] : memref<4x10000xf32, #tpu.memory_space<vmem>>[vector<16xi32>, vector<16xi32>], vector<16xf32>,
          %parallel_loop3A_232 = arith.constant 3 : i32
          %parallel_loop3A_233 = vector.broadcast %parallel_loop3A_232 : i32 to vector<16xi32>
          %parallel_loop3A_234 = tpu.vector_load_idx %arg6[%parallel_loop3A_233, %parallel_loop3A_176] : memref<4x10000xf32, #tpu.memory_space<vmem>>[vector<16xi32>, vector<16xi32>], vector<16xf32>,
          %parallel_loop3A_235 = arith.constant 0 : i32
          %parallel_loop3A_236 = vector.broadcast %parallel_loop3A_235 : i32 to vector<16xi32>
          %parallel_loop3A_237 = tpu.vector_load_idx %arg6[%parallel_loop3A_236, %parallel_loop3A_190] : memref<4x10000xf32, #tpu.memory_space<vmem>>[vector<16xi32>, vector<16xi32>], vector<16xf32>,
          %parallel_loop3A_238 = arith.constant 1 : i32
          %parallel_loop3A_239 = vector.broadcast %parallel_loop3A_238 : i32 to vector<16xi32>
          %parallel_loop3A_240 = tpu.vector_load_idx %arg6[%parallel_loop3A_239, %parallel_loop3A_190] : memref<4x10000xf32, #tpu.memory_space<vmem>>[vector<16xi32>, vector<16xi32>], vector<16xf32>,
          %parallel_loop3A_241 = arith.constant 2 : i32
          %parallel_loop3A_242 = vector.broadcast %parallel_loop3A_241 : i32 to vector<16xi32>
          %parallel_loop3A_243 = tpu.vector_load_idx %arg6[%parallel_loop3A_242, %parallel_loop3A_190] : memref<4x10000xf32, #tpu.memory_space<vmem>>[vector<16xi32>, vector<16xi32>], vector<16xf32>,
          %parallel_loop3A_244 = arith.constant 3 : i32
          %parallel_loop3A_245 = vector.broadcast %parallel_loop3A_244 : i32 to vector<16xi32>
          %parallel_loop3A_246 = tpu.vector_load_idx %arg6[%parallel_loop3A_245, %parallel_loop3A_190] : memref<4x10000xf32, #tpu.memory_space<vmem>>[vector<16xi32>, vector<16xi32>], vector<16xf32>,
          %parallel_loop3A_247 = arith.constant 0 : i32
          %parallel_loop3A_248 = vector.broadcast %parallel_loop3A_247 : i32 to vector<16xi32>
          %parallel_loop3A_249 = tpu.vector_load_idx %arg6[%parallel_loop3A_248, %parallel_loop3A_204] : memref<4x10000xf32, #tpu.memory_space<vmem>>[vector<16xi32>, vector<16xi32>], vector<16xf32>,
          %parallel_loop3A_250 = arith.constant 1 : i32
          %parallel_loop3A_251 = vector.broadcast %parallel_loop3A_250 : i32 to vector<16xi32>
          %parallel_loop3A_252 = tpu.vector_load_idx %arg6[%parallel_loop3A_251, %parallel_loop3A_204] : memref<4x10000xf32, #tpu.memory_space<vmem>>[vector<16xi32>, vector<16xi32>], vector<16xf32>,
          %parallel_loop3A_253 = arith.constant 2 : i32
          %parallel_loop3A_254 = vector.broadcast %parallel_loop3A_253 : i32 to vector<16xi32>
          %parallel_loop3A_255 = tpu.vector_load_idx %arg6[%parallel_loop3A_254, %parallel_loop3A_204] : memref<4x10000xf32, #tpu.memory_space<vmem>>[vector<16xi32>, vector<16xi32>], vector<16xf32>,
          %parallel_loop3A_256 = arith.constant 3 : i32
          %parallel_loop3A_257 = vector.broadcast %parallel_loop3A_256 : i32 to vector<16xi32>
          %parallel_loop3A_258 = tpu.vector_load_idx %arg6[%parallel_loop3A_257, %parallel_loop3A_204] : memref<4x10000xf32, #tpu.memory_space<vmem>>[vector<16xi32>, vector<16xi32>], vector<16xf32>,
          %parallel_loop3A_259 = arith.constant 0 : i32
          %parallel_loop3A_260 = vector.broadcast %parallel_loop3A_259 : i32 to vector<16xi32>
          %parallel_loop3A_261 = tpu.vector_load_idx %arg6[%parallel_loop3A_260, %parallel_loop3A_218] : memref<4x10000xf32, #tpu.memory_space<vmem>>[vector<16xi32>, vector<16xi32>], vector<16xf32>,
          %parallel_loop3A_262 = arith.constant 1 : i32
          %parallel_loop3A_263 = vector.broadcast %parallel_loop3A_262 : i32 to vector<16xi32>
          %parallel_loop3A_264 = tpu.vector_load_idx %arg6[%parallel_loop3A_263, %parallel_loop3A_218] : memref<4x10000xf32, #tpu.memory_space<vmem>>[vector<16xi32>, vector<16xi32>], vector<16xf32>,
          %parallel_loop3A_265 = arith.constant 2 : i32
          %parallel_loop3A_266 = vector.broadcast %parallel_loop3A_265 : i32 to vector<16xi32>
          %parallel_loop3A_267 = tpu.vector_load_idx %arg6[%parallel_loop3A_266, %parallel_loop3A_218] : memref<4x10000xf32, #tpu.memory_space<vmem>>[vector<16xi32>, vector<16xi32>], vector<16xf32>,
          %parallel_loop3A_268 = arith.constant 3 : i32
          %parallel_loop3A_269 = vector.broadcast %parallel_loop3A_268 : i32 to vector<16xi32>
          %parallel_loop3A_270 = tpu.vector_load_idx %arg6[%parallel_loop3A_269, %parallel_loop3A_218] : memref<4x10000xf32, #tpu.memory_space<vmem>>[vector<16xi32>, vector<16xi32>], vector<16xf32>,
          %parallel_loop3A_271 = arith.constant 0 : i32
          %parallel_loop3A_272 = vector.broadcast %parallel_loop3A_271 : i32 to vector<16xi32>
          tpu.vector_store_idx %arg7[%parallel_loop3A_272, %parallel_loop3A_180], %parallel_loop3A_225 {add = true} : memref<4x10240xf32, #tpu.memory_space<vmem>>[vector<16xi32>, vector<16xi32>], vector<16xf32>,
          %parallel_loop3A_273 = arith.constant 1 : i32
          %parallel_loop3A_274 = vector.broadcast %parallel_loop3A_273 : i32 to vector<16xi32>
          tpu.vector_store_idx %arg7[%parallel_loop3A_274, %parallel_loop3A_180], %parallel_loop3A_228 {add = true} : memref<4x10240xf32, #tpu.memory_space<vmem>>[vector<16xi32>, vector<16xi32>], vector<16xf32>,
          %parallel_loop3A_275 = arith.constant 2 : i32
          %parallel_loop3A_276 = vector.broadcast %parallel_loop3A_275 : i32 to vector<16xi32>
          tpu.vector_store_idx %arg7[%parallel_loop3A_276, %parallel_loop3A_180], %parallel_loop3A_231 {add = true} : memref<4x10240xf32, #tpu.memory_space<vmem>>[vector<16xi32>, vector<16xi32>], vector<16xf32>,
          %parallel_loop3A_277 = arith.constant 3 : i32
          %parallel_loop3A_278 = vector.broadcast %parallel_loop3A_277 : i32 to vector<16xi32>
          tpu.vector_store_idx %arg7[%parallel_loop3A_278, %parallel_loop3A_180], %parallel_loop3A_234 {add = true} : memref<4x10240xf32, #tpu.memory_space<vmem>>[vector<16xi32>, vector<16xi32>], vector<16xf32>,
          %parallel_loop3A_279 = arith.constant 0 : i32
          %parallel_loop3A_280 = vector.broadcast %parallel_loop3A_279 : i32 to vector<16xi32>
          tpu.vector_store_idx %arg7[%parallel_loop3A_280, %parallel_loop3A_194], %parallel_loop3A_237 {add = true} : memref<4x10240xf32, #tpu.memory_space<vmem>>[vector<16xi32>, vector<16xi32>], vector<16xf32>,
          %parallel_loop3A_281 = arith.constant 1 : i32
          %parallel_loop3A_282 = vector.broadcast %parallel_loop3A_281 : i32 to vector<16xi32>
          tpu.vector_store_idx %arg7[%parallel_loop3A_282, %parallel_loop3A_194], %parallel_loop3A_240 {add = true} : memref<4x10240xf32, #tpu.memory_space<vmem>>[vector<16xi32>, vector<16xi32>], vector<16xf32>,
          %parallel_loop3A_283 = arith.constant 2 : i32
          %parallel_loop3A_284 = vector.broadcast %parallel_loop3A_283 : i32 to vector<16xi32>
          tpu.vector_store_idx %arg7[%parallel_loop3A_284, %parallel_loop3A_194], %parallel_loop3A_243 {add = true} : memref<4x10240xf32, #tpu.memory_space<vmem>>[vector<16xi32>, vector<16xi32>], vector<16xf32>,
          %parallel_loop3A_285 = arith.constant 3 : i32
          %parallel_loop3A_286 = vector.broadcast %parallel_loop3A_285 : i32 to vector<16xi32>
          tpu.vector_store_idx %arg7[%parallel_loop3A_286, %parallel_loop3A_194], %parallel_loop3A_246 {add = true} : memref<4x10240xf32, #tpu.memory_space<vmem>>[vector<16xi32>, vector<16xi32>], vector<16xf32>,
          %parallel_loop3A_287 = arith.constant 0 : i32
          %parallel_loop3A_288 = vector.broadcast %parallel_loop3A_287 : i32 to vector<16xi32>
          tpu.vector_store_idx %arg7[%parallel_loop3A_288, %parallel_loop3A_208], %parallel_loop3A_249 {add = true} : memref<4x10240xf32, #tpu.memory_space<vmem>>[vector<16xi32>, vector<16xi32>], vector<16xf32>,
          %parallel_loop3A_289 = arith.constant 1 : i32
          %parallel_loop3A_290 = vector.broadcast %parallel_loop3A_289 : i32 to vector<16xi32>
          tpu.vector_store_idx %arg7[%parallel_loop3A_290, %parallel_loop3A_208], %parallel_loop3A_252 {add = true} : memref<4x10240xf32, #tpu.memory_space<vmem>>[vector<16xi32>, vector<16xi32>], vector<16xf32>,
          %parallel_loop3A_291 = arith.constant 2 : i32
          %parallel_loop3A_292 = vector.broadcast %parallel_loop3A_291 : i32 to vector<16xi32>
          tpu.vector_store_idx %arg7[%parallel_loop3A_292, %parallel_loop3A_208], %parallel_loop3A_255 {add = true} : memref<4x10240xf32, #tpu.memory_space<vmem>>[vector<16xi32>, vector<16xi32>], vector<16xf32>,
          %parallel_loop3A_293 = arith.constant 3 : i32
          %parallel_loop3A_294 = vector.broadcast %parallel_loop3A_293 : i32 to vector<16xi32>
          tpu.vector_store_idx %arg7[%parallel_loop3A_294, %parallel_loop3A_208], %parallel_loop3A_258 {add = true} : memref<4x10240xf32, #tpu.memory_space<vmem>>[vector<16xi32>, vector<16xi32>], vector<16xf32>,
          %parallel_loop3A_295 = arith.constant 0 : i32
          %parallel_loop3A_296 = vector.broadcast %parallel_loop3A_295 : i32 to vector<16xi32>
          tpu.vector_store_idx %arg7[%parallel_loop3A_296, %parallel_loop3A_222], %parallel_loop3A_261 {add = true} : memref<4x10240xf32, #tpu.memory_space<vmem>>[vector<16xi32>, vector<16xi32>], vector<16xf32>,
          %parallel_loop3A_297 = arith.constant 1 : i32
          %parallel_loop3A_298 = vector.broadcast %parallel_loop3A_297 : i32 to vector<16xi32>
          tpu.vector_store_idx %arg7[%parallel_loop3A_298, %parallel_loop3A_222], %parallel_loop3A_264 {add = true} : memref<4x10240xf32, #tpu.memory_space<vmem>>[vector<16xi32>, vector<16xi32>], vector<16xf32>,
          %parallel_loop3A_299 = arith.constant 2 : i32
          %parallel_loop3A_300 = vector.broadcast %parallel_loop3A_299 : i32 to vector<16xi32>
          tpu.vector_store_idx %arg7[%parallel_loop3A_300, %parallel_loop3A_222], %parallel_loop3A_267 {add = true} : memref<4x10240xf32, #tpu.memory_space<vmem>>[vector<16xi32>, vector<16xi32>], vector<16xf32>,
          %parallel_loop3A_301 = arith.constant 3 : i32
          %parallel_loop3A_302 = vector.broadcast %parallel_loop3A_301 : i32 to vector<16xi32>
          tpu.vector_store_idx %arg7[%parallel_loop3A_302, %parallel_loop3A_222], %parallel_loop3A_270 {add = true} : memref<4x10240xf32, #tpu.memory_space<vmem>>[vector<16xi32>, vector<16xi32>], vector<16xf32>,
        } {sc.loop_unroll_factor = 4 : i64, sc.parallel_access}
        %dma_wait3A_148 = arith.constant 0 : i32
        %dma_wait3A_149 = arith.constant 0 : i32
        %dma_wait3A_150 = tpu.memref_slice %arg8[%dma_wait3A_148, %dma_wait3A_149] : memref<2x4096xi32, #tpu.memory_space<vmem>> -> memref<1x4096xi32, #tpu.memory_space<vmem>>
        %dma_wait3A_151 = tpu.memref_squeeze %dma_wait3A_150 : memref<1x4096xi32, #tpu.memory_space<vmem>> -> memref<4096xi32, #tpu.memory_space<vmem>>
        %dma_wait3A_152 = tpu.memref_slice %arg3[%mul3A_126] : memref<393216xi32, #tpu.memory_space<hbm>> -> memref<4096xi32, #tpu.memory_space<hbm>>
        %dma_wait3A_153 = arith.constant 0 : i32
        %dma_wait3A_154 = tpu.memref_slice %arg8[%dma_wait3A_148, %dma_wait3A_153] : memref<2x4096xi32, #tpu.memory_space<vmem>> -> memref<1x4096xi32, #tpu.memory_space<vmem>>
        %dma_wait3A_155 = tpu.memref_squeeze %dma_wait3A_154 : memref<1x4096xi32, #tpu.memory_space<vmem>> -> memref<4096xi32, #tpu.memory_space<vmem>>
        %dma_wait3A_156 = tpu.memref_slice %arg3[%mul3A_126] : memref<393216xi32, #tpu.memory_space<hbm>> -> memref<4096xi32, #tpu.memory_space<hbm>>
        tpu.wait_dma2 semaphore(%arg11 : memref<!tpu.dma_semaphore, #tpu.memory_space<semaphore_mem>>) src(%dma_wait3A_156 : memref<4096xi32, #tpu.memory_space<hbm>>) dst(%dma_wait3A_155 : memref<4096xi32, #tpu.memory_space<vmem>>)
        %dma_wait3A_157 = arith.constant 0 : i32
        %dma_wait3A_158 = arith.constant 0 : i32
        %dma_wait3A_159 = tpu.memref_slice %arg9[%dma_wait3A_157, %dma_wait3A_158] : memref<2x4096xi32, #tpu.memory_space<vmem>> -> memref<1x4096xi32, #tpu.memory_space<vmem>>
        %dma_wait3A_160 = tpu.memref_squeeze %dma_wait3A_159 : memref<1x4096xi32, #tpu.memory_space<vmem>> -> memref<4096xi32, #tpu.memory_space<vmem>>
        %dma_wait3A_161 = tpu.memref_slice %arg4[%mul3A_126] : memref<393216xi32, #tpu.memory_space<hbm>> -> memref<4096xi32, #tpu.memory_space<hbm>>
        %dma_wait3A_162 = arith.constant 0 : i32
        %dma_wait3A_163 = tpu.memref_slice %arg9[%dma_wait3A_157, %dma_wait3A_162] : memref<2x4096xi32, #tpu.memory_space<vmem>> -> memref<1x4096xi32, #tpu.memory_space<vmem>>
        %dma_wait3A_164 = tpu.memref_squeeze %dma_wait3A_163 : memref<1x4096xi32, #tpu.memory_space<vmem>> -> memref<4096xi32, #tpu.memory_space<vmem>>
        %dma_wait3A_165 = tpu.memref_slice %arg4[%mul3A_126] : memref<393216xi32, #tpu.memory_space<hbm>> -> memref<4096xi32, #tpu.memory_space<hbm>>
        tpu.wait_dma2 semaphore(%arg12 : memref<!tpu.dma_semaphore, #tpu.memory_space<semaphore_mem>>) src(%dma_wait3A_165 : memref<4096xi32, #tpu.memory_space<hbm>>) dst(%dma_wait3A_164 : memref<4096xi32, #tpu.memory_space<vmem>>)
      } else {
      }
      %add3A_117 = arith.constant 2 : i32
      %add3A_118 = arith.addi %mul3A_70, %add3A_117 : i32
      %ge3A = arith.constant 96 : i32
      %ge3A_119 = arith.cmpi sge, %add3A_118, %ge3A : i32
      %convert_element_type3A_120 = arith.extui %ge3A_119 : i1 to i32
      %cond3A_121 = arith.constant 0 : i32
      %cond3A_122 = arith.cmpi ne, %convert_element_type3A_120, %cond3A_121 : i32
      scf.if %cond3A_122 {
        %parallel_loop3A_123 = arith.constant 0 : i32
        %parallel_loop3A_124 = arith.constant 64 : i32
        %parallel_loop3A_125 = arith.constant 1 : i32
        scf.for %parallel_loop3A_126 = %parallel_loop3A_123 to %parallel_loop3A_124 step %parallel_loop3A_125  : i32 {
          %parallel_loop3A_127 = arith.constant 4 : i32
          %parallel_loop3A_128 = arith.muli %parallel_loop3A_126, %parallel_loop3A_127 : i32
          %parallel_loop3A_129 = arith.constant 0 : i32
          %parallel_loop3A_130 = arith.addi %parallel_loop3A_128, %parallel_loop3A_129 : i32
          %parallel_loop3A_131 = arith.constant 16 : i32
          %parallel_loop3A_132 = arith.muli %parallel_loop3A_130, %parallel_loop3A_131 : i32
          %parallel_loop3A_133 = arith.constant 1 : i32
          %parallel_loop3A_134 = arith.index_cast %parallel_loop3A_133 : i32 to index
          %parallel_loop3A_135 = arith.index_cast %parallel_loop3A_132 : i32 to index
          %parallel_loop3A_136 = tpu.vector_load %arg8[%parallel_loop3A_134, %parallel_loop3A_135] {strides = array<i32>} : memref<2x4096xi32, #tpu.memory_space<vmem>>, vector<16xi32>,
          %parallel_loop3A_137 = arith.constant 1 : i32
          %parallel_loop3A_138 = arith.index_cast %parallel_loop3A_137 : i32 to index
          %parallel_loop3A_139 = arith.index_cast %parallel_loop3A_132 : i32 to index
          %parallel_loop3A_140 = tpu.vector_load %arg9[%parallel_loop3A_138, %parallel_loop3A_139] {strides = array<i32>} : memref<2x4096xi32, #tpu.memory_space<vmem>>, vector<16xi32>,
          %parallel_loop3A_141 = arith.constant 4 : i32
          %parallel_loop3A_142 = arith.muli %parallel_loop3A_126, %parallel_loop3A_141 : i32
          %parallel_loop3A_143 = arith.constant 1 : i32
          %parallel_loop3A_144 = arith.addi %parallel_loop3A_142, %parallel_loop3A_143 : i32
          %parallel_loop3A_145 = arith.constant 16 : i32
          %parallel_loop3A_146 = arith.muli %parallel_loop3A_144, %parallel_loop3A_145 : i32
          %parallel_loop3A_147 = arith.constant 1 : i32
          %parallel_loop3A_148 = arith.index_cast %parallel_loop3A_147 : i32 to index
          %parallel_loop3A_149 = arith.index_cast %parallel_loop3A_146 : i32 to index
          %parallel_loop3A_150 = tpu.vector_load %arg8[%parallel_loop3A_148, %parallel_loop3A_149] {strides = array<i32>} : memref<2x4096xi32, #tpu.memory_space<vmem>>, vector<16xi32>,
          %parallel_loop3A_151 = arith.constant 1 : i32
          %parallel_loop3A_152 = arith.index_cast %parallel_loop3A_151 : i32 to index
          %parallel_loop3A_153 = arith.index_cast %parallel_loop3A_146 : i32 to index
          %parallel_loop3A_154 = tpu.vector_load %arg9[%parallel_loop3A_152, %parallel_loop3A_153] {strides = array<i32>} : memref<2x4096xi32, #tpu.memory_space<vmem>>, vector<16xi32>,
          %parallel_loop3A_155 = arith.constant 4 : i32
          %parallel_loop3A_156 = arith.muli %parallel_loop3A_126, %parallel_loop3A_155 : i32
          %parallel_loop3A_157 = arith.constant 2 : i32
          %parallel_loop3A_158 = arith.addi %parallel_loop3A_156, %parallel_loop3A_157 : i32
          %parallel_loop3A_159 = arith.constant 16 : i32
          %parallel_loop3A_160 = arith.muli %parallel_loop3A_158, %parallel_loop3A_159 : i32
          %parallel_loop3A_161 = arith.constant 1 : i32
          %parallel_loop3A_162 = arith.index_cast %parallel_loop3A_161 : i32 to index
          %parallel_loop3A_163 = arith.index_cast %parallel_loop3A_160 : i32 to index
          %parallel_loop3A_164 = tpu.vector_load %arg8[%parallel_loop3A_162, %parallel_loop3A_163] {strides = array<i32>} : memref<2x4096xi32, #tpu.memory_space<vmem>>, vector<16xi32>,
          %parallel_loop3A_165 = arith.constant 1 : i32
          %parallel_loop3A_166 = arith.index_cast %parallel_loop3A_165 : i32 to index
          %parallel_loop3A_167 = arith.index_cast %parallel_loop3A_160 : i32 to index
          %parallel_loop3A_168 = tpu.vector_load %arg9[%parallel_loop3A_166, %parallel_loop3A_167] {strides = array<i32>} : memref<2x4096xi32, #tpu.memory_space<vmem>>, vector<16xi32>,
          %parallel_loop3A_169 = arith.constant 4 : i32
          %parallel_loop3A_170 = arith.muli %parallel_loop3A_126, %parallel_loop3A_169 : i32
          %parallel_loop3A_171 = arith.constant 3 : i32
          %parallel_loop3A_172 = arith.addi %parallel_loop3A_170, %parallel_loop3A_171 : i32
          %parallel_loop3A_173 = arith.constant 16 : i32
          %parallel_loop3A_174 = arith.muli %parallel_loop3A_172, %parallel_loop3A_173 : i32
          %parallel_loop3A_175 = arith.constant 1 : i32
          %parallel_loop3A_176 = arith.index_cast %parallel_loop3A_175 : i32 to index
          %parallel_loop3A_177 = arith.index_cast %parallel_loop3A_174 : i32 to index
          %parallel_loop3A_178 = tpu.vector_load %arg8[%parallel_loop3A_176, %parallel_loop3A_177] {strides = array<i32>} : memref<2x4096xi32, #tpu.memory_space<vmem>>, vector<16xi32>,
          %parallel_loop3A_179 = arith.constant 1 : i32
          %parallel_loop3A_180 = arith.index_cast %parallel_loop3A_179 : i32 to index
          %parallel_loop3A_181 = arith.index_cast %parallel_loop3A_174 : i32 to index
          %parallel_loop3A_182 = tpu.vector_load %arg9[%parallel_loop3A_180, %parallel_loop3A_181] {strides = array<i32>} : memref<2x4096xi32, #tpu.memory_space<vmem>>, vector<16xi32>,
          %parallel_loop3A_183 = arith.constant 0 : i32
          %parallel_loop3A_184 = vector.broadcast %parallel_loop3A_183 : i32 to vector<16xi32>
          %parallel_loop3A_185 = tpu.vector_load_idx %arg6[%parallel_loop3A_184, %parallel_loop3A_136] : memref<4x10000xf32, #tpu.memory_space<vmem>>[vector<16xi32>, vector<16xi32>], vector<16xf32>,
          %parallel_loop3A_186 = arith.constant 1 : i32
          %parallel_loop3A_187 = vector.broadcast %parallel_loop3A_186 : i32 to vector<16xi32>
          %parallel_loop3A_188 = tpu.vector_load_idx %arg6[%parallel_loop3A_187, %parallel_loop3A_136] : memref<4x10000xf32, #tpu.memory_space<vmem>>[vector<16xi32>, vector<16xi32>], vector<16xf32>,
          %parallel_loop3A_189 = arith.constant 2 : i32
          %parallel_loop3A_190 = vector.broadcast %parallel_loop3A_189 : i32 to vector<16xi32>
          %parallel_loop3A_191 = tpu.vector_load_idx %arg6[%parallel_loop3A_190, %parallel_loop3A_136] : memref<4x10000xf32, #tpu.memory_space<vmem>>[vector<16xi32>, vector<16xi32>], vector<16xf32>,
          %parallel_loop3A_192 = arith.constant 3 : i32
          %parallel_loop3A_193 = vector.broadcast %parallel_loop3A_192 : i32 to vector<16xi32>
          %parallel_loop3A_194 = tpu.vector_load_idx %arg6[%parallel_loop3A_193, %parallel_loop3A_136] : memref<4x10000xf32, #tpu.memory_space<vmem>>[vector<16xi32>, vector<16xi32>], vector<16xf32>,
          %parallel_loop3A_195 = arith.constant 0 : i32
          %parallel_loop3A_196 = vector.broadcast %parallel_loop3A_195 : i32 to vector<16xi32>
          %parallel_loop3A_197 = tpu.vector_load_idx %arg6[%parallel_loop3A_196, %parallel_loop3A_150] : memref<4x10000xf32, #tpu.memory_space<vmem>>[vector<16xi32>, vector<16xi32>], vector<16xf32>,
          %parallel_loop3A_198 = arith.constant 1 : i32
          %parallel_loop3A_199 = vector.broadcast %parallel_loop3A_198 : i32 to vector<16xi32>
          %parallel_loop3A_200 = tpu.vector_load_idx %arg6[%parallel_loop3A_199, %parallel_loop3A_150] : memref<4x10000xf32, #tpu.memory_space<vmem>>[vector<16xi32>, vector<16xi32>], vector<16xf32>,
          %parallel_loop3A_201 = arith.constant 2 : i32
          %parallel_loop3A_202 = vector.broadcast %parallel_loop3A_201 : i32 to vector<16xi32>
          %parallel_loop3A_203 = tpu.vector_load_idx %arg6[%parallel_loop3A_202, %parallel_loop3A_150] : memref<4x10000xf32, #tpu.memory_space<vmem>>[vector<16xi32>, vector<16xi32>], vector<16xf32>,
          %parallel_loop3A_204 = arith.constant 3 : i32
          %parallel_loop3A_205 = vector.broadcast %parallel_loop3A_204 : i32 to vector<16xi32>
          %parallel_loop3A_206 = tpu.vector_load_idx %arg6[%parallel_loop3A_205, %parallel_loop3A_150] : memref<4x10000xf32, #tpu.memory_space<vmem>>[vector<16xi32>, vector<16xi32>], vector<16xf32>,
          %parallel_loop3A_207 = arith.constant 0 : i32
          %parallel_loop3A_208 = vector.broadcast %parallel_loop3A_207 : i32 to vector<16xi32>
          %parallel_loop3A_209 = tpu.vector_load_idx %arg6[%parallel_loop3A_208, %parallel_loop3A_164] : memref<4x10000xf32, #tpu.memory_space<vmem>>[vector<16xi32>, vector<16xi32>], vector<16xf32>,
          %parallel_loop3A_210 = arith.constant 1 : i32
          %parallel_loop3A_211 = vector.broadcast %parallel_loop3A_210 : i32 to vector<16xi32>
          %parallel_loop3A_212 = tpu.vector_load_idx %arg6[%parallel_loop3A_211, %parallel_loop3A_164] : memref<4x10000xf32, #tpu.memory_space<vmem>>[vector<16xi32>, vector<16xi32>], vector<16xf32>,
          %parallel_loop3A_213 = arith.constant 2 : i32
          %parallel_loop3A_214 = vector.broadcast %parallel_loop3A_213 : i32 to vector<16xi32>
          %parallel_loop3A_215 = tpu.vector_load_idx %arg6[%parallel_loop3A_214, %parallel_loop3A_164] : memref<4x10000xf32, #tpu.memory_space<vmem>>[vector<16xi32>, vector<16xi32>], vector<16xf32>,
          %parallel_loop3A_216 = arith.constant 3 : i32
          %parallel_loop3A_217 = vector.broadcast %parallel_loop3A_216 : i32 to vector<16xi32>
          %parallel_loop3A_218 = tpu.vector_load_idx %arg6[%parallel_loop3A_217, %parallel_loop3A_164] : memref<4x10000xf32, #tpu.memory_space<vmem>>[vector<16xi32>, vector<16xi32>], vector<16xf32>,
          %parallel_loop3A_219 = arith.constant 0 : i32
          %parallel_loop3A_220 = vector.broadcast %parallel_loop3A_219 : i32 to vector<16xi32>
          %parallel_loop3A_221 = tpu.vector_load_idx %arg6[%parallel_loop3A_220, %parallel_loop3A_178] : memref<4x10000xf32, #tpu.memory_space<vmem>>[vector<16xi32>, vector<16xi32>], vector<16xf32>,
          %parallel_loop3A_222 = arith.constant 1 : i32
          %parallel_loop3A_223 = vector.broadcast %parallel_loop3A_222 : i32 to vector<16xi32>
          %parallel_loop3A_224 = tpu.vector_load_idx %arg6[%parallel_loop3A_223, %parallel_loop3A_178] : memref<4x10000xf32, #tpu.memory_space<vmem>>[vector<16xi32>, vector<16xi32>], vector<16xf32>,
          %parallel_loop3A_225 = arith.constant 2 : i32
          %parallel_loop3A_226 = vector.broadcast %parallel_loop3A_225 : i32 to vector<16xi32>
          %parallel_loop3A_227 = tpu.vector_load_idx %arg6[%parallel_loop3A_226, %parallel_loop3A_178] : memref<4x10000xf32, #tpu.memory_space<vmem>>[vector<16xi32>, vector<16xi32>], vector<16xf32>,
          %parallel_loop3A_228 = arith.constant 3 : i32
          %parallel_loop3A_229 = vector.broadcast %parallel_loop3A_228 : i32 to vector<16xi32>
          %parallel_loop3A_230 = tpu.vector_load_idx %arg6[%parallel_loop3A_229, %parallel_loop3A_178] : memref<4x10000xf32, #tpu.memory_space<vmem>>[vector<16xi32>, vector<16xi32>], vector<16xf32>,
          %parallel_loop3A_231 = arith.constant 0 : i32
          %parallel_loop3A_232 = vector.broadcast %parallel_loop3A_231 : i32 to vector<16xi32>
          tpu.vector_store_idx %arg7[%parallel_loop3A_232, %parallel_loop3A_140], %parallel_loop3A_185 {add = true} : memref<4x10240xf32, #tpu.memory_space<vmem>>[vector<16xi32>, vector<16xi32>], vector<16xf32>,
          %parallel_loop3A_233 = arith.constant 1 : i32
          %parallel_loop3A_234 = vector.broadcast %parallel_loop3A_233 : i32 to vector<16xi32>
          tpu.vector_store_idx %arg7[%parallel_loop3A_234, %parallel_loop3A_140], %parallel_loop3A_188 {add = true} : memref<4x10240xf32, #tpu.memory_space<vmem>>[vector<16xi32>, vector<16xi32>], vector<16xf32>,
          %parallel_loop3A_235 = arith.constant 2 : i32
          %parallel_loop3A_236 = vector.broadcast %parallel_loop3A_235 : i32 to vector<16xi32>
          tpu.vector_store_idx %arg7[%parallel_loop3A_236, %parallel_loop3A_140], %parallel_loop3A_191 {add = true} : memref<4x10240xf32, #tpu.memory_space<vmem>>[vector<16xi32>, vector<16xi32>], vector<16xf32>,
          %parallel_loop3A_237 = arith.constant 3 : i32
          %parallel_loop3A_238 = vector.broadcast %parallel_loop3A_237 : i32 to vector<16xi32>
          tpu.vector_store_idx %arg7[%parallel_loop3A_238, %parallel_loop3A_140], %parallel_loop3A_194 {add = true} : memref<4x10240xf32, #tpu.memory_space<vmem>>[vector<16xi32>, vector<16xi32>], vector<16xf32>,
          %parallel_loop3A_239 = arith.constant 0 : i32
          %parallel_loop3A_240 = vector.broadcast %parallel_loop3A_239 : i32 to vector<16xi32>
          tpu.vector_store_idx %arg7[%parallel_loop3A_240, %parallel_loop3A_154], %parallel_loop3A_197 {add = true} : memref<4x10240xf32, #tpu.memory_space<vmem>>[vector<16xi32>, vector<16xi32>], vector<16xf32>,
          %parallel_loop3A_241 = arith.constant 1 : i32
          %parallel_loop3A_242 = vector.broadcast %parallel_loop3A_241 : i32 to vector<16xi32>
          tpu.vector_store_idx %arg7[%parallel_loop3A_242, %parallel_loop3A_154], %parallel_loop3A_200 {add = true} : memref<4x10240xf32, #tpu.memory_space<vmem>>[vector<16xi32>, vector<16xi32>], vector<16xf32>,
          %parallel_loop3A_243 = arith.constant 2 : i32
          %parallel_loop3A_244 = vector.broadcast %parallel_loop3A_243 : i32 to vector<16xi32>
          tpu.vector_store_idx %arg7[%parallel_loop3A_244, %parallel_loop3A_154], %parallel_loop3A_203 {add = true} : memref<4x10240xf32, #tpu.memory_space<vmem>>[vector<16xi32>, vector<16xi32>], vector<16xf32>,
          %parallel_loop3A_245 = arith.constant 3 : i32
          %parallel_loop3A_246 = vector.broadcast %parallel_loop3A_245 : i32 to vector<16xi32>
          tpu.vector_store_idx %arg7[%parallel_loop3A_246, %parallel_loop3A_154], %parallel_loop3A_206 {add = true} : memref<4x10240xf32, #tpu.memory_space<vmem>>[vector<16xi32>, vector<16xi32>], vector<16xf32>,
          %parallel_loop3A_247 = arith.constant 0 : i32
          %parallel_loop3A_248 = vector.broadcast %parallel_loop3A_247 : i32 to vector<16xi32>
          tpu.vector_store_idx %arg7[%parallel_loop3A_248, %parallel_loop3A_168], %parallel_loop3A_209 {add = true} : memref<4x10240xf32, #tpu.memory_space<vmem>>[vector<16xi32>, vector<16xi32>], vector<16xf32>,
          %parallel_loop3A_249 = arith.constant 1 : i32
          %parallel_loop3A_250 = vector.broadcast %parallel_loop3A_249 : i32 to vector<16xi32>
          tpu.vector_store_idx %arg7[%parallel_loop3A_250, %parallel_loop3A_168], %parallel_loop3A_212 {add = true} : memref<4x10240xf32, #tpu.memory_space<vmem>>[vector<16xi32>, vector<16xi32>], vector<16xf32>,
          %parallel_loop3A_251 = arith.constant 2 : i32
          %parallel_loop3A_252 = vector.broadcast %parallel_loop3A_251 : i32 to vector<16xi32>
          tpu.vector_store_idx %arg7[%parallel_loop3A_252, %parallel_loop3A_168], %parallel_loop3A_215 {add = true} : memref<4x10240xf32, #tpu.memory_space<vmem>>[vector<16xi32>, vector<16xi32>], vector<16xf32>,
          %parallel_loop3A_253 = arith.constant 3 : i32
          %parallel_loop3A_254 = vector.broadcast %parallel_loop3A_253 : i32 to vector<16xi32>
          tpu.vector_store_idx %arg7[%parallel_loop3A_254, %parallel_loop3A_168], %parallel_loop3A_218 {add = true} : memref<4x10240xf32, #tpu.memory_space<vmem>>[vector<16xi32>, vector<16xi32>], vector<16xf32>,
          %parallel_loop3A_255 = arith.constant 0 : i32
          %parallel_loop3A_256 = vector.broadcast %parallel_loop3A_255 : i32 to vector<16xi32>
          tpu.vector_store_idx %arg7[%parallel_loop3A_256, %parallel_loop3A_182], %parallel_loop3A_221 {add = true} : memref<4x10240xf32, #tpu.memory_space<vmem>>[vector<16xi32>, vector<16xi32>], vector<16xf32>,
          %parallel_loop3A_257 = arith.constant 1 : i32
          %parallel_loop3A_258 = vector.broadcast %parallel_loop3A_257 : i32 to vector<16xi32>
          tpu.vector_store_idx %arg7[%parallel_loop3A_258, %parallel_loop3A_182], %parallel_loop3A_224 {add = true} : memref<4x10240xf32, #tpu.memory_space<vmem>>[vector<16xi32>, vector<16xi32>], vector<16xf32>,
          %parallel_loop3A_259 = arith.constant 2 : i32
          %parallel_loop3A_260 = vector.broadcast %parallel_loop3A_259 : i32 to vector<16xi32>
          tpu.vector_store_idx %arg7[%parallel_loop3A_260, %parallel_loop3A_182], %parallel_loop3A_227 {add = true} : memref<4x10240xf32, #tpu.memory_space<vmem>>[vector<16xi32>, vector<16xi32>], vector<16xf32>,
          %parallel_loop3A_261 = arith.constant 3 : i32
          %parallel_loop3A_262 = vector.broadcast %parallel_loop3A_261 : i32 to vector<16xi32>
          tpu.vector_store_idx %arg7[%parallel_loop3A_262, %parallel_loop3A_182], %parallel_loop3A_230 {add = true} : memref<4x10240xf32, #tpu.memory_space<vmem>>[vector<16xi32>, vector<16xi32>], vector<16xf32>,
        } {sc.loop_unroll_factor = 4 : i64, sc.parallel_access}
      } else {
      }
    }
    %scan3A_61 = arith.constant 48 : i32
    %mul3A_62 = arith.constant 4 : i32
    %mul3A_63 = arith.muli %add3A, %mul3A_62 : i32
    "tpu.region"() ({
      %run_scoped3A = tpu.sem_alloc : memref<!tpu.dma_semaphore, #tpu.memory_space<semaphore_mem>>
      %dma_start3A_64 = arith.constant 0 : i32
      %dma_start3A_65 = tpu.memref_slice %arg5[%mul3A_63, %dma_start3A_64] : memref<128x10240xf32, #tpu.memory_space<hbm>> -> memref<4x10240xf32, #tpu.memory_space<hbm>>
      %dma_start3A_66 = arith.constant 0 : i32
      %dma_start3A_67 = tpu.memref_slice %arg5[%mul3A_63, %dma_start3A_66] : memref<128x10240xf32, #tpu.memory_space<hbm>> -> memref<4x10240xf32, #tpu.memory_space<hbm>>
      tpu.enqueue_dma source(%arg7 : memref<4x10240xf32, #tpu.memory_space<vmem>>) target(%dma_start3A_67 : memref<4x10240xf32, #tpu.memory_space<hbm>>) target_semaphore(%run_scoped3A : memref<!tpu.dma_semaphore, #tpu.memory_space<semaphore_mem>>)
      %dma_wait3A_68 = arith.constant 0 : i32
      %dma_wait3A_69 = tpu.memref_slice %arg5[%mul3A_63, %dma_wait3A_68] : memref<128x10240xf32, #tpu.memory_space<hbm>> -> memref<4x10240xf32, #tpu.memory_space<hbm>>
      %dma_wait3A_70 = arith.constant 0 : i32
      %dma_wait3A_71 = tpu.memref_slice %arg5[%mul3A_63, %dma_wait3A_70] : memref<128x10240xf32, #tpu.memory_space<hbm>> -> memref<4x10240xf32, #tpu.memory_space<hbm>>
      tpu.wait_dma2 semaphore(%run_scoped3A : memref<!tpu.dma_semaphore, #tpu.memory_space<semaphore_mem>>) src(%arg7 : memref<4x10240xf32, #tpu.memory_space<vmem>>) dst(%dma_wait3A_71 : memref<4x10240xf32, #tpu.memory_space<hbm>>)
      tpu.yield
    }) : () -> ()
    return
  }
}

#map = affine_map<(d0, d1) -> (0, 0)>
#map1 = affine_map<(d0, d1) -> (0)>
module attributes {stable_mosaic.version = 14 : i64} {
  func.func @k(%arg0: i32, %arg1: i32, %arg2: memref<128x10000xf32, #tpu.memory_space<hbm>>, %arg3: memref<393216xi32, #tpu.memory_space<hbm>>, %arg4: memref<393216xi32, #tpu.memory_space<hbm>>, %arg5: memref<128x10240xf32, #tpu.memory_space<hbm>>, %arg6: memref<4x10000xf32, #tpu.memory_space<vmem>>, %arg7: memref<4x10240xf32, #tpu.memory_space<vmem>>, %arg8: memref<2x4096xi32, #tpu.memory_space<vmem>>, %arg9: memref<2x4096xi32, #tpu.memory_space<vmem>>, %arg10: memref<!tpu.dma_semaphore, #tpu.memory_space<semaphore_mem>>, %arg11: memref<!tpu.dma_semaphore, #tpu.memory_space<semaphore_mem>>, %arg12: memref<!tpu.dma_semaphore, #tpu.memory_space<semaphore_mem>>) attributes {dimension_semantics = [#tpu.dimension_semantics<core_parallel>, #tpu.dimension_semantics<subcore_parallel>], iteration_bounds = array<i64: 2, 16>, scalar_prefetch = 0 : i64, scratch_operands = 7 : i64, tpu.core_type = #tpu.core_type<sc_vector_subcore>, window_params = [{transform_indices = #map}, {transform_indices = #map1}, {transform_indices = #map1}, {transform_indices = #map}]} {
    %mul3A = arith.constant 16 : i32
    %mul3A_0 = arith.muli %arg0, %mul3A : i32
    %add3A = arith.addi %mul3A_0, %arg1 : i32
    %mul3A_1 = arith.constant 4 : i32
    %mul3A_2 = arith.muli %add3A, %mul3A_1 : i32
    %dma_start3A = arith.constant 0 : i32
    %dma_start3A_3 = tpu.memref_slice %arg2[%mul3A_2, %dma_start3A] : memref<128x10000xf32, #tpu.memory_space<hbm>> -> memref<4x10000xf32, #tpu.memory_space<hbm>>
    %dma_start3A_4 = arith.constant 0 : i32
    %dma_start3A_5 = tpu.memref_slice %arg2[%mul3A_2, %dma_start3A_4] : memref<128x10000xf32, #tpu.memory_space<hbm>> -> memref<4x10000xf32, #tpu.memory_space<hbm>>
    tpu.enqueue_dma source(%dma_start3A_5 : memref<4x10000xf32, #tpu.memory_space<hbm>>) target(%arg6 : memref<4x10000xf32, #tpu.memory_space<vmem>>) target_semaphore(%arg10 : memref<!tpu.dma_semaphore, #tpu.memory_space<semaphore_mem>>)
    %dma_start3A_6 = arith.constant 0 : i32
    %dma_start3A_7 = arith.constant 0 : i32
    %dma_start3A_8 = tpu.memref_slice %arg8[%dma_start3A_6, %dma_start3A_7] : memref<2x4096xi32, #tpu.memory_space<vmem>> -> memref<1x4096xi32, #tpu.memory_space<vmem>>
    %dma_start3A_9 = tpu.memref_squeeze %dma_start3A_8 : memref<1x4096xi32, #tpu.memory_space<vmem>> -> memref<4096xi32, #tpu.memory_space<vmem>>
    %dma_start3A_10 = arith.constant 0 : i32
    %dma_start3A_11 = tpu.memref_slice %arg3[%dma_start3A_10] : memref<393216xi32, #tpu.memory_space<hbm>> -> memref<4096xi32, #tpu.memory_space<hbm>>
    %dma_start3A_12 = arith.constant 0 : i32
    %dma_start3A_13 = tpu.memref_slice %arg8[%dma_start3A_6, %dma_start3A_12] : memref<2x4096xi32, #tpu.memory_space<vmem>> -> memref<1x4096xi32, #tpu.memory_space<vmem>>
    %dma_start3A_14 = tpu.memref_squeeze %dma_start3A_13 : memref<1x4096xi32, #tpu.memory_space<vmem>> -> memref<4096xi32, #tpu.memory_space<vmem>>
    %dma_start3A_15 = arith.constant 0 : i32
    %dma_start3A_16 = tpu.memref_slice %arg3[%dma_start3A_15] : memref<393216xi32, #tpu.memory_space<hbm>> -> memref<4096xi32, #tpu.memory_space<hbm>>
    tpu.enqueue_dma source(%dma_start3A_16 : memref<4096xi32, #tpu.memory_space<hbm>>) target(%dma_start3A_14 : memref<4096xi32, #tpu.memory_space<vmem>>) target_semaphore(%arg11 : memref<!tpu.dma_semaphore, #tpu.memory_space<semaphore_mem>>)
    %dma_wait3A = arith.constant 0 : i32
    %dma_wait3A_17 = arith.constant 0 : i32
    %dma_wait3A_18 = tpu.memref_slice %arg8[%dma_wait3A, %dma_wait3A_17] : memref<2x4096xi32, #tpu.memory_space<vmem>> -> memref<1x4096xi32, #tpu.memory_space<vmem>>
    %dma_wait3A_19 = tpu.memref_squeeze %dma_wait3A_18 : memref<1x4096xi32, #tpu.memory_space<vmem>> -> memref<4096xi32, #tpu.memory_space<vmem>>
    %dma_wait3A_20 = arith.constant 0 : i32
    %dma_wait3A_21 = tpu.memref_slice %arg3[%dma_wait3A_20] : memref<393216xi32, #tpu.memory_space<hbm>> -> memref<4096xi32, #tpu.memory_space<hbm>>
    %dma_wait3A_22 = arith.constant 0 : i32
    %dma_wait3A_23 = tpu.memref_slice %arg8[%dma_wait3A, %dma_wait3A_22] : memref<2x4096xi32, #tpu.memory_space<vmem>> -> memref<1x4096xi32, #tpu.memory_space<vmem>>
    %dma_wait3A_24 = tpu.memref_squeeze %dma_wait3A_23 : memref<1x4096xi32, #tpu.memory_space<vmem>> -> memref<4096xi32, #tpu.memory_space<vmem>>
    %dma_wait3A_25 = arith.constant 0 : i32
    %dma_wait3A_26 = tpu.memref_slice %arg3[%dma_wait3A_25] : memref<393216xi32, #tpu.memory_space<hbm>> -> memref<4096xi32, #tpu.memory_space<hbm>>
    tpu.wait_dma2 semaphore(%arg11 : memref<!tpu.dma_semaphore, #tpu.memory_space<semaphore_mem>>) src(%dma_wait3A_26 : memref<4096xi32, #tpu.memory_space<hbm>>) dst(%dma_wait3A_24 : memref<4096xi32, #tpu.memory_space<vmem>>)
    %dma_start3A_27 = arith.constant 0 : i32
    %dma_start3A_28 = arith.constant 0 : i32
    %dma_start3A_29 = tpu.memref_slice %arg9[%dma_start3A_27, %dma_start3A_28] : memref<2x4096xi32, #tpu.memory_space<vmem>> -> memref<1x4096xi32, #tpu.memory_space<vmem>>
    %dma_start3A_30 = tpu.memref_squeeze %dma_start3A_29 : memref<1x4096xi32, #tpu.memory_space<vmem>> -> memref<4096xi32, #tpu.memory_space<vmem>>
    %dma_start3A_31 = arith.constant 0 : i32
    %dma_start3A_32 = tpu.memref_slice %arg4[%dma_start3A_31] : memref<393216xi32, #tpu.memory_space<hbm>> -> memref<4096xi32, #tpu.memory_space<hbm>>
    %dma_start3A_33 = arith.constant 0 : i32
    %dma_start3A_34 = tpu.memref_slice %arg9[%dma_start3A_27, %dma_start3A_33] : memref<2x4096xi32, #tpu.memory_space<vmem>> -> memref<1x4096xi32, #tpu.memory_space<vmem>>
    %dma_start3A_35 = tpu.memref_squeeze %dma_start3A_34 : memref<1x4096xi32, #tpu.memory_space<vmem>> -> memref<4096xi32, #tpu.memory_space<vmem>>
    %dma_start3A_36 = arith.constant 0 : i32
    %dma_start3A_37 = tpu.memref_slice %arg4[%dma_start3A_36] : memref<393216xi32, #tpu.memory_space<hbm>> -> memref<4096xi32, #tpu.memory_space<hbm>>
    tpu.enqueue_dma source(%dma_start3A_37 : memref<4096xi32, #tpu.memory_space<hbm>>) target(%dma_start3A_35 : memref<4096xi32, #tpu.memory_space<vmem>>) target_semaphore(%arg12 : memref<!tpu.dma_semaphore, #tpu.memory_space<semaphore_mem>>)
    %dma_wait3A_38 = arith.constant 0 : i32
    %dma_wait3A_39 = arith.constant 0 : i32
    %dma_wait3A_40 = tpu.memref_slice %arg9[%dma_wait3A_38, %dma_wait3A_39] : memref<2x4096xi32, #tpu.memory_space<vmem>> -> memref<1x4096xi32, #tpu.memory_space<vmem>>
    %dma_wait3A_41 = tpu.memref_squeeze %dma_wait3A_40 : memref<1x4096xi32, #tpu.memory_space<vmem>> -> memref<4096xi32, #tpu.memory_space<vmem>>
    %dma_wait3A_42 = arith.constant 0 : i32
    %dma_wait3A_43 = tpu.memref_slice %arg4[%dma_wait3A_42] : memref<393216xi32, #tpu.memory_space<hbm>> -> memref<4096xi32, #tpu.memory_space<hbm>>
    %dma_wait3A_44 = arith.constant 0 : i32
    %dma_wait3A_45 = tpu.memref_slice %arg9[%dma_wait3A_38, %dma_wait3A_44] : memref<2x4096xi32, #tpu.memory_space<vmem>> -> memref<1x4096xi32, #tpu.memory_space<vmem>>
    %dma_wait3A_46 = tpu.memref_squeeze %dma_wait3A_45 : memref<1x4096xi32, #tpu.memory_space<vmem>> -> memref<4096xi32, #tpu.memory_space<vmem>>
    %dma_wait3A_47 = arith.constant 0 : i32
    %dma_wait3A_48 = tpu.memref_slice %arg4[%dma_wait3A_47] : memref<393216xi32, #tpu.memory_space<hbm>> -> memref<4096xi32, #tpu.memory_space<hbm>>
    tpu.wait_dma2 semaphore(%arg12 : memref<!tpu.dma_semaphore, #tpu.memory_space<semaphore_mem>>) src(%dma_wait3A_48 : memref<4096xi32, #tpu.memory_space<hbm>>) dst(%dma_wait3A_46 : memref<4096xi32, #tpu.memory_space<vmem>>)
    %scan3A = arith.constant 0 : i32
    %scan3A_49 = arith.constant 4 : i32
    %scan3A_50 = arith.addi %scan3A, %scan3A_49 : i32
    %scan3A_51 = arith.constant 1 : i32
    scf.for %scan3A_64 = %scan3A to %scan3A_50 step %scan3A_51  : i32 {
      %mul3A_65 = arith.constant 1 : i32
      %mul3A_66 = arith.muli %scan3A_64, %mul3A_65 : i32
      %add3A_67 = arith.constant 0 : i32
      %add3A_68 = arith.addi %add3A_67, %mul3A_66 : i32
      %scan3A_69 = arith.constant 0 : i32
      %scan3A_70 = arith.constant 640 : i32
      %scan3A_71 = arith.addi %scan3A_69, %scan3A_70 : i32
      %scan3A_72 = arith.constant 1 : i32
      scf.for %scan3A_74 = %scan3A_69 to %scan3A_71 step %scan3A_72  : i32 {
        %mul3A_75 = arith.constant 1 : i32
        %mul3A_76 = arith.muli %scan3A_74, %mul3A_75 : i32
        %add3A_77 = arith.constant 0 : i32
        %add3A_78 = arith.addi %add3A_77, %mul3A_76 : i32
        %broadcast_in_dim3A = arith.constant 0.000000e+00 : f32
        %broadcast_in_dim3A_79 = vector.broadcast %broadcast_in_dim3A : f32 to vector<16xf32>
        %mul3A_80 = arith.constant 16 : i32
        %mul3A_81 = arith.muli %add3A_78, %mul3A_80 : i32
        %swap3A = arith.index_cast %add3A_68 : i32 to index
        %swap3A_82 = arith.index_cast %mul3A_81 : i32 to index
        %swap3A_83 = tpu.vector_load %arg7[%swap3A, %swap3A_82] {strides = array<i32>} : memref<4x10240xf32, #tpu.memory_space<vmem>>, vector<16xf32>,
        tpu.vector_store %arg7[%swap3A, %swap3A_82], %broadcast_in_dim3A_79 {strides = array<i32>} : memref<4x10240xf32, #tpu.memory_space<vmem>>, vector<16xf32>,
      }
      %scan3A_73 = arith.constant 640 : i32
    }
    %scan3A_52 = arith.constant 4 : i32
    %dma_wait3A_53 = arith.constant 0 : i32
    %dma_wait3A_54 = tpu.memref_slice %arg2[%mul3A_2, %dma_wait3A_53] : memref<128x10000xf32, #tpu.memory_space<hbm>> -> memref<4x10000xf32, #tpu.memory_space<hbm>>
    %dma_wait3A_55 = arith.constant 0 : i32
    %dma_wait3A_56 = tpu.memref_slice %arg2[%mul3A_2, %dma_wait3A_55] : memref<128x10000xf32, #tpu.memory_space<hbm>> -> memref<4x10000xf32, #tpu.memory_space<hbm>>
    tpu.wait_dma2 semaphore(%arg10 : memref<!tpu.dma_semaphore, #tpu.memory_space<semaphore_mem>>) src(%dma_wait3A_56 : memref<4x10000xf32, #tpu.memory_space<hbm>>) dst(%arg6 : memref<4x10000xf32, #tpu.memory_space<vmem>>)
    %scan3A_57 = arith.constant 0 : i32
    %scan3A_58 = arith.constant 48 : i32
    %scan3A_59 = arith.addi %scan3A_57, %scan3A_58 : i32
    %scan3A_60 = arith.constant 1 : i32
    scf.for %scan3A_64 = %scan3A_57 to %scan3A_59 step %scan3A_60  : i32 {
      %mul3A_65 = arith.constant 1 : i32
      %mul3A_66 = arith.muli %scan3A_64, %mul3A_65 : i32
      %add3A_67 = arith.constant 0 : i32
      %add3A_68 = arith.addi %add3A_67, %mul3A_66 : i32
      %mul3A_69 = arith.constant 2 : i32
      %mul3A_70 = arith.muli %add3A_68, %mul3A_69 : i32
      %add3A_71 = arith.constant 1 : i32
      %add3A_72 = arith.addi %mul3A_70, %add3A_71 : i32
      %mul3A_73 = arith.constant 4096 : i32
      %mul3A_74 = arith.muli %add3A_72, %mul3A_73 : i32
      %dma_start3A_75 = arith.constant 1 : i32
      %dma_start3A_76 = arith.constant 0 : i32
      %dma_start3A_77 = tpu.memref_slice %arg8[%dma_start3A_75, %dma_start3A_76] : memref<2x4096xi32, #tpu.memory_space<vmem>> -> memref<1x4096xi32, #tpu.memory_space<vmem>>
      %dma_start3A_78 = tpu.memref_squeeze %dma_start3A_77 : memref<1x4096xi32, #tpu.memory_space<vmem>> -> memref<4096xi32, #tpu.memory_space<vmem>>
      %dma_start3A_79 = tpu.memref_slice %arg3[%mul3A_74] : memref<393216xi32, #tpu.memory_space<hbm>> -> memref<4096xi32, #tpu.memory_space<hbm>>
      %dma_start3A_80 = arith.constant 0 : i32
      %dma_start3A_81 = tpu.memref_slice %arg8[%dma_start3A_75, %dma_start3A_80] : memref<2x4096xi32, #tpu.memory_space<vmem>> -> memref<1x4096xi32, #tpu.memory_space<vmem>>
      %dma_start3A_82 = tpu.memref_squeeze %dma_start3A_81 : memref<1x4096xi32, #tpu.memory_space<vmem>> -> memref<4096xi32, #tpu.memory_space<vmem>>
      %dma_start3A_83 = tpu.memref_slice %arg3[%mul3A_74] : memref<393216xi32, #tpu.memory_space<hbm>> -> memref<4096xi32, #tpu.memory_space<hbm>>
      tpu.enqueue_dma source(%dma_start3A_83 : memref<4096xi32, #tpu.memory_space<hbm>>) target(%dma_start3A_82 : memref<4096xi32, #tpu.memory_space<vmem>>) target_semaphore(%arg11 : memref<!tpu.dma_semaphore, #tpu.memory_space<semaphore_mem>>)
      %dma_start3A_84 = arith.constant 1 : i32
      %dma_start3A_85 = arith.constant 0 : i32
      %dma_start3A_86 = tpu.memref_slice %arg9[%dma_start3A_84, %dma_start3A_85] : memref<2x4096xi32, #tpu.memory_space<vmem>> -> memref<1x4096xi32, #tpu.memory_space<vmem>>
      %dma_start3A_87 = tpu.memref_squeeze %dma_start3A_86 : memref<1x4096xi32, #tpu.memory_space<vmem>> -> memref<4096xi32, #tpu.memory_space<vmem>>
      %dma_start3A_88 = tpu.memref_slice %arg4[%mul3A_74] : memref<393216xi32, #tpu.memory_space<hbm>> -> memref<4096xi32, #tpu.memory_space<hbm>>
      %dma_start3A_89 = arith.constant 0 : i32
      %dma_start3A_90 = tpu.memref_slice %arg9[%dma_start3A_84, %dma_start3A_89] : memref<2x4096xi32, #tpu.memory_space<vmem>> -> memref<1x4096xi32, #tpu.memory_space<vmem>>
      %dma_start3A_91 = tpu.memref_squeeze %dma_start3A_90 : memref<1x4096xi32, #tpu.memory_space<vmem>> -> memref<4096xi32, #tpu.memory_space<vmem>>
      %dma_start3A_92 = tpu.memref_slice %arg4[%mul3A_74] : memref<393216xi32, #tpu.memory_space<hbm>> -> memref<4096xi32, #tpu.memory_space<hbm>>
      tpu.enqueue_dma source(%dma_start3A_92 : memref<4096xi32, #tpu.memory_space<hbm>>) target(%dma_start3A_91 : memref<4096xi32, #tpu.memory_space<vmem>>) target_semaphore(%arg12 : memref<!tpu.dma_semaphore, #tpu.memory_space<semaphore_mem>>)
      %parallel_loop3A = arith.constant 0 : i32
      %parallel_loop3A_93 = arith.constant 64 : i32
      %parallel_loop3A_94 = arith.constant 1 : i32
      scf.for %parallel_loop3A_123 = %parallel_loop3A to %parallel_loop3A_93 step %parallel_loop3A_94  : i32 {
        %parallel_loop3A_124 = arith.constant 4 : i32
        %parallel_loop3A_125 = arith.muli %parallel_loop3A_123, %parallel_loop3A_124 : i32
        %parallel_loop3A_126 = arith.constant 0 : i32
        %parallel_loop3A_127 = arith.addi %parallel_loop3A_125, %parallel_loop3A_126 : i32
        %parallel_loop3A_128 = arith.constant 16 : i32
        %parallel_loop3A_129 = arith.muli %parallel_loop3A_127, %parallel_loop3A_128 : i32
        %parallel_loop3A_130 = arith.constant 0 : i32
        %parallel_loop3A_131 = arith.index_cast %parallel_loop3A_130 : i32 to index
        %parallel_loop3A_132 = arith.index_cast %parallel_loop3A_129 : i32 to index
        %parallel_loop3A_133 = tpu.vector_load %arg8[%parallel_loop3A_131, %parallel_loop3A_132] {strides = array<i32>} : memref<2x4096xi32, #tpu.memory_space<vmem>>, vector<16xi32>,
        %parallel_loop3A_134 = arith.constant 0 : i32
        %parallel_loop3A_135 = arith.index_cast %parallel_loop3A_134 : i32 to index
        %parallel_loop3A_136 = arith.index_cast %parallel_loop3A_129 : i32 to index
        %parallel_loop3A_137 = tpu.vector_load %arg9[%parallel_loop3A_135, %parallel_loop3A_136] {strides = array<i32>} : memref<2x4096xi32, #tpu.memory_space<vmem>>, vector<16xi32>,
        %parallel_loop3A_138 = arith.constant 4 : i32
        %parallel_loop3A_139 = arith.muli %parallel_loop3A_123, %parallel_loop3A_138 : i32
        %parallel_loop3A_140 = arith.constant 1 : i32
        %parallel_loop3A_141 = arith.addi %parallel_loop3A_139, %parallel_loop3A_140 : i32
        %parallel_loop3A_142 = arith.constant 16 : i32
        %parallel_loop3A_143 = arith.muli %parallel_loop3A_141, %parallel_loop3A_142 : i32
        %parallel_loop3A_144 = arith.constant 0 : i32
        %parallel_loop3A_145 = arith.index_cast %parallel_loop3A_144 : i32 to index
        %parallel_loop3A_146 = arith.index_cast %parallel_loop3A_143 : i32 to index
        %parallel_loop3A_147 = tpu.vector_load %arg8[%parallel_loop3A_145, %parallel_loop3A_146] {strides = array<i32>} : memref<2x4096xi32, #tpu.memory_space<vmem>>, vector<16xi32>,
        %parallel_loop3A_148 = arith.constant 0 : i32
        %parallel_loop3A_149 = arith.index_cast %parallel_loop3A_148 : i32 to index
        %parallel_loop3A_150 = arith.index_cast %parallel_loop3A_143 : i32 to index
        %parallel_loop3A_151 = tpu.vector_load %arg9[%parallel_loop3A_149, %parallel_loop3A_150] {strides = array<i32>} : memref<2x4096xi32, #tpu.memory_space<vmem>>, vector<16xi32>,
        %parallel_loop3A_152 = arith.constant 4 : i32
        %parallel_loop3A_153 = arith.muli %parallel_loop3A_123, %parallel_loop3A_152 : i32
        %parallel_loop3A_154 = arith.constant 2 : i32
        %parallel_loop3A_155 = arith.addi %parallel_loop3A_153, %parallel_loop3A_154 : i32
        %parallel_loop3A_156 = arith.constant 16 : i32
        %parallel_loop3A_157 = arith.muli %parallel_loop3A_155, %parallel_loop3A_156 : i32
        %parallel_loop3A_158 = arith.constant 0 : i32
        %parallel_loop3A_159 = arith.index_cast %parallel_loop3A_158 : i32 to index
        %parallel_loop3A_160 = arith.index_cast %parallel_loop3A_157 : i32 to index
        %parallel_loop3A_161 = tpu.vector_load %arg8[%parallel_loop3A_159, %parallel_loop3A_160] {strides = array<i32>} : memref<2x4096xi32, #tpu.memory_space<vmem>>, vector<16xi32>,
        %parallel_loop3A_162 = arith.constant 0 : i32
        %parallel_loop3A_163 = arith.index_cast %parallel_loop3A_162 : i32 to index
        %parallel_loop3A_164 = arith.index_cast %parallel_loop3A_157 : i32 to index
        %parallel_loop3A_165 = tpu.vector_load %arg9[%parallel_loop3A_163, %parallel_loop3A_164] {strides = array<i32>} : memref<2x4096xi32, #tpu.memory_space<vmem>>, vector<16xi32>,
        %parallel_loop3A_166 = arith.constant 4 : i32
        %parallel_loop3A_167 = arith.muli %parallel_loop3A_123, %parallel_loop3A_166 : i32
        %parallel_loop3A_168 = arith.constant 3 : i32
        %parallel_loop3A_169 = arith.addi %parallel_loop3A_167, %parallel_loop3A_168 : i32
        %parallel_loop3A_170 = arith.constant 16 : i32
        %parallel_loop3A_171 = arith.muli %parallel_loop3A_169, %parallel_loop3A_170 : i32
        %parallel_loop3A_172 = arith.constant 0 : i32
        %parallel_loop3A_173 = arith.index_cast %parallel_loop3A_172 : i32 to index
        %parallel_loop3A_174 = arith.index_cast %parallel_loop3A_171 : i32 to index
        %parallel_loop3A_175 = tpu.vector_load %arg8[%parallel_loop3A_173, %parallel_loop3A_174] {strides = array<i32>} : memref<2x4096xi32, #tpu.memory_space<vmem>>, vector<16xi32>,
        %parallel_loop3A_176 = arith.constant 0 : i32
        %parallel_loop3A_177 = arith.index_cast %parallel_loop3A_176 : i32 to index
        %parallel_loop3A_178 = arith.index_cast %parallel_loop3A_171 : i32 to index
        %parallel_loop3A_179 = tpu.vector_load %arg9[%parallel_loop3A_177, %parallel_loop3A_178] {strides = array<i32>} : memref<2x4096xi32, #tpu.memory_space<vmem>>, vector<16xi32>,
        %parallel_loop3A_180 = arith.constant 0 : i32
        %parallel_loop3A_181 = vector.broadcast %parallel_loop3A_180 : i32 to vector<16xi32>
        %parallel_loop3A_182 = tpu.vector_load_idx %arg6[%parallel_loop3A_181, %parallel_loop3A_133] : memref<4x10000xf32, #tpu.memory_space<vmem>>[vector<16xi32>, vector<16xi32>], vector<16xf32>,
        %parallel_loop3A_183 = arith.constant 1 : i32
        %parallel_loop3A_184 = vector.broadcast %parallel_loop3A_183 : i32 to vector<16xi32>
        %parallel_loop3A_185 = tpu.vector_load_idx %arg6[%parallel_loop3A_184, %parallel_loop3A_133] : memref<4x10000xf32, #tpu.memory_space<vmem>>[vector<16xi32>, vector<16xi32>], vector<16xf32>,
        %parallel_loop3A_186 = arith.constant 2 : i32
        %parallel_loop3A_187 = vector.broadcast %parallel_loop3A_186 : i32 to vector<16xi32>
        %parallel_loop3A_188 = tpu.vector_load_idx %arg6[%parallel_loop3A_187, %parallel_loop3A_133] : memref<4x10000xf32, #tpu.memory_space<vmem>>[vector<16xi32>, vector<16xi32>], vector<16xf32>,
        %parallel_loop3A_189 = arith.constant 3 : i32
        %parallel_loop3A_190 = vector.broadcast %parallel_loop3A_189 : i32 to vector<16xi32>
        %parallel_loop3A_191 = tpu.vector_load_idx %arg6[%parallel_loop3A_190, %parallel_loop3A_133] : memref<4x10000xf32, #tpu.memory_space<vmem>>[vector<16xi32>, vector<16xi32>], vector<16xf32>,
        %parallel_loop3A_192 = arith.constant 0 : i32
        %parallel_loop3A_193 = vector.broadcast %parallel_loop3A_192 : i32 to vector<16xi32>
        %parallel_loop3A_194 = tpu.vector_load_idx %arg6[%parallel_loop3A_193, %parallel_loop3A_147] : memref<4x10000xf32, #tpu.memory_space<vmem>>[vector<16xi32>, vector<16xi32>], vector<16xf32>,
        %parallel_loop3A_195 = arith.constant 1 : i32
        %parallel_loop3A_196 = vector.broadcast %parallel_loop3A_195 : i32 to vector<16xi32>
        %parallel_loop3A_197 = tpu.vector_load_idx %arg6[%parallel_loop3A_196, %parallel_loop3A_147] : memref<4x10000xf32, #tpu.memory_space<vmem>>[vector<16xi32>, vector<16xi32>], vector<16xf32>,
        %parallel_loop3A_198 = arith.constant 2 : i32
        %parallel_loop3A_199 = vector.broadcast %parallel_loop3A_198 : i32 to vector<16xi32>
        %parallel_loop3A_200 = tpu.vector_load_idx %arg6[%parallel_loop3A_199, %parallel_loop3A_147] : memref<4x10000xf32, #tpu.memory_space<vmem>>[vector<16xi32>, vector<16xi32>], vector<16xf32>,
        %parallel_loop3A_201 = arith.constant 3 : i32
        %parallel_loop3A_202 = vector.broadcast %parallel_loop3A_201 : i32 to vector<16xi32>
        %parallel_loop3A_203 = tpu.vector_load_idx %arg6[%parallel_loop3A_202, %parallel_loop3A_147] : memref<4x10000xf32, #tpu.memory_space<vmem>>[vector<16xi32>, vector<16xi32>], vector<16xf32>,
        %parallel_loop3A_204 = arith.constant 0 : i32
        %parallel_loop3A_205 = vector.broadcast %parallel_loop3A_204 : i32 to vector<16xi32>
        %parallel_loop3A_206 = tpu.vector_load_idx %arg6[%parallel_loop3A_205, %parallel_loop3A_161] : memref<4x10000xf32, #tpu.memory_space<vmem>>[vector<16xi32>, vector<16xi32>], vector<16xf32>,
        %parallel_loop3A_207 = arith.constant 1 : i32
        %parallel_loop3A_208 = vector.broadcast %parallel_loop3A_207 : i32 to vector<16xi32>
        %parallel_loop3A_209 = tpu.vector_load_idx %arg6[%parallel_loop3A_208, %parallel_loop3A_161] : memref<4x10000xf32, #tpu.memory_space<vmem>>[vector<16xi32>, vector<16xi32>], vector<16xf32>,
        %parallel_loop3A_210 = arith.constant 2 : i32
        %parallel_loop3A_211 = vector.broadcast %parallel_loop3A_210 : i32 to vector<16xi32>
        %parallel_loop3A_212 = tpu.vector_load_idx %arg6[%parallel_loop3A_211, %parallel_loop3A_161] : memref<4x10000xf32, #tpu.memory_space<vmem>>[vector<16xi32>, vector<16xi32>], vector<16xf32>,
        %parallel_loop3A_213 = arith.constant 3 : i32
        %parallel_loop3A_214 = vector.broadcast %parallel_loop3A_213 : i32 to vector<16xi32>
        %parallel_loop3A_215 = tpu.vector_load_idx %arg6[%parallel_loop3A_214, %parallel_loop3A_161] : memref<4x10000xf32, #tpu.memory_space<vmem>>[vector<16xi32>, vector<16xi32>], vector<16xf32>,
        %parallel_loop3A_216 = arith.constant 0 : i32
        %parallel_loop3A_217 = vector.broadcast %parallel_loop3A_216 : i32 to vector<16xi32>
        %parallel_loop3A_218 = tpu.vector_load_idx %arg6[%parallel_loop3A_217, %parallel_loop3A_175] : memref<4x10000xf32, #tpu.memory_space<vmem>>[vector<16xi32>, vector<16xi32>], vector<16xf32>,
        %parallel_loop3A_219 = arith.constant 1 : i32
        %parallel_loop3A_220 = vector.broadcast %parallel_loop3A_219 : i32 to vector<16xi32>
        %parallel_loop3A_221 = tpu.vector_load_idx %arg6[%parallel_loop3A_220, %parallel_loop3A_175] : memref<4x10000xf32, #tpu.memory_space<vmem>>[vector<16xi32>, vector<16xi32>], vector<16xf32>,
        %parallel_loop3A_222 = arith.constant 2 : i32
        %parallel_loop3A_223 = vector.broadcast %parallel_loop3A_222 : i32 to vector<16xi32>
        %parallel_loop3A_224 = tpu.vector_load_idx %arg6[%parallel_loop3A_223, %parallel_loop3A_175] : memref<4x10000xf32, #tpu.memory_space<vmem>>[vector<16xi32>, vector<16xi32>], vector<16xf32>,
        %parallel_loop3A_225 = arith.constant 3 : i32
        %parallel_loop3A_226 = vector.broadcast %parallel_loop3A_225 : i32 to vector<16xi32>
        %parallel_loop3A_227 = tpu.vector_load_idx %arg6[%parallel_loop3A_226, %parallel_loop3A_175] : memref<4x10000xf32, #tpu.memory_space<vmem>>[vector<16xi32>, vector<16xi32>], vector<16xf32>,
        %parallel_loop3A_228 = arith.constant 0 : i32
        %parallel_loop3A_229 = vector.broadcast %parallel_loop3A_228 : i32 to vector<16xi32>
        tpu.vector_store_idx %arg7[%parallel_loop3A_229, %parallel_loop3A_137], %parallel_loop3A_182 {add = true} : memref<4x10240xf32, #tpu.memory_space<vmem>>[vector<16xi32>, vector<16xi32>], vector<16xf32>,
        %parallel_loop3A_230 = arith.constant 1 : i32
        %parallel_loop3A_231 = vector.broadcast %parallel_loop3A_230 : i32 to vector<16xi32>
        tpu.vector_store_idx %arg7[%parallel_loop3A_231, %parallel_loop3A_137], %parallel_loop3A_185 {add = true} : memref<4x10240xf32, #tpu.memory_space<vmem>>[vector<16xi32>, vector<16xi32>], vector<16xf32>,
        %parallel_loop3A_232 = arith.constant 2 : i32
        %parallel_loop3A_233 = vector.broadcast %parallel_loop3A_232 : i32 to vector<16xi32>
        tpu.vector_store_idx %arg7[%parallel_loop3A_233, %parallel_loop3A_137], %parallel_loop3A_188 {add = true} : memref<4x10240xf32, #tpu.memory_space<vmem>>[vector<16xi32>, vector<16xi32>], vector<16xf32>,
        %parallel_loop3A_234 = arith.constant 3 : i32
        %parallel_loop3A_235 = vector.broadcast %parallel_loop3A_234 : i32 to vector<16xi32>
        tpu.vector_store_idx %arg7[%parallel_loop3A_235, %parallel_loop3A_137], %parallel_loop3A_191 {add = true} : memref<4x10240xf32, #tpu.memory_space<vmem>>[vector<16xi32>, vector<16xi32>], vector<16xf32>,
        %parallel_loop3A_236 = arith.constant 0 : i32
        %parallel_loop3A_237 = vector.broadcast %parallel_loop3A_236 : i32 to vector<16xi32>
        tpu.vector_store_idx %arg7[%parallel_loop3A_237, %parallel_loop3A_151], %parallel_loop3A_194 {add = true} : memref<4x10240xf32, #tpu.memory_space<vmem>>[vector<16xi32>, vector<16xi32>], vector<16xf32>,
        %parallel_loop3A_238 = arith.constant 1 : i32
        %parallel_loop3A_239 = vector.broadcast %parallel_loop3A_238 : i32 to vector<16xi32>
        tpu.vector_store_idx %arg7[%parallel_loop3A_239, %parallel_loop3A_151], %parallel_loop3A_197 {add = true} : memref<4x10240xf32, #tpu.memory_space<vmem>>[vector<16xi32>, vector<16xi32>], vector<16xf32>,
        %parallel_loop3A_240 = arith.constant 2 : i32
        %parallel_loop3A_241 = vector.broadcast %parallel_loop3A_240 : i32 to vector<16xi32>
        tpu.vector_store_idx %arg7[%parallel_loop3A_241, %parallel_loop3A_151], %parallel_loop3A_200 {add = true} : memref<4x10240xf32, #tpu.memory_space<vmem>>[vector<16xi32>, vector<16xi32>], vector<16xf32>,
        %parallel_loop3A_242 = arith.constant 3 : i32
        %parallel_loop3A_243 = vector.broadcast %parallel_loop3A_242 : i32 to vector<16xi32>
        tpu.vector_store_idx %arg7[%parallel_loop3A_243, %parallel_loop3A_151], %parallel_loop3A_203 {add = true} : memref<4x10240xf32, #tpu.memory_space<vmem>>[vector<16xi32>, vector<16xi32>], vector<16xf32>,
        %parallel_loop3A_244 = arith.constant 0 : i32
        %parallel_loop3A_245 = vector.broadcast %parallel_loop3A_244 : i32 to vector<16xi32>
        tpu.vector_store_idx %arg7[%parallel_loop3A_245, %parallel_loop3A_165], %parallel_loop3A_206 {add = true} : memref<4x10240xf32, #tpu.memory_space<vmem>>[vector<16xi32>, vector<16xi32>], vector<16xf32>,
        %parallel_loop3A_246 = arith.constant 1 : i32
        %parallel_loop3A_247 = vector.broadcast %parallel_loop3A_246 : i32 to vector<16xi32>
        tpu.vector_store_idx %arg7[%parallel_loop3A_247, %parallel_loop3A_165], %parallel_loop3A_209 {add = true} : memref<4x10240xf32, #tpu.memory_space<vmem>>[vector<16xi32>, vector<16xi32>], vector<16xf32>,
        %parallel_loop3A_248 = arith.constant 2 : i32
        %parallel_loop3A_249 = vector.broadcast %parallel_loop3A_248 : i32 to vector<16xi32>
        tpu.vector_store_idx %arg7[%parallel_loop3A_249, %parallel_loop3A_165], %parallel_loop3A_212 {add = true} : memref<4x10240xf32, #tpu.memory_space<vmem>>[vector<16xi32>, vector<16xi32>], vector<16xf32>,
        %parallel_loop3A_250 = arith.constant 3 : i32
        %parallel_loop3A_251 = vector.broadcast %parallel_loop3A_250 : i32 to vector<16xi32>
        tpu.vector_store_idx %arg7[%parallel_loop3A_251, %parallel_loop3A_165], %parallel_loop3A_215 {add = true} : memref<4x10240xf32, #tpu.memory_space<vmem>>[vector<16xi32>, vector<16xi32>], vector<16xf32>,
        %parallel_loop3A_252 = arith.constant 0 : i32
        %parallel_loop3A_253 = vector.broadcast %parallel_loop3A_252 : i32 to vector<16xi32>
        tpu.vector_store_idx %arg7[%parallel_loop3A_253, %parallel_loop3A_179], %parallel_loop3A_218 {add = true} : memref<4x10240xf32, #tpu.memory_space<vmem>>[vector<16xi32>, vector<16xi32>], vector<16xf32>,
        %parallel_loop3A_254 = arith.constant 1 : i32
        %parallel_loop3A_255 = vector.broadcast %parallel_loop3A_254 : i32 to vector<16xi32>
        tpu.vector_store_idx %arg7[%parallel_loop3A_255, %parallel_loop3A_179], %parallel_loop3A_221 {add = true} : memref<4x10240xf32, #tpu.memory_space<vmem>>[vector<16xi32>, vector<16xi32>], vector<16xf32>,
        %parallel_loop3A_256 = arith.constant 2 : i32
        %parallel_loop3A_257 = vector.broadcast %parallel_loop3A_256 : i32 to vector<16xi32>
        tpu.vector_store_idx %arg7[%parallel_loop3A_257, %parallel_loop3A_179], %parallel_loop3A_224 {add = true} : memref<4x10240xf32, #tpu.memory_space<vmem>>[vector<16xi32>, vector<16xi32>], vector<16xf32>,
        %parallel_loop3A_258 = arith.constant 3 : i32
        %parallel_loop3A_259 = vector.broadcast %parallel_loop3A_258 : i32 to vector<16xi32>
        tpu.vector_store_idx %arg7[%parallel_loop3A_259, %parallel_loop3A_179], %parallel_loop3A_227 {add = true} : memref<4x10240xf32, #tpu.memory_space<vmem>>[vector<16xi32>, vector<16xi32>], vector<16xf32>,
      } {sc.loop_unroll_factor = 4 : i64, sc.parallel_access}
      %dma_wait3A_95 = arith.constant 1 : i32
      %dma_wait3A_96 = arith.constant 0 : i32
      %dma_wait3A_97 = tpu.memref_slice %arg8[%dma_wait3A_95, %dma_wait3A_96] : memref<2x4096xi32, #tpu.memory_space<vmem>> -> memref<1x4096xi32, #tpu.memory_space<vmem>>
      %dma_wait3A_98 = tpu.memref_squeeze %dma_wait3A_97 : memref<1x4096xi32, #tpu.memory_space<vmem>> -> memref<4096xi32, #tpu.memory_space<vmem>>
      %dma_wait3A_99 = tpu.memref_slice %arg3[%mul3A_74] : memref<393216xi32, #tpu.memory_space<hbm>> -> memref<4096xi32, #tpu.memory_space<hbm>>
      %dma_wait3A_100 = arith.constant 0 : i32
      %dma_wait3A_101 = tpu.memref_slice %arg8[%dma_wait3A_95, %dma_wait3A_100] : memref<2x4096xi32, #tpu.memory_space<vmem>> -> memref<1x4096xi32, #tpu.memory_space<vmem>>
      %dma_wait3A_102 = tpu.memref_squeeze %dma_wait3A_101 : memref<1x4096xi32, #tpu.memory_space<vmem>> -> memref<4096xi32, #tpu.memory_space<vmem>>
      %dma_wait3A_103 = tpu.memref_slice %arg3[%mul3A_74] : memref<393216xi32, #tpu.memory_space<hbm>> -> memref<4096xi32, #tpu.memory_space<hbm>>
      tpu.wait_dma2 semaphore(%arg11 : memref<!tpu.dma_semaphore, #tpu.memory_space<semaphore_mem>>) src(%dma_wait3A_103 : memref<4096xi32, #tpu.memory_space<hbm>>) dst(%dma_wait3A_102 : memref<4096xi32, #tpu.memory_space<vmem>>)
      %dma_wait3A_104 = arith.constant 1 : i32
      %dma_wait3A_105 = arith.constant 0 : i32
      %dma_wait3A_106 = tpu.memref_slice %arg9[%dma_wait3A_104, %dma_wait3A_105] : memref<2x4096xi32, #tpu.memory_space<vmem>> -> memref<1x4096xi32, #tpu.memory_space<vmem>>
      %dma_wait3A_107 = tpu.memref_squeeze %dma_wait3A_106 : memref<1x4096xi32, #tpu.memory_space<vmem>> -> memref<4096xi32, #tpu.memory_space<vmem>>
      %dma_wait3A_108 = tpu.memref_slice %arg4[%mul3A_74] : memref<393216xi32, #tpu.memory_space<hbm>> -> memref<4096xi32, #tpu.memory_space<hbm>>
      %dma_wait3A_109 = arith.constant 0 : i32
      %dma_wait3A_110 = tpu.memref_slice %arg9[%dma_wait3A_104, %dma_wait3A_109] : memref<2x4096xi32, #tpu.memory_space<vmem>> -> memref<1x4096xi32, #tpu.memory_space<vmem>>
      %dma_wait3A_111 = tpu.memref_squeeze %dma_wait3A_110 : memref<1x4096xi32, #tpu.memory_space<vmem>> -> memref<4096xi32, #tpu.memory_space<vmem>>
      %dma_wait3A_112 = tpu.memref_slice %arg4[%mul3A_74] : memref<393216xi32, #tpu.memory_space<hbm>> -> memref<4096xi32, #tpu.memory_space<hbm>>
      tpu.wait_dma2 semaphore(%arg12 : memref<!tpu.dma_semaphore, #tpu.memory_space<semaphore_mem>>) src(%dma_wait3A_112 : memref<4096xi32, #tpu.memory_space<hbm>>) dst(%dma_wait3A_111 : memref<4096xi32, #tpu.memory_space<vmem>>)
      %add3A_113 = arith.constant 2 : i32
      %add3A_114 = arith.addi %mul3A_70, %add3A_113 : i32
      %lt3A = arith.constant 96 : i32
      %lt3A_115 = arith.cmpi slt, %add3A_114, %lt3A : i32
      %convert_element_type3A = arith.extui %lt3A_115 : i1 to i32
      %cond3A = arith.constant 0 : i32
      %cond3A_116 = arith.cmpi ne, %convert_element_type3A, %cond3A : i32
      scf.if %cond3A_116 {
        %add3A_123 = arith.constant 2 : i32
        %add3A_124 = arith.addi %mul3A_70, %add3A_123 : i32
        %mul3A_125 = arith.constant 4096 : i32
        %mul3A_126 = arith.muli %add3A_124, %mul3A_125 : i32
        %dma_start3A_127 = arith.constant 0 : i32
        %dma_start3A_128 = arith.constant 0 : i32
        %dma_start3A_129 = tpu.memref_slice %arg8[%dma_start3A_127, %dma_start3A_128] : memref<2x4096xi32, #tpu.memory_space<vmem>> -> memref<1x4096xi32, #tpu.memory_space<vmem>>
        %dma_start3A_130 = tpu.memref_squeeze %dma_start3A_129 : memref<1x4096xi32, #tpu.memory_space<vmem>> -> memref<4096xi32, #tpu.memory_space<vmem>>
        %dma_start3A_131 = tpu.memref_slice %arg3[%mul3A_126] : memref<393216xi32, #tpu.memory_space<hbm>> -> memref<4096xi32, #tpu.memory_space<hbm>>
        %dma_start3A_132 = arith.constant 0 : i32
        %dma_start3A_133 = tpu.memref_slice %arg8[%dma_start3A_127, %dma_start3A_132] : memref<2x4096xi32, #tpu.memory_space<vmem>> -> memref<1x4096xi32, #tpu.memory_space<vmem>>
        %dma_start3A_134 = tpu.memref_squeeze %dma_start3A_133 : memref<1x4096xi32, #tpu.memory_space<vmem>> -> memref<4096xi32, #tpu.memory_space<vmem>>
        %dma_start3A_135 = tpu.memref_slice %arg3[%mul3A_126] : memref<393216xi32, #tpu.memory_space<hbm>> -> memref<4096xi32, #tpu.memory_space<hbm>>
        tpu.enqueue_dma source(%dma_start3A_135 : memref<4096xi32, #tpu.memory_space<hbm>>) target(%dma_start3A_134 : memref<4096xi32, #tpu.memory_space<vmem>>) target_semaphore(%arg11 : memref<!tpu.dma_semaphore, #tpu.memory_space<semaphore_mem>>)
        %dma_start3A_136 = arith.constant 0 : i32
        %dma_start3A_137 = arith.constant 0 : i32
        %dma_start3A_138 = tpu.memref_slice %arg9[%dma_start3A_136, %dma_start3A_137] : memref<2x4096xi32, #tpu.memory_space<vmem>> -> memref<1x4096xi32, #tpu.memory_space<vmem>>
        %dma_start3A_139 = tpu.memref_squeeze %dma_start3A_138 : memref<1x4096xi32, #tpu.memory_space<vmem>> -> memref<4096xi32, #tpu.memory_space<vmem>>
        %dma_start3A_140 = tpu.memref_slice %arg4[%mul3A_126] : memref<393216xi32, #tpu.memory_space<hbm>> -> memref<4096xi32, #tpu.memory_space<hbm>>
        %dma_start3A_141 = arith.constant 0 : i32
        %dma_start3A_142 = tpu.memref_slice %arg9[%dma_start3A_136, %dma_start3A_141] : memref<2x4096xi32, #tpu.memory_space<vmem>> -> memref<1x4096xi32, #tpu.memory_space<vmem>>
        %dma_start3A_143 = tpu.memref_squeeze %dma_start3A_142 : memref<1x4096xi32, #tpu.memory_space<vmem>> -> memref<4096xi32, #tpu.memory_space<vmem>>
        %dma_start3A_144 = tpu.memref_slice %arg4[%mul3A_126] : memref<393216xi32, #tpu.memory_space<hbm>> -> memref<4096xi32, #tpu.memory_space<hbm>>
        tpu.enqueue_dma source(%dma_start3A_144 : memref<4096xi32, #tpu.memory_space<hbm>>) target(%dma_start3A_143 : memref<4096xi32, #tpu.memory_space<vmem>>) target_semaphore(%arg12 : memref<!tpu.dma_semaphore, #tpu.memory_space<semaphore_mem>>)
        %parallel_loop3A_145 = arith.constant 0 : i32
        %parallel_loop3A_146 = arith.constant 64 : i32
        %parallel_loop3A_147 = arith.constant 1 : i32
        scf.for %parallel_loop3A_166 = %parallel_loop3A_145 to %parallel_loop3A_146 step %parallel_loop3A_147  : i32 {
          %parallel_loop3A_167 = arith.constant 4 : i32
          %parallel_loop3A_168 = arith.muli %parallel_loop3A_166, %parallel_loop3A_167 : i32
          %parallel_loop3A_169 = arith.constant 0 : i32
          %parallel_loop3A_170 = arith.addi %parallel_loop3A_168, %parallel_loop3A_169 : i32
          %parallel_loop3A_171 = arith.constant 16 : i32
          %parallel_loop3A_172 = arith.muli %parallel_loop3A_170, %parallel_loop3A_171 : i32
          %parallel_loop3A_173 = arith.constant 1 : i32
          %parallel_loop3A_174 = arith.index_cast %parallel_loop3A_173 : i32 to index
          %parallel_loop3A_175 = arith.index_cast %parallel_loop3A_172 : i32 to index
          %parallel_loop3A_176 = tpu.vector_load %arg8[%parallel_loop3A_174, %parallel_loop3A_175] {strides = array<i32>} : memref<2x4096xi32, #tpu.memory_space<vmem>>, vector<16xi32>,
          %parallel_loop3A_177 = arith.constant 1 : i32
          %parallel_loop3A_178 = arith.index_cast %parallel_loop3A_177 : i32 to index
          %parallel_loop3A_179 = arith.index_cast %parallel_loop3A_172 : i32 to index
          %parallel_loop3A_180 = tpu.vector_load %arg9[%parallel_loop3A_178, %parallel_loop3A_179] {strides = array<i32>} : memref<2x4096xi32, #tpu.memory_space<vmem>>, vector<16xi32>,
          %parallel_loop3A_181 = arith.constant 4 : i32
          %parallel_loop3A_182 = arith.muli %parallel_loop3A_166, %parallel_loop3A_181 : i32
          %parallel_loop3A_183 = arith.constant 1 : i32
          %parallel_loop3A_184 = arith.addi %parallel_loop3A_182, %parallel_loop3A_183 : i32
          %parallel_loop3A_185 = arith.constant 16 : i32
          %parallel_loop3A_186 = arith.muli %parallel_loop3A_184, %parallel_loop3A_185 : i32
          %parallel_loop3A_187 = arith.constant 1 : i32
          %parallel_loop3A_188 = arith.index_cast %parallel_loop3A_187 : i32 to index
          %parallel_loop3A_189 = arith.index_cast %parallel_loop3A_186 : i32 to index
          %parallel_loop3A_190 = tpu.vector_load %arg8[%parallel_loop3A_188, %parallel_loop3A_189] {strides = array<i32>} : memref<2x4096xi32, #tpu.memory_space<vmem>>, vector<16xi32>,
          %parallel_loop3A_191 = arith.constant 1 : i32
          %parallel_loop3A_192 = arith.index_cast %parallel_loop3A_191 : i32 to index
          %parallel_loop3A_193 = arith.index_cast %parallel_loop3A_186 : i32 to index
          %parallel_loop3A_194 = tpu.vector_load %arg9[%parallel_loop3A_192, %parallel_loop3A_193] {strides = array<i32>} : memref<2x4096xi32, #tpu.memory_space<vmem>>, vector<16xi32>,
          %parallel_loop3A_195 = arith.constant 4 : i32
          %parallel_loop3A_196 = arith.muli %parallel_loop3A_166, %parallel_loop3A_195 : i32
          %parallel_loop3A_197 = arith.constant 2 : i32
          %parallel_loop3A_198 = arith.addi %parallel_loop3A_196, %parallel_loop3A_197 : i32
          %parallel_loop3A_199 = arith.constant 16 : i32
          %parallel_loop3A_200 = arith.muli %parallel_loop3A_198, %parallel_loop3A_199 : i32
          %parallel_loop3A_201 = arith.constant 1 : i32
          %parallel_loop3A_202 = arith.index_cast %parallel_loop3A_201 : i32 to index
          %parallel_loop3A_203 = arith.index_cast %parallel_loop3A_200 : i32 to index
          %parallel_loop3A_204 = tpu.vector_load %arg8[%parallel_loop3A_202, %parallel_loop3A_203] {strides = array<i32>} : memref<2x4096xi32, #tpu.memory_space<vmem>>, vector<16xi32>,
          %parallel_loop3A_205 = arith.constant 1 : i32
          %parallel_loop3A_206 = arith.index_cast %parallel_loop3A_205 : i32 to index
          %parallel_loop3A_207 = arith.index_cast %parallel_loop3A_200 : i32 to index
          %parallel_loop3A_208 = tpu.vector_load %arg9[%parallel_loop3A_206, %parallel_loop3A_207] {strides = array<i32>} : memref<2x4096xi32, #tpu.memory_space<vmem>>, vector<16xi32>,
          %parallel_loop3A_209 = arith.constant 4 : i32
          %parallel_loop3A_210 = arith.muli %parallel_loop3A_166, %parallel_loop3A_209 : i32
          %parallel_loop3A_211 = arith.constant 3 : i32
          %parallel_loop3A_212 = arith.addi %parallel_loop3A_210, %parallel_loop3A_211 : i32
          %parallel_loop3A_213 = arith.constant 16 : i32
          %parallel_loop3A_214 = arith.muli %parallel_loop3A_212, %parallel_loop3A_213 : i32
          %parallel_loop3A_215 = arith.constant 1 : i32
          %parallel_loop3A_216 = arith.index_cast %parallel_loop3A_215 : i32 to index
          %parallel_loop3A_217 = arith.index_cast %parallel_loop3A_214 : i32 to index
          %parallel_loop3A_218 = tpu.vector_load %arg8[%parallel_loop3A_216, %parallel_loop3A_217] {strides = array<i32>} : memref<2x4096xi32, #tpu.memory_space<vmem>>, vector<16xi32>,
          %parallel_loop3A_219 = arith.constant 1 : i32
          %parallel_loop3A_220 = arith.index_cast %parallel_loop3A_219 : i32 to index
          %parallel_loop3A_221 = arith.index_cast %parallel_loop3A_214 : i32 to index
          %parallel_loop3A_222 = tpu.vector_load %arg9[%parallel_loop3A_220, %parallel_loop3A_221] {strides = array<i32>} : memref<2x4096xi32, #tpu.memory_space<vmem>>, vector<16xi32>,
          %parallel_loop3A_223 = arith.constant 0 : i32
          %parallel_loop3A_224 = vector.broadcast %parallel_loop3A_223 : i32 to vector<16xi32>
          %parallel_loop3A_225 = tpu.vector_load_idx %arg6[%parallel_loop3A_224, %parallel_loop3A_176] : memref<4x10000xf32, #tpu.memory_space<vmem>>[vector<16xi32>, vector<16xi32>], vector<16xf32>,
          %parallel_loop3A_226 = arith.constant 1 : i32
          %parallel_loop3A_227 = vector.broadcast %parallel_loop3A_226 : i32 to vector<16xi32>
          %parallel_loop3A_228 = tpu.vector_load_idx %arg6[%parallel_loop3A_227, %parallel_loop3A_176] : memref<4x10000xf32, #tpu.memory_space<vmem>>[vector<16xi32>, vector<16xi32>], vector<16xf32>,
          %parallel_loop3A_229 = arith.constant 2 : i32
          %parallel_loop3A_230 = vector.broadcast %parallel_loop3A_229 : i32 to vector<16xi32>
          %parallel_loop3A_231 = tpu.vector_load_idx %arg6[%parallel_loop3A_230, %parallel_loop3A_176] : memref<4x10000xf32, #tpu.memory_space<vmem>>[vector<16xi32>, vector<16xi32>], vector<16xf32>,
          %parallel_loop3A_232 = arith.constant 3 : i32
          %parallel_loop3A_233 = vector.broadcast %parallel_loop3A_232 : i32 to vector<16xi32>
          %parallel_loop3A_234 = tpu.vector_load_idx %arg6[%parallel_loop3A_233, %parallel_loop3A_176] : memref<4x10000xf32, #tpu.memory_space<vmem>>[vector<16xi32>, vector<16xi32>], vector<16xf32>,
          %parallel_loop3A_235 = arith.constant 0 : i32
          %parallel_loop3A_236 = vector.broadcast %parallel_loop3A_235 : i32 to vector<16xi32>
          %parallel_loop3A_237 = tpu.vector_load_idx %arg6[%parallel_loop3A_236, %parallel_loop3A_190] : memref<4x10000xf32, #tpu.memory_space<vmem>>[vector<16xi32>, vector<16xi32>], vector<16xf32>,
          %parallel_loop3A_238 = arith.constant 1 : i32
          %parallel_loop3A_239 = vector.broadcast %parallel_loop3A_238 : i32 to vector<16xi32>
          %parallel_loop3A_240 = tpu.vector_load_idx %arg6[%parallel_loop3A_239, %parallel_loop3A_190] : memref<4x10000xf32, #tpu.memory_space<vmem>>[vector<16xi32>, vector<16xi32>], vector<16xf32>,
          %parallel_loop3A_241 = arith.constant 2 : i32
          %parallel_loop3A_242 = vector.broadcast %parallel_loop3A_241 : i32 to vector<16xi32>
          %parallel_loop3A_243 = tpu.vector_load_idx %arg6[%parallel_loop3A_242, %parallel_loop3A_190] : memref<4x10000xf32, #tpu.memory_space<vmem>>[vector<16xi32>, vector<16xi32>], vector<16xf32>,
          %parallel_loop3A_244 = arith.constant 3 : i32
          %parallel_loop3A_245 = vector.broadcast %parallel_loop3A_244 : i32 to vector<16xi32>
          %parallel_loop3A_246 = tpu.vector_load_idx %arg6[%parallel_loop3A_245, %parallel_loop3A_190] : memref<4x10000xf32, #tpu.memory_space<vmem>>[vector<16xi32>, vector<16xi32>], vector<16xf32>,
          %parallel_loop3A_247 = arith.constant 0 : i32
          %parallel_loop3A_248 = vector.broadcast %parallel_loop3A_247 : i32 to vector<16xi32>
          %parallel_loop3A_249 = tpu.vector_load_idx %arg6[%parallel_loop3A_248, %parallel_loop3A_204] : memref<4x10000xf32, #tpu.memory_space<vmem>>[vector<16xi32>, vector<16xi32>], vector<16xf32>,
          %parallel_loop3A_250 = arith.constant 1 : i32
          %parallel_loop3A_251 = vector.broadcast %parallel_loop3A_250 : i32 to vector<16xi32>
          %parallel_loop3A_252 = tpu.vector_load_idx %arg6[%parallel_loop3A_251, %parallel_loop3A_204] : memref<4x10000xf32, #tpu.memory_space<vmem>>[vector<16xi32>, vector<16xi32>], vector<16xf32>,
          %parallel_loop3A_253 = arith.constant 2 : i32
          %parallel_loop3A_254 = vector.broadcast %parallel_loop3A_253 : i32 to vector<16xi32>
          %parallel_loop3A_255 = tpu.vector_load_idx %arg6[%parallel_loop3A_254, %parallel_loop3A_204] : memref<4x10000xf32, #tpu.memory_space<vmem>>[vector<16xi32>, vector<16xi32>], vector<16xf32>,
          %parallel_loop3A_256 = arith.constant 3 : i32
          %parallel_loop3A_257 = vector.broadcast %parallel_loop3A_256 : i32 to vector<16xi32>
          %parallel_loop3A_258 = tpu.vector_load_idx %arg6[%parallel_loop3A_257, %parallel_loop3A_204] : memref<4x10000xf32, #tpu.memory_space<vmem>>[vector<16xi32>, vector<16xi32>], vector<16xf32>,
          %parallel_loop3A_259 = arith.constant 0 : i32
          %parallel_loop3A_260 = vector.broadcast %parallel_loop3A_259 : i32 to vector<16xi32>
          %parallel_loop3A_261 = tpu.vector_load_idx %arg6[%parallel_loop3A_260, %parallel_loop3A_218] : memref<4x10000xf32, #tpu.memory_space<vmem>>[vector<16xi32>, vector<16xi32>], vector<16xf32>,
          %parallel_loop3A_262 = arith.constant 1 : i32
          %parallel_loop3A_263 = vector.broadcast %parallel_loop3A_262 : i32 to vector<16xi32>
          %parallel_loop3A_264 = tpu.vector_load_idx %arg6[%parallel_loop3A_263, %parallel_loop3A_218] : memref<4x10000xf32, #tpu.memory_space<vmem>>[vector<16xi32>, vector<16xi32>], vector<16xf32>,
          %parallel_loop3A_265 = arith.constant 2 : i32
          %parallel_loop3A_266 = vector.broadcast %parallel_loop3A_265 : i32 to vector<16xi32>
          %parallel_loop3A_267 = tpu.vector_load_idx %arg6[%parallel_loop3A_266, %parallel_loop3A_218] : memref<4x10000xf32, #tpu.memory_space<vmem>>[vector<16xi32>, vector<16xi32>], vector<16xf32>,
          %parallel_loop3A_268 = arith.constant 3 : i32
          %parallel_loop3A_269 = vector.broadcast %parallel_loop3A_268 : i32 to vector<16xi32>
          %parallel_loop3A_270 = tpu.vector_load_idx %arg6[%parallel_loop3A_269, %parallel_loop3A_218] : memref<4x10000xf32, #tpu.memory_space<vmem>>[vector<16xi32>, vector<16xi32>], vector<16xf32>,
          %parallel_loop3A_271 = arith.constant 0 : i32
          %parallel_loop3A_272 = vector.broadcast %parallel_loop3A_271 : i32 to vector<16xi32>
          tpu.vector_store_idx %arg7[%parallel_loop3A_272, %parallel_loop3A_180], %parallel_loop3A_225 {add = true} : memref<4x10240xf32, #tpu.memory_space<vmem>>[vector<16xi32>, vector<16xi32>], vector<16xf32>,
          %parallel_loop3A_273 = arith.constant 1 : i32
          %parallel_loop3A_274 = vector.broadcast %parallel_loop3A_273 : i32 to vector<16xi32>
          tpu.vector_store_idx %arg7[%parallel_loop3A_274, %parallel_loop3A_180], %parallel_loop3A_228 {add = true} : memref<4x10240xf32, #tpu.memory_space<vmem>>[vector<16xi32>, vector<16xi32>], vector<16xf32>,
          %parallel_loop3A_275 = arith.constant 2 : i32
          %parallel_loop3A_276 = vector.broadcast %parallel_loop3A_275 : i32 to vector<16xi32>
          tpu.vector_store_idx %arg7[%parallel_loop3A_276, %parallel_loop3A_180], %parallel_loop3A_231 {add = true} : memref<4x10240xf32, #tpu.memory_space<vmem>>[vector<16xi32>, vector<16xi32>], vector<16xf32>,
          %parallel_loop3A_277 = arith.constant 3 : i32
          %parallel_loop3A_278 = vector.broadcast %parallel_loop3A_277 : i32 to vector<16xi32>
          tpu.vector_store_idx %arg7[%parallel_loop3A_278, %parallel_loop3A_180], %parallel_loop3A_234 {add = true} : memref<4x10240xf32, #tpu.memory_space<vmem>>[vector<16xi32>, vector<16xi32>], vector<16xf32>,
          %parallel_loop3A_279 = arith.constant 0 : i32
          %parallel_loop3A_280 = vector.broadcast %parallel_loop3A_279 : i32 to vector<16xi32>
          tpu.vector_store_idx %arg7[%parallel_loop3A_280, %parallel_loop3A_194], %parallel_loop3A_237 {add = true} : memref<4x10240xf32, #tpu.memory_space<vmem>>[vector<16xi32>, vector<16xi32>], vector<16xf32>,
          %parallel_loop3A_281 = arith.constant 1 : i32
          %parallel_loop3A_282 = vector.broadcast %parallel_loop3A_281 : i32 to vector<16xi32>
          tpu.vector_store_idx %arg7[%parallel_loop3A_282, %parallel_loop3A_194], %parallel_loop3A_240 {add = true} : memref<4x10240xf32, #tpu.memory_space<vmem>>[vector<16xi32>, vector<16xi32>], vector<16xf32>,
          %parallel_loop3A_283 = arith.constant 2 : i32
          %parallel_loop3A_284 = vector.broadcast %parallel_loop3A_283 : i32 to vector<16xi32>
          tpu.vector_store_idx %arg7[%parallel_loop3A_284, %parallel_loop3A_194], %parallel_loop3A_243 {add = true} : memref<4x10240xf32, #tpu.memory_space<vmem>>[vector<16xi32>, vector<16xi32>], vector<16xf32>,
          %parallel_loop3A_285 = arith.constant 3 : i32
          %parallel_loop3A_286 = vector.broadcast %parallel_loop3A_285 : i32 to vector<16xi32>
          tpu.vector_store_idx %arg7[%parallel_loop3A_286, %parallel_loop3A_194], %parallel_loop3A_246 {add = true} : memref<4x10240xf32, #tpu.memory_space<vmem>>[vector<16xi32>, vector<16xi32>], vector<16xf32>,
          %parallel_loop3A_287 = arith.constant 0 : i32
          %parallel_loop3A_288 = vector.broadcast %parallel_loop3A_287 : i32 to vector<16xi32>
          tpu.vector_store_idx %arg7[%parallel_loop3A_288, %parallel_loop3A_208], %parallel_loop3A_249 {add = true} : memref<4x10240xf32, #tpu.memory_space<vmem>>[vector<16xi32>, vector<16xi32>], vector<16xf32>,
          %parallel_loop3A_289 = arith.constant 1 : i32
          %parallel_loop3A_290 = vector.broadcast %parallel_loop3A_289 : i32 to vector<16xi32>
          tpu.vector_store_idx %arg7[%parallel_loop3A_290, %parallel_loop3A_208], %parallel_loop3A_252 {add = true} : memref<4x10240xf32, #tpu.memory_space<vmem>>[vector<16xi32>, vector<16xi32>], vector<16xf32>,
          %parallel_loop3A_291 = arith.constant 2 : i32
          %parallel_loop3A_292 = vector.broadcast %parallel_loop3A_291 : i32 to vector<16xi32>
          tpu.vector_store_idx %arg7[%parallel_loop3A_292, %parallel_loop3A_208], %parallel_loop3A_255 {add = true} : memref<4x10240xf32, #tpu.memory_space<vmem>>[vector<16xi32>, vector<16xi32>], vector<16xf32>,
          %parallel_loop3A_293 = arith.constant 3 : i32
          %parallel_loop3A_294 = vector.broadcast %parallel_loop3A_293 : i32 to vector<16xi32>
          tpu.vector_store_idx %arg7[%parallel_loop3A_294, %parallel_loop3A_208], %parallel_loop3A_258 {add = true} : memref<4x10240xf32, #tpu.memory_space<vmem>>[vector<16xi32>, vector<16xi32>], vector<16xf32>,
          %parallel_loop3A_295 = arith.constant 0 : i32
          %parallel_loop3A_296 = vector.broadcast %parallel_loop3A_295 : i32 to vector<16xi32>
          tpu.vector_store_idx %arg7[%parallel_loop3A_296, %parallel_loop3A_222], %parallel_loop3A_261 {add = true} : memref<4x10240xf32, #tpu.memory_space<vmem>>[vector<16xi32>, vector<16xi32>], vector<16xf32>,
          %parallel_loop3A_297 = arith.constant 1 : i32
          %parallel_loop3A_298 = vector.broadcast %parallel_loop3A_297 : i32 to vector<16xi32>
          tpu.vector_store_idx %arg7[%parallel_loop3A_298, %parallel_loop3A_222], %parallel_loop3A_264 {add = true} : memref<4x10240xf32, #tpu.memory_space<vmem>>[vector<16xi32>, vector<16xi32>], vector<16xf32>,
          %parallel_loop3A_299 = arith.constant 2 : i32
          %parallel_loop3A_300 = vector.broadcast %parallel_loop3A_299 : i32 to vector<16xi32>
          tpu.vector_store_idx %arg7[%parallel_loop3A_300, %parallel_loop3A_222], %parallel_loop3A_267 {add = true} : memref<4x10240xf32, #tpu.memory_space<vmem>>[vector<16xi32>, vector<16xi32>], vector<16xf32>,
          %parallel_loop3A_301 = arith.constant 3 : i32
          %parallel_loop3A_302 = vector.broadcast %parallel_loop3A_301 : i32 to vector<16xi32>
          tpu.vector_store_idx %arg7[%parallel_loop3A_302, %parallel_loop3A_222], %parallel_loop3A_270 {add = true} : memref<4x10240xf32, #tpu.memory_space<vmem>>[vector<16xi32>, vector<16xi32>], vector<16xf32>,
        } {sc.loop_unroll_factor = 4 : i64, sc.parallel_access}
        %dma_wait3A_148 = arith.constant 0 : i32
        %dma_wait3A_149 = arith.constant 0 : i32
        %dma_wait3A_150 = tpu.memref_slice %arg8[%dma_wait3A_148, %dma_wait3A_149] : memref<2x4096xi32, #tpu.memory_space<vmem>> -> memref<1x4096xi32, #tpu.memory_space<vmem>>
        %dma_wait3A_151 = tpu.memref_squeeze %dma_wait3A_150 : memref<1x4096xi32, #tpu.memory_space<vmem>> -> memref<4096xi32, #tpu.memory_space<vmem>>
        %dma_wait3A_152 = tpu.memref_slice %arg3[%mul3A_126] : memref<393216xi32, #tpu.memory_space<hbm>> -> memref<4096xi32, #tpu.memory_space<hbm>>
        %dma_wait3A_153 = arith.constant 0 : i32
        %dma_wait3A_154 = tpu.memref_slice %arg8[%dma_wait3A_148, %dma_wait3A_153] : memref<2x4096xi32, #tpu.memory_space<vmem>> -> memref<1x4096xi32, #tpu.memory_space<vmem>>
        %dma_wait3A_155 = tpu.memref_squeeze %dma_wait3A_154 : memref<1x4096xi32, #tpu.memory_space<vmem>> -> memref<4096xi32, #tpu.memory_space<vmem>>
        %dma_wait3A_156 = tpu.memref_slice %arg3[%mul3A_126] : memref<393216xi32, #tpu.memory_space<hbm>> -> memref<4096xi32, #tpu.memory_space<hbm>>
        tpu.wait_dma2 semaphore(%arg11 : memref<!tpu.dma_semaphore, #tpu.memory_space<semaphore_mem>>) src(%dma_wait3A_156 : memref<4096xi32, #tpu.memory_space<hbm>>) dst(%dma_wait3A_155 : memref<4096xi32, #tpu.memory_space<vmem>>)
        %dma_wait3A_157 = arith.constant 0 : i32
        %dma_wait3A_158 = arith.constant 0 : i32
        %dma_wait3A_159 = tpu.memref_slice %arg9[%dma_wait3A_157, %dma_wait3A_158] : memref<2x4096xi32, #tpu.memory_space<vmem>> -> memref<1x4096xi32, #tpu.memory_space<vmem>>
        %dma_wait3A_160 = tpu.memref_squeeze %dma_wait3A_159 : memref<1x4096xi32, #tpu.memory_space<vmem>> -> memref<4096xi32, #tpu.memory_space<vmem>>
        %dma_wait3A_161 = tpu.memref_slice %arg4[%mul3A_126] : memref<393216xi32, #tpu.memory_space<hbm>> -> memref<4096xi32, #tpu.memory_space<hbm>>
        %dma_wait3A_162 = arith.constant 0 : i32
        %dma_wait3A_163 = tpu.memref_slice %arg9[%dma_wait3A_157, %dma_wait3A_162] : memref<2x4096xi32, #tpu.memory_space<vmem>> -> memref<1x4096xi32, #tpu.memory_space<vmem>>
        %dma_wait3A_164 = tpu.memref_squeeze %dma_wait3A_163 : memref<1x4096xi32, #tpu.memory_space<vmem>> -> memref<4096xi32, #tpu.memory_space<vmem>>
        %dma_wait3A_165 = tpu.memref_slice %arg4[%mul3A_126] : memref<393216xi32, #tpu.memory_space<hbm>> -> memref<4096xi32, #tpu.memory_space<hbm>>
        tpu.wait_dma2 semaphore(%arg12 : memref<!tpu.dma_semaphore, #tpu.memory_space<semaphore_mem>>) src(%dma_wait3A_165 : memref<4096xi32, #tpu.memory_space<hbm>>) dst(%dma_wait3A_164 : memref<4096xi32, #tpu.memory_space<vmem>>)
      } else {
      }
      %add3A_117 = arith.constant 2 : i32
      %add3A_118 = arith.addi %mul3A_70, %add3A_117 : i32
      %ge3A = arith.constant 96 : i32
      %ge3A_119 = arith.cmpi sge, %add3A_118, %ge3A : i32
      %convert_element_type3A_120 = arith.extui %ge3A_119 : i1 to i32
      %cond3A_121 = arith.constant 0 : i32
      %cond3A_122 = arith.cmpi ne, %convert_element_type3A_120, %cond3A_121 : i32
      scf.if %cond3A_122 {
        %parallel_loop3A_123 = arith.constant 0 : i32
        %parallel_loop3A_124 = arith.constant 64 : i32
        %parallel_loop3A_125 = arith.constant 1 : i32
        scf.for %parallel_loop3A_126 = %parallel_loop3A_123 to %parallel_loop3A_124 step %parallel_loop3A_125  : i32 {
          %parallel_loop3A_127 = arith.constant 4 : i32
          %parallel_loop3A_128 = arith.muli %parallel_loop3A_126, %parallel_loop3A_127 : i32
          %parallel_loop3A_129 = arith.constant 0 : i32
          %parallel_loop3A_130 = arith.addi %parallel_loop3A_128, %parallel_loop3A_129 : i32
          %parallel_loop3A_131 = arith.constant 16 : i32
          %parallel_loop3A_132 = arith.muli %parallel_loop3A_130, %parallel_loop3A_131 : i32
          %parallel_loop3A_133 = arith.constant 1 : i32
          %parallel_loop3A_134 = arith.index_cast %parallel_loop3A_133 : i32 to index
          %parallel_loop3A_135 = arith.index_cast %parallel_loop3A_132 : i32 to index
          %parallel_loop3A_136 = tpu.vector_load %arg8[%parallel_loop3A_134, %parallel_loop3A_135] {strides = array<i32>} : memref<2x4096xi32, #tpu.memory_space<vmem>>, vector<16xi32>,
          %parallel_loop3A_137 = arith.constant 1 : i32
          %parallel_loop3A_138 = arith.index_cast %parallel_loop3A_137 : i32 to index
          %parallel_loop3A_139 = arith.index_cast %parallel_loop3A_132 : i32 to index
          %parallel_loop3A_140 = tpu.vector_load %arg9[%parallel_loop3A_138, %parallel_loop3A_139] {strides = array<i32>} : memref<2x4096xi32, #tpu.memory_space<vmem>>, vector<16xi32>,
          %parallel_loop3A_141 = arith.constant 4 : i32
          %parallel_loop3A_142 = arith.muli %parallel_loop3A_126, %parallel_loop3A_141 : i32
          %parallel_loop3A_143 = arith.constant 1 : i32
          %parallel_loop3A_144 = arith.addi %parallel_loop3A_142, %parallel_loop3A_143 : i32
          %parallel_loop3A_145 = arith.constant 16 : i32
          %parallel_loop3A_146 = arith.muli %parallel_loop3A_144, %parallel_loop3A_145 : i32
          %parallel_loop3A_147 = arith.constant 1 : i32
          %parallel_loop3A_148 = arith.index_cast %parallel_loop3A_147 : i32 to index
          %parallel_loop3A_149 = arith.index_cast %parallel_loop3A_146 : i32 to index
          %parallel_loop3A_150 = tpu.vector_load %arg8[%parallel_loop3A_148, %parallel_loop3A_149] {strides = array<i32>} : memref<2x4096xi32, #tpu.memory_space<vmem>>, vector<16xi32>,
          %parallel_loop3A_151 = arith.constant 1 : i32
          %parallel_loop3A_152 = arith.index_cast %parallel_loop3A_151 : i32 to index
          %parallel_loop3A_153 = arith.index_cast %parallel_loop3A_146 : i32 to index
          %parallel_loop3A_154 = tpu.vector_load %arg9[%parallel_loop3A_152, %parallel_loop3A_153] {strides = array<i32>} : memref<2x4096xi32, #tpu.memory_space<vmem>>, vector<16xi32>,
          %parallel_loop3A_155 = arith.constant 4 : i32
          %parallel_loop3A_156 = arith.muli %parallel_loop3A_126, %parallel_loop3A_155 : i32
          %parallel_loop3A_157 = arith.constant 2 : i32
          %parallel_loop3A_158 = arith.addi %parallel_loop3A_156, %parallel_loop3A_157 : i32
          %parallel_loop3A_159 = arith.constant 16 : i32
          %parallel_loop3A_160 = arith.muli %parallel_loop3A_158, %parallel_loop3A_159 : i32
          %parallel_loop3A_161 = arith.constant 1 : i32
          %parallel_loop3A_162 = arith.index_cast %parallel_loop3A_161 : i32 to index
          %parallel_loop3A_163 = arith.index_cast %parallel_loop3A_160 : i32 to index
          %parallel_loop3A_164 = tpu.vector_load %arg8[%parallel_loop3A_162, %parallel_loop3A_163] {strides = array<i32>} : memref<2x4096xi32, #tpu.memory_space<vmem>>, vector<16xi32>,
          %parallel_loop3A_165 = arith.constant 1 : i32
          %parallel_loop3A_166 = arith.index_cast %parallel_loop3A_165 : i32 to index
          %parallel_loop3A_167 = arith.index_cast %parallel_loop3A_160 : i32 to index
          %parallel_loop3A_168 = tpu.vector_load %arg9[%parallel_loop3A_166, %parallel_loop3A_167] {strides = array<i32>} : memref<2x4096xi32, #tpu.memory_space<vmem>>, vector<16xi32>,
          %parallel_loop3A_169 = arith.constant 4 : i32
          %parallel_loop3A_170 = arith.muli %parallel_loop3A_126, %parallel_loop3A_169 : i32
          %parallel_loop3A_171 = arith.constant 3 : i32
          %parallel_loop3A_172 = arith.addi %parallel_loop3A_170, %parallel_loop3A_171 : i32
          %parallel_loop3A_173 = arith.constant 16 : i32
          %parallel_loop3A_174 = arith.muli %parallel_loop3A_172, %parallel_loop3A_173 : i32
          %parallel_loop3A_175 = arith.constant 1 : i32
          %parallel_loop3A_176 = arith.index_cast %parallel_loop3A_175 : i32 to index
          %parallel_loop3A_177 = arith.index_cast %parallel_loop3A_174 : i32 to index
          %parallel_loop3A_178 = tpu.vector_load %arg8[%parallel_loop3A_176, %parallel_loop3A_177] {strides = array<i32>} : memref<2x4096xi32, #tpu.memory_space<vmem>>, vector<16xi32>,
          %parallel_loop3A_179 = arith.constant 1 : i32
          %parallel_loop3A_180 = arith.index_cast %parallel_loop3A_179 : i32 to index
          %parallel_loop3A_181 = arith.index_cast %parallel_loop3A_174 : i32 to index
          %parallel_loop3A_182 = tpu.vector_load %arg9[%parallel_loop3A_180, %parallel_loop3A_181] {strides = array<i32>} : memref<2x4096xi32, #tpu.memory_space<vmem>>, vector<16xi32>,
          %parallel_loop3A_183 = arith.constant 0 : i32
          %parallel_loop3A_184 = vector.broadcast %parallel_loop3A_183 : i32 to vector<16xi32>
          %parallel_loop3A_185 = tpu.vector_load_idx %arg6[%parallel_loop3A_184, %parallel_loop3A_136] : memref<4x10000xf32, #tpu.memory_space<vmem>>[vector<16xi32>, vector<16xi32>], vector<16xf32>,
          %parallel_loop3A_186 = arith.constant 1 : i32
          %parallel_loop3A_187 = vector.broadcast %parallel_loop3A_186 : i32 to vector<16xi32>
          %parallel_loop3A_188 = tpu.vector_load_idx %arg6[%parallel_loop3A_187, %parallel_loop3A_136] : memref<4x10000xf32, #tpu.memory_space<vmem>>[vector<16xi32>, vector<16xi32>], vector<16xf32>,
          %parallel_loop3A_189 = arith.constant 2 : i32
          %parallel_loop3A_190 = vector.broadcast %parallel_loop3A_189 : i32 to vector<16xi32>
          %parallel_loop3A_191 = tpu.vector_load_idx %arg6[%parallel_loop3A_190, %parallel_loop3A_136] : memref<4x10000xf32, #tpu.memory_space<vmem>>[vector<16xi32>, vector<16xi32>], vector<16xf32>,
          %parallel_loop3A_192 = arith.constant 3 : i32
          %parallel_loop3A_193 = vector.broadcast %parallel_loop3A_192 : i32 to vector<16xi32>
          %parallel_loop3A_194 = tpu.vector_load_idx %arg6[%parallel_loop3A_193, %parallel_loop3A_136] : memref<4x10000xf32, #tpu.memory_space<vmem>>[vector<16xi32>, vector<16xi32>], vector<16xf32>,
          %parallel_loop3A_195 = arith.constant 0 : i32
          %parallel_loop3A_196 = vector.broadcast %parallel_loop3A_195 : i32 to vector<16xi32>
          %parallel_loop3A_197 = tpu.vector_load_idx %arg6[%parallel_loop3A_196, %parallel_loop3A_150] : memref<4x10000xf32, #tpu.memory_space<vmem>>[vector<16xi32>, vector<16xi32>], vector<16xf32>,
          %parallel_loop3A_198 = arith.constant 1 : i32
          %parallel_loop3A_199 = vector.broadcast %parallel_loop3A_198 : i32 to vector<16xi32>
          %parallel_loop3A_200 = tpu.vector_load_idx %arg6[%parallel_loop3A_199, %parallel_loop3A_150] : memref<4x10000xf32, #tpu.memory_space<vmem>>[vector<16xi32>, vector<16xi32>], vector<16xf32>,
          %parallel_loop3A_201 = arith.constant 2 : i32
          %parallel_loop3A_202 = vector.broadcast %parallel_loop3A_201 : i32 to vector<16xi32>
          %parallel_loop3A_203 = tpu.vector_load_idx %arg6[%parallel_loop3A_202, %parallel_loop3A_150] : memref<4x10000xf32, #tpu.memory_space<vmem>>[vector<16xi32>, vector<16xi32>], vector<16xf32>,
          %parallel_loop3A_204 = arith.constant 3 : i32
          %parallel_loop3A_205 = vector.broadcast %parallel_loop3A_204 : i32 to vector<16xi32>
          %parallel_loop3A_206 = tpu.vector_load_idx %arg6[%parallel_loop3A_205, %parallel_loop3A_150] : memref<4x10000xf32, #tpu.memory_space<vmem>>[vector<16xi32>, vector<16xi32>], vector<16xf32>,
          %parallel_loop3A_207 = arith.constant 0 : i32
          %parallel_loop3A_208 = vector.broadcast %parallel_loop3A_207 : i32 to vector<16xi32>
          %parallel_loop3A_209 = tpu.vector_load_idx %arg6[%parallel_loop3A_208, %parallel_loop3A_164] : memref<4x10000xf32, #tpu.memory_space<vmem>>[vector<16xi32>, vector<16xi32>], vector<16xf32>,
          %parallel_loop3A_210 = arith.constant 1 : i32
          %parallel_loop3A_211 = vector.broadcast %parallel_loop3A_210 : i32 to vector<16xi32>
          %parallel_loop3A_212 = tpu.vector_load_idx %arg6[%parallel_loop3A_211, %parallel_loop3A_164] : memref<4x10000xf32, #tpu.memory_space<vmem>>[vector<16xi32>, vector<16xi32>], vector<16xf32>,
          %parallel_loop3A_213 = arith.constant 2 : i32
          %parallel_loop3A_214 = vector.broadcast %parallel_loop3A_213 : i32 to vector<16xi32>
          %parallel_loop3A_215 = tpu.vector_load_idx %arg6[%parallel_loop3A_214, %parallel_loop3A_164] : memref<4x10000xf32, #tpu.memory_space<vmem>>[vector<16xi32>, vector<16xi32>], vector<16xf32>,
          %parallel_loop3A_216 = arith.constant 3 : i32
          %parallel_loop3A_217 = vector.broadcast %parallel_loop3A_216 : i32 to vector<16xi32>
          %parallel_loop3A_218 = tpu.vector_load_idx %arg6[%parallel_loop3A_217, %parallel_loop3A_164] : memref<4x10000xf32, #tpu.memory_space<vmem>>[vector<16xi32>, vector<16xi32>], vector<16xf32>,
          %parallel_loop3A_219 = arith.constant 0 : i32
          %parallel_loop3A_220 = vector.broadcast %parallel_loop3A_219 : i32 to vector<16xi32>
          %parallel_loop3A_221 = tpu.vector_load_idx %arg6[%parallel_loop3A_220, %parallel_loop3A_178] : memref<4x10000xf32, #tpu.memory_space<vmem>>[vector<16xi32>, vector<16xi32>], vector<16xf32>,
          %parallel_loop3A_222 = arith.constant 1 : i32
          %parallel_loop3A_223 = vector.broadcast %parallel_loop3A_222 : i32 to vector<16xi32>
          %parallel_loop3A_224 = tpu.vector_load_idx %arg6[%parallel_loop3A_223, %parallel_loop3A_178] : memref<4x10000xf32, #tpu.memory_space<vmem>>[vector<16xi32>, vector<16xi32>], vector<16xf32>,
          %parallel_loop3A_225 = arith.constant 2 : i32
          %parallel_loop3A_226 = vector.broadcast %parallel_loop3A_225 : i32 to vector<16xi32>
          %parallel_loop3A_227 = tpu.vector_load_idx %arg6[%parallel_loop3A_226, %parallel_loop3A_178] : memref<4x10000xf32, #tpu.memory_space<vmem>>[vector<16xi32>, vector<16xi32>], vector<16xf32>,
          %parallel_loop3A_228 = arith.constant 3 : i32
          %parallel_loop3A_229 = vector.broadcast %parallel_loop3A_228 : i32 to vector<16xi32>
          %parallel_loop3A_230 = tpu.vector_load_idx %arg6[%parallel_loop3A_229, %parallel_loop3A_178] : memref<4x10000xf32, #tpu.memory_space<vmem>>[vector<16xi32>, vector<16xi32>], vector<16xf32>,
          %parallel_loop3A_231 = arith.constant 0 : i32
          %parallel_loop3A_232 = vector.broadcast %parallel_loop3A_231 : i32 to vector<16xi32>
          tpu.vector_store_idx %arg7[%parallel_loop3A_232, %parallel_loop3A_140], %parallel_loop3A_185 {add = true} : memref<4x10240xf32, #tpu.memory_space<vmem>>[vector<16xi32>, vector<16xi32>], vector<16xf32>,
          %parallel_loop3A_233 = arith.constant 1 : i32
          %parallel_loop3A_234 = vector.broadcast %parallel_loop3A_233 : i32 to vector<16xi32>
          tpu.vector_store_idx %arg7[%parallel_loop3A_234, %parallel_loop3A_140], %parallel_loop3A_188 {add = true} : memref<4x10240xf32, #tpu.memory_space<vmem>>[vector<16xi32>, vector<16xi32>], vector<16xf32>,
          %parallel_loop3A_235 = arith.constant 2 : i32
          %parallel_loop3A_236 = vector.broadcast %parallel_loop3A_235 : i32 to vector<16xi32>
          tpu.vector_store_idx %arg7[%parallel_loop3A_236, %parallel_loop3A_140], %parallel_loop3A_191 {add = true} : memref<4x10240xf32, #tpu.memory_space<vmem>>[vector<16xi32>, vector<16xi32>], vector<16xf32>,
          %parallel_loop3A_237 = arith.constant 3 : i32
          %parallel_loop3A_238 = vector.broadcast %parallel_loop3A_237 : i32 to vector<16xi32>
          tpu.vector_store_idx %arg7[%parallel_loop3A_238, %parallel_loop3A_140], %parallel_loop3A_194 {add = true} : memref<4x10240xf32, #tpu.memory_space<vmem>>[vector<16xi32>, vector<16xi32>], vector<16xf32>,
          %parallel_loop3A_239 = arith.constant 0 : i32
          %parallel_loop3A_240 = vector.broadcast %parallel_loop3A_239 : i32 to vector<16xi32>
          tpu.vector_store_idx %arg7[%parallel_loop3A_240, %parallel_loop3A_154], %parallel_loop3A_197 {add = true} : memref<4x10240xf32, #tpu.memory_space<vmem>>[vector<16xi32>, vector<16xi32>], vector<16xf32>,
          %parallel_loop3A_241 = arith.constant 1 : i32
          %parallel_loop3A_242 = vector.broadcast %parallel_loop3A_241 : i32 to vector<16xi32>
          tpu.vector_store_idx %arg7[%parallel_loop3A_242, %parallel_loop3A_154], %parallel_loop3A_200 {add = true} : memref<4x10240xf32, #tpu.memory_space<vmem>>[vector<16xi32>, vector<16xi32>], vector<16xf32>,
          %parallel_loop3A_243 = arith.constant 2 : i32
          %parallel_loop3A_244 = vector.broadcast %parallel_loop3A_243 : i32 to vector<16xi32>
          tpu.vector_store_idx %arg7[%parallel_loop3A_244, %parallel_loop3A_154], %parallel_loop3A_203 {add = true} : memref<4x10240xf32, #tpu.memory_space<vmem>>[vector<16xi32>, vector<16xi32>], vector<16xf32>,
          %parallel_loop3A_245 = arith.constant 3 : i32
          %parallel_loop3A_246 = vector.broadcast %parallel_loop3A_245 : i32 to vector<16xi32>
          tpu.vector_store_idx %arg7[%parallel_loop3A_246, %parallel_loop3A_154], %parallel_loop3A_206 {add = true} : memref<4x10240xf32, #tpu.memory_space<vmem>>[vector<16xi32>, vector<16xi32>], vector<16xf32>,
          %parallel_loop3A_247 = arith.constant 0 : i32
          %parallel_loop3A_248 = vector.broadcast %parallel_loop3A_247 : i32 to vector<16xi32>
          tpu.vector_store_idx %arg7[%parallel_loop3A_248, %parallel_loop3A_168], %parallel_loop3A_209 {add = true} : memref<4x10240xf32, #tpu.memory_space<vmem>>[vector<16xi32>, vector<16xi32>], vector<16xf32>,
          %parallel_loop3A_249 = arith.constant 1 : i32
          %parallel_loop3A_250 = vector.broadcast %parallel_loop3A_249 : i32 to vector<16xi32>
          tpu.vector_store_idx %arg7[%parallel_loop3A_250, %parallel_loop3A_168], %parallel_loop3A_212 {add = true} : memref<4x10240xf32, #tpu.memory_space<vmem>>[vector<16xi32>, vector<16xi32>], vector<16xf32>,
          %parallel_loop3A_251 = arith.constant 2 : i32
          %parallel_loop3A_252 = vector.broadcast %parallel_loop3A_251 : i32 to vector<16xi32>
          tpu.vector_store_idx %arg7[%parallel_loop3A_252, %parallel_loop3A_168], %parallel_loop3A_215 {add = true} : memref<4x10240xf32, #tpu.memory_space<vmem>>[vector<16xi32>, vector<16xi32>], vector<16xf32>,
          %parallel_loop3A_253 = arith.constant 3 : i32
          %parallel_loop3A_254 = vector.broadcast %parallel_loop3A_253 : i32 to vector<16xi32>
          tpu.vector_store_idx %arg7[%parallel_loop3A_254, %parallel_loop3A_168], %parallel_loop3A_218 {add = true} : memref<4x10240xf32, #tpu.memory_space<vmem>>[vector<16xi32>, vector<16xi32>], vector<16xf32>,
          %parallel_loop3A_255 = arith.constant 0 : i32
          %parallel_loop3A_256 = vector.broadcast %parallel_loop3A_255 : i32 to vector<16xi32>
          tpu.vector_store_idx %arg7[%parallel_loop3A_256, %parallel_loop3A_182], %parallel_loop3A_221 {add = true} : memref<4x10240xf32, #tpu.memory_space<vmem>>[vector<16xi32>, vector<16xi32>], vector<16xf32>,
          %parallel_loop3A_257 = arith.constant 1 : i32
          %parallel_loop3A_258 = vector.broadcast %parallel_loop3A_257 : i32 to vector<16xi32>
          tpu.vector_store_idx %arg7[%parallel_loop3A_258, %parallel_loop3A_182], %parallel_loop3A_224 {add = true} : memref<4x10240xf32, #tpu.memory_space<vmem>>[vector<16xi32>, vector<16xi32>], vector<16xf32>,
          %parallel_loop3A_259 = arith.constant 2 : i32
          %parallel_loop3A_260 = vector.broadcast %parallel_loop3A_259 : i32 to vector<16xi32>
          tpu.vector_store_idx %arg7[%parallel_loop3A_260, %parallel_loop3A_182], %parallel_loop3A_227 {add = true} : memref<4x10240xf32, #tpu.memory_space<vmem>>[vector<16xi32>, vector<16xi32>], vector<16xf32>,
          %parallel_loop3A_261 = arith.constant 3 : i32
          %parallel_loop3A_262 = vector.broadcast %parallel_loop3A_261 : i32 to vector<16xi32>
          tpu.vector_store_idx %arg7[%parallel_loop3A_262, %parallel_loop3A_182], %parallel_loop3A_230 {add = true} : memref<4x10240xf32, #tpu.memory_space<vmem>>[vector<16xi32>, vector<16xi32>], vector<16xf32>,
        } {sc.loop_unroll_factor = 4 : i64, sc.parallel_access}
      } else {
      }
    }
    %scan3A_61 = arith.constant 48 : i32
    %mul3A_62 = arith.constant 4 : i32
    %mul3A_63 = arith.muli %add3A, %mul3A_62 : i32
    "tpu.region"() ({
      %run_scoped3A = tpu.sem_alloc : memref<!tpu.dma_semaphore, #tpu.memory_space<semaphore_mem>>
      %dma_start3A_64 = arith.constant 0 : i32
      %dma_start3A_65 = tpu.memref_slice %arg5[%mul3A_63, %dma_start3A_64] : memref<128x10240xf32, #tpu.memory_space<hbm>> -> memref<4x10240xf32, #tpu.memory_space<hbm>>
      %dma_start3A_66 = arith.constant 0 : i32
      %dma_start3A_67 = tpu.memref_slice %arg5[%mul3A_63, %dma_start3A_66] : memref<128x10240xf32, #tpu.memory_space<hbm>> -> memref<4x10240xf32, #tpu.memory_space<hbm>>
      tpu.enqueue_dma source(%arg7 : memref<4x10240xf32, #tpu.memory_space<vmem>>) target(%dma_start3A_67 : memref<4x10240xf32, #tpu.memory_space<hbm>>) target_semaphore(%run_scoped3A : memref<!tpu.dma_semaphore, #tpu.memory_space<semaphore_mem>>)
      %dma_wait3A_68 = arith.constant 0 : i32
      %dma_wait3A_69 = tpu.memref_slice %arg5[%mul3A_63, %dma_wait3A_68] : memref<128x10240xf32, #tpu.memory_space<hbm>> -> memref<4x10240xf32, #tpu.memory_space<hbm>>
      %dma_wait3A_70 = arith.constant 0 : i32
      %dma_wait3A_71 = tpu.memref_slice %arg5[%mul3A_63, %dma_wait3A_70] : memref<128x10240xf32, #tpu.memory_space<hbm>> -> memref<4x10240xf32, #tpu.memory_space<hbm>>
      tpu.wait_dma2 semaphore(%run_scoped3A : memref<!tpu.dma_semaphore, #tpu.memory_space<semaphore_mem>>) src(%arg7 : memref<4x10240xf32, #tpu.memory_space<vmem>>) dst(%dma_wait3A_71 : memref<4x10240xf32, #tpu.memory_space<hbm>>)
      tpu.yield
    }) : () -> ()
    return
  }
}

module attributes {stable_mosaic.version = 14 : i64} {
  func.func @body(%arg0: memref<32x10240xf32, #tpu.memory_space<vmem>>, %arg1: memref<32x10240xf32, #tpu.memory_space<vmem>>, %arg2: memref<10000x128xf32, #tpu.memory_space<vmem>>, %arg3: memref<128x10000xf32, #tpu.memory_space<vmem>>, %arg4: memref<1x10000xf32, #tpu.memory_space<vmem>>, %arg5: memref<1x10000xf32, #tpu.memory_space<vmem>>) attributes {dimension_semantics = [], scalar_prefetch = 0 : i64, scratch_operands = 0 : i64, tpu.core_type = #tpu.core_type<tc>} {
    %get3A = arith.constant 0 : index
    %get3A_0 = arith.constant 0 : index
    %get3A_1 = vector.load %arg0[%get3A, %get3A_0] : memref<32x10240xf32, #tpu.memory_space<vmem>>, vector<32x10240xf32>
    %reduce_sum3A = arith.constant dense<0.000000e+00> : vector<10240xf32>
    %reduce_sum3A_2 = vector.multi_reduction <add>, %get3A_1, %reduce_sum3A [0] : vector<32x10240xf32> to vector<10240xf32>
    %broadcast_in_dim3A = vector.shape_cast %reduce_sum3A_2 : vector<10240xf32> to vector<1x10240xf32>
    %slice3A = vector.extract_strided_slice %broadcast_in_dim3A {offsets = [0, 0], sizes = [1, 10000], strides = [1, 1]} : vector<1x10240xf32> to vector<1x10000xf32>
    %get3A_3 = arith.constant 0 : index
    %get3A_4 = arith.constant 0 : index
    %get3A_5 = vector.load %arg1[%get3A_3, %get3A_4] : memref<32x10240xf32, #tpu.memory_space<vmem>>, vector<32x10240xf32>
    %reduce_sum3A_6 = arith.constant dense<0.000000e+00> : vector<10240xf32>
    %reduce_sum3A_7 = vector.multi_reduction <add>, %get3A_5, %reduce_sum3A_6 [0] : vector<32x10240xf32> to vector<10240xf32>
    %broadcast_in_dim3A_8 = vector.shape_cast %reduce_sum3A_7 : vector<10240xf32> to vector<1x10240xf32>
    %slice3A_9 = vector.extract_strided_slice %broadcast_in_dim3A_8 {offsets = [0, 0], sizes = [1, 10000], strides = [1, 1]} : vector<1x10240xf32> to vector<1x10000xf32>
    %gt3A = arith.constant 0.000000e+00 : f32
    %gt3A_10 = vector.broadcast %gt3A : f32 to vector<1x10000xf32>
    %gt3A_11 = arith.cmpf ogt, %slice3A, %gt3A_10 : vector<1x10000xf32>
    %max3A = arith.constant 9.99999996E-13 : f32
    %max3A_12 = vector.broadcast %max3A : f32 to vector<1x10000xf32>
    %max3A_13 = arith.maximumf %slice3A, %max3A_12 : vector<1x10000xf32>
    %rsqrt3A = math.rsqrt %max3A_13 : vector<1x10000xf32>
    %jit3A = arith.constant 0.000000e+00 : f32
    %broadcast_in_dim3A_14 = vector.broadcast %jit3A : f32 to vector<1x10000xf32>
    %select_n3A = arith.select %gt3A_11, %rsqrt3A, %broadcast_in_dim3A_14 : vector<1x10000xi1>, vector<1x10000xf32>
    %gt3A_15 = arith.constant 0.000000e+00 : f32
    %gt3A_16 = vector.broadcast %gt3A_15 : f32 to vector<1x10000xf32>
    %gt3A_17 = arith.cmpf ogt, %slice3A_9, %gt3A_16 : vector<1x10000xf32>
    %max3A_18 = arith.constant 9.99999996E-13 : f32
    %max3A_19 = vector.broadcast %max3A_18 : f32 to vector<1x10000xf32>
    %max3A_20 = arith.maximumf %slice3A_9, %max3A_19 : vector<1x10000xf32>
    %rsqrt3A_21 = math.rsqrt %max3A_20 : vector<1x10000xf32>
    %jit3A_22 = arith.constant 0.000000e+00 : f32
    %broadcast_in_dim3A_23 = vector.broadcast %jit3A_22 : f32 to vector<1x10000xf32>
    %select_n3A_24 = arith.select %gt3A_17, %rsqrt3A_21, %broadcast_in_dim3A_23 : vector<1x10000xi1>, vector<1x10000xf32>
    %swap3A = arith.constant 0 : index
    %swap3A_25 = arith.constant 0 : index
    %swap3A_26 = vector.load %arg5[%swap3A, %swap3A_25] : memref<1x10000xf32, #tpu.memory_space<vmem>>, vector<1x10000xf32>
    tpu.vector_store %arg5[%swap3A, %swap3A_25], %select_n3A {strides = array<i32>} : memref<1x10000xf32, #tpu.memory_space<vmem>>, vector<1x10000xf32>,
    %swap3A_27 = arith.constant 0 : index
    %swap3A_28 = arith.constant 0 : index
    %swap3A_29 = vector.load %arg4[%swap3A_27, %swap3A_28] : memref<1x10000xf32, #tpu.memory_space<vmem>>, vector<1x10000xf32>
    tpu.vector_store %arg4[%swap3A_27, %swap3A_28], %select_n3A_24 {strides = array<i32>} : memref<1x10000xf32, #tpu.memory_space<vmem>>, vector<1x10000xf32>,
    %get3A_30 = arith.constant 0 : index
    %get3A_31 = arith.constant 0 : index
    %get3A_32 = vector.load %arg2[%get3A_30, %get3A_31] : memref<10000x128xf32, #tpu.memory_space<vmem>>, vector<10000x128xf32>
    %transpose3A = tpu.transpose %get3A_32, [1, 0] : vector<10000x128xf32> -> vector<128x10000xf32>
    %mul3A = vector.broadcast %select_n3A : vector<1x10000xf32> to vector<128x10000xf32>
    %mul3A_33 = arith.mulf %transpose3A, %mul3A : vector<128x10000xf32>
    %swap3A_34 = arith.constant 0 : index
    %swap3A_35 = arith.constant 0 : index
    %swap3A_36 = vector.load %arg3[%swap3A_34, %swap3A_35] : memref<128x10000xf32, #tpu.memory_space<vmem>>, vector<128x10000xf32>
    tpu.vector_store %arg3[%swap3A_34, %swap3A_35], %mul3A_33 {strides = array<i32>} : memref<128x10000xf32, #tpu.memory_space<vmem>>, vector<128x10000xf32>,
    return
  }
}

module attributes {stable_mosaic.version = 14 : i64} {
  func.func @body(%arg0: memref<128x10240xf32, #tpu.memory_space<vmem>>, %arg1: memref<1x10000xf32, #tpu.memory_space<vmem>>, %arg2: memref<1x10000xf32, #tpu.memory_space<vmem>>, %arg3: memref<128x128xf32, #tpu.memory_space<vmem>>, %arg4: memref<128x1xf32, #tpu.memory_space<vmem>>, %arg5: memref<128x10000xf32, #tpu.memory_space<vmem>>) attributes {dimension_semantics = [], scalar_prefetch = 0 : i64, scratch_operands = 0 : i64, tpu.core_type = #tpu.core_type<tc>} {
    %get3A = arith.constant 0 : index
    %get3A_0 = arith.constant 0 : index
    %get3A_1 = vector.load %arg0[%get3A, %get3A_0] : memref<128x10240xf32, #tpu.memory_space<vmem>>, vector<128x10000xf32>
    %get3A_2 = arith.constant 0 : index
    %get3A_3 = arith.constant 0 : index
    %get3A_4 = vector.load %arg1[%get3A_2, %get3A_3] : memref<1x10000xf32, #tpu.memory_space<vmem>>, vector<1x10000xf32>
    %mul3A = vector.broadcast %get3A_4 : vector<1x10000xf32> to vector<128x10000xf32>
    %mul3A_5 = arith.mulf %get3A_1, %mul3A : vector<128x10000xf32>
    %get3A_6 = arith.constant 0 : index
    %get3A_7 = arith.constant 0 : index
    %get3A_8 = vector.load %arg3[%get3A_6, %get3A_7] : memref<128x128xf32, #tpu.memory_space<vmem>>, vector<128x128xf32>
    %dot_general3A = arith.constant dense<0.000000e+00> : vector<128x10000xf32>
    %dot_general3A_9 = tpu.matmul %get3A_8, %mul3A_5, %dot_general3A {dimension_numbers = #tpu.dot_dimension_numbers<[1], [0], [0], [1], [0, 0, 1, 1], [], []>, precision = #tpu.contract_precision<fp32>, transpose_lhs_hint = false} : vector<128x128xf32>, vector<128x10000xf32>, vector<128x10000xf32> -> vector<128x10000xf32>
    %get3A_10 = arith.constant 0 : index
    %get3A_11 = arith.constant 0 : index
    %get3A_12 = vector.load %arg4[%get3A_10, %get3A_11] : memref<128x1xf32, #tpu.memory_space<vmem>>, vector<128x1xf32>
    %add3A = vector.broadcast %get3A_12 : vector<128x1xf32> to vector<128x10000xf32>
    %add3A_13 = arith.addf %dot_general3A_9, %add3A : vector<128x10000xf32>
    %max3A = arith.constant 0.000000e+00 : f32
    %max3A_14 = vector.broadcast %max3A : f32 to vector<128x10000xf32>
    %max3A_15 = arith.maximumf %add3A_13, %max3A_14 : vector<128x10000xf32>
    %get3A_16 = arith.constant 0 : index
    %get3A_17 = arith.constant 0 : index
    %get3A_18 = vector.load %arg2[%get3A_16, %get3A_17] : memref<1x10000xf32, #tpu.memory_space<vmem>>, vector<1x10000xf32>
    %mul3A_19 = vector.broadcast %get3A_18 : vector<1x10000xf32> to vector<128x10000xf32>
    %mul3A_20 = arith.mulf %max3A_15, %mul3A_19 : vector<128x10000xf32>
    %swap3A = arith.constant 0 : index
    %swap3A_21 = arith.constant 0 : index
    %swap3A_22 = vector.load %arg5[%swap3A, %swap3A_21] : memref<128x10000xf32, #tpu.memory_space<vmem>>, vector<128x10000xf32>
    tpu.vector_store %arg5[%swap3A, %swap3A_21], %mul3A_20 {strides = array<i32>} : memref<128x10000xf32, #tpu.memory_space<vmem>>, vector<128x10000xf32>,
    return
  }
}

module attributes {stable_mosaic.version = 14 : i64} {
  func.func @body(%arg0: memref<128x10240xf32, #tpu.memory_space<vmem>>, %arg1: memref<1x10000xf32, #tpu.memory_space<vmem>>, %arg2: memref<1x10000xf32, #tpu.memory_space<vmem>>, %arg3: memref<128x128xf32, #tpu.memory_space<vmem>>, %arg4: memref<128x1xf32, #tpu.memory_space<vmem>>, %arg5: memref<10000x128xf32, #tpu.memory_space<vmem>>) attributes {dimension_semantics = [], scalar_prefetch = 0 : i64, scratch_operands = 0 : i64, tpu.core_type = #tpu.core_type<tc>} {
    %get3A = arith.constant 0 : index
    %get3A_0 = arith.constant 0 : index
    %get3A_1 = vector.load %arg0[%get3A, %get3A_0] : memref<128x10240xf32, #tpu.memory_space<vmem>>, vector<128x10000xf32>
    %get3A_2 = arith.constant 0 : index
    %get3A_3 = arith.constant 0 : index
    %get3A_4 = vector.load %arg1[%get3A_2, %get3A_3] : memref<1x10000xf32, #tpu.memory_space<vmem>>, vector<1x10000xf32>
    %mul3A = vector.broadcast %get3A_4 : vector<1x10000xf32> to vector<128x10000xf32>
    %mul3A_5 = arith.mulf %get3A_1, %mul3A : vector<128x10000xf32>
    %get3A_6 = arith.constant 0 : index
    %get3A_7 = arith.constant 0 : index
    %get3A_8 = vector.load %arg3[%get3A_6, %get3A_7] : memref<128x128xf32, #tpu.memory_space<vmem>>, vector<128x128xf32>
    %dot_general3A = arith.constant dense<0.000000e+00> : vector<128x10000xf32>
    %dot_general3A_9 = tpu.matmul %get3A_8, %mul3A_5, %dot_general3A {dimension_numbers = #tpu.dot_dimension_numbers<[1], [0], [0], [1], [0, 0, 1, 1], [], []>, precision = #tpu.contract_precision<fp32>, transpose_lhs_hint = false} : vector<128x128xf32>, vector<128x10000xf32>, vector<128x10000xf32> -> vector<128x10000xf32>
    %get3A_10 = arith.constant 0 : index
    %get3A_11 = arith.constant 0 : index
    %get3A_12 = vector.load %arg4[%get3A_10, %get3A_11] : memref<128x1xf32, #tpu.memory_space<vmem>>, vector<128x1xf32>
    %add3A = vector.broadcast %get3A_12 : vector<128x1xf32> to vector<128x10000xf32>
    %add3A_13 = arith.addf %dot_general3A_9, %add3A : vector<128x10000xf32>
    %transpose3A = tpu.transpose %add3A_13, [1, 0] : vector<128x10000xf32> -> vector<10000x128xf32>
    %swap3A = arith.constant 0 : index
    %swap3A_14 = arith.constant 0 : index
    %swap3A_15 = vector.load %arg5[%swap3A, %swap3A_14] : memref<10000x128xf32, #tpu.memory_space<vmem>>, vector<10000x128xf32>
    tpu.vector_store %arg5[%swap3A, %swap3A_14], %transpose3A {strides = array<i32>} : memref<10000x128xf32, #tpu.memory_space<vmem>>, vector<10000x128xf32>,
    return
  }
}

</mosaic_0001>

<sc_bundles>
// kernel: kernel.10.cloned.1.call-start
scs
__scs_entry_jumppad:
0x0: {  	(pc) =	sbr.rel $0x88, $3  }
0x1: {  	(tag) =	ssettag $0x0;
	lr =	simm.s32 $0x1  }
0x2: {  	[smem:$0x3F99] =	sst lr;
	_ =	strace $0xD0000000  }
0x3: {  	_ = 	snop  }
0x4: {  	_ = 	snop  }
0x5: {  	_ = 	snop  }
0x6: {  	_ = 	snop  }
0x7: {  	_ = 	snop  }
__scs_overlays_trampoline_lowered:
0x8: {  	[smem:$0x3FA8] =	sst s0  }
0x9: {  	[smem:$0x3FA9] =	sst s1  }
0xa: {  	[smem:$0x3FAA] =	sst s2  }
0xb: {  	[smem:$0x3FAB] =	sst s3  }
0xc: {  	[smem:$0x3FAC] =	sst s4  }
0xd: {  	[smem:$0x3FAD] =	sst s5  }
0xe: {  	[smem:$0x3FAE] =	sst s6  }
0xf: {  	[smem:$0x3FAF] =	sst s7  }
0x10: {  	[smem:$0x3FB0] =	sst s8  }
0x11: {  	[smem:$0x3FB1] =	sst s9;
	s0 =	simm.s32 @!p0 $0x0  }
0x12: {  	s1 =	sld [smem:$0x3F97];
	s0 =	simm.s32 @p0 $0x1  }
0x13: {  	[smem:$0x3FB2] =	sst s0;
	s0 =	simm.s32 @!p1 $0x0  }
0x14: {  	s2 =	sld [smem:$0x3F96];
	s0 =	simm.s32 @p1 $0x1  }
0x15: {  	[smem:$0x3FB3] =	sst s0;
	s0 =	simm.s32 @!p2 $0x0  }
0x16: {  	s3 =	sld [smem:$0x3FDB];
	s0 =	simm.s32 @p2 $0x1  }
0x17: {  	s4 =	simm.s32 $0x1BF5;
	[smem:$0x3FB5] =	sst s0  }
0x18: {  	s0 =	sld [smem:$0x3F98];
	_ =	swait.ge [sflag:s4], $0x0  }
0x19: {  	s7 =	sld [smem:$0x3F99]  }
0x1a: {  	s8 =	sadd.s32 $0xFFFFE003, lr  }
0x1b: {  	s9 =	sadd.s32 $0xFFFFFEF7, lr;
	s5 =	simm.s32 $0xFFFFFFFF;
	p2 =	slt.u32 s8, $0xFFFFF086  }
0x1c: {  	p1 =	slt.u32 s9, $0xF7A;
	s5 =	simm.s32 @!p2 $0x0  }
0x1d: {  	s5 =	simm.s32 @p1 $0x1;
	p0 =	seq.s32 s7, s2  }
0x1e: {  	s7 =	smul.u32 @!p0 $0xF7A, s2;
	p2 =	seq.s32 @!p0 s5, $0x0  }
0x1f: {  	s9 =	smul.u32 $0xF7A, s1;
	s8 =	simm.s32 @!p0 $0x1BF5;
	p2 =	por !p2, p0  }
0x20: {  	[sflag:s8] =	ssyncset.s32 @!p0 $0xFFFFF086;
	s6 =	sadd.s32 @!p0 s3, s7;
	s7 =	simm.s32 @!p0 $0x108  }
0x21: {  	s3 =	sadd.s32 s3, s9;
	s6 =	sadd.s32 @!p0 $0x88, s6;
	s7 =	simm.s32 @p2 $0x1082  }
0x22: {  	[simem:s7], [sflag:s8] =	dma.local @!p0 [hbm:s6], $0xF7A  }
0x23: {  	s9 =	sor.u32 $0xD0000000, s2;
	s6 =	simm.s32 $0x108;
	_ =	swait.ge @!p0 [sflag:s8], $0x0  }
0x24: {  	s3 =	sadd.s32 $0x88, s3;
	s6 =	simm.s32 @!p1 $0x1082;
	[sflag:s4] =	ssyncset.s32 $0xFFFFF086  }
0x25: {  	[simem:s6], [sflag:s4] =	dma.local [hbm:s3], $0xF7A  }
0x26: {  	[smem:$0x3F99] =	sst s1;
	(tag) =	ssettag s2;
	_ =	strace s9  }
0x27: {  	s1 =	sld [smem:$0x3FA9]  }
0x28: {  	s2 =	sld [smem:$0x3FAA]  }
0x29: {  	s4 =	sld [smem:$0x3FAC]  }
0x2a: {  	p0 =	seq.s32 s5, $0x0;
	s5 =	sld [smem:$0x3FAD]  }
0x2b: {  	s6 =	sld [smem:$0x3FAE]  }
0x2c: {  	s7 =	sld [smem:$0x3FAF]  }
0x2d: {  	s3 =	simm.s32 $0x108;
	s8 =	sld [smem:$0x3FB0]  }
0x2e: {  	s3 =	simm.s32 @!p0 $0x1082;
	s9 =	sld [smem:$0x3FB1]  }
0x2f: {  	lr =	sadd.s32 s0, s3;
	s0 =	sld [smem:$0x3FA8]  }
0x30: {  	s3 =	sld [smem:$0x3FAB]  }
0x31: {  	[smem:$0x3FB4] =	sst s10  }
0x32: {  	s10 =	sld [smem:$0x3FB2];
	_ =	sdelay $0x3  }
0x33: {  	p0 =	seq.s32 s10, $0x1;
	s10 =	sld [smem:$0x3FB4];
	_ =	sdelay $0x3  }
0x34: {  	[smem:$0x3FB4] =	sst s10  }
0x35: {  	s10 =	sld [smem:$0x3FB3];
	_ =	sdelay $0x3  }
0x36: {  	p1 =	seq.s32 s10, $0x1;
	s10 =	sld [smem:$0x3FB4];
	_ =	sdelay $0x3  }
0x37: {  	[smem:$0x3FB4] =	sst s10  }
0x38: {  	s10 =	sld [smem:$0x3FB5]  }
0x39: {  	_ = 	snop;
	(pc) =	sbr.ind lr, $3  }
0x3a: {  	_ = 	snop  }
0x3b: {  	_ = 	snop  }
0x3c: {  	p2 =	seq.s32 s10, $0x1;
	s10 =	sld [smem:$0x3FB4]  }
0x3d: {  	_ =	shalt  }
0x3e: {  	_ =	shalt  }
0x3f: {  	_ =	shalt  }
0x40: {  	_ =	shalt  }
0x41: {  	_ =	shalt  }
0x42: {  	_ =	shalt  }
0x43: {  	_ =	shalt  }
0x44: {  	_ =	shalt  }
0x45: {  	_ =	shalt  }
0x46: {  	_ =	shalt  }
0x47: {  	_ =	shalt  }
0x48: {  	_ =	shalt  }
0x49: {  	_ =	shalt  }
0x4a: {  	_ =	shalt  }
0x4b: {  	_ =	shalt  }
0x4c: {  	_ =	shalt  }
0x4d: {  	_ =	shalt  }
0x4e: {  	_ =	shalt  }
0x4f: {  	_ =	shalt  }
0x50: {  	_ =	shalt  }
0x51: {  	_ =	shalt  }
0x52: {  	_ =	shalt  }
0x53: {  	_ =	shalt  }
0x54: {  	_ =	shalt  }
0x55: {  	_ =	shalt  }
0x56: {  	_ =	shalt  }
0x57: {  	_ =	shalt  }
0x58: {  	_ =	shalt  }
0x59: {  	_ =	shalt  }
0x5a: {  	_ =	shalt  }
0x5b: {  	_ =	shalt  }
0x5c: {  	_ =	shalt  }
0x5d: {  	_ =	shalt  }
0x5e: {  	_ =	shalt  }
0x5f: {  	_ =	shalt  }
0x60: {  	_ =	shalt  }
0x61: {  	_ =	shalt  }
0x62: {  	_ =	shalt  }
0x63: {  	_ =	shalt  }
0x64: {  	_ =	shalt  }
0x65: {  	_ =	shalt  }
0x66: {  	_ =	shalt  }
0x67: {  	_ =	shalt  }
0x68: {  	_ =	shalt  }
0x69: {  	_ =	shalt  }
0x6a: {  	_ =	shalt  }
0x6b: {  	_ =	shalt  }
0x6c: {  	_ =	shalt  }
0x6d: {  	_ =	shalt  }
0x6e: {  	_ =	shalt  }
0x6f: {  	_ =	shalt  }
0x70: {  	_ =	shalt  }
0x71: {  	_ =	shalt  }
0x72: {  	_ =	shalt  }
0x73: {  	_ =	shalt  }
0x74: {  	_ =	shalt  }
0x75: {  	_ =	shalt  }
0x76: {  	_ =	shalt  }
0x77: {  	_ =	shalt  }
0x78: {  	_ =	shalt  }
0x79: {  	_ =	shalt  }
0x7a: {  	_ =	shalt  }
0x7b: {  	_ =	shalt  }
0x7c: {  	_ =	shalt  }
0x7d: {  	_ =	shalt  }
0x7e: {  	_ =	shalt  }
0x7f: {  	_ =	shalt  }
0x80: {  	_ =	shalt  }
0x81: {  	_ =	shalt  }
0x82: {  	_ =	shalt  }
0x83: {  	_ =	shalt  }
0x84: {  	_ =	shalt  }
0x85: {  	_ =	shalt  }
0x86: {  	_ =	shalt  }
0x87: {  	_ =	shalt  }
.Lfunc_end0:
.L_simem_size_0:
called_computation_lowered:
.L_overlay_start_0:
0x88: {  	s2 =	sld [smem:$0x3FD9]  }
0x89: {  	s3 =	sld [smem:$0x3FFE];
	_ =	sdelay $0x1  }
0x8a: {  	s1 =	srdreg.scid  }
0x8b: {  	s0 =	sand.u32 $0x1, s1  }
0x8c: {  	s17 =	sshll.u32 s0, $0xA;
	s2 =	sadd.s32 s3, s2  }
0x8d: {  	s2 =	sadd.s32 s2, s17  }
0x8e: {  	[smem:$0x3FC0] =	sst s2  }
0x8f: {  	_ = 	snop  }
0x90: {  	s2 =	sld [smem:$0x3FD0];
	(tm) =	ssettm $0x1  }
0x91: {  	s18 =	sld [smem:$0x3FFB];
	_ =	sdelay $0x3  }
0x92: {  	_ =	strace s18  }
0x93: {  	s3 =	sld [smem:$0x3FFC];
	_ =	sdelay $0x3  }
0x94: {  	_ =	strace s3  }
0x95: {  	s3 =	sld [smem:$0x3FFD];
	_ =	sdelay $0x3  }
0x96: {  	_ =	strace s3  }
0x97: {  	_ =	strace $0x8FFFFFFF  }
0x98: {  	s19 =	sld [smem:$0x3FDB];
	_ =	sdelay $0x1  }
0x99: {  	s4 =	simm.s32 $_scs_section_size  }
0x9a: {  	s5 =	simm.s32 $_size__tile_overlayer_lowered;
	s6 =	simm.s32 $_tile_overlayer_lowered  }
0x9b: {  	s22 =	simm.s32 $0x1BFF;
	s21 =	sshll.u32 s6, $0x1;
	s3 =	sadd.s32 s4, s19  }
0x9c: {  	s7 =	simm.s32 $0x0;
	s20 =	sshll.u32 s5, $0x1;
	s5 =	sadd.s32 s21, s3  }
0x9d: {  	[timem:s7], [sflag:s22] =	dma.local [hbm:s5], s20  }
0x9e: {  	_ =	swait.ge [sflag:s22], s20  }
0x9f: {  	s4 =	ssub.s32 $0x0, s20;
	[sflag:s22] =	ssyncset.done $0x0  }
0xa0: {  	[sflag:s22] =	ssyncadd.s32 s4;
	_ =	sdelay $0x1  }
0xa1: {  	s23 =	simm.s32 $0x1B8B  }
0xa2: {  	_ =	swait.ge [sflag:s23], $0x1  }
0xa3: {  	[sflag:s23] =	ssyncset.done $0x0  }
0xa4: {  	s25 =	simm.s32 $0x1B8E;
	s24 =	sld [smem:$0x3FFE];
	[sflag:s23] =	ssyncadd.s32 $0xFFFFFFFF  }
0xa5: {  	s26 =	simm.s32 $execute0_lowered;
	[smem:$0x3FD2] =	sst s25  }
0xa6: {  	s5 =	sshll.u32 s26, $0x1;
	_ =	strace $0x80000046;
	[dreg:$0x1] =	wrdreg $0xFFFFFFFF  }
0xa7: {  	s28 =	simm.s32 $_size_execute0_lowered;
	s3 =	sadd.s32 s3, s5;
	[dreg:$0x0] =	wrdreg $0x0  }
0xa8: {  	s5 =	sshll.u32 s28, $0x1;
	[dreg:$0x2] =	wrdreg s3  }
0xa9: {  	[dreg:$0x3] =	wrdreg s5  }
0xaa: {  	[dreg:$0x4] =	wrdreg $0xC0  }
0xab: {  	_ =	task [dreg:s7], $0x5FFFF  }
0xac: {  	[dreg:$0x1] =	wrdreg $0xFFFFFFFF  }
0xad: {  	[dreg:$0x0] =	wrdreg $0x60  }
0xae: {  	[dreg:$0x2] =	wrdreg s2  }
0xaf: {  	[dreg:$0x3] =	wrdreg s24  }
0xb0: {  	[dreg:$0x4] =	wrdreg $0x9  }
0xb1: {  	_ =	task.clear_ibuf [dreg:s7], $0x5FFFF;
	_ =	strace $0x90000046  }
0xb2: {  	s29 =	simm.s32 $0x9;
	_ =	strace $0x80000048  }
0xb3: {  	_ =	swait.ge [sflag:s29], $0x1  }
0xb4: {  	[sflag:s29] =	ssyncadd.s32 $0xFFFFFFFF  }
0xb5: {  	_ =	strace $0x90000048  }
0xb6: {  	_ =	sfence  }
0xb7: {  	s30 =	sld [smem:$0x0];
	_ =	sdelay $0x2  }
0xb8: {  	s31 =	sshll.u32 s1, $0xD;
	s1 =	sshrl.u32 s1, $0x2  }
0xb9: {  	s3 =	sand.u32 $0x4000, s31;
	s1 =	sadd.s32 s1, s30  }
0xba: {  	s0 =	sor.u32 s3, s0;
	s1 =	sshll.u32 s1, $0x11  }
0xbb: {  	s0 =	sor.u32 s1, s0  }
0xbc: {  	s0 =	sadd.s32 $0x8F2B, s0  }
0xbd: {  	[sflag:s0] =	ssyncadd.remote.s32 $0x1  }
0xbe: {  	_ =	sfence.sel $0xFFFF  }
0xbf: {  	[dreg:$0x0] =	wrdreg $0xFFFFFFFF;
	(pc) =	sbr.abs _section_cstart, $3  }
0xc0: {  	[dreg:$0x1] =	wrdreg $0xFFFFFFFF  }
0xc1: {  	_ =	task.clear_ibuf [dreg:s7], $0x2FFFF;
	_ =	strace $0x9FFFFFFF  }
0xc2: {  	(tm) =	ssettm $0x7FFFFFFF  }
0xc3: {  	_ =	shalt  }
tec
execute0_lowered:
.L_overlay_start_1:
0x0: {  	(tag) =	ssettag $0x1  }
0x1: {  	s4 =	rddreg [dreg:$0x0]  }
0x2: {  	s0 =	srdreg.scid;
	s5 =	rddreg [dreg:$0x1]  }
0x3: {  	s2 =	simm.s32 $0x0;
	s10 =	simm.s32 $0x8000;
	s3 =	sand.u32 $0x1, s0  }
0x4: {  	s11 =	simm.s32 $0x2800;
	s0 =	stileid.u32;
	s1 =	sshll.u32 s3, $0x4  }
0x5: {  	s12 =	simm.s32 $0x80;
	s13 =	simm.s32 $0x400;
	s6 =	sor.u32 s0, s1  }
0x6: {  	s14 =	simm.s32 $0x2;
	s15 =	simm.s32 $0x0;
	s7 =	sshrl.u32 s6, $0x3  }
0x7: {  	[smem:$0x7FF] =	sst s2;
	s8 =	sshll.u32 s0, $0x7;
	s7 =	smul.u32 $0x14000, s7  }
0x8: {  	s3 =	ssub.s32 $0x2, s3;
	s1 =	rddreg [dreg:$0x2];
	s8 =	sand.u32 $0x380, s8  }
0x9: {  	s9 =	sshrl.u32 s3, $0x1;
	s6 =	smul.u32 $0x600, s6;
	s7 =	sor.u32 s8, s7  }
0xa: {  	_ =	strace $0x80000047;
	s9 =	ssub.s32 s3, s9;
	s7 =	sshrl.u32 s7, $0x3  }
0xb: {  	s31 =	sadd.s32 s6, s5;
	s3 =	sadd.s32 s4, s6;
	s7 =	sadd.s32 s7, s5  }
0xc: {  	s4 =	sadd.s32 $0x3200, s31;
	s8 =	simm.s32 $0x5000;
	s5 =	sadd.s32 $0xF200, s7  }
0xd: {  	v0 =	vimm.f32 $0.0e+00;
	v1 =	vimm.f32 $1.000000000e+00;
	s6 =	sadd.s32 $0x19200, s7;
	s7 =	smax.u32 s9, $0x1;
	s9 =	simm.s32 $0x1  }
.LBB2_1:
0xe: {  	[tilespmem:s8], [sflag:$0x1] =	stream.linear.gather [hbm4b:s3+s2], $0x3000, $0x38;
	[tilespmem:$0xB000] =	vst v63  }
0xf: {  	_ =	swait.ge [sflag:s9], $0x3000  }
0x10: {  	[sflag:s9] =	ssyncset.done $0x0  }
0x11: {  	[sflag:s9] =	ssyncadd.s32 $0xFFFFD000  }
0x12: {  	[tilespmem:s10], [sflag:$0x1] =	stream.linear.gather [hbm4b:s4+s2], $0x3000, $0x38;
	[tilespmem:$0xB000] =	vst v63  }
0x13: {  	_ =	swait.ge [sflag:s9], $0x3000  }
0x14: {  	[sflag:s9] =	ssyncset.done $0x0  }
0x15: {  	s16 =	simm.s32 $0x0;
	[sflag:s9] =	ssyncadd.s32 $0xFFFFD000  }
.LBB2_2:
0x16: {  	p0 =	sne.s32 s16, $0x9FC0  }
.Ltmp0:
0x17: {  	_ = 	snop;
	(pc) =	sbr.rel @p0 .LBB2_2-.Ltmp0, $4  }
0x18: {  	_ = 	snop  }
0x19: {  	s17 =	sshra.s32 s16, $0x2  }
0x1a: {  	[tilespmem:s17+$0x0] =	vst v0  }
0x1b: {  	s16 =	sadd.s32 $0x40, s16;
	[tilespmem:s17+$0x2800] =	vst v0  }
0x1c: {  	s17 =	simm.s32 $0x0  }
0x1d: {  	s16 =	simm.s32 $0x40;
	v2 =	vld [tilespmem:s17+$0x5000]  }
.LBB2_4:
0x1e: {  	p0 =	sne.s32 s16, $0xBFC0;
	v3 =	vld [tilespmem:s17+$0x8000];
	_ =	sdelay $0x4  }
.Ltmp1:
0x1f: {  	(pc) =	sbr.rel @p0 .LBB2_4-.Ltmp1, $4  }
0x20: {  	_ = 	snop  }
0x21: {  	[tilespmem:v2+s2+$0x0] =	vst.idx.add.f32.msk $0xffff, v1  }
0x22: {  	s17 =	sshra.s32 s16, $0x2;
	[tilespmem:v3+s11+$0x0] =	vst.idx.add.f32.msk $0xffff, v1  }
0x23: {  	s16 =	sadd.s32 $0x40, s16;
	v2 =	vld [tilespmem:s17+$0x5000]  }
0x24: {  	_ = 	snop  }
0x25: {  	v3 =	vld [tilespmem:s17+$0x8000];
	_ =	sdelay $0x6  }
0x26: {  	[tilespmem:v2+s2+$0x0] =	vst.idx.add.f32.msk $0xffff, v1  }
0x27: {  	[tilespmem:v3+s11+$0x0] =	vst.idx.add.f32.msk $0xffff, v1  }
0x28: {  	[hbm4b:s5+s12] =	stream.strided.scatter [tilespmem:s2], [sflag:$0x2], $0x2800, s13, s12, $0x38;
	[tilespmem:$0xB000] =	vst v63  }
0x29: {  	s15 =	sadd.s32 $0x1, s15;
	_ =	swait.ge [sflag:s14], $0x2800  }
0x2a: {  	p0 =	sne.s32 s15, s7;
	[sflag:s14] =	ssyncset.done $0x0  }
.Ltmp2:
0x2b: {  	[sflag:s14] =	ssyncadd.s32 $0xFFFFD800;
	(pc) =	sbr.rel @p0 .LBB2_1-.Ltmp2, $4  }
0x2c: {  	[hbm4b:s6+s12] =	stream.strided.scatter [tilespmem:s11], [sflag:$0x2], $0x2800, s13, s12, $0x38;
	[tilespmem:$0xB000] =	vst v63  }
0x2d: {  	_ =	swait.ge [sflag:s14], $0x2800  }
0x2e: {  	[sflag:s14] =	ssyncset.done $0x0  }
0x2f: {  	[sflag:s14] =	ssyncadd.s32 $0xFFFFD800  }
0x30: {  	_ =	sfence.sel $0x180000  }
0x31: {  	[bflag:$0x0] =	sbarrier.arrive $0xFFFF  }
0x32: {  	p0 =	sne.s32 s0, $0x0;
	_ =	strace $0x90000047  }
0x33: {  	s0 =	sadd.s32 @!p0 $0x100000, s1;
	[bflag:$0x2] =	sbarrier.arrive $0xFFFF  }
0x34: {  	[sflag:s0] =	ssyncadd.tile.s32 @!p0 $0x1;
	_ =	shalt  }
.Lfunc_end2:
_tile_overlayer_lowered:
.L_overlay_start_2:
0x35: {  	(tag) =	ssettag $0x2  }
0x36: {  	s0 =	rddreg [dreg:$0x0];
	s2 =	stileid.u32  }
0x37: {  	s1 =	rddreg [dreg:$0x1];
	p0 =	sne.s32 s2, $0x0  }
0x38: {  	s3 =	rddreg [dreg:$0x2];
	[bflag:$0x3] =	sbarrier.arrive $0xFFFF;
	s2 =	simm.s32 @!p0 $0x1C02  }
0x39: {  	[timem:s3], [sflag:s2] =	dma.local @!p0 [hbm:s0], s1  }
0x3a: {  	s0 =	simm.s32 @!p0 $0x2  }
0x3b: {  	_ =	swait.ge @!p0 [sflag:s0], s1  }
0x3c: {  	s1 =	ssub.s32 @!p0 $0x0, s1;
	[sflag:s0] =	ssyncset.done @!p0 $0x0  }
0x3d: {  	[sflag:s0] =	ssyncadd.s32 @!p0 s1  }
0x3e: {  	[bflag:$0x3] =	sbarrier.arrive $0xFFFF  }
0x3f: {  	_ =	shalt  }

// kernel: kernel.13.cloned.1.call-start
scs
__scs_entry_jumppad:
0x0: {  	(pc) =	sbr.rel $0x88, $3  }
0x1: {  	(tag) =	ssettag $0x0;
	lr =	simm.s32 $0x1  }
0x2: {  	[smem:$0x3F99] =	sst lr;
	_ =	strace $0xD0000000  }
0x3: {  	_ = 	snop  }
0x4: {  	_ = 	snop  }
0x5: {  	_ = 	snop  }
0x6: {  	_ = 	snop  }
0x7: {  	_ = 	snop  }
__scs_overlays_trampoline_lowered:
0x8: {  	[smem:$0x3FA8] =	sst s0  }
0x9: {  	[smem:$0x3FA9] =	sst s1  }
0xa: {  	[smem:$0x3FAA] =	sst s2  }
0xb: {  	[smem:$0x3FAB] =	sst s3  }
0xc: {  	[smem:$0x3FAC] =	sst s4  }
0xd: {  	[smem:$0x3FAD] =	sst s5  }
0xe: {  	[smem:$0x3FAE] =	sst s6  }
0xf: {  	[smem:$0x3FAF] =	sst s7  }
0x10: {  	[smem:$0x3FB0] =	sst s8  }
0x11: {  	[smem:$0x3FB1] =	sst s9;
	s0 =	simm.s32 @!p0 $0x0  }
0x12: {  	s1 =	sld [smem:$0x3F97];
	s0 =	simm.s32 @p0 $0x1  }
0x13: {  	[smem:$0x3FB2] =	sst s0;
	s0 =	simm.s32 @!p1 $0x0  }
0x14: {  	s2 =	sld [smem:$0x3F96];
	s0 =	simm.s32 @p1 $0x1  }
0x15: {  	[smem:$0x3FB3] =	sst s0;
	s0 =	simm.s32 @!p2 $0x0  }
0x16: {  	s3 =	sld [smem:$0x3FDB];
	s0 =	simm.s32 @p2 $0x1  }
0x17: {  	s4 =	simm.s32 $0x1BF5;
	[smem:$0x3FB5] =	sst s0  }
0x18: {  	s0 =	sld [smem:$0x3F98];
	_ =	swait.ge [sflag:s4], $0x0  }
0x19: {  	s7 =	sld [smem:$0x3F99]  }
0x1a: {  	s8 =	sadd.s32 $0xFFFFE003, lr  }
0x1b: {  	s9 =	sadd.s32 $0xFFFFFEF7, lr;
	s5 =	simm.s32 $0xFFFFFFFF;
	p2 =	slt.u32 s8, $0xFFFFF086  }
0x1c: {  	p1 =	slt.u32 s9, $0xF7A;
	s5 =	simm.s32 @!p2 $0x0  }
0x1d: {  	s5 =	simm.s32 @p1 $0x1;
	p0 =	seq.s32 s7, s2  }
0x1e: {  	s7 =	smul.u32 @!p0 $0xF7A, s2;
	p2 =	seq.s32 @!p0 s5, $0x0  }
0x1f: {  	s9 =	smul.u32 $0xF7A, s1;
	s8 =	simm.s32 @!p0 $0x1BF5;
	p2 =	por !p2, p0  }
0x20: {  	[sflag:s8] =	ssyncset.s32 @!p0 $0xFFFFF086;
	s6 =	sadd.s32 @!p0 s3, s7;
	s7 =	simm.s32 @!p0 $0x108  }
0x21: {  	s3 =	sadd.s32 s3, s9;
	s6 =	sadd.s32 @!p0 $0x88, s6;
	s7 =	simm.s32 @p2 $0x1082  }
0x22: {  	[simem:s7], [sflag:s8] =	dma.local @!p0 [hbm:s6], $0xF7A  }
0x23: {  	s9 =	sor.u32 $0xD0000000, s2;
	s6 =	simm.s32 $0x108;
	_ =	swait.ge @!p0 [sflag:s8], $0x0  }
0x24: {  	s3 =	sadd.s32 $0x88, s3;
	s6 =	simm.s32 @!p1 $0x1082;
	[sflag:s4] =	ssyncset.s32 $0xFFFFF086  }
0x25: {  	[simem:s6], [sflag:s4] =	dma.local [hbm:s3], $0xF7A  }
0x26: {  	[smem:$0x3F99] =	sst s1;
	(tag) =	ssettag s2;
	_ =	strace s9  }
0x27: {  	s1 =	sld [smem:$0x3FA9]  }
0x28: {  	s2 =	sld [smem:$0x3FAA]  }
0x29: {  	s4 =	sld [smem:$0x3FAC]  }
0x2a: {  	p0 =	seq.s32 s5, $0x0;
	s5 =	sld [smem:$0x3FAD]  }
0x2b: {  	s6 =	sld [smem:$0x3FAE]  }
0x2c: {  	s7 =	sld [smem:$0x3FAF]  }
0x2d: {  	s3 =	simm.s32 $0x108;
	s8 =	sld [smem:$0x3FB0]  }
0x2e: {  	s3 =	simm.s32 @!p0 $0x1082;
	s9 =	sld [smem:$0x3FB1]  }
0x2f: {  	lr =	sadd.s32 s0, s3;
	s0 =	sld [smem:$0x3FA8]  }
0x30: {  	s3 =	sld [smem:$0x3FAB]  }
0x31: {  	[smem:$0x3FB4] =	sst s10  }
0x32: {  	s10 =	sld [smem:$0x3FB2];
	_ =	sdelay $0x3  }
0x33: {  	p0 =	seq.s32 s10, $0x1;
	s10 =	sld [smem:$0x3FB4];
	_ =	sdelay $0x3  }
0x34: {  	[smem:$0x3FB4] =	sst s10  }
0x35: {  	s10 =	sld [smem:$0x3FB3];
	_ =	sdelay $0x3  }
0x36: {  	p1 =	seq.s32 s10, $0x1;
	s10 =	sld [smem:$0x3FB4];
	_ =	sdelay $0x3  }
0x37: {  	[smem:$0x3FB4] =	sst s10  }
0x38: {  	s10 =	sld [smem:$0x3FB5]  }
0x39: {  	_ = 	snop;
	(pc) =	sbr.ind lr, $3  }
0x3a: {  	_ = 	snop  }
0x3b: {  	_ = 	snop  }
0x3c: {  	p2 =	seq.s32 s10, $0x1;
	s10 =	sld [smem:$0x3FB4]  }
0x3d: {  	_ =	shalt  }
0x3e: {  	_ =	shalt  }
0x3f: {  	_ =	shalt  }
0x40: {  	_ =	shalt  }
0x41: {  	_ =	shalt  }
0x42: {  	_ =	shalt  }
0x43: {  	_ =	shalt  }
0x44: {  	_ =	shalt  }
0x45: {  	_ =	shalt  }
0x46: {  	_ =	shalt  }
0x47: {  	_ =	shalt  }
0x48: {  	_ =	shalt  }
0x49: {  	_ =	shalt  }
0x4a: {  	_ =	shalt  }
0x4b: {  	_ =	shalt  }
0x4c: {  	_ =	shalt  }
0x4d: {  	_ =	shalt  }
0x4e: {  	_ =	shalt  }
0x4f: {  	_ =	shalt  }
0x50: {  	_ =	shalt  }
0x51: {  	_ =	shalt  }
0x52: {  	_ =	shalt  }
0x53: {  	_ =	shalt  }
0x54: {  	_ =	shalt  }
0x55: {  	_ =	shalt  }
0x56: {  	_ =	shalt  }
0x57: {  	_ =	shalt  }
0x58: {  	_ =	shalt  }
0x59: {  	_ =	shalt  }
0x5a: {  	_ =	shalt  }
0x5b: {  	_ =	shalt  }
0x5c: {  	_ =	shalt  }
0x5d: {  	_ =	shalt  }
0x5e: {  	_ =	shalt  }
0x5f: {  	_ =	shalt  }
0x60: {  	_ =	shalt  }
0x61: {  	_ =	shalt  }
0x62: {  	_ =	shalt  }
0x63: {  	_ =	shalt  }
0x64: {  	_ =	shalt  }
0x65: {  	_ =	shalt  }
0x66: {  	_ =	shalt  }
0x67: {  	_ =	shalt  }
0x68: {  	_ =	shalt  }
0x69: {  	_ =	shalt  }
0x6a: {  	_ =	shalt  }
0x6b: {  	_ =	shalt  }
0x6c: {  	_ =	shalt  }
0x6d: {  	_ =	shalt  }
0x6e: {  	_ =	shalt  }
0x6f: {  	_ =	shalt  }
0x70: {  	_ =	shalt  }
0x71: {  	_ =	shalt  }
0x72: {  	_ =	shalt  }
0x73: {  	_ =	shalt  }
0x74: {  	_ =	shalt  }
0x75: {  	_ =	shalt  }
0x76: {  	_ =	shalt  }
0x77: {  	_ =	shalt  }
0x78: {  	_ =	shalt  }
0x79: {  	_ =	shalt  }
0x7a: {  	_ =	shalt  }
0x7b: {  	_ =	shalt  }
0x7c: {  	_ =	shalt  }
0x7d: {  	_ =	shalt  }
0x7e: {  	_ =	shalt  }
0x7f: {  	_ =	shalt  }
0x80: {  	_ =	shalt  }
0x81: {  	_ =	shalt  }
0x82: {  	_ =	shalt  }
0x83: {  	_ =	shalt  }
0x84: {  	_ =	shalt  }
0x85: {  	_ =	shalt  }
0x86: {  	_ =	shalt  }
0x87: {  	_ =	shalt  }
.Lfunc_end0:
.L_simem_size_0:
called_computation.1_lowered:
.L_overlay_start_0:
0x88: {  	s2 =	sld [smem:$0x3FD9]  }
0x89: {  	s3 =	sld [smem:$0x3FFE];
	_ =	sdelay $0x1  }
0x8a: {  	s1 =	srdreg.scid  }
0x8b: {  	s0 =	sand.u32 $0x1, s1  }
0x8c: {  	s17 =	sshll.u32 s0, $0xA;
	s2 =	sadd.s32 s3, s2  }
0x8d: {  	s2 =	sadd.s32 s2, s17  }
0x8e: {  	[smem:$0x3FC0] =	sst s2  }
0x8f: {  	_ = 	snop  }
0x90: {  	s2 =	sld [smem:$0x3FD0];
	(tm) =	ssettm $0x1  }
0x91: {  	s18 =	sld [smem:$0x3FFB];
	_ =	sdelay $0x3  }
0x92: {  	_ =	strace s18  }
0x93: {  	s3 =	sld [smem:$0x3FFC];
	_ =	sdelay $0x3  }
0x94: {  	_ =	strace s3  }
0x95: {  	s3 =	sld [smem:$0x3FFD];
	_ =	sdelay $0x3  }
0x96: {  	_ =	strace s3  }
0x97: {  	_ =	strace $0x8FFFFFFF  }
0x98: {  	s19 =	sld [smem:$0x3FDB];
	_ =	sdelay $0x1  }
0x99: {  	s4 =	simm.s32 $_scs_section_size  }
0x9a: {  	s5 =	simm.s32 $_size__tile_overlayer_lowered;
	s6 =	simm.s32 $_tile_overlayer_lowered  }
0x9b: {  	s22 =	simm.s32 $0x1BFF;
	s21 =	sshll.u32 s6, $0x1;
	s3 =	sadd.s32 s4, s19  }
0x9c: {  	s7 =	simm.s32 $0x0;
	s20 =	sshll.u32 s5, $0x1;
	s5 =	sadd.s32 s21, s3  }
0x9d: {  	[timem:s7], [sflag:s22] =	dma.local [hbm:s5], s20  }
0x9e: {  	_ =	swait.ge [sflag:s22], s20  }
0x9f: {  	s4 =	ssub.s32 $0x0, s20;
	[sflag:s22] =	ssyncset.done $0x0  }
0xa0: {  	[sflag:s22] =	ssyncadd.s32 s4;
	_ =	sdelay $0x1  }
0xa1: {  	s23 =	simm.s32 $0x1B8B  }
0xa2: {  	_ =	swait.ge [sflag:s23], $0x1  }
0xa3: {  	[sflag:s23] =	ssyncset.done $0x0  }
0xa4: {  	s25 =	simm.s32 $0x1B8E;
	s24 =	sld [smem:$0x3FFE];
	[sflag:s23] =	ssyncadd.s32 $0xFFFFFFFF  }
0xa5: {  	s26 =	simm.s32 $execute0_lowered;
	[smem:$0x3FD2] =	sst s25  }
0xa6: {  	s5 =	sshll.u32 s26, $0x1;
	_ =	strace $0x80000049;
	[dreg:$0x1] =	wrdreg $0xFFFFFFFF  }
0xa7: {  	s28 =	simm.s32 $_size_execute0_lowered;
	s3 =	sadd.s32 s3, s5;
	[dreg:$0x0] =	wrdreg $0x0  }
0xa8: {  	s5 =	sshll.u32 s28, $0x1;
	[dreg:$0x2] =	wrdreg s3  }
0xa9: {  	[dreg:$0x3] =	wrdreg s5  }
0xaa: {  	[dreg:$0x4] =	wrdreg $0xC0  }
0xab: {  	_ =	task [dreg:s7], $0x5FFFF  }
0xac: {  	[dreg:$0x1] =	wrdreg $0xFFFFFFFF  }
0xad: {  	[dreg:$0x0] =	wrdreg $0x60  }
0xae: {  	[dreg:$0x2] =	wrdreg s24  }
0xaf: {  	[dreg:$0x3] =	wrdreg s2  }
0xb0: {  	[dreg:$0x4] =	wrdreg $0x9  }
0xb1: {  	_ =	task.clear_ibuf [dreg:s7], $0x5FFFF;
	_ =	strace $0x90000049  }
0xb2: {  	s29 =	simm.s32 $0x9;
	_ =	strace $0x8000004B  }
0xb3: {  	_ =	swait.ge [sflag:s29], $0x1  }
0xb4: {  	[sflag:s29] =	ssyncadd.s32 $0xFFFFFFFF  }
0xb5: {  	_ =	strace $0x9000004B  }
0xb6: {  	_ =	sfence  }
0xb7: {  	s30 =	sld [smem:$0x0];
	_ =	sdelay $0x2  }
0xb8: {  	s31 =	sshll.u32 s1, $0xD;
	s1 =	sshrl.u32 s1, $0x2  }
0xb9: {  	s3 =	sand.u32 $0x4000, s31;
	s1 =	sadd.s32 s1, s30  }
0xba: {  	s0 =	sor.u32 s3, s0;
	s1 =	sshll.u32 s1, $0x11  }
0xbb: {  	s0 =	sor.u32 s1, s0  }
0xbc: {  	s0 =	sadd.s32 $0x8F2B, s0  }
0xbd: {  	[sflag:s0] =	ssyncadd.remote.s32 $0x1  }
0xbe: {  	_ =	sfence.sel $0xFFFF  }
0xbf: {  	[dreg:$0x0] =	wrdreg $0xFFFFFFFF;
	(pc) =	sbr.abs _section_cstart, $3  }
0xc0: {  	[dreg:$0x1] =	wrdreg $0xFFFFFFFF  }
0xc1: {  	_ =	task.clear_ibuf [dreg:s7], $0x2FFFF;
	_ =	strace $0x9FFFFFFF  }
0xc2: {  	(tm) =	ssettm $0x7FFFFFFF  }
0xc3: {  	_ =	shalt  }
tec
execute0_lowered:
.L_overlay_start_1:
0x0: {  	(tag) =	ssettag $0x1  }
0x1: {  	s1 =	srdreg.scid;
	s0 =	stileid.u32  }
0x2: {  	s5 =	rddreg [dreg:$0x0];
	s3 =	simm.s32 $0x0;
	s9 =	simm.s32 $0x400  }
0x3: {  	s10 =	simm.s32 $0x2;
	s11 =	simm.s32 $0x3;
	s4 =	sand.u32 $0x1, s1  }
0x4: {  	s12 =	simm.s32 $0x1;
	s2 =	sshll.u32 s0, $0x2;
	s1 =	sshll.u32 s4, $0x6  }
0x5: {  	s13 =	simm.s32 $0x9E00;
	s14 =	simm.s32 $0x4;
	s1 =	sor.u32 s2, s1  }
0x6: {  	s15 =	simm.s32 $0x0;
	s7 =	sshll.u32 s0, $0x9;
	s6 =	sshrl.u32 s1, $0x3  }
0x7: {  	[smem:$0x7FF] =	sst s3;
	s7 =	sand.u32 $0x200, s7;
	s8 =	smul.u32 $0x13C00, s6  }
0x8: {  	s30 =	ssub.s32 $0x2, s4;
	s4 =	sadd.s32 $0x3200, s5;
	s6 =	smul.u32 $0x14000, s6  }
0x9: {  	s2 =	rddreg [dreg:$0x1];
	s31 =	sshrl.u32 s30, $0x1;
	s8 =	sor.u32 s7, s8  }
0xa: {  	s1 =	rddreg [dreg:$0x2];
	s6 =	sor.u32 s7, s6;
	s8 =	sshrl.u32 s8, $0x3  }
0xb: {  	_ =	strace $0x8000004A;
	s6 =	sshrl.u32 s6, $0x3;
	s29 =	sadd.s32 s8, s5  }
0xc: {  	s6 =	sadd.s32 s6, s5;
	s8 =	ssub.s32 s30, s31;
	s5 =	sadd.s32 $0xF200, s29  }
0xd: {  	v0 =	vimm.f32 $0.0e+00;
	s6 =	sadd.s32 $0x36A00, s6;
	s7 =	smax.u32 s8, $0x1;
	s8 =	simm.s32 $0x200  }
.LBB2_1:
0xe: {  	[tilespmem:s3], [sflag:$0x1] =	stream.strided.gather [hbm4b:s5+s8], $0x9E00, s9, s8, $0x38;
	[tilespmem:$0x17E00] =	vst v63  }
0xf: {  	s16 =	simm.s32 $0x13E00  }
0x10: {  	s17 =	simm.s32 $0x10;
	s19 =	sadd.s32 $0x0, s2;
	s18 =	simm.s32 $0x13F00  }
.LBB2_2:
0x11: {  	[tilespmem:s16], [sflag:$0x2] =	stream.linear.gather [hbm4b:s19+s3], $0x80, $0x38;
	[tilespmem:$0x17E00] =	vst v63  }
0x12: {  	s19 =	smov.u32 s17;
	s16 =	smov.u32 s18;
	p0 =	sne.s32 s17, $0x1F0  }
.Ltmp0:
0x13: {  	s17 =	sadd.s32 $0x10, s17;
	(pc) =	sbr.rel @p0 .LBB2_2-.Ltmp0, $2  }
0x14: {  	_ =	sdelay $0x2  }
0x15: {  	s18 =	sadd.s32 $0x100, s18;
	s19 =	sadd.s32 s19, s2  }
0x16: {  	[tilespmem:s16], [sflag:$0x2] =	stream.linear.gather [hbm4b:s19+s3], $0x80, $0x38;
	[tilespmem:$0x17E00] =	vst v63  }
0x17: {  	_ =	swait.ge [sflag:s10], $0x1000  }
0x18: {  	s16 =	simm.s32 $0x15E00;
	s17 =	simm.s32 $0x10;
	[sflag:s10] =	ssyncset.done $0x0  }
0x19: {  	s19 =	sadd.s32 $0x0, s4;
	s18 =	simm.s32 $0x15F00;
	[sflag:s10] =	ssyncadd.s32 $0xFFFFF000  }
.LBB2_4:
0x1a: {  	[tilespmem:s16], [sflag:$0x3] =	stream.linear.gather [hbm4b:s19+s3], $0x80, $0x38;
	[tilespmem:$0x17E00] =	vst v63  }
0x1b: {  	s19 =	smov.u32 s17;
	s16 =	smov.u32 s18;
	p0 =	sne.s32 s17, $0x1F0  }
.Ltmp1:
0x1c: {  	s17 =	sadd.s32 $0x10, s17;
	(pc) =	sbr.rel @p0 .LBB2_4-.Ltmp1, $2  }
0x1d: {  	_ =	sdelay $0x2  }
0x1e: {  	s18 =	sadd.s32 $0x100, s18;
	s19 =	sadd.s32 s19, s4  }
0x1f: {  	[tilespmem:s16], [sflag:$0x3] =	stream.linear.gather [hbm4b:s19+s3], $0x80, $0x38;
	[tilespmem:$0x17E00] =	vst v63  }
0x20: {  	s16 =	simm.s32 $0x0;
	_ =	swait.ge [sflag:s11], $0x1000  }
0x21: {  	s17 =	sand.u32 $0x70, s16;
	s18 =	sand.u32 $0xFE00, s16;
	[sflag:s11] =	ssyncset.done $0x0  }
0x22: {  	s17 =	sor.u32 s17, s18;
	[sflag:s11] =	ssyncadd.s32 $0xFFFFF000  }
0x23: {  	s19 =	simm.s32 $0x0;
	s18 =	simm.s32 $0x10;
	[tilespmem:s17+$0x9E00] =	vst v0  }
.LBB2_6:
0x24: {  	p0 =	sne.s32 s18, $0x27F0  }
.Ltmp2:
0x25: {  	_ = 	snop;
	(pc) =	sbr.rel @p0 .LBB2_6-.Ltmp2, $4  }
0x26: {  	s19 =	sadd.s32 $0x40, s19  }
0x27: {  	s20 =	sand.u32 $0x70, s18;
	s21 =	sand.u32 $0xFE00, s19  }
0x28: {  	s20 =	sor.u32 s20, s21  }
0x29: {  	s18 =	sadd.s32 $0x10, s18;
	[tilespmem:s20+$0x9E00] =	vst v0  }
0x2a: {  	s18 =	simm.s32 $0x10;
	[tilespmem:s17+$0x9E80] =	vst v0  }
.LBB2_8:
0x2b: {  	p0 =	sne.s32 s18, $0x27F0  }
.Ltmp3:
0x2c: {  	_ = 	snop;
	(pc) =	sbr.rel @p0 .LBB2_8-.Ltmp3, $4  }
0x2d: {  	s16 =	sadd.s32 $0x40, s16  }
0x2e: {  	s17 =	sand.u32 $0x70, s18;
	s19 =	sand.u32 $0xFE00, s16  }
0x2f: {  	s17 =	sor.u32 s17, s19  }
0x30: {  	s18 =	sadd.s32 $0x10, s18;
	[tilespmem:s17+$0x9E80] =	vst v0;
	s17 =	simm.s32 $0x0  }
0x31: {  	s16 =	sand.u32 $0x70, s17;
	s18 =	sand.u32 $0xFE00, s17  }
0x32: {  	s16 =	sor.u32 s16, s18  }
0x33: {  	s19 =	simm.s32 $0x0;
	s18 =	simm.s32 $0x10;
	[tilespmem:s16+$0x9F00] =	vst v0  }
.LBB2_10:
0x34: {  	p0 =	sne.s32 s18, $0x27F0  }
.Ltmp4:
0x35: {  	_ = 	snop;
	(pc) =	sbr.rel @p0 .LBB2_10-.Ltmp4, $4  }
0x36: {  	s19 =	sadd.s32 $0x40, s19  }
0x37: {  	s20 =	sand.u32 $0x70, s18;
	s21 =	sand.u32 $0xFE00, s19  }
0x38: {  	s20 =	sor.u32 s20, s21  }
0x39: {  	s18 =	sadd.s32 $0x10, s18;
	[tilespmem:s20+$0x9F00] =	vst v0  }
0x3a: {  	s18 =	simm.s32 $0x10;
	[tilespmem:s16+$0x9F80] =	vst v0  }
.LBB2_12:
0x3b: {  	p0 =	sne.s32 s18, $0x27F0  }
.Ltmp5:
0x3c: {  	_ = 	snop;
	(pc) =	sbr.rel @p0 .LBB2_12-.Ltmp5, $4  }
0x3d: {  	s17 =	sadd.s32 $0x40, s17  }
0x3e: {  	s16 =	sand.u32 $0x70, s18;
	s19 =	sand.u32 $0xFE00, s17  }
0x3f: {  	s16 =	sor.u32 s16, s19  }
0x40: {  	s18 =	sadd.s32 $0x10, s18;
	[tilespmem:s16+$0x9F80] =	vst v0  }
0x41: {  	_ =	swait.ge [sflag:s12], $0x9E00  }
0x42: {  	[sflag:s12] =	ssyncset.done $0x0  }
0x43: {  	s16 =	simm.s32 $0x0;
	[sflag:s12] =	ssyncadd.s32 $0xFFFF6200  }
.LBB2_14:
0x44: {  	s17 =	sshll.u32 s16, $0xA  }
0x45: {  	s18 =	sor.u32 $0x200, s17  }
0x46: {  	s20 =	simm.s32 $0x13E80;
	s19 =	sadd.s32 s2, s18  }
0x47: {  	s21 =	simm.s32 $0x10;
	s22 =	simm.s32 $0x13F80;
	s23 =	sadd.s32 $0x0, s19  }
.LBB2_15:
0x48: {  	[tilespmem:s20], [sflag:$0x2] =	stream.linear.gather [hbm4b:s23+s3], $0x80, $0x38;
	[tilespmem:$0x17E00] =	vst v63  }
0x49: {  	s23 =	smov.u32 s21;
	s20 =	smov.u32 s22;
	p0 =	sne.s32 s21, $0x1F0  }
.Ltmp6:
0x4a: {  	s21 =	sadd.s32 $0x10, s21;
	(pc) =	sbr.rel @p0 .LBB2_15-.Ltmp6, $2  }
0x4b: {  	_ =	sdelay $0x2  }
0x4c: {  	s22 =	sadd.s32 $0x100, s22;
	s23 =	sadd.s32 s23, s19  }
0x4d: {  	[tilespmem:s20], [sflag:$0x2] =	stream.linear.gather [hbm4b:s23+s3], $0x80, $0x38;
	[tilespmem:$0x17E00] =	vst v63  }
0x4e: {  	s18 =	sadd.s32 s4, s18;
	s19 =	simm.s32 $0x0;
	s20 =	simm.s32 $0x15E80  }
.LBB2_17:
0x4f: {  	p0 =	sne.s32 s19, $0x1F0  }
.Ltmp7:
0x50: {  	_ = 	snop;
	(pc) =	sbr.rel @p0 .LBB2_17-.Ltmp7, $4  }
0x51: {  	_ = 	snop  }
0x52: {  	s21 =	sadd.s32 s19, s18  }
0x53: {  	[tilespmem:s20], [sflag:$0x3] =	stream.linear.gather [hbm4b:s21+s3], $0x80, $0x38;
	[tilespmem:$0x17E00] =	vst v63  }
0x54: {  	s19 =	sadd.s32 $0x10, s19;
	s20 =	sadd.s32 $0x100, s20  }
0x55: {  	s18 =	simm.s32 $0xFFFFFFFC;
	s19 =	simm.s32 $0x15F00;
	s20 =	simm.s32 $0x13F00  }
.LBB2_19:
0x56: {  	v1 =	vld [tilespmem:s20+$0xFFFFFF00]  }
0x57: {  	v2 =	vld [tilespmem:s20+$0xFFFFFF10]  }
0x58: {  	v4 =	vld [tilespmem:s19+$0xFFFFFF00]  }
0x59: {  	v5 =	vld [tilespmem:s19+$0xFFFFFF10]  }
0x5a: {  	v7 =	vld [tilespmem:s19+$0xFFFFFF20]  }
0x5b: {  	v10 =	vld [tilespmem:s20+$0xFFFFFF30]  }
0x5c: {  	v12 =	vld [tilespmem:s19+$0xFFFFFF30]  }
0x5d: {  	v53 =	vld [tilespmem:s20+$0xFFFFFF40]  }
0x5e: {  	v55 =	vld [tilespmem:s19+$0xFFFFFF50];
	v3 =	vshll.u32 v1, $0x2;
	v1 =	vand.u32 $0x7F, v1  }
0x5f: {  	v56 =	vld [tilespmem:s20+$0xFFFFFF60];
	v9 =	vshll.u32 v2, $0x2;
	v2 =	vand.u32 $0x7F, v2;
	v3 =	vand.u32 $0xFFFFFE00, v3  }
0x60: {  	v58 =	vld [tilespmem:s19+$0xFFFFFF60];
	v17 =	vshll.u32 v10, $0x2;
	v9 =	vand.u32 $0xFFFFFE00, v9;
	v1 =	vor.u32 v1, v3  }
0x61: {  	v61 =	vld [tilespmem:s20+$0xFFFFFF70];
	v10 =	vand.u32 $0x7F, v10;
	v17 =	vand.u32 $0xFFFFFE00, v17;
	v2 =	vor.u32 v2, v9  }
0x62: {  	v63 =	vld [tilespmem:s19+$0xFFFFFF70];
	v10 =	vor.u32 v10, v17  }
0x63: {  	v44 =	vld [tilespmem:s20+$0x0];
	v6 =	vor.u32 $0x80, v1  }
0x64: {  	v3 =	vld [tilespmem:s20+$0xFFFFFF20];
	v8 =	vor.u32 $0x100, v1  }
0x65: {  	v11 =	vor.u32 $0x180, v1;
	v1 =	vld.idx.msk [tilespmem:v1+s3+$0x0], $0xffff  }
0x66: {  	v9 =	vor.u32 $0x80, v2;
	v13 =	vor.u32 $0x100, v2;
	v15 =	vor.u32 $0x180, v2;
	v2 =	vld.idx.msk [tilespmem:v2+s3+$0x0], $0xffff  }
0x67: {  	v17 =	vor.u32 $0x80, v10;
	v19 =	vor.u32 $0x100, v10;
	v21 =	vor.u32 $0x180, v10;
	v10 =	vld.idx.msk [tilespmem:v10+s3+$0x0], $0xffff  }
0x68: {  	v6 =	vld.idx.msk [tilespmem:v6+s3+$0x0], $0xffff  }
0x69: {  	v8 =	vld.idx.msk [tilespmem:v8+s3+$0x0], $0xffff  }
0x6a: {  	v14 =	vshll.u32 v3, $0x2;
	v11 =	vld.idx.msk [tilespmem:v11+s3+$0x0], $0xffff  }
0x6b: {  	v3 =	vand.u32 $0x7F, v3;
	v14 =	vand.u32 $0xFFFFFE00, v14;
	v9 =	vld.idx.msk [tilespmem:v9+s3+$0x0], $0xffff  }
0x6c: {  	v13 =	vld.idx.msk [tilespmem:v13+s3+$0x0], $0xffff;
	v3 =	vor.u32 v3, v14  }
0x6d: {  	v15 =	vld.idx.msk [tilespmem:v15+s3+$0x0], $0xffff;
	v14 =	vor.u32 $0x80, v3  }
0x6e: {  	v20 =	vshll.u32 v4, $0x2;
	v17 =	vld.idx.msk [tilespmem:v17+s3+$0x0], $0xffff;
	v16 =	vor.u32 $0x100, v3  }
0x6f: {  	v4 =	vand.u32 $0x7F, v4;
	v20 =	vand.u32 $0xFFFFFE00, v20;
	v19 =	vld.idx.msk [tilespmem:v19+s3+$0x0], $0xffff;
	v18 =	vor.u32 $0x180, v3  }
0x70: {  	v4 =	vor.u32 v4, v20;
	v21 =	vld.idx.msk [tilespmem:v21+s3+$0x0], $0xffff  }
0x71: {  	v20 =	vor.u32 $0x80, v4;
	v3 =	vld.idx.msk [tilespmem:v3+s3+$0x0], $0xffff  }
0x72: {  	v14 =	vld.idx.msk [tilespmem:v14+s3+$0x0], $0xffff  }
0x73: {  	v23 =	vshll.u32 v5, $0x2;
	v22 =	vor.u32 $0x100, v4;
	v16 =	vld.idx.msk [tilespmem:v16+s3+$0x0], $0xffff  }
0x74: {  	v5 =	vand.u32 $0x7F, v5;
	v23 =	vand.u32 $0xFFFFFE00, v23;
	v24 =	vor.u32 $0x180, v4;
	v18 =	vld.idx.msk [tilespmem:v18+s3+$0x0], $0xffff  }
0x75: {  	v5 =	vor.u32 v5, v23;
	[tilespmem:v4+s13+$0x0] =	vst.idx.add.f32.msk $0xffff, v1  }
0x76: {  	v47 =	vshll.u32 v7, $0x2;
	v1 =	vor.u32 $0x80, v5;
	[tilespmem:v20+s13+$0x0] =	vst.idx.add.f32.msk $0xffff, v6  }
0x77: {  	v46 =	vor.u32 $0x100, v5;
	v6 =	vand.u32 $0xFFFFFE00, v47;
	v47 =	vld [tilespmem:s20+$0x20]  }
0x78: {  	[tilespmem:v22+s13+$0x0] =	vst.idx.add.f32.msk $0xffff, v8  }
0x79: {  	v7 =	vand.u32 $0x7F, v7;
	v48 =	vor.u32 $0x180, v5;
	[tilespmem:v24+s13+$0x0] =	vst.idx.add.f32.msk $0xffff, v11  }
0x7a: {  	v6 =	vor.u32 v7, v6;
	[tilespmem:v5+s13+$0x0] =	vst.idx.add.f32.msk $0xffff, v2  }
0x7b: {  	v2 =	vor.u32 $0x80, v6;
	[tilespmem:v1+s13+$0x0] =	vst.idx.add.f32.msk $0xffff, v9  }
0x7c: {  	v1 =	vor.u32 $0x100, v6;
	[tilespmem:v46+s13+$0x0] =	vst.idx.add.f32.msk $0xffff, v13  }
0x7d: {  	v50 =	vshll.u32 v12, $0x2;
	v49 =	vor.u32 $0x180, v6;
	v46 =	vld [tilespmem:s19+$0x10]  }
0x7e: {  	v51 =	vand.u32 $0x7F, v12;
	v5 =	vand.u32 $0xFFFFFE00, v50;
	[tilespmem:v48+s13+$0x0] =	vst.idx.add.f32.msk $0xffff, v15  }
0x7f: {  	[tilespmem:v6+s13+$0x0] =	vst.idx.add.f32.msk $0xffff, v3;
	v3 =	vor.u32 v51, v5  }
0x80: {  	[tilespmem:v2+s13+$0x0] =	vst.idx.add.f32.msk $0xffff, v14  }
0x81: {  	v2 =	vor.u32 $0x80, v3;
	[tilespmem:v1+s13+$0x0] =	vst.idx.add.f32.msk $0xffff, v16  }
0x82: {  	v28 =	vshll.u32 v56, $0x2;
	v1 =	vor.u32 $0x100, v3;
	[tilespmem:v49+s13+$0x0] =	vst.idx.add.f32.msk $0xffff, v18  }
0x83: {  	v4 =	vand.u32 $0x7F, v56;
	v14 =	vand.u32 $0xFFFFFE00, v28;
	v49 =	vld [tilespmem:s19+$0x20]  }
0x84: {  	v4 =	vor.u32 v4, v14;
	[tilespmem:v3+s13+$0x0] =	vst.idx.add.f32.msk $0xffff, v10  }
0x85: {  	v52 =	vor.u32 $0x180, v3;
	v3 =	vld [tilespmem:s19+$0xFFFFFF40]  }
0x86: {  	v14 =	vor.u32 $0x80, v4;
	[tilespmem:v2+s13+$0x0] =	vst.idx.add.f32.msk $0xffff, v17  }
0x87: {  	v30 =	vor.u32 $0x100, v4;
	[tilespmem:v1+s13+$0x0] =	vst.idx.add.f32.msk $0xffff, v19  }
0x88: {  	v32 =	vor.u32 $0x180, v4;
	v1 =	vld [tilespmem:s20+$0xFFFFFF50]  }
0x89: {  	v31 =	vshll.u32 v61, $0x2;
	v4 =	vld.idx.msk [tilespmem:v4+s3+$0x0], $0xffff  }
0x8a: {  	v10 =	vand.u32 $0x7F, v61;
	v2 =	vshll.u32 v53, $0x2;
	v17 =	vand.u32 $0xFFFFFE00, v31;
	[tilespmem:v52+s13+$0x0] =	vst.idx.add.f32.msk $0xffff, v21  }
0x8b: {  	v54 =	vand.u32 $0x7F, v53;
	v2 =	vand.u32 $0xFFFFFE00, v2;
	v10 =	vor.u32 v10, v17;
	v14 =	vld.idx.msk [tilespmem:v14+s3+$0x0], $0xffff  }
0x8c: {  	v2 =	vor.u32 v54, v2;
	v16 =	vld.idx.msk [tilespmem:v30+s3+$0x0], $0xffff  }
0x8d: {  	v17 =	vor.u32 $0x80, v10;
	v18 =	vld.idx.msk [tilespmem:v32+s3+$0x0], $0xffff  }
0x8e: {  	v33 =	vor.u32 $0x100, v10;
	v52 =	vld [tilespmem:s20+$0x30]  }
0x8f: {  	v35 =	vor.u32 $0x180, v10;
	v54 =	vld [tilespmem:s19+$0x30]  }
0x90: {  	v57 =	vor.u32 $0x80, v2;
	v10 =	vld.idx.msk [tilespmem:v10+s3+$0x0], $0xffff  }
0x91: {  	v59 =	vor.u32 $0x100, v2;
	v62 =	vor.u32 $0x180, v2;
	v60 =	vshll.u32 v1, $0x2;
	v2 =	vld.idx.msk [tilespmem:v2+s3+$0x0], $0xffff  }
0x92: {  	v1 =	vand.u32 $0x7F, v1;
	v9 =	vand.u32 $0xFFFFFE00, v60;
	v17 =	vld.idx.msk [tilespmem:v17+s3+$0x0], $0xffff  }
0x93: {  	v19 =	vld.idx.msk [tilespmem:v33+s3+$0x0], $0xffff;
	v1 =	vor.u32 v1, v9  }
0x94: {  	v21 =	vld.idx.msk [tilespmem:v35+s3+$0x0], $0xffff;
	v9 =	vor.u32 $0x80, v1  }
0x95: {  	v34 =	vshll.u32 v3, $0x2;
	v6 =	vld.idx.msk [tilespmem:v57+s3+$0x0], $0xffff;
	v27 =	vor.u32 $0x100, v1  }
0x96: {  	v3 =	vand.u32 $0x7F, v3;
	v20 =	vand.u32 $0xFFFFFE00, v34;
	v8 =	vld.idx.msk [tilespmem:v59+s3+$0x0], $0xffff;
	v29 =	vor.u32 $0x180, v1  }
0x97: {  	v3 =	vor.u32 v3, v20;
	v11 =	vld.idx.msk [tilespmem:v62+s3+$0x0], $0xffff  }
0x98: {  	v20 =	vor.u32 $0x80, v3;
	v1 =	vld.idx.msk [tilespmem:v1+s3+$0x0], $0xffff  }
0x99: {  	v9 =	vld.idx.msk [tilespmem:v9+s3+$0x0], $0xffff  }
0x9a: {  	v36 =	vor.u32 $0x100, v3;
	v13 =	vld.idx.msk [tilespmem:v27+s3+$0x0], $0xffff  }
0x9b: {  	v15 =	vld.idx.msk [tilespmem:v29+s3+$0x0], $0xffff  }
0x9c: {  	v37 =	vshll.u32 v55, $0x2;
	v38 =	vor.u32 $0x180, v3;
	[tilespmem:v3+s13+$0x0] =	vst.idx.add.f32.msk $0xffff, v2  }
0x9d: {  	v39 =	vshll.u32 v58, $0x2;
	v23 =	vand.u32 $0xFFFFFE00, v37;
	v5 =	vand.u32 $0x7F, v55;
	[tilespmem:v20+s13+$0x0] =	vst.idx.add.f32.msk $0xffff, v6  }
0x9e: {  	v5 =	vor.u32 v5, v23;
	v6 =	vand.u32 $0xFFFFFE00, v39;
	v39 =	vld [tilespmem:s20+$0x60]  }
0x9f: {  	[tilespmem:v36+s13+$0x0] =	vst.idx.add.f32.msk $0xffff, v8  }
0xa0: {  	v2 =	vor.u32 $0x80, v5;
	v36 =	vld [tilespmem:s20+$0x40]  }
0xa1: {  	v3 =	vor.u32 $0x100, v5;
	[tilespmem:v38+s13+$0x0] =	vst.idx.add.f32.msk $0xffff, v11  }
0xa2: {  	v7 =	vand.u32 $0x7F, v58;
	v40 =	vor.u32 $0x180, v5;
	v38 =	vld [tilespmem:s19+$0x50]  }
0xa3: {  	v41 =	vshll.u32 v63, $0x2;
	v6 =	vor.u32 v7, v6;
	[tilespmem:v5+s13+$0x0] =	vst.idx.add.f32.msk $0xffff, v1  }
0xa4: {  	v1 =	vor.u32 $0x80, v6;
	v5 =	vand.u32 $0xFFFFFE00, v41;
	v41 =	vld [tilespmem:s19+$0x60]  }
0xa5: {  	[tilespmem:v2+s13+$0x0] =	vst.idx.add.f32.msk $0xffff, v9  }
0xa6: {  	v2 =	vor.u32 $0x100, v6;
	[tilespmem:v3+s13+$0x0] =	vst.idx.add.f32.msk $0xffff, v13  }
0xa7: {  	v42 =	vand.u32 $0x7F, v63;
	v3 =	vor.u32 $0x180, v6;
	[tilespmem:v40+s13+$0x0] =	vst.idx.add.f32.msk $0xffff, v15  }
0xa8: {  	v43 =	vor.u32 v42, v5;
	[tilespmem:v6+s13+$0x0] =	vst.idx.add.f32.msk $0xffff, v4  }
0xa9: {  	[tilespmem:v1+s13+$0x0] =	vst.idx.add.f32.msk $0xffff, v14;
	v1 =	vor.u32 $0x80, v43  }
0xaa: {  	v56 =	vshll.u32 v47, $0x2;
	v29 =	vshll.u32 v46, $0x2;
	v5 =	vand.u32 $0x7F, v46;
	v46 =	vld [tilespmem:s19+$0x70]  }
0xab: {  	v4 =	vand.u32 $0x7F, v47;
	v14 =	vand.u32 $0xFFFFFE00, v56;
	[tilespmem:v2+s13+$0x0] =	vst.idx.add.f32.msk $0xffff, v16;
	v2 =	vor.u32 $0x100, v43  }
0xac: {  	v4 =	vor.u32 v4, v14;
	[tilespmem:v3+s13+$0x0] =	vst.idx.add.f32.msk $0xffff, v18  }
0xad: {  	v3 =	vor.u32 $0x180, v43;
	[tilespmem:v43+s13+$0x0] =	vst.idx.add.f32.msk $0xffff, v10  }
0xae: {  	[tilespmem:v1+s13+$0x0] =	vst.idx.add.f32.msk $0xffff, v17  }
0xaf: {  	v14 =	vor.u32 $0x80, v4;
	v1 =	vld [tilespmem:s20+$0x10]  }
0xb0: {  	v59 =	vshll.u32 v52, $0x2;
	v58 =	vor.u32 $0x100, v4;
	[tilespmem:v2+s13+$0x0] =	vst.idx.add.f32.msk $0xffff, v19  }
0xb1: {  	v60 =	vor.u32 $0x180, v4;
	v10 =	vand.u32 $0x7F, v52;
	v17 =	vand.u32 $0xFFFFFE00, v59;
	v4 =	vld.idx.msk [tilespmem:v4+s3+$0x0], $0xffff  }
0xb2: {  	v10 =	vor.u32 v10, v17;
	[tilespmem:v3+s13+$0x0] =	vst.idx.add.f32.msk $0xffff, v21  }
0xb3: {  	v3 =	vld [tilespmem:s19+$0x0];
	v17 =	vor.u32 $0x80, v10  }
0xb4: {  	v2 =	vshll.u32 v44, $0x2;
	v14 =	vld.idx.msk [tilespmem:v14+s3+$0x0], $0xffff;
	v61 =	vor.u32 $0x100, v10  }
0xb5: {  	v45 =	vand.u32 $0x7F, v44;
	v2 =	vand.u32 $0xFFFFFE00, v2;
	v16 =	vld.idx.msk [tilespmem:v58+s3+$0x0], $0xffff;
	v63 =	vor.u32 $0x180, v10  }
0xb6: {  	v18 =	vld.idx.msk [tilespmem:v60+s3+$0x0], $0xffff;
	v2 =	vor.u32 v45, v2  }
0xb7: {  	v48 =	vor.u32 $0x80, v2;
	v10 =	vld.idx.msk [tilespmem:v10+s3+$0x0], $0xffff  }
0xb8: {  	v50 =	vor.u32 $0x100, v2;
	v51 =	vshll.u32 v1, $0x2;
	v17 =	vld.idx.msk [tilespmem:v17+s3+$0x0], $0xffff  }
0xb9: {  	v53 =	vor.u32 $0x180, v2;
	v1 =	vand.u32 $0x7F, v1;
	v9 =	vand.u32 $0xFFFFFE00, v51;
	v19 =	vld.idx.msk [tilespmem:v61+s3+$0x0], $0xffff  }
0xba: {  	v1 =	vor.u32 v1, v9;
	v21 =	vld.idx.msk [tilespmem:v63+s3+$0x0], $0xffff  }
0xbb: {  	v2 =	vld.idx.msk [tilespmem:v2+s3+$0x0], $0xffff;
	v9 =	vor.u32 $0x80, v1  }
0xbc: {  	v62 =	vshll.u32 v3, $0x2;
	v55 =	vor.u32 $0x100, v1;
	v6 =	vld.idx.msk [tilespmem:v48+s3+$0x0], $0xffff  }
0xbd: {  	v3 =	vand.u32 $0x7F, v3;
	v57 =	vor.u32 $0x180, v1;
	v20 =	vand.u32 $0xFFFFFE00, v62;
	v8 =	vld.idx.msk [tilespmem:v50+s3+$0x0], $0xffff  }
0xbe: {  	v11 =	vld.idx.msk [tilespmem:v53+s3+$0x0], $0xffff;
	v3 =	vor.u32 v3, v20  }
0xbf: {  	v20 =	vor.u32 $0x80, v3;
	v1 =	vld.idx.msk [tilespmem:v1+s3+$0x0], $0xffff  }
0xc0: {  	v28 =	vor.u32 $0x100, v3;
	v9 =	vld.idx.msk [tilespmem:v9+s3+$0x0], $0xffff  }
0xc1: {  	v23 =	vand.u32 $0xFFFFFE00, v29;
	v30 =	vor.u32 $0x180, v3;
	v13 =	vld.idx.msk [tilespmem:v55+s3+$0x0], $0xffff  }
0xc2: {  	v5 =	vor.u32 v5, v23;
	v15 =	vld.idx.msk [tilespmem:v57+s3+$0x0], $0xffff  }
0xc3: {  	[tilespmem:v3+s13+$0x0] =	vst.idx.add.f32.msk $0xffff, v2;
	v2 =	vor.u32 $0x80, v5  }
0xc4: {  	v31 =	vshll.u32 v49, $0x2;
	v3 =	vor.u32 $0x100, v5;
	[tilespmem:v20+s13+$0x0] =	vst.idx.add.f32.msk $0xffff, v6  }
0xc5: {  	v7 =	vand.u32 $0x7F, v49;
	v32 =	vor.u32 $0x180, v5;
	v6 =	vand.u32 $0xFFFFFE00, v31;
	[tilespmem:v28+s13+$0x0] =	vst.idx.add.f32.msk $0xffff, v8  }
0xc6: {  	v6 =	vor.u32 v7, v6;
	[tilespmem:v30+s13+$0x0] =	vst.idx.add.f32.msk $0xffff, v11  }
0xc7: {  	[tilespmem:v5+s13+$0x0] =	vst.idx.add.f32.msk $0xffff, v1;
	v1 =	vor.u32 $0x80, v6  }
0xc8: {  	[tilespmem:v2+s13+$0x0] =	vst.idx.add.f32.msk $0xffff, v9  }
0xc9: {  	v33 =	vshll.u32 v54, $0x2;
	v2 =	vor.u32 $0x100, v6;
	[tilespmem:v3+s13+$0x0] =	vst.idx.add.f32.msk $0xffff, v13  }
0xca: {  	v34 =	vand.u32 $0x7F, v54;
	v5 =	vand.u32 $0xFFFFFE00, v33;
	v3 =	vor.u32 $0x180, v6;
	[tilespmem:v32+s13+$0x0] =	vst.idx.add.f32.msk $0xffff, v15  }
0xcb: {  	v35 =	vor.u32 v34, v5;
	[tilespmem:v6+s13+$0x0] =	vst.idx.add.f32.msk $0xffff, v4  }
0xcc: {  	[tilespmem:v1+s13+$0x0] =	vst.idx.add.f32.msk $0xffff, v14;
	v1 =	vor.u32 $0x80, v35  }
0xcd: {  	v44 =	vld [tilespmem:s20+$0x70];
	v48 =	vshll.u32 v39, $0x2  }
0xce: {  	v4 =	vand.u32 $0x7F, v39;
	v14 =	vand.u32 $0xFFFFFE00, v48;
	[tilespmem:v2+s13+$0x0] =	vst.idx.add.f32.msk $0xffff, v16;
	v2 =	vor.u32 $0x100, v35  }
0xcf: {  	v4 =	vor.u32 v4, v14;
	[tilespmem:v3+s13+$0x0] =	vst.idx.add.f32.msk $0xffff, v18  }
0xd0: {  	v3 =	vor.u32 $0x180, v35;
	[tilespmem:v35+s13+$0x0] =	vst.idx.add.f32.msk $0xffff, v10  }
0xd1: {  	[tilespmem:v1+s13+$0x0] =	vst.idx.add.f32.msk $0xffff, v17  }
0xd2: {  	v14 =	vor.u32 $0x80, v4;
	v1 =	vld [tilespmem:s20+$0x50]  }
0xd3: {  	v51 =	vshll.u32 v44, $0x2;
	v50 =	vor.u32 $0x100, v4;
	[tilespmem:v2+s13+$0x0] =	vst.idx.add.f32.msk $0xffff, v19  }
0xd4: {  	v52 =	vor.u32 $0x180, v4;
	v10 =	vand.u32 $0x7F, v44;
	v17 =	vand.u32 $0xFFFFFE00, v51;
	v4 =	vld.idx.msk [tilespmem:v4+s3+$0x0], $0xffff  }
0xd5: {  	v10 =	vor.u32 v10, v17;
	[tilespmem:v3+s13+$0x0] =	vst.idx.add.f32.msk $0xffff, v21  }
0xd6: {  	v3 =	vld [tilespmem:s19+$0x40];
	v17 =	vor.u32 $0x80, v10  }
0xd7: {  	v2 =	vshll.u32 v36, $0x2;
	v14 =	vld.idx.msk [tilespmem:v14+s3+$0x0], $0xffff;
	v53 =	vor.u32 $0x100, v10  }
0xd8: {  	v37 =	vand.u32 $0x7F, v36;
	v2 =	vand.u32 $0xFFFFFE00, v2;
	v16 =	vld.idx.msk [tilespmem:v50+s3+$0x0], $0xffff;
	v55 =	vor.u32 $0x180, v10  }
0xd9: {  	v18 =	vld.idx.msk [tilespmem:v52+s3+$0x0], $0xffff;
	v2 =	vor.u32 v37, v2  }
0xda: {  	v40 =	vor.u32 $0x80, v2;
	v10 =	vld.idx.msk [tilespmem:v10+s3+$0x0], $0xffff  }
0xdb: {  	v42 =	vor.u32 $0x100, v2;
	v43 =	vshll.u32 v1, $0x2;
	v17 =	vld.idx.msk [tilespmem:v17+s3+$0x0], $0xffff  }
0xdc: {  	v45 =	vor.u32 $0x180, v2;
	v1 =	vand.u32 $0x7F, v1;
	v9 =	vand.u32 $0xFFFFFE00, v43;
	v19 =	vld.idx.msk [tilespmem:v53+s3+$0x0], $0xffff  }
0xdd: {  	v1 =	vor.u32 v1, v9;
	v21 =	vld.idx.msk [tilespmem:v55+s3+$0x0], $0xffff  }
0xde: {  	v2 =	vld.idx.msk [tilespmem:v2+s3+$0x0], $0xffff;
	v9 =	vor.u32 $0x80, v1  }
0xdf: {  	v54 =	vshll.u32 v3, $0x2;
	v47 =	vor.u32 $0x100, v1;
	v6 =	vld.idx.msk [tilespmem:v40+s3+$0x0], $0xffff  }
0xe0: {  	v3 =	vand.u32 $0x7F, v3;
	v49 =	vor.u32 $0x180, v1;
	v20 =	vand.u32 $0xFFFFFE00, v54;
	v8 =	vld.idx.msk [tilespmem:v42+s3+$0x0], $0xffff  }
0xe1: {  	v11 =	vld.idx.msk [tilespmem:v45+s3+$0x0], $0xffff;
	v3 =	vor.u32 v3, v20  }
0xe2: {  	v20 =	vor.u32 $0x80, v3;
	v1 =	vld.idx.msk [tilespmem:v1+s3+$0x0], $0xffff  }
0xe3: {  	v57 =	vshll.u32 v38, $0x2;
	v56 =	vor.u32 $0x100, v3;
	v9 =	vld.idx.msk [tilespmem:v9+s3+$0x0], $0xffff  }
0xe4: {  	v23 =	vand.u32 $0xFFFFFE00, v57;
	v5 =	vand.u32 $0x7F, v38;
	v58 =	vor.u32 $0x180, v3;
	v13 =	vld.idx.msk [tilespmem:v47+s3+$0x0], $0xffff  }
0xe5: {  	v5 =	vor.u32 v5, v23;
	v15 =	vld.idx.msk [tilespmem:v49+s3+$0x0], $0xffff  }
0xe6: {  	[tilespmem:v3+s13+$0x0] =	vst.idx.add.f32.msk $0xffff, v2;
	v2 =	vor.u32 $0x80, v5  }
0xe7: {  	v59 =	vshll.u32 v41, $0x2;
	v3 =	vor.u32 $0x100, v5;
	[tilespmem:v20+s13+$0x0] =	vst.idx.add.f32.msk $0xffff, v6  }
0xe8: {  	v7 =	vand.u32 $0x7F, v41;
	v60 =	vor.u32 $0x180, v5;
	v6 =	vand.u32 $0xFFFFFE00, v59;
	[tilespmem:v56+s13+$0x0] =	vst.idx.add.f32.msk $0xffff, v8  }
0xe9: {  	v6 =	vor.u32 v7, v6;
	[tilespmem:v58+s13+$0x0] =	vst.idx.add.f32.msk $0xffff, v11  }
0xea: {  	[tilespmem:v5+s13+$0x0] =	vst.idx.add.f32.msk $0xffff, v1;
	v1 =	vor.u32 $0x80, v6  }
0xeb: {  	v61 =	vshll.u32 v46, $0x2;
	[tilespmem:v2+s13+$0x0] =	vst.idx.add.f32.msk $0xffff, v9;
	v2 =	vor.u32 $0x100, v6  }
0xec: {  	v62 =	vand.u32 $0x7F, v46;
	v5 =	vand.u32 $0xFFFFFE00, v61;
	[tilespmem:v3+s13+$0x0] =	vst.idx.add.f32.msk $0xffff, v13;
	v3 =	vor.u32 $0x180, v6  }
0xed: {  	v5 =	vor.u32 v62, v5;
	[tilespmem:v60+s13+$0x0] =	vst.idx.add.f32.msk $0xffff, v15  }
0xee: {  	v63 =	vor.u32 $0x80, v5;
	[tilespmem:v6+s13+$0x0] =	vst.idx.add.f32.msk $0xffff, v4  }
0xef: {  	s18 =	sadd.s32 $0x4, s18;
	[tilespmem:v1+s13+$0x0] =	vst.idx.add.f32.msk $0xffff, v14;
	v1 =	vor.u32 $0x100, v5  }
0xf0: {  	p0 =	slt.u32 s18, $0x3C;
	[tilespmem:v2+s13+$0x0] =	vst.idx.add.f32.msk $0xffff, v16;
	v2 =	vor.u32 $0x180, v5  }
.Ltmp8:
0xf1: {  	[tilespmem:v3+s13+$0x0] =	vst.idx.add.f32.msk $0xffff, v18;
	(pc) =	sbr.rel @p0 .LBB2_19-.Ltmp8, $4  }
0xf2: {  	[tilespmem:v5+s13+$0x0] =	vst.idx.add.f32.msk $0xffff, v10  }
0xf3: {  	[tilespmem:v63+s13+$0x0] =	vst.idx.add.f32.msk $0xffff, v17  }
0xf4: {  	[tilespmem:v1+s13+$0x0] =	vst.idx.add.f32.msk $0xffff, v19  }
0xf5: {  	s20 =	sadd.s32 $0x200, s20;
	s19 =	sadd.s32 $0x200, s19;
	[tilespmem:v2+s13+$0x0] =	vst.idx.add.f32.msk $0xffff, v21  }
0xf6: {  	_ =	swait.ge [sflag:s10], $0x1000;
	p0 =	seq.s32 s16, $0x2F  }
.Ltmp9:
0xf7: {  	[sflag:s10] =	ssyncset.done $0x0;
	(pc) =	sbr.rel @p0 .LBB2_21-.Ltmp9, $4  }
0xf8: {  	[sflag:s10] =	ssyncadd.s32 $0xFFFFF000  }
0xf9: {  	_ =	swait.ge [sflag:s11], $0x1000  }
0xfa: {  	[sflag:s11] =	ssyncset.done $0x0  }
0xfb: {  	[sflag:s11] =	ssyncadd.s32 $0xFFFFF000  }
0xfc: {  	s17 =	sadd.s32 $0x400, s17  }
0xfd: {  	s19 =	simm.s32 $0x13E00;
	s18 =	sadd.s32 s2, s17  }
0xfe: {  	s20 =	simm.s32 $0x10;
	s21 =	simm.s32 $0x13F00;
	s22 =	sadd.s32 $0x0, s18  }
.LBB2_26:
0xff: {  	[tilespmem:s19], [sflag:$0x2] =	stream.linear.gather [hbm4b:s22+s3], $0x80, $0x38;
	[tilespmem:$0x17E00] =	vst v63  }
0x100: {  	s22 =	smov.u32 s20;
	s19 =	smov.u32 s21;
	p0 =	sne.s32 s20, $0x1F0  }
.Ltmp10:
0x101: {  	s20 =	sadd.s32 $0x10, s20;
	(pc) =	sbr.rel @p0 .LBB2_26-.Ltmp10, $2  }
0x102: {  	_ =	sdelay $0x2  }
0x103: {  	s21 =	sadd.s32 $0x100, s21;
	s22 =	sadd.s32 s22, s18  }
0x104: {  	[tilespmem:s19], [sflag:$0x2] =	stream.linear.gather [hbm4b:s22+s3], $0x80, $0x38;
	[tilespmem:$0x17E00] =	vst v63  }
0x105: {  	s17 =	sadd.s32 s4, s17;
	s18 =	simm.s32 $0x0;
	s19 =	simm.s32 $0x15E00  }
.LBB2_28:
0x106: {  	p0 =	sne.s32 s18, $0x1F0  }
.Ltmp11:
0x107: {  	_ = 	snop;
	(pc) =	sbr.rel @p0 .LBB2_28-.Ltmp11, $4  }
0x108: {  	_ = 	snop  }
0x109: {  	s20 =	sadd.s32 s18, s17  }
0x10a: {  	[tilespmem:s19], [sflag:$0x3] =	stream.linear.gather [hbm4b:s20+s3], $0x80, $0x38;
	[tilespmem:$0x17E00] =	vst v63  }
0x10b: {  	s18 =	sadd.s32 $0x10, s18;
	s19 =	sadd.s32 $0x100, s19  }
0x10c: {  	s17 =	simm.s32 $0xFFFFFFFC;
	s18 =	simm.s32 $0x15F80;
	s19 =	simm.s32 $0x13F80  }
.LBB2_30:
0x10d: {  	v1 =	vld [tilespmem:s19+$0xFFFFFF00]  }
0x10e: {  	v2 =	vld [tilespmem:s19+$0xFFFFFF10]  }
0x10f: {  	v4 =	vld [tilespmem:s18+$0xFFFFFF00]  }
0x110: {  	v5 =	vld [tilespmem:s18+$0xFFFFFF10]  }
0x111: {  	v7 =	vld [tilespmem:s18+$0xFFFFFF20]  }
0x112: {  	v10 =	vld [tilespmem:s19+$0xFFFFFF30]  }
0x113: {  	v12 =	vld [tilespmem:s18+$0xFFFFFF30]  }
0x114: {  	v53 =	vld [tilespmem:s19+$0xFFFFFF40]  }
0x115: {  	v55 =	vld [tilespmem:s18+$0xFFFFFF50];
	v3 =	vshll.u32 v1, $0x2;
	v1 =	vand.u32 $0x7F, v1  }
0x116: {  	v56 =	vld [tilespmem:s19+$0xFFFFFF60];
	v9 =	vshll.u32 v2, $0x2;
	v2 =	vand.u32 $0x7F, v2;
	v3 =	vand.u32 $0xFFFFFE00, v3  }
0x117: {  	v58 =	vld [tilespmem:s18+$0xFFFFFF60];
	v17 =	vshll.u32 v10, $0x2;
	v9 =	vand.u32 $0xFFFFFE00, v9;
	v1 =	vor.u32 v1, v3  }
0x118: {  	v61 =	vld [tilespmem:s19+$0xFFFFFF70];
	v10 =	vand.u32 $0x7F, v10;
	v17 =	vand.u32 $0xFFFFFE00, v17;
	v2 =	vor.u32 v2, v9  }
0x119: {  	v63 =	vld [tilespmem:s18+$0xFFFFFF70];
	v10 =	vor.u32 v10, v17  }
0x11a: {  	v44 =	vld [tilespmem:s19+$0x0];
	v6 =	vor.u32 $0x80, v1  }
0x11b: {  	v3 =	vld [tilespmem:s19+$0xFFFFFF20];
	v8 =	vor.u32 $0x100, v1  }
0x11c: {  	v11 =	vor.u32 $0x180, v1;
	v1 =	vld.idx.msk [tilespmem:v1+s3+$0x0], $0xffff  }
0x11d: {  	v9 =	vor.u32 $0x80, v2;
	v13 =	vor.u32 $0x100, v2;
	v15 =	vor.u32 $0x180, v2;
	v2 =	vld.idx.msk [tilespmem:v2+s3+$0x0], $0xffff  }
0x11e: {  	v17 =	vor.u32 $0x80, v10;
	v19 =	vor.u32 $0x100, v10;
	v21 =	vor.u32 $0x180, v10;
	v10 =	vld.idx.msk [tilespmem:v10+s3+$0x0], $0xffff  }
0x11f: {  	v6 =	vld.idx.msk [tilespmem:v6+s3+$0x0], $0xffff  }
0x120: {  	v8 =	vld.idx.msk [tilespmem:v8+s3+$0x0], $0xffff  }
0x121: {  	v14 =	vshll.u32 v3, $0x2;
	v11 =	vld.idx.msk [tilespmem:v11+s3+$0x0], $0xffff  }
0x122: {  	v3 =	vand.u32 $0x7F, v3;
	v14 =	vand.u32 $0xFFFFFE00, v14;
	v9 =	vld.idx.msk [tilespmem:v9+s3+$0x0], $0xffff  }
0x123: {  	v13 =	vld.idx.msk [tilespmem:v13+s3+$0x0], $0xffff;
	v3 =	vor.u32 v3, v14  }
0x124: {  	v15 =	vld.idx.msk [tilespmem:v15+s3+$0x0], $0xffff;
	v14 =	vor.u32 $0x80, v3  }
0x125: {  	v20 =	vshll.u32 v4, $0x2;
	v17 =	vld.idx.msk [tilespmem:v17+s3+$0x0], $0xffff;
	v16 =	vor.u32 $0x100, v3  }
0x126: {  	v4 =	vand.u32 $0x7F, v4;
	v20 =	vand.u32 $0xFFFFFE00, v20;
	v19 =	vld.idx.msk [tilespmem:v19+s3+$0x0], $0xffff;
	v18 =	vor.u32 $0x180, v3  }
0x127: {  	v4 =	vor.u32 v4, v20;
	v21 =	vld.idx.msk [tilespmem:v21+s3+$0x0], $0xffff  }
0x128: {  	v20 =	vor.u32 $0x80, v4;
	v3 =	vld.idx.msk [tilespmem:v3+s3+$0x0], $0xffff  }
0x129: {  	v14 =	vld.idx.msk [tilespmem:v14+s3+$0x0], $0xffff  }
0x12a: {  	v23 =	vshll.u32 v5, $0x2;
	v22 =	vor.u32 $0x100, v4;
	v16 =	vld.idx.msk [tilespmem:v16+s3+$0x0], $0xffff  }
0x12b: {  	v5 =	vand.u32 $0x7F, v5;
	v23 =	vand.u32 $0xFFFFFE00, v23;
	v24 =	vor.u32 $0x180, v4;
	v18 =	vld.idx.msk [tilespmem:v18+s3+$0x0], $0xffff  }
0x12c: {  	v5 =	vor.u32 v5, v23;
	[tilespmem:v4+s13+$0x0] =	vst.idx.add.f32.msk $0xffff, v1  }
0x12d: {  	v47 =	vshll.u32 v7, $0x2;
	v1 =	vor.u32 $0x80, v5;
	[tilespmem:v20+s13+$0x0] =	vst.idx.add.f32.msk $0xffff, v6  }
0x12e: {  	v46 =	vor.u32 $0x100, v5;
	v6 =	vand.u32 $0xFFFFFE00, v47;
	v47 =	vld [tilespmem:s19+$0x20]  }
0x12f: {  	[tilespmem:v22+s13+$0x0] =	vst.idx.add.f32.msk $0xffff, v8  }
0x130: {  	v7 =	vand.u32 $0x7F, v7;
	v48 =	vor.u32 $0x180, v5;
	[tilespmem:v24+s13+$0x0] =	vst.idx.add.f32.msk $0xffff, v11  }
0x131: {  	v6 =	vor.u32 v7, v6;
	[tilespmem:v5+s13+$0x0] =	vst.idx.add.f32.msk $0xffff, v2  }
0x132: {  	v2 =	vor.u32 $0x80, v6;
	[tilespmem:v1+s13+$0x0] =	vst.idx.add.f32.msk $0xffff, v9  }
0x133: {  	v1 =	vor.u32 $0x100, v6;
	[tilespmem:v46+s13+$0x0] =	vst.idx.add.f32.msk $0xffff, v13  }
0x134: {  	v50 =	vshll.u32 v12, $0x2;
	v49 =	vor.u32 $0x180, v6;
	v46 =	vld [tilespmem:s18+$0x10]  }
0x135: {  	v51 =	vand.u32 $0x7F, v12;
	v5 =	vand.u32 $0xFFFFFE00, v50;
	[tilespmem:v48+s13+$0x0] =	vst.idx.add.f32.msk $0xffff, v15  }
0x136: {  	[tilespmem:v6+s13+$0x0] =	vst.idx.add.f32.msk $0xffff, v3;
	v3 =	vor.u32 v51, v5  }
0x137: {  	[tilespmem:v2+s13+$0x0] =	vst.idx.add.f32.msk $0xffff, v14  }
0x138: {  	v2 =	vor.u32 $0x80, v3;
	[tilespmem:v1+s13+$0x0] =	vst.idx.add.f32.msk $0xffff, v16  }
0x139: {  	v28 =	vshll.u32 v56, $0x2;
	v1 =	vor.u32 $0x100, v3;
	[tilespmem:v49+s13+$0x0] =	vst.idx.add.f32.msk $0xffff, v18  }
0x13a: {  	v4 =	vand.u32 $0x7F, v56;
	v14 =	vand.u32 $0xFFFFFE00, v28;
	v49 =	vld [tilespmem:s18+$0x20]  }
0x13b: {  	v4 =	vor.u32 v4, v14;
	[tilespmem:v3+s13+$0x0] =	vst.idx.add.f32.msk $0xffff, v10  }
0x13c: {  	v52 =	vor.u32 $0x180, v3;
	v3 =	vld [tilespmem:s18+$0xFFFFFF40]  }
0x13d: {  	v14 =	vor.u32 $0x80, v4;
	[tilespmem:v2+s13+$0x0] =	vst.idx.add.f32.msk $0xffff, v17  }
0x13e: {  	v30 =	vor.u32 $0x100, v4;
	[tilespmem:v1+s13+$0x0] =	vst.idx.add.f32.msk $0xffff, v19  }
0x13f: {  	v32 =	vor.u32 $0x180, v4;
	v1 =	vld [tilespmem:s19+$0xFFFFFF50]  }
0x140: {  	v31 =	vshll.u32 v61, $0x2;
	v4 =	vld.idx.msk [tilespmem:v4+s3+$0x0], $0xffff  }
0x141: {  	v10 =	vand.u32 $0x7F, v61;
	v2 =	vshll.u32 v53, $0x2;
	v17 =	vand.u32 $0xFFFFFE00, v31;
	[tilespmem:v52+s13+$0x0] =	vst.idx.add.f32.msk $0xffff, v21  }
0x142: {  	v54 =	vand.u32 $0x7F, v53;
	v2 =	vand.u32 $0xFFFFFE00, v2;
	v10 =	vor.u32 v10, v17;
	v14 =	vld.idx.msk [tilespmem:v14+s3+$0x0], $0xffff  }
0x143: {  	v2 =	vor.u32 v54, v2;
	v16 =	vld.idx.msk [tilespmem:v30+s3+$0x0], $0xffff  }
0x144: {  	v17 =	vor.u32 $0x80, v10;
	v18 =	vld.idx.msk [tilespmem:v32+s3+$0x0], $0xffff  }
0x145: {  	v33 =	vor.u32 $0x100, v10;
	v52 =	vld [tilespmem:s19+$0x30]  }
0x146: {  	v35 =	vor.u32 $0x180, v10;
	v54 =	vld [tilespmem:s18+$0x30]  }
0x147: {  	v57 =	vor.u32 $0x80, v2;
	v10 =	vld.idx.msk [tilespmem:v10+s3+$0x0], $0xffff  }
0x148: {  	v59 =	vor.u32 $0x100, v2;
	v62 =	vor.u32 $0x180, v2;
	v60 =	vshll.u32 v1, $0x2;
	v2 =	vld.idx.msk [tilespmem:v2+s3+$0x0], $0xffff  }
0x149: {  	v1 =	vand.u32 $0x7F, v1;
	v9 =	vand.u32 $0xFFFFFE00, v60;
	v17 =	vld.idx.msk [tilespmem:v17+s3+$0x0], $0xffff  }
0x14a: {  	v19 =	vld.idx.msk [tilespmem:v33+s3+$0x0], $0xffff;
	v1 =	vor.u32 v1, v9  }
0x14b: {  	v21 =	vld.idx.msk [tilespmem:v35+s3+$0x0], $0xffff;
	v9 =	vor.u32 $0x80, v1  }
0x14c: {  	v34 =	vshll.u32 v3, $0x2;
	v6 =	vld.idx.msk [tilespmem:v57+s3+$0x0], $0xffff;
	v27 =	vor.u32 $0x100, v1  }
0x14d: {  	v3 =	vand.u32 $0x7F, v3;
	v20 =	vand.u32 $0xFFFFFE00, v34;
	v8 =	vld.idx.msk [tilespmem:v59+s3+$0x0], $0xffff;
	v29 =	vor.u32 $0x180, v1  }
0x14e: {  	v3 =	vor.u32 v3, v20;
	v11 =	vld.idx.msk [tilespmem:v62+s3+$0x0], $0xffff  }
0x14f: {  	v20 =	vor.u32 $0x80, v3;
	v1 =	vld.idx.msk [tilespmem:v1+s3+$0x0], $0xffff  }
0x150: {  	v9 =	vld.idx.msk [tilespmem:v9+s3+$0x0], $0xffff  }
0x151: {  	v36 =	vor.u32 $0x100, v3;
	v13 =	vld.idx.msk [tilespmem:v27+s3+$0x0], $0xffff  }
0x152: {  	v15 =	vld.idx.msk [tilespmem:v29+s3+$0x0], $0xffff  }
0x153: {  	v37 =	vshll.u32 v55, $0x2;
	v38 =	vor.u32 $0x180, v3;
	[tilespmem:v3+s13+$0x0] =	vst.idx.add.f32.msk $0xffff, v2  }
0x154: {  	v39 =	vshll.u32 v58, $0x2;
	v23 =	vand.u32 $0xFFFFFE00, v37;
	v5 =	vand.u32 $0x7F, v55;
	[tilespmem:v20+s13+$0x0] =	vst.idx.add.f32.msk $0xffff, v6  }
0x155: {  	v5 =	vor.u32 v5, v23;
	v6 =	vand.u32 $0xFFFFFE00, v39;
	v39 =	vld [tilespmem:s19+$0x60]  }
0x156: {  	[tilespmem:v36+s13+$0x0] =	vst.idx.add.f32.msk $0xffff, v8  }
0x157: {  	v2 =	vor.u32 $0x80, v5;
	v36 =	vld [tilespmem:s19+$0x40]  }
0x158: {  	v3 =	vor.u32 $0x100, v5;
	[tilespmem:v38+s13+$0x0] =	vst.idx.add.f32.msk $0xffff, v11  }
0x159: {  	v7 =	vand.u32 $0x7F, v58;
	v40 =	vor.u32 $0x180, v5;
	v38 =	vld [tilespmem:s18+$0x50]  }
0x15a: {  	v41 =	vshll.u32 v63, $0x2;
	v6 =	vor.u32 v7, v6;
	[tilespmem:v5+s13+$0x0] =	vst.idx.add.f32.msk $0xffff, v1  }
0x15b: {  	v1 =	vor.u32 $0x80, v6;
	v5 =	vand.u32 $0xFFFFFE00, v41;
	v41 =	vld [tilespmem:s18+$0x60]  }
0x15c: {  	[tilespmem:v2+s13+$0x0] =	vst.idx.add.f32.msk $0xffff, v9  }
0x15d: {  	v2 =	vor.u32 $0x100, v6;
	[tilespmem:v3+s13+$0x0] =	vst.idx.add.f32.msk $0xffff, v13  }
0x15e: {  	v42 =	vand.u32 $0x7F, v63;
	v3 =	vor.u32 $0x180, v6;
	[tilespmem:v40+s13+$0x0] =	vst.idx.add.f32.msk $0xffff, v15  }
0x15f: {  	v43 =	vor.u32 v42, v5;
	[tilespmem:v6+s13+$0x0] =	vst.idx.add.f32.msk $0xffff, v4  }
0x160: {  	[tilespmem:v1+s13+$0x0] =	vst.idx.add.f32.msk $0xffff, v14;
	v1 =	vor.u32 $0x80, v43  }
0x161: {  	v56 =	vshll.u32 v47, $0x2;
	v29 =	vshll.u32 v46, $0x2;
	v5 =	vand.u32 $0x7F, v46;
	v46 =	vld [tilespmem:s18+$0x70]  }
0x162: {  	v4 =	vand.u32 $0x7F, v47;
	v14 =	vand.u32 $0xFFFFFE00, v56;
	[tilespmem:v2+s13+$0x0] =	vst.idx.add.f32.msk $0xffff, v16;
	v2 =	vor.u32 $0x100, v43  }
0x163: {  	v4 =	vor.u32 v4, v14;
	[tilespmem:v3+s13+$0x0] =	vst.idx.add.f32.msk $0xffff, v18  }
0x164: {  	v3 =	vor.u32 $0x180, v43;
	[tilespmem:v43+s13+$0x0] =	vst.idx.add.f32.msk $0xffff, v10  }
0x165: {  	[tilespmem:v1+s13+$0x0] =	vst.idx.add.f32.msk $0xffff, v17  }
0x166: {  	v14 =	vor.u32 $0x80, v4;
	v1 =	vld [tilespmem:s19+$0x10]  }
0x167: {  	v59 =	vshll.u32 v52, $0x2;
	v58 =	vor.u32 $0x100, v4;
	[tilespmem:v2+s13+$0x0] =	vst.idx.add.f32.msk $0xffff, v19  }
0x168: {  	v60 =	vor.u32 $0x180, v4;
	v10 =	vand.u32 $0x7F, v52;
	v17 =	vand.u32 $0xFFFFFE00, v59;
	v4 =	vld.idx.msk [tilespmem:v4+s3+$0x0], $0xffff  }
0x169: {  	v10 =	vor.u32 v10, v17;
	[tilespmem:v3+s13+$0x0] =	vst.idx.add.f32.msk $0xffff, v21  }
0x16a: {  	v3 =	vld [tilespmem:s18+$0x0];
	v17 =	vor.u32 $0x80, v10  }
0x16b: {  	v2 =	vshll.u32 v44, $0x2;
	v14 =	vld.idx.msk [tilespmem:v14+s3+$0x0], $0xffff;
	v61 =	vor.u32 $0x100, v10  }
0x16c: {  	v45 =	vand.u32 $0x7F, v44;
	v2 =	vand.u32 $0xFFFFFE00, v2;
	v16 =	vld.idx.msk [tilespmem:v58+s3+$0x0], $0xffff;
	v63 =	vor.u32 $0x180, v10  }
0x16d: {  	v18 =	vld.idx.msk [tilespmem:v60+s3+$0x0], $0xffff;
	v2 =	vor.u32 v45, v2  }
0x16e: {  	v48 =	vor.u32 $0x80, v2;
	v10 =	vld.idx.msk [tilespmem:v10+s3+$0x0], $0xffff  }
0x16f: {  	v50 =	vor.u32 $0x100, v2;
	v51 =	vshll.u32 v1, $0x2;
	v17 =	vld.idx.msk [tilespmem:v17+s3+$0x0], $0xffff  }
0x170: {  	v53 =	vor.u32 $0x180, v2;
	v1 =	vand.u32 $0x7F, v1;
	v9 =	vand.u32 $0xFFFFFE00, v51;
	v19 =	vld.idx.msk [tilespmem:v61+s3+$0x0], $0xffff  }
0x171: {  	v1 =	vor.u32 v1, v9;
	v21 =	vld.idx.msk [tilespmem:v63+s3+$0x0], $0xffff  }
0x172: {  	v2 =	vld.idx.msk [tilespmem:v2+s3+$0x0], $0xffff;
	v9 =	vor.u32 $0x80, v1  }
0x173: {  	v62 =	vshll.u32 v3, $0x2;
	v55 =	vor.u32 $0x100, v1;
	v6 =	vld.idx.msk [tilespmem:v48+s3+$0x0], $0xffff  }
0x174: {  	v3 =	vand.u32 $0x7F, v3;
	v57 =	vor.u32 $0x180, v1;
	v20 =	vand.u32 $0xFFFFFE00, v62;
	v8 =	vld.idx.msk [tilespmem:v50+s3+$0x0], $0xffff  }
0x175: {  	v11 =	vld.idx.msk [tilespmem:v53+s3+$0x0], $0xffff;
	v3 =	vor.u32 v3, v20  }
0x176: {  	v20 =	vor.u32 $0x80, v3;
	v1 =	vld.idx.msk [tilespmem:v1+s3+$0x0], $0xffff  }
0x177: {  	v28 =	vor.u32 $0x100, v3;
	v9 =	vld.idx.msk [tilespmem:v9+s3+$0x0], $0xffff  }
0x178: {  	v23 =	vand.u32 $0xFFFFFE00, v29;
	v30 =	vor.u32 $0x180, v3;
	v13 =	vld.idx.msk [tilespmem:v55+s3+$0x0], $0xffff  }
0x179: {  	v5 =	vor.u32 v5, v23;
	v15 =	vld.idx.msk [tilespmem:v57+s3+$0x0], $0xffff  }
0x17a: {  	[tilespmem:v3+s13+$0x0] =	vst.idx.add.f32.msk $0xffff, v2;
	v2 =	vor.u32 $0x80, v5  }
0x17b: {  	v31 =	vshll.u32 v49, $0x2;
	v3 =	vor.u32 $0x100, v5;
	[tilespmem:v20+s13+$0x0] =	vst.idx.add.f32.msk $0xffff, v6  }
0x17c: {  	v7 =	vand.u32 $0x7F, v49;
	v32 =	vor.u32 $0x180, v5;
	v6 =	vand.u32 $0xFFFFFE00, v31;
	[tilespmem:v28+s13+$0x0] =	vst.idx.add.f32.msk $0xffff, v8  }
0x17d: {  	v6 =	vor.u32 v7, v6;
	[tilespmem:v30+s13+$0x0] =	vst.idx.add.f32.msk $0xffff, v11  }
0x17e: {  	[tilespmem:v5+s13+$0x0] =	vst.idx.add.f32.msk $0xffff, v1;
	v1 =	vor.u32 $0x80, v6  }
0x17f: {  	[tilespmem:v2+s13+$0x0] =	vst.idx.add.f32.msk $0xffff, v9  }
0x180: {  	v33 =	vshll.u32 v54, $0x2;
	v2 =	vor.u32 $0x100, v6;
	[tilespmem:v3+s13+$0x0] =	vst.idx.add.f32.msk $0xffff, v13  }
0x181: {  	v34 =	vand.u32 $0x7F, v54;
	v5 =	vand.u32 $0xFFFFFE00, v33;
	v3 =	vor.u32 $0x180, v6;
	[tilespmem:v32+s13+$0x0] =	vst.idx.add.f32.msk $0xffff, v15  }
0x182: {  	v35 =	vor.u32 v34, v5;
	[tilespmem:v6+s13+$0x0] =	vst.idx.add.f32.msk $0xffff, v4  }
0x183: {  	[tilespmem:v1+s13+$0x0] =	vst.idx.add.f32.msk $0xffff, v14;
	v1 =	vor.u32 $0x80, v35  }
0x184: {  	v44 =	vld [tilespmem:s19+$0x70];
	v48 =	vshll.u32 v39, $0x2  }
0x185: {  	v4 =	vand.u32 $0x7F, v39;
	v14 =	vand.u32 $0xFFFFFE00, v48;
	[tilespmem:v2+s13+$0x0] =	vst.idx.add.f32.msk $0xffff, v16;
	v2 =	vor.u32 $0x100, v35  }
0x186: {  	v4 =	vor.u32 v4, v14;
	[tilespmem:v3+s13+$0x0] =	vst.idx.add.f32.msk $0xffff, v18  }
0x187: {  	v3 =	vor.u32 $0x180, v35;
	[tilespmem:v35+s13+$0x0] =	vst.idx.add.f32.msk $0xffff, v10  }
0x188: {  	[tilespmem:v1+s13+$0x0] =	vst.idx.add.f32.msk $0xffff, v17  }
0x189: {  	v14 =	vor.u32 $0x80, v4;
	v1 =	vld [tilespmem:s19+$0x50]  }
0x18a: {  	v51 =	vshll.u32 v44, $0x2;
	v50 =	vor.u32 $0x100, v4;
	[tilespmem:v2+s13+$0x0] =	vst.idx.add.f32.msk $0xffff, v19  }
0x18b: {  	v52 =	vor.u32 $0x180, v4;
	v10 =	vand.u32 $0x7F, v44;
	v17 =	vand.u32 $0xFFFFFE00, v51;
	v4 =	vld.idx.msk [tilespmem:v4+s3+$0x0], $0xffff  }
0x18c: {  	v10 =	vor.u32 v10, v17;
	[tilespmem:v3+s13+$0x0] =	vst.idx.add.f32.msk $0xffff, v21  }
0x18d: {  	v3 =	vld [tilespmem:s18+$0x40];
	v17 =	vor.u32 $0x80, v10  }
0x18e: {  	v2 =	vshll.u32 v36, $0x2;
	v14 =	vld.idx.msk [tilespmem:v14+s3+$0x0], $0xffff;
	v53 =	vor.u32 $0x100, v10  }
0x18f: {  	v37 =	vand.u32 $0x7F, v36;
	v2 =	vand.u32 $0xFFFFFE00, v2;
	v16 =	vld.idx.msk [tilespmem:v50+s3+$0x0], $0xffff;
	v55 =	vor.u32 $0x180, v10  }
0x190: {  	v18 =	vld.idx.msk [tilespmem:v52+s3+$0x0], $0xffff;
	v2 =	vor.u32 v37, v2  }
0x191: {  	v40 =	vor.u32 $0x80, v2;
	v10 =	vld.idx.msk [tilespmem:v10+s3+$0x0], $0xffff  }
0x192: {  	v42 =	vor.u32 $0x100, v2;
	v43 =	vshll.u32 v1, $0x2;
	v17 =	vld.idx.msk [tilespmem:v17+s3+$0x0], $0xffff  }
0x193: {  	v45 =	vor.u32 $0x180, v2;
	v1 =	vand.u32 $0x7F, v1;
	v9 =	vand.u32 $0xFFFFFE00, v43;
	v19 =	vld.idx.msk [tilespmem:v53+s3+$0x0], $0xffff  }
0x194: {  	v1 =	vor.u32 v1, v9;
	v21 =	vld.idx.msk [tilespmem:v55+s3+$0x0], $0xffff  }
0x195: {  	v2 =	vld.idx.msk [tilespmem:v2+s3+$0x0], $0xffff;
	v9 =	vor.u32 $0x80, v1  }
0x196: {  	v54 =	vshll.u32 v3, $0x2;
	v47 =	vor.u32 $0x100, v1;
	v6 =	vld.idx.msk [tilespmem:v40+s3+$0x0], $0xffff  }
0x197: {  	v3 =	vand.u32 $0x7F, v3;
	v49 =	vor.u32 $0x180, v1;
	v20 =	vand.u32 $0xFFFFFE00, v54;
	v8 =	vld.idx.msk [tilespmem:v42+s3+$0x0], $0xffff  }
0x198: {  	v11 =	vld.idx.msk [tilespmem:v45+s3+$0x0], $0xffff;
	v3 =	vor.u32 v3, v20  }
0x199: {  	v20 =	vor.u32 $0x80, v3;
	v1 =	vld.idx.msk [tilespmem:v1+s3+$0x0], $0xffff  }
0x19a: {  	v57 =	vshll.u32 v38, $0x2;
	v56 =	vor.u32 $0x100, v3;
	v9 =	vld.idx.msk [tilespmem:v9+s3+$0x0], $0xffff  }
0x19b: {  	v23 =	vand.u32 $0xFFFFFE00, v57;
	v5 =	vand.u32 $0x7F, v38;
	v58 =	vor.u32 $0x180, v3;
	v13 =	vld.idx.msk [tilespmem:v47+s3+$0x0], $0xffff  }
0x19c: {  	v5 =	vor.u32 v5, v23;
	v15 =	vld.idx.msk [tilespmem:v49+s3+$0x0], $0xffff  }
0x19d: {  	[tilespmem:v3+s13+$0x0] =	vst.idx.add.f32.msk $0xffff, v2;
	v2 =	vor.u32 $0x80, v5  }
0x19e: {  	v59 =	vshll.u32 v41, $0x2;
	v3 =	vor.u32 $0x100, v5;
	[tilespmem:v20+s13+$0x0] =	vst.idx.add.f32.msk $0xffff, v6  }
0x19f: {  	v7 =	vand.u32 $0x7F, v41;
	v60 =	vor.u32 $0x180, v5;
	v6 =	vand.u32 $0xFFFFFE00, v59;
	[tilespmem:v56+s13+$0x0] =	vst.idx.add.f32.msk $0xffff, v8  }
0x1a0: {  	v6 =	vor.u32 v7, v6;
	[tilespmem:v58+s13+$0x0] =	vst.idx.add.f32.msk $0xffff, v11  }
0x1a1: {  	[tilespmem:v5+s13+$0x0] =	vst.idx.add.f32.msk $0xffff, v1;
	v1 =	vor.u32 $0x80, v6  }
0x1a2: {  	v61 =	vshll.u32 v46, $0x2;
	[tilespmem:v2+s13+$0x0] =	vst.idx.add.f32.msk $0xffff, v9;
	v2 =	vor.u32 $0x100, v6  }
0x1a3: {  	v62 =	vand.u32 $0x7F, v46;
	v5 =	vand.u32 $0xFFFFFE00, v61;
	[tilespmem:v3+s13+$0x0] =	vst.idx.add.f32.msk $0xffff, v13;
	v3 =	vor.u32 $0x180, v6  }
0x1a4: {  	v5 =	vor.u32 v62, v5;
	[tilespmem:v60+s13+$0x0] =	vst.idx.add.f32.msk $0xffff, v15  }
0x1a5: {  	v63 =	vor.u32 $0x80, v5;
	[tilespmem:v6+s13+$0x0] =	vst.idx.add.f32.msk $0xffff, v4  }
0x1a6: {  	s17 =	sadd.s32 $0x4, s17;
	[tilespmem:v1+s13+$0x0] =	vst.idx.add.f32.msk $0xffff, v14;
	v1 =	vor.u32 $0x100, v5  }
0x1a7: {  	p0 =	slt.u32 s17, $0x3C;
	[tilespmem:v2+s13+$0x0] =	vst.idx.add.f32.msk $0xffff, v16;
	v2 =	vor.u32 $0x180, v5  }
.Ltmp12:
0x1a8: {  	[tilespmem:v3+s13+$0x0] =	vst.idx.add.f32.msk $0xffff, v18;
	(pc) =	sbr.rel @p0 .LBB2_30-.Ltmp12, $4  }
0x1a9: {  	[tilespmem:v5+s13+$0x0] =	vst.idx.add.f32.msk $0xffff, v10  }
0x1aa: {  	[tilespmem:v63+s13+$0x0] =	vst.idx.add.f32.msk $0xffff, v17  }
0x1ab: {  	[tilespmem:v1+s13+$0x0] =	vst.idx.add.f32.msk $0xffff, v19  }
0x1ac: {  	s19 =	sadd.s32 $0x200, s19;
	s18 =	sadd.s32 $0x200, s18;
	[tilespmem:v2+s13+$0x0] =	vst.idx.add.f32.msk $0xffff, v21  }
0x1ad: {  	_ =	swait.ge [sflag:s10], $0x1000  }
.Ltmp13:
0x1ae: {  	[sflag:s10] =	ssyncset.done $0x0;
	(pc) =	sbr.rel .LBB2_14-.Ltmp13, $4  }
0x1af: {  	[sflag:s10] =	ssyncadd.s32 $0xFFFFF000  }
0x1b0: {  	_ =	swait.ge [sflag:s11], $0x1000  }
0x1b1: {  	[sflag:s11] =	ssyncset.done $0x0  }
0x1b2: {  	s16 =	sadd.s32 $0x1, s16;
	[sflag:s11] =	ssyncadd.s32 $0xFFFFF000  }
.LBB2_21:
0x1b3: {  	s16 =	simm.s32 $0xFFFFFFFC;
	s17 =	simm.s32 $0x15F80;
	s18 =	simm.s32 $0x13F80  }
.LBB2_22:
0x1b4: {  	v1 =	vld [tilespmem:s18+$0xFFFFFF00]  }
0x1b5: {  	v2 =	vld [tilespmem:s18+$0xFFFFFF10]  }
0x1b6: {  	v4 =	vld [tilespmem:s17+$0xFFFFFF00]  }
0x1b7: {  	v5 =	vld [tilespmem:s17+$0xFFFFFF10]  }
0x1b8: {  	v7 =	vld [tilespmem:s17+$0xFFFFFF20]  }
0x1b9: {  	v10 =	vld [tilespmem:s18+$0xFFFFFF30]  }
0x1ba: {  	v12 =	vld [tilespmem:s17+$0xFFFFFF30]  }
0x1bb: {  	v53 =	vld [tilespmem:s18+$0xFFFFFF40]  }
0x1bc: {  	v55 =	vld [tilespmem:s17+$0xFFFFFF50];
	v3 =	vshll.u32 v1, $0x2;
	v1 =	vand.u32 $0x7F, v1  }
0x1bd: {  	v56 =	vld [tilespmem:s18+$0xFFFFFF60];
	v9 =	vshll.u32 v2, $0x2;
	v2 =	vand.u32 $0x7F, v2;
	v3 =	vand.u32 $0xFFFFFE00, v3  }
0x1be: {  	v58 =	vld [tilespmem:s17+$0xFFFFFF60];
	v17 =	vshll.u32 v10, $0x2;
	v9 =	vand.u32 $0xFFFFFE00, v9;
	v1 =	vor.u32 v1, v3  }
0x1bf: {  	v61 =	vld [tilespmem:s18+$0xFFFFFF70];
	v10 =	vand.u32 $0x7F, v10;
	v17 =	vand.u32 $0xFFFFFE00, v17;
	v2 =	vor.u32 v2, v9  }
0x1c0: {  	v63 =	vld [tilespmem:s17+$0xFFFFFF70];
	v10 =	vor.u32 v10, v17  }
0x1c1: {  	v44 =	vld [tilespmem:s18+$0x0];
	v6 =	vor.u32 $0x80, v1  }
0x1c2: {  	v3 =	vld [tilespmem:s18+$0xFFFFFF20];
	v8 =	vor.u32 $0x100, v1  }
0x1c3: {  	v11 =	vor.u32 $0x180, v1;
	v1 =	vld.idx.msk [tilespmem:v1+s3+$0x0], $0xffff  }
0x1c4: {  	v9 =	vor.u32 $0x80, v2;
	v13 =	vor.u32 $0x100, v2;
	v15 =	vor.u32 $0x180, v2;
	v2 =	vld.idx.msk [tilespmem:v2+s3+$0x0], $0xffff  }
0x1c5: {  	v17 =	vor.u32 $0x80, v10;
	v19 =	vor.u32 $0x100, v10;
	v21 =	vor.u32 $0x180, v10;
	v10 =	vld.idx.msk [tilespmem:v10+s3+$0x0], $0xffff  }
0x1c6: {  	v6 =	vld.idx.msk [tilespmem:v6+s3+$0x0], $0xffff  }
0x1c7: {  	v8 =	vld.idx.msk [tilespmem:v8+s3+$0x0], $0xffff  }
0x1c8: {  	v14 =	vshll.u32 v3, $0x2;
	v11 =	vld.idx.msk [tilespmem:v11+s3+$0x0], $0xffff  }
0x1c9: {  	v3 =	vand.u32 $0x7F, v3;
	v14 =	vand.u32 $0xFFFFFE00, v14;
	v9 =	vld.idx.msk [tilespmem:v9+s3+$0x0], $0xffff  }
0x1ca: {  	v13 =	vld.idx.msk [tilespmem:v13+s3+$0x0], $0xffff;
	v3 =	vor.u32 v3, v14  }
0x1cb: {  	v15 =	vld.idx.msk [tilespmem:v15+s3+$0x0], $0xffff;
	v14 =	vor.u32 $0x80, v3  }
0x1cc: {  	v20 =	vshll.u32 v4, $0x2;
	v17 =	vld.idx.msk [tilespmem:v17+s3+$0x0], $0xffff;
	v16 =	vor.u32 $0x100, v3  }
0x1cd: {  	v4 =	vand.u32 $0x7F, v4;
	v20 =	vand.u32 $0xFFFFFE00, v20;
	v19 =	vld.idx.msk [tilespmem:v19+s3+$0x0], $0xffff;
	v18 =	vor.u32 $0x180, v3  }
0x1ce: {  	v4 =	vor.u32 v4, v20;
	v21 =	vld.idx.msk [tilespmem:v21+s3+$0x0], $0xffff  }
0x1cf: {  	v20 =	vor.u32 $0x80, v4;
	v3 =	vld.idx.msk [tilespmem:v3+s3+$0x0], $0xffff  }
0x1d0: {  	v14 =	vld.idx.msk [tilespmem:v14+s3+$0x0], $0xffff  }
0x1d1: {  	v23 =	vshll.u32 v5, $0x2;
	v22 =	vor.u32 $0x100, v4;
	v16 =	vld.idx.msk [tilespmem:v16+s3+$0x0], $0xffff  }
0x1d2: {  	v5 =	vand.u32 $0x7F, v5;
	v23 =	vand.u32 $0xFFFFFE00, v23;
	v24 =	vor.u32 $0x180, v4;
	v18 =	vld.idx.msk [tilespmem:v18+s3+$0x0], $0xffff  }
0x1d3: {  	v5 =	vor.u32 v5, v23;
	[tilespmem:v4+s13+$0x0] =	vst.idx.add.f32.msk $0xffff, v1  }
0x1d4: {  	v47 =	vshll.u32 v7, $0x2;
	v1 =	vor.u32 $0x80, v5;
	[tilespmem:v20+s13+$0x0] =	vst.idx.add.f32.msk $0xffff, v6  }
0x1d5: {  	v46 =	vor.u32 $0x100, v5;
	v6 =	vand.u32 $0xFFFFFE00, v47;
	v47 =	vld [tilespmem:s18+$0x20]  }
0x1d6: {  	[tilespmem:v22+s13+$0x0] =	vst.idx.add.f32.msk $0xffff, v8  }
0x1d7: {  	v7 =	vand.u32 $0x7F, v7;
	v48 =	vor.u32 $0x180, v5;
	[tilespmem:v24+s13+$0x0] =	vst.idx.add.f32.msk $0xffff, v11  }
0x1d8: {  	v6 =	vor.u32 v7, v6;
	[tilespmem:v5+s13+$0x0] =	vst.idx.add.f32.msk $0xffff, v2  }
0x1d9: {  	v2 =	vor.u32 $0x80, v6;
	[tilespmem:v1+s13+$0x0] =	vst.idx.add.f32.msk $0xffff, v9  }
0x1da: {  	v1 =	vor.u32 $0x100, v6;
	[tilespmem:v46+s13+$0x0] =	vst.idx.add.f32.msk $0xffff, v13  }
0x1db: {  	v50 =	vshll.u32 v12, $0x2;
	v49 =	vor.u32 $0x180, v6;
	v46 =	vld [tilespmem:s17+$0x10]  }
0x1dc: {  	v51 =	vand.u32 $0x7F, v12;
	v5 =	vand.u32 $0xFFFFFE00, v50;
	[tilespmem:v48+s13+$0x0] =	vst.idx.add.f32.msk $0xffff, v15  }
0x1dd: {  	[tilespmem:v6+s13+$0x0] =	vst.idx.add.f32.msk $0xffff, v3;
	v3 =	vor.u32 v51, v5  }
0x1de: {  	[tilespmem:v2+s13+$0x0] =	vst.idx.add.f32.msk $0xffff, v14  }
0x1df: {  	v2 =	vor.u32 $0x80, v3;
	[tilespmem:v1+s13+$0x0] =	vst.idx.add.f32.msk $0xffff, v16  }
0x1e0: {  	v28 =	vshll.u32 v56, $0x2;
	v1 =	vor.u32 $0x100, v3;
	[tilespmem:v49+s13+$0x0] =	vst.idx.add.f32.msk $0xffff, v18  }
0x1e1: {  	v4 =	vand.u32 $0x7F, v56;
	v14 =	vand.u32 $0xFFFFFE00, v28;
	v49 =	vld [tilespmem:s17+$0x20]  }
0x1e2: {  	v4 =	vor.u32 v4, v14;
	[tilespmem:v3+s13+$0x0] =	vst.idx.add.f32.msk $0xffff, v10  }
0x1e3: {  	v52 =	vor.u32 $0x180, v3;
	v3 =	vld [tilespmem:s17+$0xFFFFFF40]  }
0x1e4: {  	v14 =	vor.u32 $0x80, v4;
	[tilespmem:v2+s13+$0x0] =	vst.idx.add.f32.msk $0xffff, v17  }
0x1e5: {  	v30 =	vor.u32 $0x100, v4;
	[tilespmem:v1+s13+$0x0] =	vst.idx.add.f32.msk $0xffff, v19  }
0x1e6: {  	v32 =	vor.u32 $0x180, v4;
	v1 =	vld [tilespmem:s18+$0xFFFFFF50]  }
0x1e7: {  	v31 =	vshll.u32 v61, $0x2;
	v4 =	vld.idx.msk [tilespmem:v4+s3+$0x0], $0xffff  }
0x1e8: {  	v10 =	vand.u32 $0x7F, v61;
	v2 =	vshll.u32 v53, $0x2;
	v17 =	vand.u32 $0xFFFFFE00, v31;
	[tilespmem:v52+s13+$0x0] =	vst.idx.add.f32.msk $0xffff, v21  }
0x1e9: {  	v54 =	vand.u32 $0x7F, v53;
	v2 =	vand.u32 $0xFFFFFE00, v2;
	v10 =	vor.u32 v10, v17;
	v14 =	vld.idx.msk [tilespmem:v14+s3+$0x0], $0xffff  }
0x1ea: {  	v2 =	vor.u32 v54, v2;
	v16 =	vld.idx.msk [tilespmem:v30+s3+$0x0], $0xffff  }
0x1eb: {  	v17 =	vor.u32 $0x80, v10;
	v18 =	vld.idx.msk [tilespmem:v32+s3+$0x0], $0xffff  }
0x1ec: {  	v33 =	vor.u32 $0x100, v10;
	v52 =	vld [tilespmem:s18+$0x30]  }
0x1ed: {  	v35 =	vor.u32 $0x180, v10;
	v54 =	vld [tilespmem:s17+$0x30]  }
0x1ee: {  	v57 =	vor.u32 $0x80, v2;
	v10 =	vld.idx.msk [tilespmem:v10+s3+$0x0], $0xffff  }
0x1ef: {  	v59 =	vor.u32 $0x100, v2;
	v62 =	vor.u32 $0x180, v2;
	v60 =	vshll.u32 v1, $0x2;
	v2 =	vld.idx.msk [tilespmem:v2+s3+$0x0], $0xffff  }
0x1f0: {  	v1 =	vand.u32 $0x7F, v1;
	v9 =	vand.u32 $0xFFFFFE00, v60;
	v17 =	vld.idx.msk [tilespmem:v17+s3+$0x0], $0xffff  }
0x1f1: {  	v19 =	vld.idx.msk [tilespmem:v33+s3+$0x0], $0xffff;
	v1 =	vor.u32 v1, v9  }
0x1f2: {  	v21 =	vld.idx.msk [tilespmem:v35+s3+$0x0], $0xffff;
	v9 =	vor.u32 $0x80, v1  }
0x1f3: {  	v34 =	vshll.u32 v3, $0x2;
	v6 =	vld.idx.msk [tilespmem:v57+s3+$0x0], $0xffff;
	v27 =	vor.u32 $0x100, v1  }
0x1f4: {  	v3 =	vand.u32 $0x7F, v3;
	v20 =	vand.u32 $0xFFFFFE00, v34;
	v8 =	vld.idx.msk [tilespmem:v59+s3+$0x0], $0xffff;
	v29 =	vor.u32 $0x180, v1  }
0x1f5: {  	v3 =	vor.u32 v3, v20;
	v11 =	vld.idx.msk [tilespmem:v62+s3+$0x0], $0xffff  }
0x1f6: {  	v20 =	vor.u32 $0x80, v3;
	v1 =	vld.idx.msk [tilespmem:v1+s3+$0x0], $0xffff  }
0x1f7: {  	v9 =	vld.idx.msk [tilespmem:v9+s3+$0x0], $0xffff  }
0x1f8: {  	v36 =	vor.u32 $0x100, v3;
	v13 =	vld.idx.msk [tilespmem:v27+s3+$0x0], $0xffff  }
0x1f9: {  	v15 =	vld.idx.msk [tilespmem:v29+s3+$0x0], $0xffff  }
0x1fa: {  	v37 =	vshll.u32 v55, $0x2;
	v38 =	vor.u32 $0x180, v3;
	[tilespmem:v3+s13+$0x0] =	vst.idx.add.f32.msk $0xffff, v2  }
0x1fb: {  	v39 =	vshll.u32 v58, $0x2;
	v23 =	vand.u32 $0xFFFFFE00, v37;
	v5 =	vand.u32 $0x7F, v55;
	[tilespmem:v20+s13+$0x0] =	vst.idx.add.f32.msk $0xffff, v6  }
0x1fc: {  	v5 =	vor.u32 v5, v23;
	v6 =	vand.u32 $0xFFFFFE00, v39;
	v39 =	vld [tilespmem:s18+$0x60]  }
0x1fd: {  	[tilespmem:v36+s13+$0x0] =	vst.idx.add.f32.msk $0xffff, v8  }
0x1fe: {  	v2 =	vor.u32 $0x80, v5;
	v36 =	vld [tilespmem:s18+$0x40]  }
0x1ff: {  	v3 =	vor.u32 $0x100, v5;
	[tilespmem:v38+s13+$0x0] =	vst.idx.add.f32.msk $0xffff, v11  }
0x200: {  	v7 =	vand.u32 $0x7F, v58;
	v40 =	vor.u32 $0x180, v5;
	v38 =	vld [tilespmem:s17+$0x50]  }
0x201: {  	v41 =	vshll.u32 v63, $0x2;
	v6 =	vor.u32 v7, v6;
	[tilespmem:v5+s13+$0x0] =	vst.idx.add.f32.msk $0xffff, v1  }
0x202: {  	v1 =	vor.u32 $0x80, v6;
	v5 =	vand.u32 $0xFFFFFE00, v41;
	v41 =	vld [tilespmem:s17+$0x60]  }
0x203: {  	[tilespmem:v2+s13+$0x0] =	vst.idx.add.f32.msk $0xffff, v9  }
0x204: {  	v2 =	vor.u32 $0x100, v6;
	[tilespmem:v3+s13+$0x0] =	vst.idx.add.f32.msk $0xffff, v13  }
0x205: {  	v42 =	vand.u32 $0x7F, v63;
	v3 =	vor.u32 $0x180, v6;
	[tilespmem:v40+s13+$0x0] =	vst.idx.add.f32.msk $0xffff, v15  }
0x206: {  	v43 =	vor.u32 v42, v5;
	[tilespmem:v6+s13+$0x0] =	vst.idx.add.f32.msk $0xffff, v4  }
0x207: {  	[tilespmem:v1+s13+$0x0] =	vst.idx.add.f32.msk $0xffff, v14;
	v1 =	vor.u32 $0x80, v43  }
0x208: {  	v56 =	vshll.u32 v47, $0x2;
	v29 =	vshll.u32 v46, $0x2;
	v5 =	vand.u32 $0x7F, v46;
	v46 =	vld [tilespmem:s17+$0x70]  }
0x209: {  	v4 =	vand.u32 $0x7F, v47;
	v14 =	vand.u32 $0xFFFFFE00, v56;
	[tilespmem:v2+s13+$0x0] =	vst.idx.add.f32.msk $0xffff, v16;
	v2 =	vor.u32 $0x100, v43  }
0x20a: {  	v4 =	vor.u32 v4, v14;
	[tilespmem:v3+s13+$0x0] =	vst.idx.add.f32.msk $0xffff, v18  }
0x20b: {  	v3 =	vor.u32 $0x180, v43;
	[tilespmem:v43+s13+$0x0] =	vst.idx.add.f32.msk $0xffff, v10  }
0x20c: {  	[tilespmem:v1+s13+$0x0] =	vst.idx.add.f32.msk $0xffff, v17  }
0x20d: {  	v14 =	vor.u32 $0x80, v4;
	v1 =	vld [tilespmem:s18+$0x10]  }
0x20e: {  	v59 =	vshll.u32 v52, $0x2;
	v58 =	vor.u32 $0x100, v4;
	[tilespmem:v2+s13+$0x0] =	vst.idx.add.f32.msk $0xffff, v19  }
0x20f: {  	v60 =	vor.u32 $0x180, v4;
	v10 =	vand.u32 $0x7F, v52;
	v17 =	vand.u32 $0xFFFFFE00, v59;
	v4 =	vld.idx.msk [tilespmem:v4+s3+$0x0], $0xffff  }
0x210: {  	v10 =	vor.u32 v10, v17;
	[tilespmem:v3+s13+$0x0] =	vst.idx.add.f32.msk $0xffff, v21  }
0x211: {  	v3 =	vld [tilespmem:s17+$0x0];
	v17 =	vor.u32 $0x80, v10  }
0x212: {  	v2 =	vshll.u32 v44, $0x2;
	v14 =	vld.idx.msk [tilespmem:v14+s3+$0x0], $0xffff;
	v61 =	vor.u32 $0x100, v10  }
0x213: {  	v45 =	vand.u32 $0x7F, v44;
	v2 =	vand.u32 $0xFFFFFE00, v2;
	v16 =	vld.idx.msk [tilespmem:v58+s3+$0x0], $0xffff;
	v63 =	vor.u32 $0x180, v10  }
0x214: {  	v18 =	vld.idx.msk [tilespmem:v60+s3+$0x0], $0xffff;
	v2 =	vor.u32 v45, v2  }
0x215: {  	v48 =	vor.u32 $0x80, v2;
	v10 =	vld.idx.msk [tilespmem:v10+s3+$0x0], $0xffff  }
0x216: {  	v50 =	vor.u32 $0x100, v2;
	v51 =	vshll.u32 v1, $0x2;
	v17 =	vld.idx.msk [tilespmem:v17+s3+$0x0], $0xffff  }
0x217: {  	v53 =	vor.u32 $0x180, v2;
	v1 =	vand.u32 $0x7F, v1;
	v9 =	vand.u32 $0xFFFFFE00, v51;
	v19 =	vld.idx.msk [tilespmem:v61+s3+$0x0], $0xffff  }
0x218: {  	v1 =	vor.u32 v1, v9;
	v21 =	vld.idx.msk [tilespmem:v63+s3+$0x0], $0xffff  }
0x219: {  	v2 =	vld.idx.msk [tilespmem:v2+s3+$0x0], $0xffff;
	v9 =	vor.u32 $0x80, v1  }
0x21a: {  	v62 =	vshll.u32 v3, $0x2;
	v55 =	vor.u32 $0x100, v1;
	v6 =	vld.idx.msk [tilespmem:v48+s3+$0x0], $0xffff  }
0x21b: {  	v3 =	vand.u32 $0x7F, v3;
	v57 =	vor.u32 $0x180, v1;
	v20 =	vand.u32 $0xFFFFFE00, v62;
	v8 =	vld.idx.msk [tilespmem:v50+s3+$0x0], $0xffff  }
0x21c: {  	v11 =	vld.idx.msk [tilespmem:v53+s3+$0x0], $0xffff;
	v3 =	vor.u32 v3, v20  }
0x21d: {  	v20 =	vor.u32 $0x80, v3;
	v1 =	vld.idx.msk [tilespmem:v1+s3+$0x0], $0xffff  }
0x21e: {  	v28 =	vor.u32 $0x100, v3;
	v9 =	vld.idx.msk [tilespmem:v9+s3+$0x0], $0xffff  }
0x21f: {  	v23 =	vand.u32 $0xFFFFFE00, v29;
	v30 =	vor.u32 $0x180, v3;
	v13 =	vld.idx.msk [tilespmem:v55+s3+$0x0], $0xffff  }
0x220: {  	v5 =	vor.u32 v5, v23;
	v15 =	vld.idx.msk [tilespmem:v57+s3+$0x0], $0xffff  }
0x221: {  	[tilespmem:v3+s13+$0x0] =	vst.idx.add.f32.msk $0xffff, v2;
	v2 =	vor.u32 $0x80, v5  }
0x222: {  	v31 =	vshll.u32 v49, $0x2;
	v3 =	vor.u32 $0x100, v5;
	[tilespmem:v20+s13+$0x0] =	vst.idx.add.f32.msk $0xffff, v6  }
0x223: {  	v7 =	vand.u32 $0x7F, v49;
	v32 =	vor.u32 $0x180, v5;
	v6 =	vand.u32 $0xFFFFFE00, v31;
	[tilespmem:v28+s13+$0x0] =	vst.idx.add.f32.msk $0xffff, v8  }
0x224: {  	v6 =	vor.u32 v7, v6;
	[tilespmem:v30+s13+$0x0] =	vst.idx.add.f32.msk $0xffff, v11  }
0x225: {  	[tilespmem:v5+s13+$0x0] =	vst.idx.add.f32.msk $0xffff, v1;
	v1 =	vor.u32 $0x80, v6  }
0x226: {  	[tilespmem:v2+s13+$0x0] =	vst.idx.add.f32.msk $0xffff, v9  }
0x227: {  	v33 =	vshll.u32 v54, $0x2;
	v2 =	vor.u32 $0x100, v6;
	[tilespmem:v3+s13+$0x0] =	vst.idx.add.f32.msk $0xffff, v13  }
0x228: {  	v34 =	vand.u32 $0x7F, v54;
	v5 =	vand.u32 $0xFFFFFE00, v33;
	v3 =	vor.u32 $0x180, v6;
	[tilespmem:v32+s13+$0x0] =	vst.idx.add.f32.msk $0xffff, v15  }
0x229: {  	v35 =	vor.u32 v34, v5;
	[tilespmem:v6+s13+$0x0] =	vst.idx.add.f32.msk $0xffff, v4  }
0x22a: {  	[tilespmem:v1+s13+$0x0] =	vst.idx.add.f32.msk $0xffff, v14;
	v1 =	vor.u32 $0x80, v35  }
0x22b: {  	v44 =	vld [tilespmem:s18+$0x70];
	v48 =	vshll.u32 v39, $0x2  }
0x22c: {  	v4 =	vand.u32 $0x7F, v39;
	v14 =	vand.u32 $0xFFFFFE00, v48;
	[tilespmem:v2+s13+$0x0] =	vst.idx.add.f32.msk $0xffff, v16;
	v2 =	vor.u32 $0x100, v35  }
0x22d: {  	v4 =	vor.u32 v4, v14;
	[tilespmem:v3+s13+$0x0] =	vst.idx.add.f32.msk $0xffff, v18  }
0x22e: {  	v3 =	vor.u32 $0x180, v35;
	[tilespmem:v35+s13+$0x0] =	vst.idx.add.f32.msk $0xffff, v10  }
0x22f: {  	[tilespmem:v1+s13+$0x0] =	vst.idx.add.f32.msk $0xffff, v17  }
0x230: {  	v14 =	vor.u32 $0x80, v4;
	v1 =	vld [tilespmem:s18+$0x50]  }
0x231: {  	v51 =	vshll.u32 v44, $0x2;
	v50 =	vor.u32 $0x100, v4;
	[tilespmem:v2+s13+$0x0] =	vst.idx.add.f32.msk $0xffff, v19  }
0x232: {  	v52 =	vor.u32 $0x180, v4;
	v10 =	vand.u32 $0x7F, v44;
	v17 =	vand.u32 $0xFFFFFE00, v51;
	v4 =	vld.idx.msk [tilespmem:v4+s3+$0x0], $0xffff  }
0x233: {  	v10 =	vor.u32 v10, v17;
	[tilespmem:v3+s13+$0x0] =	vst.idx.add.f32.msk $0xffff, v21  }
0x234: {  	v3 =	vld [tilespmem:s17+$0x40];
	v17 =	vor.u32 $0x80, v10  }
0x235: {  	v2 =	vshll.u32 v36, $0x2;
	v14 =	vld.idx.msk [tilespmem:v14+s3+$0x0], $0xffff;
	v53 =	vor.u32 $0x100, v10  }
0x236: {  	v37 =	vand.u32 $0x7F, v36;
	v2 =	vand.u32 $0xFFFFFE00, v2;
	v16 =	vld.idx.msk [tilespmem:v50+s3+$0x0], $0xffff;
	v55 =	vor.u32 $0x180, v10  }
0x237: {  	v18 =	vld.idx.msk [tilespmem:v52+s3+$0x0], $0xffff;
	v2 =	vor.u32 v37, v2  }
0x238: {  	v40 =	vor.u32 $0x80, v2;
	v10 =	vld.idx.msk [tilespmem:v10+s3+$0x0], $0xffff  }
0x239: {  	v42 =	vor.u32 $0x100, v2;
	v43 =	vshll.u32 v1, $0x2;
	v17 =	vld.idx.msk [tilespmem:v17+s3+$0x0], $0xffff  }
0x23a: {  	v45 =	vor.u32 $0x180, v2;
	v1 =	vand.u32 $0x7F, v1;
	v9 =	vand.u32 $0xFFFFFE00, v43;
	v19 =	vld.idx.msk [tilespmem:v53+s3+$0x0], $0xffff  }
0x23b: {  	v1 =	vor.u32 v1, v9;
	v21 =	vld.idx.msk [tilespmem:v55+s3+$0x0], $0xffff  }
0x23c: {  	v2 =	vld.idx.msk [tilespmem:v2+s3+$0x0], $0xffff;
	v9 =	vor.u32 $0x80, v1  }
0x23d: {  	v54 =	vshll.u32 v3, $0x2;
	v47 =	vor.u32 $0x100, v1;
	v6 =	vld.idx.msk [tilespmem:v40+s3+$0x0], $0xffff  }
0x23e: {  	v3 =	vand.u32 $0x7F, v3;
	v49 =	vor.u32 $0x180, v1;
	v20 =	vand.u32 $0xFFFFFE00, v54;
	v8 =	vld.idx.msk [tilespmem:v42+s3+$0x0], $0xffff  }
0x23f: {  	v11 =	vld.idx.msk [tilespmem:v45+s3+$0x0], $0xffff;
	v3 =	vor.u32 v3, v20  }
0x240: {  	v20 =	vor.u32 $0x80, v3;
	v1 =	vld.idx.msk [tilespmem:v1+s3+$0x0], $0xffff  }
0x241: {  	v57 =	vshll.u32 v38, $0x2;
	v56 =	vor.u32 $0x100, v3;
	v9 =	vld.idx.msk [tilespmem:v9+s3+$0x0], $0xffff  }
0x242: {  	v23 =	vand.u32 $0xFFFFFE00, v57;
	v5 =	vand.u32 $0x7F, v38;
	v58 =	vor.u32 $0x180, v3;
	v13 =	vld.idx.msk [tilespmem:v47+s3+$0x0], $0xffff  }
0x243: {  	v5 =	vor.u32 v5, v23;
	v15 =	vld.idx.msk [tilespmem:v49+s3+$0x0], $0xffff  }
0x244: {  	[tilespmem:v3+s13+$0x0] =	vst.idx.add.f32.msk $0xffff, v2;
	v2 =	vor.u32 $0x80, v5  }
0x245: {  	v59 =	vshll.u32 v41, $0x2;
	v3 =	vor.u32 $0x100, v5;
	[tilespmem:v20+s13+$0x0] =	vst.idx.add.f32.msk $0xffff, v6  }
0x246: {  	v7 =	vand.u32 $0x7F, v41;
	v60 =	vor.u32 $0x180, v5;
	v6 =	vand.u32 $0xFFFFFE00, v59;
	[tilespmem:v56+s13+$0x0] =	vst.idx.add.f32.msk $0xffff, v8  }
0x247: {  	v6 =	vor.u32 v7, v6;
	[tilespmem:v58+s13+$0x0] =	vst.idx.add.f32.msk $0xffff, v11  }
0x248: {  	[tilespmem:v5+s13+$0x0] =	vst.idx.add.f32.msk $0xffff, v1;
	v1 =	vor.u32 $0x80, v6  }
0x249: {  	v61 =	vshll.u32 v46, $0x2;
	[tilespmem:v2+s13+$0x0] =	vst.idx.add.f32.msk $0xffff, v9;
	v2 =	vor.u32 $0x100, v6  }
0x24a: {  	v62 =	vand.u32 $0x7F, v46;
	v5 =	vand.u32 $0xFFFFFE00, v61;
	[tilespmem:v3+s13+$0x0] =	vst.idx.add.f32.msk $0xffff, v13;
	v3 =	vor.u32 $0x180, v6  }
0x24b: {  	v5 =	vor.u32 v62, v5;
	[tilespmem:v60+s13+$0x0] =	vst.idx.add.f32.msk $0xffff, v15  }
0x24c: {  	v63 =	vor.u32 $0x80, v5;
	[tilespmem:v6+s13+$0x0] =	vst.idx.add.f32.msk $0xffff, v4  }
0x24d: {  	s16 =	sadd.s32 $0x4, s16;
	[tilespmem:v1+s13+$0x0] =	vst.idx.add.f32.msk $0xffff, v14;
	v1 =	vor.u32 $0x100, v5  }
0x24e: {  	p0 =	slt.u32 s16, $0x3C;
	[tilespmem:v2+s13+$0x0] =	vst.idx.add.f32.msk $0xffff, v16;
	v2 =	vor.u32 $0x180, v5  }
.Ltmp14:
0x24f: {  	[tilespmem:v3+s13+$0x0] =	vst.idx.add.f32.msk $0xffff, v18;
	(pc) =	sbr.rel @p0 .LBB2_22-.Ltmp14, $4  }
0x250: {  	[tilespmem:v5+s13+$0x0] =	vst.idx.add.f32.msk $0xffff, v10  }
0x251: {  	[tilespmem:v63+s13+$0x0] =	vst.idx.add.f32.msk $0xffff, v17  }
0x252: {  	[tilespmem:v1+s13+$0x0] =	vst.idx.add.f32.msk $0xffff, v19  }
0x253: {  	s18 =	sadd.s32 $0x200, s18;
	s17 =	sadd.s32 $0x200, s17;
	[tilespmem:v2+s13+$0x0] =	vst.idx.add.f32.msk $0xffff, v21  }
0x254: {  	s15 =	sadd.s32 $0x1, s15  }
0x255: {  	p0 =	sne.s32 s15, s7  }
.Ltmp15:
0x256: {  	_ = 	snop;
	(pc) =	sbr.rel @p0 .LBB2_1-.Ltmp15, $4  }
0x257: {  	[hbm4b:s6+s8] =	stream.strided.scatter [tilespmem:s13], [sflag:$0x4], $0xA000, s9, s8, $0x38;
	[tilespmem:$0x17E00] =	vst v63  }
0x258: {  	_ =	swait.ge [sflag:s14], $0xA000  }
0x259: {  	[sflag:s14] =	ssyncset.done $0x0  }
0x25a: {  	[sflag:s14] =	ssyncadd.s32 $0xFFFF6000  }
0x25b: {  	_ =	sfence.sel $0x180000  }
0x25c: {  	[bflag:$0x0] =	sbarrier.arrive $0xFFFF  }
0x25d: {  	p0 =	sne.s32 s0, $0x0;
	_ =	strace $0x9000004A  }
0x25e: {  	s0 =	sadd.s32 @!p0 $0x100000, s1;
	[bflag:$0x2] =	sbarrier.arrive $0xFFFF  }
0x25f: {  	[sflag:s0] =	ssyncadd.tile.s32 @!p0 $0x1;
	_ =	shalt  }
.Lfunc_end2:
_tile_overlayer_lowered:
.L_overlay_start_2:
0x260: {  	(tag) =	ssettag $0x2  }
0x261: {  	s0 =	rddreg [dreg:$0x0];
	s2 =	stileid.u32  }
0x262: {  	s1 =	rddreg [dreg:$0x1];
	p0 =	sne.s32 s2, $0x0  }
0x263: {  	s3 =	rddreg [dreg:$0x2];
	[bflag:$0x3] =	sbarrier.arrive $0xFFFF;
	s2 =	simm.s32 @!p0 $0x1C04  }
0x264: {  	[timem:s3], [sflag:s2] =	dma.local @!p0 [hbm:s0], s1  }
0x265: {  	s0 =	simm.s32 @!p0 $0x4  }
0x266: {  	_ =	swait.ge @!p0 [sflag:s0], s1  }
0x267: {  	s1 =	ssub.s32 @!p0 $0x0, s1;
	[sflag:s0] =	ssyncset.done @!p0 $0x0  }
0x268: {  	[sflag:s0] =	ssyncadd.s32 @!p0 s1  }
0x269: {  	[bflag:$0x3] =	sbarrier.arrive $0xFFFF  }
0x26a: {  	_ =	shalt  }

// kernel: kernel.16.cloned.1.call-start
scs
__scs_entry_jumppad:
0x0: {  	(pc) =	sbr.rel $0x88, $3  }
0x1: {  	(tag) =	ssettag $0x0;
	lr =	simm.s32 $0x1  }
0x2: {  	[smem:$0x3F99] =	sst lr;
	_ =	strace $0xD0000000  }
0x3: {  	_ = 	snop  }
0x4: {  	_ = 	snop  }
0x5: {  	_ = 	snop  }
0x6: {  	_ = 	snop  }
0x7: {  	_ = 	snop  }
__scs_overlays_trampoline_lowered:
0x8: {  	[smem:$0x3FA8] =	sst s0  }
0x9: {  	[smem:$0x3FA9] =	sst s1  }
0xa: {  	[smem:$0x3FAA] =	sst s2  }
0xb: {  	[smem:$0x3FAB] =	sst s3  }
0xc: {  	[smem:$0x3FAC] =	sst s4  }
0xd: {  	[smem:$0x3FAD] =	sst s5  }
0xe: {  	[smem:$0x3FAE] =	sst s6  }
0xf: {  	[smem:$0x3FAF] =	sst s7  }
0x10: {  	[smem:$0x3FB0] =	sst s8  }
0x11: {  	[smem:$0x3FB1] =	sst s9;
	s0 =	simm.s32 @!p0 $0x0  }
0x12: {  	s1 =	sld [smem:$0x3F97];
	s0 =	simm.s32 @p0 $0x1  }
0x13: {  	[smem:$0x3FB2] =	sst s0;
	s0 =	simm.s32 @!p1 $0x0  }
0x14: {  	s2 =	sld [smem:$0x3F96];
	s0 =	simm.s32 @p1 $0x1  }
0x15: {  	[smem:$0x3FB3] =	sst s0;
	s0 =	simm.s32 @!p2 $0x0  }
0x16: {  	s3 =	sld [smem:$0x3FDB];
	s0 =	simm.s32 @p2 $0x1  }
0x17: {  	s4 =	simm.s32 $0x1BF5;
	[smem:$0x3FB5] =	sst s0  }
0x18: {  	s0 =	sld [smem:$0x3F98];
	_ =	swait.ge [sflag:s4], $0x0  }
0x19: {  	s7 =	sld [smem:$0x3F99]  }
0x1a: {  	s8 =	sadd.s32 $0xFFFFE003, lr  }
0x1b: {  	s9 =	sadd.s32 $0xFFFFFEF7, lr;
	s5 =	simm.s32 $0xFFFFFFFF;
	p2 =	slt.u32 s8, $0xFFFFF086  }
0x1c: {  	p1 =	slt.u32 s9, $0xF7A;
	s5 =	simm.s32 @!p2 $0x0  }
0x1d: {  	s5 =	simm.s32 @p1 $0x1;
	p0 =	seq.s32 s7, s2  }
0x1e: {  	s7 =	smul.u32 @!p0 $0xF7A, s2;
	p2 =	seq.s32 @!p0 s5, $0x0  }
0x1f: {  	s9 =	smul.u32 $0xF7A, s1;
	s8 =	simm.s32 @!p0 $0x1BF5;
	p2 =	por !p2, p0  }
0x20: {  	[sflag:s8] =	ssyncset.s32 @!p0 $0xFFFFF086;
	s6 =	sadd.s32 @!p0 s3, s7;
	s7 =	simm.s32 @!p0 $0x108  }
0x21: {  	s3 =	sadd.s32 s3, s9;
	s6 =	sadd.s32 @!p0 $0x88, s6;
	s7 =	simm.s32 @p2 $0x1082  }
0x22: {  	[simem:s7], [sflag:s8] =	dma.local @!p0 [hbm:s6], $0xF7A  }
0x23: {  	s9 =	sor.u32 $0xD0000000, s2;
	s6 =	simm.s32 $0x108;
	_ =	swait.ge @!p0 [sflag:s8], $0x0  }
0x24: {  	s3 =	sadd.s32 $0x88, s3;
	s6 =	simm.s32 @!p1 $0x1082;
	[sflag:s4] =	ssyncset.s32 $0xFFFFF086  }
0x25: {  	[simem:s6], [sflag:s4] =	dma.local [hbm:s3], $0xF7A  }
0x26: {  	[smem:$0x3F99] =	sst s1;
	(tag) =	ssettag s2;
	_ =	strace s9  }
0x27: {  	s1 =	sld [smem:$0x3FA9]  }
0x28: {  	s2 =	sld [smem:$0x3FAA]  }
0x29: {  	s4 =	sld [smem:$0x3FAC]  }
0x2a: {  	p0 =	seq.s32 s5, $0x0;
	s5 =	sld [smem:$0x3FAD]  }
0x2b: {  	s6 =	sld [smem:$0x3FAE]  }
0x2c: {  	s7 =	sld [smem:$0x3FAF]  }
0x2d: {  	s3 =	simm.s32 $0x108;
	s8 =	sld [smem:$0x3FB0]  }
0x2e: {  	s3 =	simm.s32 @!p0 $0x1082;
	s9 =	sld [smem:$0x3FB1]  }
0x2f: {  	lr =	sadd.s32 s0, s3;
	s0 =	sld [smem:$0x3FA8]  }
0x30: {  	s3 =	sld [smem:$0x3FAB]  }
0x31: {  	[smem:$0x3FB4] =	sst s10  }
0x32: {  	s10 =	sld [smem:$0x3FB2];
	_ =	sdelay $0x3  }
0x33: {  	p0 =	seq.s32 s10, $0x1;
	s10 =	sld [smem:$0x3FB4];
	_ =	sdelay $0x3  }
0x34: {  	[smem:$0x3FB4] =	sst s10  }
0x35: {  	s10 =	sld [smem:$0x3FB3];
	_ =	sdelay $0x3  }
0x36: {  	p1 =	seq.s32 s10, $0x1;
	s10 =	sld [smem:$0x3FB4];
	_ =	sdelay $0x3  }
0x37: {  	[smem:$0x3FB4] =	sst s10  }
0x38: {  	s10 =	sld [smem:$0x3FB5]  }
0x39: {  	_ = 	snop;
	(pc) =	sbr.ind lr, $3  }
0x3a: {  	_ = 	snop  }
0x3b: {  	_ = 	snop  }
0x3c: {  	p2 =	seq.s32 s10, $0x1;
	s10 =	sld [smem:$0x3FB4]  }
0x3d: {  	_ =	shalt  }
0x3e: {  	_ =	shalt  }
0x3f: {  	_ =	shalt  }
0x40: {  	_ =	shalt  }
0x41: {  	_ =	shalt  }
0x42: {  	_ =	shalt  }
0x43: {  	_ =	shalt  }
0x44: {  	_ =	shalt  }
0x45: {  	_ =	shalt  }
0x46: {  	_ =	shalt  }
0x47: {  	_ =	shalt  }
0x48: {  	_ =	shalt  }
0x49: {  	_ =	shalt  }
0x4a: {  	_ =	shalt  }
0x4b: {  	_ =	shalt  }
0x4c: {  	_ =	shalt  }
0x4d: {  	_ =	shalt  }
0x4e: {  	_ =	shalt  }
0x4f: {  	_ =	shalt  }
0x50: {  	_ =	shalt  }
0x51: {  	_ =	shalt  }
0x52: {  	_ =	shalt  }
0x53: {  	_ =	shalt  }
0x54: {  	_ =	shalt  }
0x55: {  	_ =	shalt  }
0x56: {  	_ =	shalt  }
0x57: {  	_ =	shalt  }
0x58: {  	_ =	shalt  }
0x59: {  	_ =	shalt  }
0x5a: {  	_ =	shalt  }
0x5b: {  	_ =	shalt  }
0x5c: {  	_ =	shalt  }
0x5d: {  	_ =	shalt  }
0x5e: {  	_ =	shalt  }
0x5f: {  	_ =	shalt  }
0x60: {  	_ =	shalt  }
0x61: {  	_ =	shalt  }
0x62: {  	_ =	shalt  }
0x63: {  	_ =	shalt  }
0x64: {  	_ =	shalt  }
0x65: {  	_ =	shalt  }
0x66: {  	_ =	shalt  }
0x67: {  	_ =	shalt  }
0x68: {  	_ =	shalt  }
0x69: {  	_ =	shalt  }
0x6a: {  	_ =	shalt  }
0x6b: {  	_ =	shalt  }
0x6c: {  	_ =	shalt  }
0x6d: {  	_ =	shalt  }
0x6e: {  	_ =	shalt  }
0x6f: {  	_ =	shalt  }
0x70: {  	_ =	shalt  }
0x71: {  	_ =	shalt  }
0x72: {  	_ =	shalt  }
0x73: {  	_ =	shalt  }
0x74: {  	_ =	shalt  }
0x75: {  	_ =	shalt  }
0x76: {  	_ =	shalt  }
0x77: {  	_ =	shalt  }
0x78: {  	_ =	shalt  }
0x79: {  	_ =	shalt  }
0x7a: {  	_ =	shalt  }
0x7b: {  	_ =	shalt  }
0x7c: {  	_ =	shalt  }
0x7d: {  	_ =	shalt  }
0x7e: {  	_ =	shalt  }
0x7f: {  	_ =	shalt  }
0x80: {  	_ =	shalt  }
0x81: {  	_ =	shalt  }
0x82: {  	_ =	shalt  }
0x83: {  	_ =	shalt  }
0x84: {  	_ =	shalt  }
0x85: {  	_ =	shalt  }
0x86: {  	_ =	shalt  }
0x87: {  	_ =	shalt  }
.Lfunc_end0:
.L_simem_size_0:
called_computation.2_lowered:
.L_overlay_start_0:
0x88: {  	s2 =	sld [smem:$0x3FD9]  }
0x89: {  	s3 =	sld [smem:$0x3FFE];
	_ =	sdelay $0x1  }
0x8a: {  	s1 =	srdreg.scid  }
0x8b: {  	s0 =	sand.u32 $0x1, s1  }
0x8c: {  	s17 =	sshll.u32 s0, $0xA;
	s2 =	sadd.s32 s3, s2  }
0x8d: {  	s2 =	sadd.s32 s2, s17  }
0x8e: {  	[smem:$0x3FC0] =	sst s2  }
0x8f: {  	_ = 	snop  }
0x90: {  	s2 =	sld [smem:$0x3FD0];
	(tm) =	ssettm $0x1  }
0x91: {  	s18 =	sld [smem:$0x3FFB];
	_ =	sdelay $0x3  }
0x92: {  	_ =	strace s18  }
0x93: {  	s3 =	sld [smem:$0x3FFC];
	_ =	sdelay $0x3  }
0x94: {  	_ =	strace s3  }
0x95: {  	s3 =	sld [smem:$0x3FFD];
	_ =	sdelay $0x3  }
0x96: {  	_ =	strace s3  }
0x97: {  	_ =	strace $0x8FFFFFFF  }
0x98: {  	s19 =	sld [smem:$0x3FDB];
	_ =	sdelay $0x1  }
0x99: {  	s4 =	simm.s32 $_scs_section_size  }
0x9a: {  	s5 =	simm.s32 $_size__tile_overlayer_lowered;
	s6 =	simm.s32 $_tile_overlayer_lowered  }
0x9b: {  	s22 =	simm.s32 $0x1BFF;
	s21 =	sshll.u32 s6, $0x1;
	s3 =	sadd.s32 s4, s19  }
0x9c: {  	s7 =	simm.s32 $0x0;
	s20 =	sshll.u32 s5, $0x1;
	s5 =	sadd.s32 s21, s3  }
0x9d: {  	[timem:s7], [sflag:s22] =	dma.local [hbm:s5], s20  }
0x9e: {  	_ =	swait.ge [sflag:s22], s20  }
0x9f: {  	s4 =	ssub.s32 $0x0, s20;
	[sflag:s22] =	ssyncset.done $0x0  }
0xa0: {  	[sflag:s22] =	ssyncadd.s32 s4;
	_ =	sdelay $0x1  }
0xa1: {  	s23 =	simm.s32 $0x1B8B  }
0xa2: {  	_ =	swait.ge [sflag:s23], $0x1  }
0xa3: {  	[sflag:s23] =	ssyncset.done $0x0  }
0xa4: {  	s25 =	simm.s32 $0x1B8E;
	s24 =	sld [smem:$0x3FFE];
	[sflag:s23] =	ssyncadd.s32 $0xFFFFFFFF  }
0xa5: {  	s26 =	simm.s32 $execute0_lowered;
	[smem:$0x3FD2] =	sst s25  }
0xa6: {  	s5 =	sshll.u32 s26, $0x1;
	_ =	strace $0x8000004C;
	[dreg:$0x1] =	wrdreg $0xFFFFFFFF  }
0xa7: {  	s28 =	simm.s32 $_size_execute0_lowered;
	s3 =	sadd.s32 s3, s5;
	[dreg:$0x0] =	wrdreg $0x0  }
0xa8: {  	s5 =	sshll.u32 s28, $0x1;
	[dreg:$0x2] =	wrdreg s3  }
0xa9: {  	[dreg:$0x3] =	wrdreg s5  }
0xaa: {  	[dreg:$0x4] =	wrdreg $0xC0  }
0xab: {  	_ =	task [dreg:s7], $0x5FFFF  }
0xac: {  	[dreg:$0x1] =	wrdreg $0xFFFFFFFF  }
0xad: {  	[dreg:$0x0] =	wrdreg $0x60  }
0xae: {  	[dreg:$0x2] =	wrdreg s24  }
0xaf: {  	[dreg:$0x3] =	wrdreg s2  }
0xb0: {  	[dreg:$0x4] =	wrdreg $0x9  }
0xb1: {  	_ =	task.clear_ibuf [dreg:s7], $0x5FFFF;
	_ =	strace $0x9000004C  }
0xb2: {  	s29 =	simm.s32 $0x9;
	_ =	strace $0x8000004E  }
0xb3: {  	_ =	swait.ge [sflag:s29], $0x1  }
0xb4: {  	[sflag:s29] =	ssyncadd.s32 $0xFFFFFFFF  }
0xb5: {  	_ =	strace $0x9000004E  }
0xb6: {  	_ =	sfence  }
0xb7: {  	s30 =	sld [smem:$0x0];
	_ =	sdelay $0x2  }
0xb8: {  	s31 =	sshll.u32 s1, $0xD;
	s1 =	sshrl.u32 s1, $0x2  }
0xb9: {  	s3 =	sand.u32 $0x4000, s31;
	s1 =	sadd.s32 s1, s30  }
0xba: {  	s0 =	sor.u32 s3, s0;
	s1 =	sshll.u32 s1, $0x11  }
0xbb: {  	s0 =	sor.u32 s1, s0  }
0xbc: {  	s0 =	sadd.s32 $0x8F2B, s0  }
0xbd: {  	[sflag:s0] =	ssyncadd.remote.s32 $0x1  }
0xbe: {  	_ =	sfence.sel $0xFFFF  }
0xbf: {  	[dreg:$0x0] =	wrdreg $0xFFFFFFFF;
	(pc) =	sbr.abs _section_cstart, $3  }
0xc0: {  	[dreg:$0x1] =	wrdreg $0xFFFFFFFF  }
0xc1: {  	_ =	task.clear_ibuf [dreg:s7], $0x2FFFF;
	_ =	strace $0x9FFFFFFF  }
0xc2: {  	(tm) =	ssettm $0x7FFFFFFF  }
0xc3: {  	_ =	shalt  }
tec
execute0_lowered:
.L_overlay_start_1:
0x0: {  	(tag) =	ssettag $0x1  }
0x1: {  	s1 =	srdreg.scid;
	s0 =	stileid.u32  }
0x2: {  	s5 =	rddreg [dreg:$0x0];
	s3 =	simm.s32 $0x0;
	s9 =	simm.s32 $0x400  }
0x3: {  	s10 =	simm.s32 $0x2;
	s11 =	simm.s32 $0x3;
	s4 =	sand.u32 $0x1, s1  }
0x4: {  	s12 =	simm.s32 $0x1;
	s2 =	sshll.u32 s0, $0x2;
	s1 =	sshll.u32 s4, $0x6  }
0x5: {  	s13 =	simm.s32 $0x9E00;
	s14 =	simm.s32 $0x4;
	s1 =	sor.u32 s2, s1  }
0x6: {  	s15 =	simm.s32 $0x0;
	s7 =	sshll.u32 s0, $0x9;
	s6 =	sshrl.u32 s1, $0x3  }
0x7: {  	[smem:$0x7FF] =	sst s3;
	s7 =	sand.u32 $0x200, s7;
	s8 =	smul.u32 $0x13C00, s6  }
0x8: {  	s30 =	ssub.s32 $0x2, s4;
	s4 =	sadd.s32 $0x3200, s5;
	s6 =	smul.u32 $0x14000, s6  }
0x9: {  	s2 =	rddreg [dreg:$0x1];
	s31 =	sshrl.u32 s30, $0x1;
	s8 =	sor.u32 s7, s8  }
0xa: {  	s1 =	rddreg [dreg:$0x2];
	s6 =	sor.u32 s7, s6;
	s8 =	sshrl.u32 s8, $0x3  }
0xb: {  	_ =	strace $0x8000004D;
	s6 =	sshrl.u32 s6, $0x3;
	s29 =	sadd.s32 s8, s5  }
0xc: {  	s6 =	sadd.s32 s6, s5;
	s8 =	ssub.s32 s30, s31;
	s5 =	sadd.s32 $0xF200, s29  }
0xd: {  	v0 =	vimm.f32 $0.0e+00;
	s6 =	sadd.s32 $0x36A00, s6;
	s7 =	smax.u32 s8, $0x1;
	s8 =	simm.s32 $0x200  }
.LBB2_1:
0xe: {  	[tilespmem:s3], [sflag:$0x1] =	stream.strided.gather [hbm4b:s5+s8], $0x9E00, s9, s8, $0x38;
	[tilespmem:$0x17E00] =	vst v63  }
0xf: {  	s16 =	simm.s32 $0x13E00  }
0x10: {  	s17 =	simm.s32 $0x10;
	s19 =	sadd.s32 $0x0, s2;
	s18 =	simm.s32 $0x13F00  }
.LBB2_2:
0x11: {  	[tilespmem:s16], [sflag:$0x2] =	stream.linear.gather [hbm4b:s19+s3], $0x80, $0x38;
	[tilespmem:$0x17E00] =	vst v63  }
0x12: {  	s19 =	smov.u32 s17;
	s16 =	smov.u32 s18;
	p0 =	sne.s32 s17, $0x1F0  }
.Ltmp0:
0x13: {  	s17 =	sadd.s32 $0x10, s17;
	(pc) =	sbr.rel @p0 .LBB2_2-.Ltmp0, $2  }
0x14: {  	_ =	sdelay $0x2  }
0x15: {  	s18 =	sadd.s32 $0x100, s18;
	s19 =	sadd.s32 s19, s2  }
0x16: {  	[tilespmem:s16], [sflag:$0x2] =	stream.linear.gather [hbm4b:s19+s3], $0x80, $0x38;
	[tilespmem:$0x17E00] =	vst v63  }
0x17: {  	_ =	swait.ge [sflag:s10], $0x1000  }
0x18: {  	s16 =	simm.s32 $0x15E00;
	s17 =	simm.s32 $0x10;
	[sflag:s10] =	ssyncset.done $0x0  }
0x19: {  	s19 =	sadd.s32 $0x0, s4;
	s18 =	simm.s32 $0x15F00;
	[sflag:s10] =	ssyncadd.s32 $0xFFFFF000  }
.LBB2_4:
0x1a: {  	[tilespmem:s16], [sflag:$0x3] =	stream.linear.gather [hbm4b:s19+s3], $0x80, $0x38;
	[tilespmem:$0x17E00] =	vst v63  }
0x1b: {  	s19 =	smov.u32 s17;
	s16 =	smov.u32 s18;
	p0 =	sne.s32 s17, $0x1F0  }
.Ltmp1:
0x1c: {  	s17 =	sadd.s32 $0x10, s17;
	(pc) =	sbr.rel @p0 .LBB2_4-.Ltmp1, $2  }
0x1d: {  	_ =	sdelay $0x2  }
0x1e: {  	s18 =	sadd.s32 $0x100, s18;
	s19 =	sadd.s32 s19, s4  }
0x1f: {  	[tilespmem:s16], [sflag:$0x3] =	stream.linear.gather [hbm4b:s19+s3], $0x80, $0x38;
	[tilespmem:$0x17E00] =	vst v63  }
0x20: {  	s16 =	simm.s32 $0x0;
	_ =	swait.ge [sflag:s11], $0x1000  }
0x21: {  	s17 =	sand.u32 $0x70, s16;
	s18 =	sand.u32 $0xFE00, s16;
	[sflag:s11] =	ssyncset.done $0x0  }
0x22: {  	s17 =	sor.u32 s17, s18;
	[sflag:s11] =	ssyncadd.s32 $0xFFFFF000  }
0x23: {  	s19 =	simm.s32 $0x0;
	s18 =	simm.s32 $0x10;
	[tilespmem:s17+$0x9E00] =	vst v0  }
.LBB2_6:
0x24: {  	p0 =	sne.s32 s18, $0x27F0  }
.Ltmp2:
0x25: {  	_ = 	snop;
	(pc) =	sbr.rel @p0 .LBB2_6-.Ltmp2, $4  }
0x26: {  	s19 =	sadd.s32 $0x40, s19  }
0x27: {  	s20 =	sand.u32 $0x70, s18;
	s21 =	sand.u32 $0xFE00, s19  }
0x28: {  	s20 =	sor.u32 s20, s21  }
0x29: {  	s18 =	sadd.s32 $0x10, s18;
	[tilespmem:s20+$0x9E00] =	vst v0  }
0x2a: {  	s18 =	simm.s32 $0x10;
	[tilespmem:s17+$0x9E80] =	vst v0  }
.LBB2_8:
0x2b: {  	p0 =	sne.s32 s18, $0x27F0  }
.Ltmp3:
0x2c: {  	_ = 	snop;
	(pc) =	sbr.rel @p0 .LBB2_8-.Ltmp3, $4  }
0x2d: {  	s16 =	sadd.s32 $0x40, s16  }
0x2e: {  	s17 =	sand.u32 $0x70, s18;
	s19 =	sand.u32 $0xFE00, s16  }
0x2f: {  	s17 =	sor.u32 s17, s19  }
0x30: {  	s18 =	sadd.s32 $0x10, s18;
	[tilespmem:s17+$0x9E80] =	vst v0;
	s17 =	simm.s32 $0x0  }
0x31: {  	s16 =	sand.u32 $0x70, s17;
	s18 =	sand.u32 $0xFE00, s17  }
0x32: {  	s16 =	sor.u32 s16, s18  }
0x33: {  	s19 =	simm.s32 $0x0;
	s18 =	simm.s32 $0x10;
	[tilespmem:s16+$0x9F00] =	vst v0  }
.LBB2_10:
0x34: {  	p0 =	sne.s32 s18, $0x27F0  }
.Ltmp4:
0x35: {  	_ = 	snop;
	(pc) =	sbr.rel @p0 .LBB2_10-.Ltmp4, $4  }
0x36: {  	s19 =	sadd.s32 $0x40, s19  }
0x37: {  	s20 =	sand.u32 $0x70, s18;
	s21 =	sand.u32 $0xFE00, s19  }
0x38: {  	s20 =	sor.u32 s20, s21  }
0x39: {  	s18 =	sadd.s32 $0x10, s18;
	[tilespmem:s20+$0x9F00] =	vst v0  }
0x3a: {  	s18 =	simm.s32 $0x10;
	[tilespmem:s16+$0x9F80] =	vst v0  }
.LBB2_12:
0x3b: {  	p0 =	sne.s32 s18, $0x27F0  }
.Ltmp5:
0x3c: {  	_ = 	snop;
	(pc) =	sbr.rel @p0 .LBB2_12-.Ltmp5, $4  }
0x3d: {  	s17 =	sadd.s32 $0x40, s17  }
0x3e: {  	s16 =	sand.u32 $0x70, s18;
	s19 =	sand.u32 $0xFE00, s17  }
0x3f: {  	s16 =	sor.u32 s16, s19  }
0x40: {  	s18 =	sadd.s32 $0x10, s18;
	[tilespmem:s16+$0x9F80] =	vst v0  }
0x41: {  	_ =	swait.ge [sflag:s12], $0x9E00  }
0x42: {  	[sflag:s12] =	ssyncset.done $0x0  }
0x43: {  	s16 =	simm.s32 $0x0;
	[sflag:s12] =	ssyncadd.s32 $0xFFFF6200  }
.LBB2_14:
0x44: {  	s17 =	sshll.u32 s16, $0xA  }
0x45: {  	s18 =	sor.u32 $0x200, s17  }
0x46: {  	s20 =	simm.s32 $0x13E80;
	s19 =	sadd.s32 s2, s18  }
0x47: {  	s21 =	simm.s32 $0x10;
	s22 =	simm.s32 $0x13F80;
	s23 =	sadd.s32 $0x0, s19  }
.LBB2_15:
0x48: {  	[tilespmem:s20], [sflag:$0x2] =	stream.linear.gather [hbm4b:s23+s3], $0x80, $0x38;
	[tilespmem:$0x17E00] =	vst v63  }
0x49: {  	s23 =	smov.u32 s21;
	s20 =	smov.u32 s22;
	p0 =	sne.s32 s21, $0x1F0  }
.Ltmp6:
0x4a: {  	s21 =	sadd.s32 $0x10, s21;
	(pc) =	sbr.rel @p0 .LBB2_15-.Ltmp6, $2  }
0x4b: {  	_ =	sdelay $0x2  }
0x4c: {  	s22 =	sadd.s32 $0x100, s22;
	s23 =	sadd.s32 s23, s19  }
0x4d: {  	[tilespmem:s20], [sflag:$0x2] =	stream.linear.gather [hbm4b:s23+s3], $0x80, $0x38;
	[tilespmem:$0x17E00] =	vst v63  }
0x4e: {  	s18 =	sadd.s32 s4, s18;
	s19 =	simm.s32 $0x0;
	s20 =	simm.s32 $0x15E80  }
.LBB2_17:
0x4f: {  	p0 =	sne.s32 s19, $0x1F0  }
.Ltmp7:
0x50: {  	_ = 	snop;
	(pc) =	sbr.rel @p0 .LBB2_17-.Ltmp7, $4  }
0x51: {  	_ = 	snop  }
0x52: {  	s21 =	sadd.s32 s19, s18  }
0x53: {  	[tilespmem:s20], [sflag:$0x3] =	stream.linear.gather [hbm4b:s21+s3], $0x80, $0x38;
	[tilespmem:$0x17E00] =	vst v63  }
0x54: {  	s19 =	sadd.s32 $0x10, s19;
	s20 =	sadd.s32 $0x100, s20  }
0x55: {  	s18 =	simm.s32 $0xFFFFFFFC;
	s19 =	simm.s32 $0x15F00;
	s20 =	simm.s32 $0x13F00  }
.LBB2_19:
0x56: {  	v1 =	vld [tilespmem:s20+$0xFFFFFF00]  }
0x57: {  	v2 =	vld [tilespmem:s20+$0xFFFFFF10]  }
0x58: {  	v4 =	vld [tilespmem:s19+$0xFFFFFF00]  }
0x59: {  	v5 =	vld [tilespmem:s19+$0xFFFFFF10]  }
0x5a: {  	v7 =	vld [tilespmem:s19+$0xFFFFFF20]  }
0x5b: {  	v10 =	vld [tilespmem:s20+$0xFFFFFF30]  }
0x5c: {  	v12 =	vld [tilespmem:s19+$0xFFFFFF30]  }
0x5d: {  	v53 =	vld [tilespmem:s20+$0xFFFFFF40]  }
0x5e: {  	v55 =	vld [tilespmem:s19+$0xFFFFFF50];
	v3 =	vshll.u32 v1, $0x2;
	v1 =	vand.u32 $0x7F, v1  }
0x5f: {  	v56 =	vld [tilespmem:s20+$0xFFFFFF60];
	v9 =	vshll.u32 v2, $0x2;
	v2 =	vand.u32 $0x7F, v2;
	v3 =	vand.u32 $0xFFFFFE00, v3  }
0x60: {  	v58 =	vld [tilespmem:s19+$0xFFFFFF60];
	v17 =	vshll.u32 v10, $0x2;
	v9 =	vand.u32 $0xFFFFFE00, v9;
	v1 =	vor.u32 v1, v3  }
0x61: {  	v61 =	vld [tilespmem:s20+$0xFFFFFF70];
	v10 =	vand.u32 $0x7F, v10;
	v17 =	vand.u32 $0xFFFFFE00, v17;
	v2 =	vor.u32 v2, v9  }
0x62: {  	v63 =	vld [tilespmem:s19+$0xFFFFFF70];
	v10 =	vor.u32 v10, v17  }
0x63: {  	v44 =	vld [tilespmem:s20+$0x0];
	v6 =	vor.u32 $0x80, v1  }
0x64: {  	v3 =	vld [tilespmem:s20+$0xFFFFFF20];
	v8 =	vor.u32 $0x100, v1  }
0x65: {  	v11 =	vor.u32 $0x180, v1;
	v1 =	vld.idx.msk [tilespmem:v1+s3+$0x0], $0xffff  }
0x66: {  	v9 =	vor.u32 $0x80, v2;
	v13 =	vor.u32 $0x100, v2;
	v15 =	vor.u32 $0x180, v2;
	v2 =	vld.idx.msk [tilespmem:v2+s3+$0x0], $0xffff  }
0x67: {  	v17 =	vor.u32 $0x80, v10;
	v19 =	vor.u32 $0x100, v10;
	v21 =	vor.u32 $0x180, v10;
	v10 =	vld.idx.msk [tilespmem:v10+s3+$0x0], $0xffff  }
0x68: {  	v6 =	vld.idx.msk [tilespmem:v6+s3+$0x0], $0xffff  }
0x69: {  	v8 =	vld.idx.msk [tilespmem:v8+s3+$0x0], $0xffff  }
0x6a: {  	v14 =	vshll.u32 v3, $0x2;
	v11 =	vld.idx.msk [tilespmem:v11+s3+$0x0], $0xffff  }
0x6b: {  	v3 =	vand.u32 $0x7F, v3;
	v14 =	vand.u32 $0xFFFFFE00, v14;
	v9 =	vld.idx.msk [tilespmem:v9+s3+$0x0], $0xffff  }
0x6c: {  	v13 =	vld.idx.msk [tilespmem:v13+s3+$0x0], $0xffff;
	v3 =	vor.u32 v3, v14  }
0x6d: {  	v15 =	vld.idx.msk [tilespmem:v15+s3+$0x0], $0xffff;
	v14 =	vor.u32 $0x80, v3  }
0x6e: {  	v20 =	vshll.u32 v4, $0x2;
	v17 =	vld.idx.msk [tilespmem:v17+s3+$0x0], $0xffff;
	v16 =	vor.u32 $0x100, v3  }
0x6f: {  	v4 =	vand.u32 $0x7F, v4;
	v20 =	vand.u32 $0xFFFFFE00, v20;
	v19 =	vld.idx.msk [tilespmem:v19+s3+$0x0], $0xffff;
	v18 =	vor.u32 $0x180, v3  }
0x70: {  	v4 =	vor.u32 v4, v20;
	v21 =	vld.idx.msk [tilespmem:v21+s3+$0x0], $0xffff  }
0x71: {  	v20 =	vor.u32 $0x80, v4;
	v3 =	vld.idx.msk [tilespmem:v3+s3+$0x0], $0xffff  }
0x72: {  	v14 =	vld.idx.msk [tilespmem:v14+s3+$0x0], $0xffff  }
0x73: {  	v23 =	vshll.u32 v5, $0x2;
	v22 =	vor.u32 $0x100, v4;
	v16 =	vld.idx.msk [tilespmem:v16+s3+$0x0], $0xffff  }
0x74: {  	v5 =	vand.u32 $0x7F, v5;
	v23 =	vand.u32 $0xFFFFFE00, v23;
	v24 =	vor.u32 $0x180, v4;
	v18 =	vld.idx.msk [tilespmem:v18+s3+$0x0], $0xffff  }
0x75: {  	v5 =	vor.u32 v5, v23;
	[tilespmem:v4+s13+$0x0] =	vst.idx.add.f32.msk $0xffff, v1  }
0x76: {  	v47 =	vshll.u32 v7, $0x2;
	v1 =	vor.u32 $0x80, v5;
	[tilespmem:v20+s13+$0x0] =	vst.idx.add.f32.msk $0xffff, v6  }
0x77: {  	v46 =	vor.u32 $0x100, v5;
	v6 =	vand.u32 $0xFFFFFE00, v47;
	v47 =	vld [tilespmem:s20+$0x20]  }
0x78: {  	[tilespmem:v22+s13+$0x0] =	vst.idx.add.f32.msk $0xffff, v8  }
0x79: {  	v7 =	vand.u32 $0x7F, v7;
	v48 =	vor.u32 $0x180, v5;
	[tilespmem:v24+s13+$0x0] =	vst.idx.add.f32.msk $0xffff, v11  }
0x7a: {  	v6 =	vor.u32 v7, v6;
	[tilespmem:v5+s13+$0x0] =	vst.idx.add.f32.msk $0xffff, v2  }
0x7b: {  	v2 =	vor.u32 $0x80, v6;
	[tilespmem:v1+s13+$0x0] =	vst.idx.add.f32.msk $0xffff, v9  }
0x7c: {  	v1 =	vor.u32 $0x100, v6;
	[tilespmem:v46+s13+$0x0] =	vst.idx.add.f32.msk $0xffff, v13  }
0x7d: {  	v50 =	vshll.u32 v12, $0x2;
	v49 =	vor.u32 $0x180, v6;
	v46 =	vld [tilespmem:s19+$0x10]  }
0x7e: {  	v51 =	vand.u32 $0x7F, v12;
	v5 =	vand.u32 $0xFFFFFE00, v50;
	[tilespmem:v48+s13+$0x0] =	vst.idx.add.f32.msk $0xffff, v15  }
0x7f: {  	[tilespmem:v6+s13+$0x0] =	vst.idx.add.f32.msk $0xffff, v3;
	v3 =	vor.u32 v51, v5  }
0x80: {  	[tilespmem:v2+s13+$0x0] =	vst.idx.add.f32.msk $0xffff, v14  }
0x81: {  	v2 =	vor.u32 $0x80, v3;
	[tilespmem:v1+s13+$0x0] =	vst.idx.add.f32.msk $0xffff, v16  }
0x82: {  	v28 =	vshll.u32 v56, $0x2;
	v1 =	vor.u32 $0x100, v3;
	[tilespmem:v49+s13+$0x0] =	vst.idx.add.f32.msk $0xffff, v18  }
0x83: {  	v4 =	vand.u32 $0x7F, v56;
	v14 =	vand.u32 $0xFFFFFE00, v28;
	v49 =	vld [tilespmem:s19+$0x20]  }
0x84: {  	v4 =	vor.u32 v4, v14;
	[tilespmem:v3+s13+$0x0] =	vst.idx.add.f32.msk $0xffff, v10  }
0x85: {  	v52 =	vor.u32 $0x180, v3;
	v3 =	vld [tilespmem:s19+$0xFFFFFF40]  }
0x86: {  	v14 =	vor.u32 $0x80, v4;
	[tilespmem:v2+s13+$0x0] =	vst.idx.add.f32.msk $0xffff, v17  }
0x87: {  	v30 =	vor.u32 $0x100, v4;
	[tilespmem:v1+s13+$0x0] =	vst.idx.add.f32.msk $0xffff, v19  }
0x88: {  	v32 =	vor.u32 $0x180, v4;
	v1 =	vld [tilespmem:s20+$0xFFFFFF50]  }
0x89: {  	v31 =	vshll.u32 v61, $0x2;
	v4 =	vld.idx.msk [tilespmem:v4+s3+$0x0], $0xffff  }
0x8a: {  	v10 =	vand.u32 $0x7F, v61;
	v2 =	vshll.u32 v53, $0x2;
	v17 =	vand.u32 $0xFFFFFE00, v31;
	[tilespmem:v52+s13+$0x0] =	vst.idx.add.f32.msk $0xffff, v21  }
0x8b: {  	v54 =	vand.u32 $0x7F, v53;
	v2 =	vand.u32 $0xFFFFFE00, v2;
	v10 =	vor.u32 v10, v17;
	v14 =	vld.idx.msk [tilespmem:v14+s3+$0x0], $0xffff  }
0x8c: {  	v2 =	vor.u32 v54, v2;
	v16 =	vld.idx.msk [tilespmem:v30+s3+$0x0], $0xffff  }
0x8d: {  	v17 =	vor.u32 $0x80, v10;
	v18 =	vld.idx.msk [tilespmem:v32+s3+$0x0], $0xffff  }
0x8e: {  	v33 =	vor.u32 $0x100, v10;
	v52 =	vld [tilespmem:s20+$0x30]  }
0x8f: {  	v35 =	vor.u32 $0x180, v10;
	v54 =	vld [tilespmem:s19+$0x30]  }
0x90: {  	v57 =	vor.u32 $0x80, v2;
	v10 =	vld.idx.msk [tilespmem:v10+s3+$0x0], $0xffff  }
0x91: {  	v59 =	vor.u32 $0x100, v2;
	v62 =	vor.u32 $0x180, v2;
	v60 =	vshll.u32 v1, $0x2;
	v2 =	vld.idx.msk [tilespmem:v2+s3+$0x0], $0xffff  }
0x92: {  	v1 =	vand.u32 $0x7F, v1;
	v9 =	vand.u32 $0xFFFFFE00, v60;
	v17 =	vld.idx.msk [tilespmem:v17+s3+$0x0], $0xffff  }
0x93: {  	v19 =	vld.idx.msk [tilespmem:v33+s3+$0x0], $0xffff;
	v1 =	vor.u32 v1, v9  }
0x94: {  	v21 =	vld.idx.msk [tilespmem:v35+s3+$0x0], $0xffff;
	v9 =	vor.u32 $0x80, v1  }
0x95: {  	v34 =	vshll.u32 v3, $0x2;
	v6 =	vld.idx.msk [tilespmem:v57+s3+$0x0], $0xffff;
	v27 =	vor.u32 $0x100, v1  }
0x96: {  	v3 =	vand.u32 $0x7F, v3;
	v20 =	vand.u32 $0xFFFFFE00, v34;
	v8 =	vld.idx.msk [tilespmem:v59+s3+$0x0], $0xffff;
	v29 =	vor.u32 $0x180, v1  }
0x97: {  	v3 =	vor.u32 v3, v20;
	v11 =	vld.idx.msk [tilespmem:v62+s3+$0x0], $0xffff  }
0x98: {  	v20 =	vor.u32 $0x80, v3;
	v1 =	vld.idx.msk [tilespmem:v1+s3+$0x0], $0xffff  }
0x99: {  	v9 =	vld.idx.msk [tilespmem:v9+s3+$0x0], $0xffff  }
0x9a: {  	v36 =	vor.u32 $0x100, v3;
	v13 =	vld.idx.msk [tilespmem:v27+s3+$0x0], $0xffff  }
0x9b: {  	v15 =	vld.idx.msk [tilespmem:v29+s3+$0x0], $0xffff  }
0x9c: {  	v37 =	vshll.u32 v55, $0x2;
	v38 =	vor.u32 $0x180, v3;
	[tilespmem:v3+s13+$0x0] =	vst.idx.add.f32.msk $0xffff, v2  }
0x9d: {  	v39 =	vshll.u32 v58, $0x2;
	v23 =	vand.u32 $0xFFFFFE00, v37;
	v5 =	vand.u32 $0x7F, v55;
	[tilespmem:v20+s13+$0x0] =	vst.idx.add.f32.msk $0xffff, v6  }
0x9e: {  	v5 =	vor.u32 v5, v23;
	v6 =	vand.u32 $0xFFFFFE00, v39;
	v39 =	vld [tilespmem:s20+$0x60]  }
0x9f: {  	[tilespmem:v36+s13+$0x0] =	vst.idx.add.f32.msk $0xffff, v8  }
0xa0: {  	v2 =	vor.u32 $0x80, v5;
	v36 =	vld [tilespmem:s20+$0x40]  }
0xa1: {  	v3 =	vor.u32 $0x100, v5;
	[tilespmem:v38+s13+$0x0] =	vst.idx.add.f32.msk $0xffff, v11  }
0xa2: {  	v7 =	vand.u32 $0x7F, v58;
	v40 =	vor.u32 $0x180, v5;
	v38 =	vld [tilespmem:s19+$0x50]  }
0xa3: {  	v41 =	vshll.u32 v63, $0x2;
	v6 =	vor.u32 v7, v6;
	[tilespmem:v5+s13+$0x0] =	vst.idx.add.f32.msk $0xffff, v1  }
0xa4: {  	v1 =	vor.u32 $0x80, v6;
	v5 =	vand.u32 $0xFFFFFE00, v41;
	v41 =	vld [tilespmem:s19+$0x60]  }
0xa5: {  	[tilespmem:v2+s13+$0x0] =	vst.idx.add.f32.msk $0xffff, v9  }
0xa6: {  	v2 =	vor.u32 $0x100, v6;
	[tilespmem:v3+s13+$0x0] =	vst.idx.add.f32.msk $0xffff, v13  }
0xa7: {  	v42 =	vand.u32 $0x7F, v63;
	v3 =	vor.u32 $0x180, v6;
	[tilespmem:v40+s13+$0x0] =	vst.idx.add.f32.msk $0xffff, v15  }
0xa8: {  	v43 =	vor.u32 v42, v5;
	[tilespmem:v6+s13+$0x0] =	vst.idx.add.f32.msk $0xffff, v4  }
0xa9: {  	[tilespmem:v1+s13+$0x0] =	vst.idx.add.f32.msk $0xffff, v14;
	v1 =	vor.u32 $0x80, v43  }
0xaa: {  	v56 =	vshll.u32 v47, $0x2;
	v29 =	vshll.u32 v46, $0x2;
	v5 =	vand.u32 $0x7F, v46;
	v46 =	vld [tilespmem:s19+$0x70]  }
0xab: {  	v4 =	vand.u32 $0x7F, v47;
	v14 =	vand.u32 $0xFFFFFE00, v56;
	[tilespmem:v2+s13+$0x0] =	vst.idx.add.f32.msk $0xffff, v16;
	v2 =	vor.u32 $0x100, v43  }
0xac: {  	v4 =	vor.u32 v4, v14;
	[tilespmem:v3+s13+$0x0] =	vst.idx.add.f32.msk $0xffff, v18  }
0xad: {  	v3 =	vor.u32 $0x180, v43;
	[tilespmem:v43+s13+$0x0] =	vst.idx.add.f32.msk $0xffff, v10  }
0xae: {  	[tilespmem:v1+s13+$0x0] =	vst.idx.add.f32.msk $0xffff, v17  }
0xaf: {  	v14 =	vor.u32 $0x80, v4;
	v1 =	vld [tilespmem:s20+$0x10]  }
0xb0: {  	v59 =	vshll.u32 v52, $0x2;
	v58 =	vor.u32 $0x100, v4;
	[tilespmem:v2+s13+$0x0] =	vst.idx.add.f32.msk $0xffff, v19  }
0xb1: {  	v60 =	vor.u32 $0x180, v4;
	v10 =	vand.u32 $0x7F, v52;
	v17 =	vand.u32 $0xFFFFFE00, v59;
	v4 =	vld.idx.msk [tilespmem:v4+s3+$0x0], $0xffff  }
0xb2: {  	v10 =	vor.u32 v10, v17;
	[tilespmem:v3+s13+$0x0] =	vst.idx.add.f32.msk $0xffff, v21  }
0xb3: {  	v3 =	vld [tilespmem:s19+$0x0];
	v17 =	vor.u32 $0x80, v10  }
0xb4: {  	v2 =	vshll.u32 v44, $0x2;
	v14 =	vld.idx.msk [tilespmem:v14+s3+$0x0], $0xffff;
	v61 =	vor.u32 $0x100, v10  }
0xb5: {  	v45 =	vand.u32 $0x7F, v44;
	v2 =	vand.u32 $0xFFFFFE00, v2;
	v16 =	vld.idx.msk [tilespmem:v58+s3+$0x0], $0xffff;
	v63 =	vor.u32 $0x180, v10  }
0xb6: {  	v18 =	vld.idx.msk [tilespmem:v60+s3+$0x0], $0xffff;
	v2 =	vor.u32 v45, v2  }
0xb7: {  	v48 =	vor.u32 $0x80, v2;
	v10 =	vld.idx.msk [tilespmem:v10+s3+$0x0], $0xffff  }
0xb8: {  	v50 =	vor.u32 $0x100, v2;
	v51 =	vshll.u32 v1, $0x2;
	v17 =	vld.idx.msk [tilespmem:v17+s3+$0x0], $0xffff  }
0xb9: {  	v53 =	vor.u32 $0x180, v2;
	v1 =	vand.u32 $0x7F, v1;
	v9 =	vand.u32 $0xFFFFFE00, v51;
	v19 =	vld.idx.msk [tilespmem:v61+s3+$0x0], $0xffff  }
0xba: {  	v1 =	vor.u32 v1, v9;
	v21 =	vld.idx.msk [tilespmem:v63+s3+$0x0], $0xffff  }
0xbb: {  	v2 =	vld.idx.msk [tilespmem:v2+s3+$0x0], $0xffff;
	v9 =	vor.u32 $0x80, v1  }
0xbc: {  	v62 =	vshll.u32 v3, $0x2;
	v55 =	vor.u32 $0x100, v1;
	v6 =	vld.idx.msk [tilespmem:v48+s3+$0x0], $0xffff  }
0xbd: {  	v3 =	vand.u32 $0x7F, v3;
	v57 =	vor.u32 $0x180, v1;
	v20 =	vand.u32 $0xFFFFFE00, v62;
	v8 =	vld.idx.msk [tilespmem:v50+s3+$0x0], $0xffff  }
0xbe: {  	v11 =	vld.idx.msk [tilespmem:v53+s3+$0x0], $0xffff;
	v3 =	vor.u32 v3, v20  }
0xbf: {  	v20 =	vor.u32 $0x80, v3;
	v1 =	vld.idx.msk [tilespmem:v1+s3+$0x0], $0xffff  }
0xc0: {  	v28 =	vor.u32 $0x100, v3;
	v9 =	vld.idx.msk [tilespmem:v9+s3+$0x0], $0xffff  }
0xc1: {  	v23 =	vand.u32 $0xFFFFFE00, v29;
	v30 =	vor.u32 $0x180, v3;
	v13 =	vld.idx.msk [tilespmem:v55+s3+$0x0], $0xffff  }
0xc2: {  	v5 =	vor.u32 v5, v23;
	v15 =	vld.idx.msk [tilespmem:v57+s3+$0x0], $0xffff  }
0xc3: {  	[tilespmem:v3+s13+$0x0] =	vst.idx.add.f32.msk $0xffff, v2;
	v2 =	vor.u32 $0x80, v5  }
0xc4: {  	v31 =	vshll.u32 v49, $0x2;
	v3 =	vor.u32 $0x100, v5;
	[tilespmem:v20+s13+$0x0] =	vst.idx.add.f32.msk $0xffff, v6  }
0xc5: {  	v7 =	vand.u32 $0x7F, v49;
	v32 =	vor.u32 $0x180, v5;
	v6 =	vand.u32 $0xFFFFFE00, v31;
	[tilespmem:v28+s13+$0x0] =	vst.idx.add.f32.msk $0xffff, v8  }
0xc6: {  	v6 =	vor.u32 v7, v6;
	[tilespmem:v30+s13+$0x0] =	vst.idx.add.f32.msk $0xffff, v11  }
0xc7: {  	[tilespmem:v5+s13+$0x0] =	vst.idx.add.f32.msk $0xffff, v1;
	v1 =	vor.u32 $0x80, v6  }
0xc8: {  	[tilespmem:v2+s13+$0x0] =	vst.idx.add.f32.msk $0xffff, v9  }
0xc9: {  	v33 =	vshll.u32 v54, $0x2;
	v2 =	vor.u32 $0x100, v6;
	[tilespmem:v3+s13+$0x0] =	vst.idx.add.f32.msk $0xffff, v13  }
0xca: {  	v34 =	vand.u32 $0x7F, v54;
	v5 =	vand.u32 $0xFFFFFE00, v33;
	v3 =	vor.u32 $0x180, v6;
	[tilespmem:v32+s13+$0x0] =	vst.idx.add.f32.msk $0xffff, v15  }
0xcb: {  	v35 =	vor.u32 v34, v5;
	[tilespmem:v6+s13+$0x0] =	vst.idx.add.f32.msk $0xffff, v4  }
0xcc: {  	[tilespmem:v1+s13+$0x0] =	vst.idx.add.f32.msk $0xffff, v14;
	v1 =	vor.u32 $0x80, v35  }
0xcd: {  	v44 =	vld [tilespmem:s20+$0x70];
	v48 =	vshll.u32 v39, $0x2  }
0xce: {  	v4 =	vand.u32 $0x7F, v39;
	v14 =	vand.u32 $0xFFFFFE00, v48;
	[tilespmem:v2+s13+$0x0] =	vst.idx.add.f32.msk $0xffff, v16;
	v2 =	vor.u32 $0x100, v35  }
0xcf: {  	v4 =	vor.u32 v4, v14;
	[tilespmem:v3+s13+$0x0] =	vst.idx.add.f32.msk $0xffff, v18  }
0xd0: {  	v3 =	vor.u32 $0x180, v35;
	[tilespmem:v35+s13+$0x0] =	vst.idx.add.f32.msk $0xffff, v10  }
0xd1: {  	[tilespmem:v1+s13+$0x0] =	vst.idx.add.f32.msk $0xffff, v17  }
0xd2: {  	v14 =	vor.u32 $0x80, v4;
	v1 =	vld [tilespmem:s20+$0x50]  }
0xd3: {  	v51 =	vshll.u32 v44, $0x2;
	v50 =	vor.u32 $0x100, v4;
	[tilespmem:v2+s13+$0x0] =	vst.idx.add.f32.msk $0xffff, v19  }
0xd4: {  	v52 =	vor.u32 $0x180, v4;
	v10 =	vand.u32 $0x7F, v44;
	v17 =	vand.u32 $0xFFFFFE00, v51;
	v4 =	vld.idx.msk [tilespmem:v4+s3+$0x0], $0xffff  }
0xd5: {  	v10 =	vor.u32 v10, v17;
	[tilespmem:v3+s13+$0x0] =	vst.idx.add.f32.msk $0xffff, v21  }
0xd6: {  	v3 =	vld [tilespmem:s19+$0x40];
	v17 =	vor.u32 $0x80, v10  }
0xd7: {  	v2 =	vshll.u32 v36, $0x2;
	v14 =	vld.idx.msk [tilespmem:v14+s3+$0x0], $0xffff;
	v53 =	vor.u32 $0x100, v10  }
0xd8: {  	v37 =	vand.u32 $0x7F, v36;
	v2 =	vand.u32 $0xFFFFFE00, v2;
	v16 =	vld.idx.msk [tilespmem:v50+s3+$0x0], $0xffff;
	v55 =	vor.u32 $0x180, v10  }
0xd9: {  	v18 =	vld.idx.msk [tilespmem:v52+s3+$0x0], $0xffff;
	v2 =	vor.u32 v37, v2  }
0xda: {  	v40 =	vor.u32 $0x80, v2;
	v10 =	vld.idx.msk [tilespmem:v10+s3+$0x0], $0xffff  }
0xdb: {  	v42 =	vor.u32 $0x100, v2;
	v43 =	vshll.u32 v1, $0x2;
	v17 =	vld.idx.msk [tilespmem:v17+s3+$0x0], $0xffff  }
0xdc: {  	v45 =	vor.u32 $0x180, v2;
	v1 =	vand.u32 $0x7F, v1;
	v9 =	vand.u32 $0xFFFFFE00, v43;
	v19 =	vld.idx.msk [tilespmem:v53+s3+$0x0], $0xffff  }
0xdd: {  	v1 =	vor.u32 v1, v9;
	v21 =	vld.idx.msk [tilespmem:v55+s3+$0x0], $0xffff  }
0xde: {  	v2 =	vld.idx.msk [tilespmem:v2+s3+$0x0], $0xffff;
	v9 =	vor.u32 $0x80, v1  }
0xdf: {  	v54 =	vshll.u32 v3, $0x2;
	v47 =	vor.u32 $0x100, v1;
	v6 =	vld.idx.msk [tilespmem:v40+s3+$0x0], $0xffff  }
0xe0: {  	v3 =	vand.u32 $0x7F, v3;
	v49 =	vor.u32 $0x180, v1;
	v20 =	vand.u32 $0xFFFFFE00, v54;
	v8 =	vld.idx.msk [tilespmem:v42+s3+$0x0], $0xffff  }
0xe1: {  	v11 =	vld.idx.msk [tilespmem:v45+s3+$0x0], $0xffff;
	v3 =	vor.u32 v3, v20  }
0xe2: {  	v20 =	vor.u32 $0x80, v3;
	v1 =	vld.idx.msk [tilespmem:v1+s3+$0x0], $0xffff  }
0xe3: {  	v57 =	vshll.u32 v38, $0x2;
	v56 =	vor.u32 $0x100, v3;
	v9 =	vld.idx.msk [tilespmem:v9+s3+$0x0], $0xffff  }
0xe4: {  	v23 =	vand.u32 $0xFFFFFE00, v57;
	v5 =	vand.u32 $0x7F, v38;
	v58 =	vor.u32 $0x180, v3;
	v13 =	vld.idx.msk [tilespmem:v47+s3+$0x0], $0xffff  }
0xe5: {  	v5 =	vor.u32 v5, v23;
	v15 =	vld.idx.msk [tilespmem:v49+s3+$0x0], $0xffff  }
0xe6: {  	[tilespmem:v3+s13+$0x0] =	vst.idx.add.f32.msk $0xffff, v2;
	v2 =	vor.u32 $0x80, v5  }
0xe7: {  	v59 =	vshll.u32 v41, $0x2;
	v3 =	vor.u32 $0x100, v5;
	[tilespmem:v20+s13+$0x0] =	vst.idx.add.f32.msk $0xffff, v6  }
0xe8: {  	v7 =	vand.u32 $0x7F, v41;
	v60 =	vor.u32 $0x180, v5;
	v6 =	vand.u32 $0xFFFFFE00, v59;
	[tilespmem:v56+s13+$0x0] =	vst.idx.add.f32.msk $0xffff, v8  }
0xe9: {  	v6 =	vor.u32 v7, v6;
	[tilespmem:v58+s13+$0x0] =	vst.idx.add.f32.msk $0xffff, v11  }
0xea: {  	[tilespmem:v5+s13+$0x0] =	vst.idx.add.f32.msk $0xffff, v1;
	v1 =	vor.u32 $0x80, v6  }
0xeb: {  	v61 =	vshll.u32 v46, $0x2;
	[tilespmem:v2+s13+$0x0] =	vst.idx.add.f32.msk $0xffff, v9;
	v2 =	vor.u32 $0x100, v6  }
0xec: {  	v62 =	vand.u32 $0x7F, v46;
	v5 =	vand.u32 $0xFFFFFE00, v61;
	[tilespmem:v3+s13+$0x0] =	vst.idx.add.f32.msk $0xffff, v13;
	v3 =	vor.u32 $0x180, v6  }
0xed: {  	v5 =	vor.u32 v62, v5;
	[tilespmem:v60+s13+$0x0] =	vst.idx.add.f32.msk $0xffff, v15  }
0xee: {  	v63 =	vor.u32 $0x80, v5;
	[tilespmem:v6+s13+$0x0] =	vst.idx.add.f32.msk $0xffff, v4  }
0xef: {  	s18 =	sadd.s32 $0x4, s18;
	[tilespmem:v1+s13+$0x0] =	vst.idx.add.f32.msk $0xffff, v14;
	v1 =	vor.u32 $0x100, v5  }
0xf0: {  	p0 =	slt.u32 s18, $0x3C;
	[tilespmem:v2+s13+$0x0] =	vst.idx.add.f32.msk $0xffff, v16;
	v2 =	vor.u32 $0x180, v5  }
.Ltmp8:
0xf1: {  	[tilespmem:v3+s13+$0x0] =	vst.idx.add.f32.msk $0xffff, v18;
	(pc) =	sbr.rel @p0 .LBB2_19-.Ltmp8, $4  }
0xf2: {  	[tilespmem:v5+s13+$0x0] =	vst.idx.add.f32.msk $0xffff, v10  }
0xf3: {  	[tilespmem:v63+s13+$0x0] =	vst.idx.add.f32.msk $0xffff, v17  }
0xf4: {  	[tilespmem:v1+s13+$0x0] =	vst.idx.add.f32.msk $0xffff, v19  }
0xf5: {  	s20 =	sadd.s32 $0x200, s20;
	s19 =	sadd.s32 $0x200, s19;
	[tilespmem:v2+s13+$0x0] =	vst.idx.add.f32.msk $0xffff, v21  }
0xf6: {  	_ =	swait.ge [sflag:s10], $0x1000;
	p0 =	seq.s32 s16, $0x2F  }
.Ltmp9:
0xf7: {  	[sflag:s10] =	ssyncset.done $0x0;
	(pc) =	sbr.rel @p0 .LBB2_21-.Ltmp9, $4  }
0xf8: {  	[sflag:s10] =	ssyncadd.s32 $0xFFFFF000  }
0xf9: {  	_ =	swait.ge [sflag:s11], $0x1000  }
0xfa: {  	[sflag:s11] =	ssyncset.done $0x0  }
0xfb: {  	[sflag:s11] =	ssyncadd.s32 $0xFFFFF000  }
0xfc: {  	s17 =	sadd.s32 $0x400, s17  }
0xfd: {  	s19 =	simm.s32 $0x13E00;
	s18 =	sadd.s32 s2, s17  }
0xfe: {  	s20 =	simm.s32 $0x10;
	s21 =	simm.s32 $0x13F00;
	s22 =	sadd.s32 $0x0, s18  }
.LBB2_26:
0xff: {  	[tilespmem:s19], [sflag:$0x2] =	stream.linear.gather [hbm4b:s22+s3], $0x80, $0x38;
	[tilespmem:$0x17E00] =	vst v63  }
0x100: {  	s22 =	smov.u32 s20;
	s19 =	smov.u32 s21;
	p0 =	sne.s32 s20, $0x1F0  }
.Ltmp10:
0x101: {  	s20 =	sadd.s32 $0x10, s20;
	(pc) =	sbr.rel @p0 .LBB2_26-.Ltmp10, $2  }
0x102: {  	_ =	sdelay $0x2  }
0x103: {  	s21 =	sadd.s32 $0x100, s21;
	s22 =	sadd.s32 s22, s18  }
0x104: {  	[tilespmem:s19], [sflag:$0x2] =	stream.linear.gather [hbm4b:s22+s3], $0x80, $0x38;
	[tilespmem:$0x17E00] =	vst v63  }
0x105: {  	s17 =	sadd.s32 s4, s17;
	s18 =	simm.s32 $0x0;
	s19 =	simm.s32 $0x15E00  }
.LBB2_28:
0x106: {  	p0 =	sne.s32 s18, $0x1F0  }
.Ltmp11:
0x107: {  	_ = 	snop;
	(pc) =	sbr.rel @p0 .LBB2_28-.Ltmp11, $4  }
0x108: {  	_ = 	snop  }
0x109: {  	s20 =	sadd.s32 s18, s17  }
0x10a: {  	[tilespmem:s19], [sflag:$0x3] =	stream.linear.gather [hbm4b:s20+s3], $0x80, $0x38;
	[tilespmem:$0x17E00] =	vst v63  }
0x10b: {  	s18 =	sadd.s32 $0x10, s18;
	s19 =	sadd.s32 $0x100, s19  }
0x10c: {  	s17 =	simm.s32 $0xFFFFFFFC;
	s18 =	simm.s32 $0x15F80;
	s19 =	simm.s32 $0x13F80  }
.LBB2_30:
0x10d: {  	v1 =	vld [tilespmem:s19+$0xFFFFFF00]  }
0x10e: {  	v2 =	vld [tilespmem:s19+$0xFFFFFF10]  }
0x10f: {  	v4 =	vld [tilespmem:s18+$0xFFFFFF00]  }
0x110: {  	v5 =	vld [tilespmem:s18+$0xFFFFFF10]  }
0x111: {  	v7 =	vld [tilespmem:s18+$0xFFFFFF20]  }
0x112: {  	v10 =	vld [tilespmem:s19+$0xFFFFFF30]  }
0x113: {  	v12 =	vld [tilespmem:s18+$0xFFFFFF30]  }
0x114: {  	v53 =	vld [tilespmem:s19+$0xFFFFFF40]  }
0x115: {  	v55 =	vld [tilespmem:s18+$0xFFFFFF50];
	v3 =	vshll.u32 v1, $0x2;
	v1 =	vand.u32 $0x7F, v1  }
0x116: {  	v56 =	vld [tilespmem:s19+$0xFFFFFF60];
	v9 =	vshll.u32 v2, $0x2;
	v2 =	vand.u32 $0x7F, v2;
	v3 =	vand.u32 $0xFFFFFE00, v3  }
0x117: {  	v58 =	vld [tilespmem:s18+$0xFFFFFF60];
	v17 =	vshll.u32 v10, $0x2;
	v9 =	vand.u32 $0xFFFFFE00, v9;
	v1 =	vor.u32 v1, v3  }
0x118: {  	v61 =	vld [tilespmem:s19+$0xFFFFFF70];
	v10 =	vand.u32 $0x7F, v10;
	v17 =	vand.u32 $0xFFFFFE00, v17;
	v2 =	vor.u32 v2, v9  }
0x119: {  	v63 =	vld [tilespmem:s18+$0xFFFFFF70];
	v10 =	vor.u32 v10, v17  }
0x11a: {  	v44 =	vld [tilespmem:s19+$0x0];
	v6 =	vor.u32 $0x80, v1  }
0x11b: {  	v3 =	vld [tilespmem:s19+$0xFFFFFF20];
	v8 =	vor.u32 $0x100, v1  }
0x11c: {  	v11 =	vor.u32 $0x180, v1;
	v1 =	vld.idx.msk [tilespmem:v1+s3+$0x0], $0xffff  }
0x11d: {  	v9 =	vor.u32 $0x80, v2;
	v13 =	vor.u32 $0x100, v2;
	v15 =	vor.u32 $0x180, v2;
	v2 =	vld.idx.msk [tilespmem:v2+s3+$0x0], $0xffff  }
0x11e: {  	v17 =	vor.u32 $0x80, v10;
	v19 =	vor.u32 $0x100, v10;
	v21 =	vor.u32 $0x180, v10;
	v10 =	vld.idx.msk [tilespmem:v10+s3+$0x0], $0xffff  }
0x11f: {  	v6 =	vld.idx.msk [tilespmem:v6+s3+$0x0], $0xffff  }
0x120: {  	v8 =	vld.idx.msk [tilespmem:v8+s3+$0x0], $0xffff  }
0x121: {  	v14 =	vshll.u32 v3, $0x2;
	v11 =	vld.idx.msk [tilespmem:v11+s3+$0x0], $0xffff  }
0x122: {  	v3 =	vand.u32 $0x7F, v3;
	v14 =	vand.u32 $0xFFFFFE00, v14;
	v9 =	vld.idx.msk [tilespmem:v9+s3+$0x0], $0xffff  }
0x123: {  	v13 =	vld.idx.msk [tilespmem:v13+s3+$0x0], $0xffff;
	v3 =	vor.u32 v3, v14  }
0x124: {  	v15 =	vld.idx.msk [tilespmem:v15+s3+$0x0], $0xffff;
	v14 =	vor.u32 $0x80, v3  }
0x125: {  	v20 =	vshll.u32 v4, $0x2;
	v17 =	vld.idx.msk [tilespmem:v17+s3+$0x0], $0xffff;
	v16 =	vor.u32 $0x100, v3  }
0x126: {  	v4 =	vand.u32 $0x7F, v4;
	v20 =	vand.u32 $0xFFFFFE00, v20;
	v19 =	vld.idx.msk [tilespmem:v19+s3+$0x0], $0xffff;
	v18 =	vor.u32 $0x180, v3  }
0x127: {  	v4 =	vor.u32 v4, v20;
	v21 =	vld.idx.msk [tilespmem:v21+s3+$0x0], $0xffff  }
0x128: {  	v20 =	vor.u32 $0x80, v4;
	v3 =	vld.idx.msk [tilespmem:v3+s3+$0x0], $0xffff  }
0x129: {  	v14 =	vld.idx.msk [tilespmem:v14+s3+$0x0], $0xffff  }
0x12a: {  	v23 =	vshll.u32 v5, $0x2;
	v22 =	vor.u32 $0x100, v4;
	v16 =	vld.idx.msk [tilespmem:v16+s3+$0x0], $0xffff  }
0x12b: {  	v5 =	vand.u32 $0x7F, v5;
	v23 =	vand.u32 $0xFFFFFE00, v23;
	v24 =	vor.u32 $0x180, v4;
	v18 =	vld.idx.msk [tilespmem:v18+s3+$0x0], $0xffff  }
0x12c: {  	v5 =	vor.u32 v5, v23;
	[tilespmem:v4+s13+$0x0] =	vst.idx.add.f32.msk $0xffff, v1  }
0x12d: {  	v47 =	vshll.u32 v7, $0x2;
	v1 =	vor.u32 $0x80, v5;
	[tilespmem:v20+s13+$0x0] =	vst.idx.add.f32.msk $0xffff, v6  }
0x12e: {  	v46 =	vor.u32 $0x100, v5;
	v6 =	vand.u32 $0xFFFFFE00, v47;
	v47 =	vld [tilespmem:s19+$0x20]  }
0x12f: {  	[tilespmem:v22+s13+$0x0] =	vst.idx.add.f32.msk $0xffff, v8  }
0x130: {  	v7 =	vand.u32 $0x7F, v7;
	v48 =	vor.u32 $0x180, v5;
	[tilespmem:v24+s13+$0x0] =	vst.idx.add.f32.msk $0xffff, v11  }
0x131: {  	v6 =	vor.u32 v7, v6;
	[tilespmem:v5+s13+$0x0] =	vst.idx.add.f32.msk $0xffff, v2  }
0x132: {  	v2 =	vor.u32 $0x80, v6;
	[tilespmem:v1+s13+$0x0] =	vst.idx.add.f32.msk $0xffff, v9  }
0x133: {  	v1 =	vor.u32 $0x100, v6;
	[tilespmem:v46+s13+$0x0] =	vst.idx.add.f32.msk $0xffff, v13  }
0x134: {  	v50 =	vshll.u32 v12, $0x2;
	v49 =	vor.u32 $0x180, v6;
	v46 =	vld [tilespmem:s18+$0x10]  }
0x135: {  	v51 =	vand.u32 $0x7F, v12;
	v5 =	vand.u32 $0xFFFFFE00, v50;
	[tilespmem:v48+s13+$0x0] =	vst.idx.add.f32.msk $0xffff, v15  }
0x136: {  	[tilespmem:v6+s13+$0x0] =	vst.idx.add.f32.msk $0xffff, v3;
	v3 =	vor.u32 v51, v5  }
0x137: {  	[tilespmem:v2+s13+$0x0] =	vst.idx.add.f32.msk $0xffff, v14  }
0x138: {  	v2 =	vor.u32 $0x80, v3;
	[tilespmem:v1+s13+$0x0] =	vst.idx.add.f32.msk $0xffff, v16  }
0x139: {  	v28 =	vshll.u32 v56, $0x2;
	v1 =	vor.u32 $0x100, v3;
	[tilespmem:v49+s13+$0x0] =	vst.idx.add.f32.msk $0xffff, v18  }
0x13a: {  	v4 =	vand.u32 $0x7F, v56;
	v14 =	vand.u32 $0xFFFFFE00, v28;
	v49 =	vld [tilespmem:s18+$0x20]  }
0x13b: {  	v4 =	vor.u32 v4, v14;
	[tilespmem:v3+s13+$0x0] =	vst.idx.add.f32.msk $0xffff, v10  }
0x13c: {  	v52 =	vor.u32 $0x180, v3;
	v3 =	vld [tilespmem:s18+$0xFFFFFF40]  }
0x13d: {  	v14 =	vor.u32 $0x80, v4;
	[tilespmem:v2+s13+$0x0] =	vst.idx.add.f32.msk $0xffff, v17  }
0x13e: {  	v30 =	vor.u32 $0x100, v4;
	[tilespmem:v1+s13+$0x0] =	vst.idx.add.f32.msk $0xffff, v19  }
0x13f: {  	v32 =	vor.u32 $0x180, v4;
	v1 =	vld [tilespmem:s19+$0xFFFFFF50]  }
0x140: {  	v31 =	vshll.u32 v61, $0x2;
	v4 =	vld.idx.msk [tilespmem:v4+s3+$0x0], $0xffff  }
0x141: {  	v10 =	vand.u32 $0x7F, v61;
	v2 =	vshll.u32 v53, $0x2;
	v17 =	vand.u32 $0xFFFFFE00, v31;
	[tilespmem:v52+s13+$0x0] =	vst.idx.add.f32.msk $0xffff, v21  }
0x142: {  	v54 =	vand.u32 $0x7F, v53;
	v2 =	vand.u32 $0xFFFFFE00, v2;
	v10 =	vor.u32 v10, v17;
	v14 =	vld.idx.msk [tilespmem:v14+s3+$0x0], $0xffff  }
0x143: {  	v2 =	vor.u32 v54, v2;
	v16 =	vld.idx.msk [tilespmem:v30+s3+$0x0], $0xffff  }
0x144: {  	v17 =	vor.u32 $0x80, v10;
	v18 =	vld.idx.msk [tilespmem:v32+s3+$0x0], $0xffff  }
0x145: {  	v33 =	vor.u32 $0x100, v10;
	v52 =	vld [tilespmem:s19+$0x30]  }
0x146: {  	v35 =	vor.u32 $0x180, v10;
	v54 =	vld [tilespmem:s18+$0x30]  }
0x147: {  	v57 =	vor.u32 $0x80, v2;
	v10 =	vld.idx.msk [tilespmem:v10+s3+$0x0], $0xffff  }
0x148: {  	v59 =	vor.u32 $0x100, v2;
	v62 =	vor.u32 $0x180, v2;
	v60 =	vshll.u32 v1, $0x2;
	v2 =	vld.idx.msk [tilespmem:v2+s3+$0x0], $0xffff  }
0x149: {  	v1 =	vand.u32 $0x7F, v1;
	v9 =	vand.u32 $0xFFFFFE00, v60;
	v17 =	vld.idx.msk [tilespmem:v17+s3+$0x0], $0xffff  }
0x14a: {  	v19 =	vld.idx.msk [tilespmem:v33+s3+$0x0], $0xffff;
	v1 =	vor.u32 v1, v9  }
0x14b: {  	v21 =	vld.idx.msk [tilespmem:v35+s3+$0x0], $0xffff;
	v9 =	vor.u32 $0x80, v1  }
0x14c: {  	v34 =	vshll.u32 v3, $0x2;
	v6 =	vld.idx.msk [tilespmem:v57+s3+$0x0], $0xffff;
	v27 =	vor.u32 $0x100, v1  }
0x14d: {  	v3 =	vand.u32 $0x7F, v3;
	v20 =	vand.u32 $0xFFFFFE00, v34;
	v8 =	vld.idx.msk [tilespmem:v59+s3+$0x0], $0xffff;
	v29 =	vor.u32 $0x180, v1  }
0x14e: {  	v3 =	vor.u32 v3, v20;
	v11 =	vld.idx.msk [tilespmem:v62+s3+$0x0], $0xffff  }
0x14f: {  	v20 =	vor.u32 $0x80, v3;
	v1 =	vld.idx.msk [tilespmem:v1+s3+$0x0], $0xffff  }
0x150: {  	v9 =	vld.idx.msk [tilespmem:v9+s3+$0x0], $0xffff  }
0x151: {  	v36 =	vor.u32 $0x100, v3;
	v13 =	vld.idx.msk [tilespmem:v27+s3+$0x0], $0xffff  }
0x152: {  	v15 =	vld.idx.msk [tilespmem:v29+s3+$0x0], $0xffff  }
0x153: {  	v37 =	vshll.u32 v55, $0x2;
	v38 =	vor.u32 $0x180, v3;
	[tilespmem:v3+s13+$0x0] =	vst.idx.add.f32.msk $0xffff, v2  }
0x154: {  	v39 =	vshll.u32 v58, $0x2;
	v23 =	vand.u32 $0xFFFFFE00, v37;
	v5 =	vand.u32 $0x7F, v55;
	[tilespmem:v20+s13+$0x0] =	vst.idx.add.f32.msk $0xffff, v6  }
0x155: {  	v5 =	vor.u32 v5, v23;
	v6 =	vand.u32 $0xFFFFFE00, v39;
	v39 =	vld [tilespmem:s19+$0x60]  }
0x156: {  	[tilespmem:v36+s13+$0x0] =	vst.idx.add.f32.msk $0xffff, v8  }
0x157: {  	v2 =	vor.u32 $0x80, v5;
	v36 =	vld [tilespmem:s19+$0x40]  }
0x158: {  	v3 =	vor.u32 $0x100, v5;
	[tilespmem:v38+s13+$0x0] =	vst.idx.add.f32.msk $0xffff, v11  }
0x159: {  	v7 =	vand.u32 $0x7F, v58;
	v40 =	vor.u32 $0x180, v5;
	v38 =	vld [tilespmem:s18+$0x50]  }
0x15a: {  	v41 =	vshll.u32 v63, $0x2;
	v6 =	vor.u32 v7, v6;
	[tilespmem:v5+s13+$0x0] =	vst.idx.add.f32.msk $0xffff, v1  }
0x15b: {  	v1 =	vor.u32 $0x80, v6;
	v5 =	vand.u32 $0xFFFFFE00, v41;
	v41 =	vld [tilespmem:s18+$0x60]  }
0x15c: {  	[tilespmem:v2+s13+$0x0] =	vst.idx.add.f32.msk $0xffff, v9  }
0x15d: {  	v2 =	vor.u32 $0x100, v6;
	[tilespmem:v3+s13+$0x0] =	vst.idx.add.f32.msk $0xffff, v13  }
0x15e: {  	v42 =	vand.u32 $0x7F, v63;
	v3 =	vor.u32 $0x180, v6;
	[tilespmem:v40+s13+$0x0] =	vst.idx.add.f32.msk $0xffff, v15  }
0x15f: {  	v43 =	vor.u32 v42, v5;
	[tilespmem:v6+s13+$0x0] =	vst.idx.add.f32.msk $0xffff, v4  }
0x160: {  	[tilespmem:v1+s13+$0x0] =	vst.idx.add.f32.msk $0xffff, v14;
	v1 =	vor.u32 $0x80, v43  }
0x161: {  	v56 =	vshll.u32 v47, $0x2;
	v29 =	vshll.u32 v46, $0x2;
	v5 =	vand.u32 $0x7F, v46;
	v46 =	vld [tilespmem:s18+$0x70]  }
0x162: {  	v4 =	vand.u32 $0x7F, v47;
	v14 =	vand.u32 $0xFFFFFE00, v56;
	[tilespmem:v2+s13+$0x0] =	vst.idx.add.f32.msk $0xffff, v16;
	v2 =	vor.u32 $0x100, v43  }
0x163: {  	v4 =	vor.u32 v4, v14;
	[tilespmem:v3+s13+$0x0] =	vst.idx.add.f32.msk $0xffff, v18  }
0x164: {  	v3 =	vor.u32 $0x180, v43;
	[tilespmem:v43+s13+$0x0] =	vst.idx.add.f32.msk $0xffff, v10  }
0x165: {  	[tilespmem:v1+s13+$0x0] =	vst.idx.add.f32.msk $0xffff, v17  }
0x166: {  	v14 =	vor.u32 $0x80, v4;
	v1 =	vld [tilespmem:s19+$0x10]  }
0x167: {  	v59 =	vshll.u32 v52, $0x2;
	v58 =	vor.u32 $0x100, v4;
	[tilespmem:v2+s13+$0x0] =	vst.idx.add.f32.msk $0xffff, v19  }
0x168: {  	v60 =	vor.u32 $0x180, v4;
	v10 =	vand.u32 $0x7F, v52;
	v17 =	vand.u32 $0xFFFFFE00, v59;
	v4 =	vld.idx.msk [tilespmem:v4+s3+$0x0], $0xffff  }
0x169: {  	v10 =	vor.u32 v10, v17;
	[tilespmem:v3+s13+$0x0] =	vst.idx.add.f32.msk $0xffff, v21  }
0x16a: {  	v3 =	vld [tilespmem:s18+$0x0];
	v17 =	vor.u32 $0x80, v10  }
0x16b: {  	v2 =	vshll.u32 v44, $0x2;
	v14 =	vld.idx.msk [tilespmem:v14+s3+$0x0], $0xffff;
	v61 =	vor.u32 $0x100, v10  }
0x16c: {  	v45 =	vand.u32 $0x7F, v44;
	v2 =	vand.u32 $0xFFFFFE00, v2;
	v16 =	vld.idx.msk [tilespmem:v58+s3+$0x0], $0xffff;
	v63 =	vor.u32 $0x180, v10  }
0x16d: {  	v18 =	vld.idx.msk [tilespmem:v60+s3+$0x0], $0xffff;
	v2 =	vor.u32 v45, v2  }
0x16e: {  	v48 =	vor.u32 $0x80, v2;
	v10 =	vld.idx.msk [tilespmem:v10+s3+$0x0], $0xffff  }
0x16f: {  	v50 =	vor.u32 $0x100, v2;
	v51 =	vshll.u32 v1, $0x2;
	v17 =	vld.idx.msk [tilespmem:v17+s3+$0x0], $0xffff  }
0x170: {  	v53 =	vor.u32 $0x180, v2;
	v1 =	vand.u32 $0x7F, v1;
	v9 =	vand.u32 $0xFFFFFE00, v51;
	v19 =	vld.idx.msk [tilespmem:v61+s3+$0x0], $0xffff  }
0x171: {  	v1 =	vor.u32 v1, v9;
	v21 =	vld.idx.msk [tilespmem:v63+s3+$0x0], $0xffff  }
0x172: {  	v2 =	vld.idx.msk [tilespmem:v2+s3+$0x0], $0xffff;
	v9 =	vor.u32 $0x80, v1  }
0x173: {  	v62 =	vshll.u32 v3, $0x2;
	v55 =	vor.u32 $0x100, v1;
	v6 =	vld.idx.msk [tilespmem:v48+s3+$0x0], $0xffff  }
0x174: {  	v3 =	vand.u32 $0x7F, v3;
	v57 =	vor.u32 $0x180, v1;
	v20 =	vand.u32 $0xFFFFFE00, v62;
	v8 =	vld.idx.msk [tilespmem:v50+s3+$0x0], $0xffff  }
0x175: {  	v11 =	vld.idx.msk [tilespmem:v53+s3+$0x0], $0xffff;
	v3 =	vor.u32 v3, v20  }
0x176: {  	v20 =	vor.u32 $0x80, v3;
	v1 =	vld.idx.msk [tilespmem:v1+s3+$0x0], $0xffff  }
0x177: {  	v28 =	vor.u32 $0x100, v3;
	v9 =	vld.idx.msk [tilespmem:v9+s3+$0x0], $0xffff  }
0x178: {  	v23 =	vand.u32 $0xFFFFFE00, v29;
	v30 =	vor.u32 $0x180, v3;
	v13 =	vld.idx.msk [tilespmem:v55+s3+$0x0], $0xffff  }
0x179: {  	v5 =	vor.u32 v5, v23;
	v15 =	vld.idx.msk [tilespmem:v57+s3+$0x0], $0xffff  }
0x17a: {  	[tilespmem:v3+s13+$0x0] =	vst.idx.add.f32.msk $0xffff, v2;
	v2 =	vor.u32 $0x80, v5  }
0x17b: {  	v31 =	vshll.u32 v49, $0x2;
	v3 =	vor.u32 $0x100, v5;
	[tilespmem:v20+s13+$0x0] =	vst.idx.add.f32.msk $0xffff, v6  }
0x17c: {  	v7 =	vand.u32 $0x7F, v49;
	v32 =	vor.u32 $0x180, v5;
	v6 =	vand.u32 $0xFFFFFE00, v31;
	[tilespmem:v28+s13+$0x0] =	vst.idx.add.f32.msk $0xffff, v8  }
0x17d: {  	v6 =	vor.u32 v7, v6;
	[tilespmem:v30+s13+$0x0] =	vst.idx.add.f32.msk $0xffff, v11  }
0x17e: {  	[tilespmem:v5+s13+$0x0] =	vst.idx.add.f32.msk $0xffff, v1;
	v1 =	vor.u32 $0x80, v6  }
0x17f: {  	[tilespmem:v2+s13+$0x0] =	vst.idx.add.f32.msk $0xffff, v9  }
0x180: {  	v33 =	vshll.u32 v54, $0x2;
	v2 =	vor.u32 $0x100, v6;
	[tilespmem:v3+s13+$0x0] =	vst.idx.add.f32.msk $0xffff, v13  }
0x181: {  	v34 =	vand.u32 $0x7F, v54;
	v5 =	vand.u32 $0xFFFFFE00, v33;
	v3 =	vor.u32 $0x180, v6;
	[tilespmem:v32+s13+$0x0] =	vst.idx.add.f32.msk $0xffff, v15  }
0x182: {  	v35 =	vor.u32 v34, v5;
	[tilespmem:v6+s13+$0x0] =	vst.idx.add.f32.msk $0xffff, v4  }
0x183: {  	[tilespmem:v1+s13+$0x0] =	vst.idx.add.f32.msk $0xffff, v14;
	v1 =	vor.u32 $0x80, v35  }
0x184: {  	v44 =	vld [tilespmem:s19+$0x70];
	v48 =	vshll.u32 v39, $0x2  }
0x185: {  	v4 =	vand.u32 $0x7F, v39;
	v14 =	vand.u32 $0xFFFFFE00, v48;
	[tilespmem:v2+s13+$0x0] =	vst.idx.add.f32.msk $0xffff, v16;
	v2 =	vor.u32 $0x100, v35  }
0x186: {  	v4 =	vor.u32 v4, v14;
	[tilespmem:v3+s13+$0x0] =	vst.idx.add.f32.msk $0xffff, v18  }
0x187: {  	v3 =	vor.u32 $0x180, v35;
	[tilespmem:v35+s13+$0x0] =	vst.idx.add.f32.msk $0xffff, v10  }
0x188: {  	[tilespmem:v1+s13+$0x0] =	vst.idx.add.f32.msk $0xffff, v17  }
0x189: {  	v14 =	vor.u32 $0x80, v4;
	v1 =	vld [tilespmem:s19+$0x50]  }
0x18a: {  	v51 =	vshll.u32 v44, $0x2;
	v50 =	vor.u32 $0x100, v4;
	[tilespmem:v2+s13+$0x0] =	vst.idx.add.f32.msk $0xffff, v19  }
0x18b: {  	v52 =	vor.u32 $0x180, v4;
	v10 =	vand.u32 $0x7F, v44;
	v17 =	vand.u32 $0xFFFFFE00, v51;
	v4 =	vld.idx.msk [tilespmem:v4+s3+$0x0], $0xffff  }
0x18c: {  	v10 =	vor.u32 v10, v17;
	[tilespmem:v3+s13+$0x0] =	vst.idx.add.f32.msk $0xffff, v21  }
0x18d: {  	v3 =	vld [tilespmem:s18+$0x40];
	v17 =	vor.u32 $0x80, v10  }
0x18e: {  	v2 =	vshll.u32 v36, $0x2;
	v14 =	vld.idx.msk [tilespmem:v14+s3+$0x0], $0xffff;
	v53 =	vor.u32 $0x100, v10  }
0x18f: {  	v37 =	vand.u32 $0x7F, v36;
	v2 =	vand.u32 $0xFFFFFE00, v2;
	v16 =	vld.idx.msk [tilespmem:v50+s3+$0x0], $0xffff;
	v55 =	vor.u32 $0x180, v10  }
0x190: {  	v18 =	vld.idx.msk [tilespmem:v52+s3+$0x0], $0xffff;
	v2 =	vor.u32 v37, v2  }
0x191: {  	v40 =	vor.u32 $0x80, v2;
	v10 =	vld.idx.msk [tilespmem:v10+s3+$0x0], $0xffff  }
0x192: {  	v42 =	vor.u32 $0x100, v2;
	v43 =	vshll.u32 v1, $0x2;
	v17 =	vld.idx.msk [tilespmem:v17+s3+$0x0], $0xffff  }
0x193: {  	v45 =	vor.u32 $0x180, v2;
	v1 =	vand.u32 $0x7F, v1;
	v9 =	vand.u32 $0xFFFFFE00, v43;
	v19 =	vld.idx.msk [tilespmem:v53+s3+$0x0], $0xffff  }
0x194: {  	v1 =	vor.u32 v1, v9;
	v21 =	vld.idx.msk [tilespmem:v55+s3+$0x0], $0xffff  }
0x195: {  	v2 =	vld.idx.msk [tilespmem:v2+s3+$0x0], $0xffff;
	v9 =	vor.u32 $0x80, v1  }
0x196: {  	v54 =	vshll.u32 v3, $0x2;
	v47 =	vor.u32 $0x100, v1;
	v6 =	vld.idx.msk [tilespmem:v40+s3+$0x0], $0xffff  }
0x197: {  	v3 =	vand.u32 $0x7F, v3;
	v49 =	vor.u32 $0x180, v1;
	v20 =	vand.u32 $0xFFFFFE00, v54;
	v8 =	vld.idx.msk [tilespmem:v42+s3+$0x0], $0xffff  }
0x198: {  	v11 =	vld.idx.msk [tilespmem:v45+s3+$0x0], $0xffff;
	v3 =	vor.u32 v3, v20  }
0x199: {  	v20 =	vor.u32 $0x80, v3;
	v1 =	vld.idx.msk [tilespmem:v1+s3+$0x0], $0xffff  }
0x19a: {  	v57 =	vshll.u32 v38, $0x2;
	v56 =	vor.u32 $0x100, v3;
	v9 =	vld.idx.msk [tilespmem:v9+s3+$0x0], $0xffff  }
0x19b: {  	v23 =	vand.u32 $0xFFFFFE00, v57;
	v5 =	vand.u32 $0x7F, v38;
	v58 =	vor.u32 $0x180, v3;
	v13 =	vld.idx.msk [tilespmem:v47+s3+$0x0], $0xffff  }
0x19c: {  	v5 =	vor.u32 v5, v23;
	v15 =	vld.idx.msk [tilespmem:v49+s3+$0x0], $0xffff  }
0x19d: {  	[tilespmem:v3+s13+$0x0] =	vst.idx.add.f32.msk $0xffff, v2;
	v2 =	vor.u32 $0x80, v5  }
0x19e: {  	v59 =	vshll.u32 v41, $0x2;
	v3 =	vor.u32 $0x100, v5;
	[tilespmem:v20+s13+$0x0] =	vst.idx.add.f32.msk $0xffff, v6  }
0x19f: {  	v7 =	vand.u32 $0x7F, v41;
	v60 =	vor.u32 $0x180, v5;
	v6 =	vand.u32 $0xFFFFFE00, v59;
	[tilespmem:v56+s13+$0x0] =	vst.idx.add.f32.msk $0xffff, v8  }
0x1a0: {  	v6 =	vor.u32 v7, v6;
	[tilespmem:v58+s13+$0x0] =	vst.idx.add.f32.msk $0xffff, v11  }
0x1a1: {  	[tilespmem:v5+s13+$0x0] =	vst.idx.add.f32.msk $0xffff, v1;
	v1 =	vor.u32 $0x80, v6  }
0x1a2: {  	v61 =	vshll.u32 v46, $0x2;
	[tilespmem:v2+s13+$0x0] =	vst.idx.add.f32.msk $0xffff, v9;
	v2 =	vor.u32 $0x100, v6  }
0x1a3: {  	v62 =	vand.u32 $0x7F, v46;
	v5 =	vand.u32 $0xFFFFFE00, v61;
	[tilespmem:v3+s13+$0x0] =	vst.idx.add.f32.msk $0xffff, v13;
	v3 =	vor.u32 $0x180, v6  }
0x1a4: {  	v5 =	vor.u32 v62, v5;
	[tilespmem:v60+s13+$0x0] =	vst.idx.add.f32.msk $0xffff, v15  }
0x1a5: {  	v63 =	vor.u32 $0x80, v5;
	[tilespmem:v6+s13+$0x0] =	vst.idx.add.f32.msk $0xffff, v4  }
0x1a6: {  	s17 =	sadd.s32 $0x4, s17;
	[tilespmem:v1+s13+$0x0] =	vst.idx.add.f32.msk $0xffff, v14;
	v1 =	vor.u32 $0x100, v5  }
0x1a7: {  	p0 =	slt.u32 s17, $0x3C;
	[tilespmem:v2+s13+$0x0] =	vst.idx.add.f32.msk $0xffff, v16;
	v2 =	vor.u32 $0x180, v5  }
.Ltmp12:
0x1a8: {  	[tilespmem:v3+s13+$0x0] =	vst.idx.add.f32.msk $0xffff, v18;
	(pc) =	sbr.rel @p0 .LBB2_30-.Ltmp12, $4  }
0x1a9: {  	[tilespmem:v5+s13+$0x0] =	vst.idx.add.f32.msk $0xffff, v10  }
0x1aa: {  	[tilespmem:v63+s13+$0x0] =	vst.idx.add.f32.msk $0xffff, v17  }
0x1ab: {  	[tilespmem:v1+s13+$0x0] =	vst.idx.add.f32.msk $0xffff, v19  }
0x1ac: {  	s19 =	sadd.s32 $0x200, s19;
	s18 =	sadd.s32 $0x200, s18;
	[tilespmem:v2+s13+$0x0] =	vst.idx.add.f32.msk $0xffff, v21  }
0x1ad: {  	_ =	swait.ge [sflag:s10], $0x1000  }
.Ltmp13:
0x1ae: {  	[sflag:s10] =	ssyncset.done $0x0;
	(pc) =	sbr.rel .LBB2_14-.Ltmp13, $4  }
0x1af: {  	[sflag:s10] =	ssyncadd.s32 $0xFFFFF000  }
0x1b0: {  	_ =	swait.ge [sflag:s11], $0x1000  }
0x1b1: {  	[sflag:s11] =	ssyncset.done $0x0  }
0x1b2: {  	s16 =	sadd.s32 $0x1, s16;
	[sflag:s11] =	ssyncadd.s32 $0xFFFFF000  }
.LBB2_21:
0x1b3: {  	s16 =	simm.s32 $0xFFFFFFFC;
	s17 =	simm.s32 $0x15F80;
	s18 =	simm.s32 $0x13F80  }
.LBB2_22:
0x1b4: {  	v1 =	vld [tilespmem:s18+$0xFFFFFF00]  }
0x1b5: {  	v2 =	vld [tilespmem:s18+$0xFFFFFF10]  }
0x1b6: {  	v4 =	vld [tilespmem:s17+$0xFFFFFF00]  }
0x1b7: {  	v5 =	vld [tilespmem:s17+$0xFFFFFF10]  }
0x1b8: {  	v7 =	vld [tilespmem:s17+$0xFFFFFF20]  }
0x1b9: {  	v10 =	vld [tilespmem:s18+$0xFFFFFF30]  }
0x1ba: {  	v12 =	vld [tilespmem:s17+$0xFFFFFF30]  }
0x1bb: {  	v53 =	vld [tilespmem:s18+$0xFFFFFF40]  }
0x1bc: {  	v55 =	vld [tilespmem:s17+$0xFFFFFF50];
	v3 =	vshll.u32 v1, $0x2;
	v1 =	vand.u32 $0x7F, v1  }
0x1bd: {  	v56 =	vld [tilespmem:s18+$0xFFFFFF60];
	v9 =	vshll.u32 v2, $0x2;
	v2 =	vand.u32 $0x7F, v2;
	v3 =	vand.u32 $0xFFFFFE00, v3  }
0x1be: {  	v58 =	vld [tilespmem:s17+$0xFFFFFF60];
	v17 =	vshll.u32 v10, $0x2;
	v9 =	vand.u32 $0xFFFFFE00, v9;
	v1 =	vor.u32 v1, v3  }
0x1bf: {  	v61 =	vld [tilespmem:s18+$0xFFFFFF70];
	v10 =	vand.u32 $0x7F, v10;
	v17 =	vand.u32 $0xFFFFFE00, v17;
	v2 =	vor.u32 v2, v9  }
0x1c0: {  	v63 =	vld [tilespmem:s17+$0xFFFFFF70];
	v10 =	vor.u32 v10, v17  }
0x1c1: {  	v44 =	vld [tilespmem:s18+$0x0];
	v6 =	vor.u32 $0x80, v1  }
0x1c2: {  	v3 =	vld [tilespmem:s18+$0xFFFFFF20];
	v8 =	vor.u32 $0x100, v1  }
0x1c3: {  	v11 =	vor.u32 $0x180, v1;
	v1 =	vld.idx.msk [tilespmem:v1+s3+$0x0], $0xffff  }
0x1c4: {  	v9 =	vor.u32 $0x80, v2;
	v13 =	vor.u32 $0x100, v2;
	v15 =	vor.u32 $0x180, v2;
	v2 =	vld.idx.msk [tilespmem:v2+s3+$0x0], $0xffff  }
0x1c5: {  	v17 =	vor.u32 $0x80, v10;
	v19 =	vor.u32 $0x100, v10;
	v21 =	vor.u32 $0x180, v10;
	v10 =	vld.idx.msk [tilespmem:v10+s3+$0x0], $0xffff  }
0x1c6: {  	v6 =	vld.idx.msk [tilespmem:v6+s3+$0x0], $0xffff  }
0x1c7: {  	v8 =	vld.idx.msk [tilespmem:v8+s3+$0x0], $0xffff  }
0x1c8: {  	v14 =	vshll.u32 v3, $0x2;
	v11 =	vld.idx.msk [tilespmem:v11+s3+$0x0], $0xffff  }
0x1c9: {  	v3 =	vand.u32 $0x7F, v3;
	v14 =	vand.u32 $0xFFFFFE00, v14;
	v9 =	vld.idx.msk [tilespmem:v9+s3+$0x0], $0xffff  }
0x1ca: {  	v13 =	vld.idx.msk [tilespmem:v13+s3+$0x0], $0xffff;
	v3 =	vor.u32 v3, v14  }
0x1cb: {  	v15 =	vld.idx.msk [tilespmem:v15+s3+$0x0], $0xffff;
	v14 =	vor.u32 $0x80, v3  }
0x1cc: {  	v20 =	vshll.u32 v4, $0x2;
	v17 =	vld.idx.msk [tilespmem:v17+s3+$0x0], $0xffff;
	v16 =	vor.u32 $0x100, v3  }
0x1cd: {  	v4 =	vand.u32 $0x7F, v4;
	v20 =	vand.u32 $0xFFFFFE00, v20;
	v19 =	vld.idx.msk [tilespmem:v19+s3+$0x0], $0xffff;
	v18 =	vor.u32 $0x180, v3  }
0x1ce: {  	v4 =	vor.u32 v4, v20;
	v21 =	vld.idx.msk [tilespmem:v21+s3+$0x0], $0xffff  }
0x1cf: {  	v20 =	vor.u32 $0x80, v4;
	v3 =	vld.idx.msk [tilespmem:v3+s3+$0x0], $0xffff  }
0x1d0: {  	v14 =	vld.idx.msk [tilespmem:v14+s3+$0x0], $0xffff  }
0x1d1: {  	v23 =	vshll.u32 v5, $0x2;
	v22 =	vor.u32 $0x100, v4;
	v16 =	vld.idx.msk [tilespmem:v16+s3+$0x0], $0xffff  }
0x1d2: {  	v5 =	vand.u32 $0x7F, v5;
	v23 =	vand.u32 $0xFFFFFE00, v23;
	v24 =	vor.u32 $0x180, v4;
	v18 =	vld.idx.msk [tilespmem:v18+s3+$0x0], $0xffff  }
0x1d3: {  	v5 =	vor.u32 v5, v23;
	[tilespmem:v4+s13+$0x0] =	vst.idx.add.f32.msk $0xffff, v1  }
0x1d4: {  	v47 =	vshll.u32 v7, $0x2;
	v1 =	vor.u32 $0x80, v5;
	[tilespmem:v20+s13+$0x0] =	vst.idx.add.f32.msk $0xffff, v6  }
0x1d5: {  	v46 =	vor.u32 $0x100, v5;
	v6 =	vand.u32 $0xFFFFFE00, v47;
	v47 =	vld [tilespmem:s18+$0x20]  }
0x1d6: {  	[tilespmem:v22+s13+$0x0] =	vst.idx.add.f32.msk $0xffff, v8  }
0x1d7: {  	v7 =	vand.u32 $0x7F, v7;
	v48 =	vor.u32 $0x180, v5;
	[tilespmem:v24+s13+$0x0] =	vst.idx.add.f32.msk $0xffff, v11  }
0x1d8: {  	v6 =	vor.u32 v7, v6;
	[tilespmem:v5+s13+$0x0] =	vst.idx.add.f32.msk $0xffff, v2  }
0x1d9: {  	v2 =	vor.u32 $0x80, v6;
	[tilespmem:v1+s13+$0x0] =	vst.idx.add.f32.msk $0xffff, v9  }
0x1da: {  	v1 =	vor.u32 $0x100, v6;
	[tilespmem:v46+s13+$0x0] =	vst.idx.add.f32.msk $0xffff, v13  }
0x1db: {  	v50 =	vshll.u32 v12, $0x2;
	v49 =	vor.u32 $0x180, v6;
	v46 =	vld [tilespmem:s17+$0x10]  }
0x1dc: {  	v51 =	vand.u32 $0x7F, v12;
	v5 =	vand.u32 $0xFFFFFE00, v50;
	[tilespmem:v48+s13+$0x0] =	vst.idx.add.f32.msk $0xffff, v15  }
0x1dd: {  	[tilespmem:v6+s13+$0x0] =	vst.idx.add.f32.msk $0xffff, v3;
	v3 =	vor.u32 v51, v5  }
0x1de: {  	[tilespmem:v2+s13+$0x0] =	vst.idx.add.f32.msk $0xffff, v14  }
0x1df: {  	v2 =	vor.u32 $0x80, v3;
	[tilespmem:v1+s13+$0x0] =	vst.idx.add.f32.msk $0xffff, v16  }
0x1e0: {  	v28 =	vshll.u32 v56, $0x2;
	v1 =	vor.u32 $0x100, v3;
	[tilespmem:v49+s13+$0x0] =	vst.idx.add.f32.msk $0xffff, v18  }
0x1e1: {  	v4 =	vand.u32 $0x7F, v56;
	v14 =	vand.u32 $0xFFFFFE00, v28;
	v49 =	vld [tilespmem:s17+$0x20]  }
0x1e2: {  	v4 =	vor.u32 v4, v14;
	[tilespmem:v3+s13+$0x0] =	vst.idx.add.f32.msk $0xffff, v10  }
0x1e3: {  	v52 =	vor.u32 $0x180, v3;
	v3 =	vld [tilespmem:s17+$0xFFFFFF40]  }
0x1e4: {  	v14 =	vor.u32 $0x80, v4;
	[tilespmem:v2+s13+$0x0] =	vst.idx.add.f32.msk $0xffff, v17  }
0x1e5: {  	v30 =	vor.u32 $0x100, v4;
	[tilespmem:v1+s13+$0x0] =	vst.idx.add.f32.msk $0xffff, v19  }
0x1e6: {  	v32 =	vor.u32 $0x180, v4;
	v1 =	vld [tilespmem:s18+$0xFFFFFF50]  }
0x1e7: {  	v31 =	vshll.u32 v61, $0x2;
	v4 =	vld.idx.msk [tilespmem:v4+s3+$0x0], $0xffff  }
0x1e8: {  	v10 =	vand.u32 $0x7F, v61;
	v2 =	vshll.u32 v53, $0x2;
	v17 =	vand.u32 $0xFFFFFE00, v31;
	[tilespmem:v52+s13+$0x0] =	vst.idx.add.f32.msk $0xffff, v21  }
0x1e9: {  	v54 =	vand.u32 $0x7F, v53;
	v2 =	vand.u32 $0xFFFFFE00, v2;
	v10 =	vor.u32 v10, v17;
	v14 =	vld.idx.msk [tilespmem:v14+s3+$0x0], $0xffff  }
0x1ea: {  	v2 =	vor.u32 v54, v2;
	v16 =	vld.idx.msk [tilespmem:v30+s3+$0x0], $0xffff  }
0x1eb: {  	v17 =	vor.u32 $0x80, v10;
	v18 =	vld.idx.msk [tilespmem:v32+s3+$0x0], $0xffff  }
0x1ec: {  	v33 =	vor.u32 $0x100, v10;
	v52 =	vld [tilespmem:s18+$0x30]  }
0x1ed: {  	v35 =	vor.u32 $0x180, v10;
	v54 =	vld [tilespmem:s17+$0x30]  }
0x1ee: {  	v57 =	vor.u32 $0x80, v2;
	v10 =	vld.idx.msk [tilespmem:v10+s3+$0x0], $0xffff  }
0x1ef: {  	v59 =	vor.u32 $0x100, v2;
	v62 =	vor.u32 $0x180, v2;
	v60 =	vshll.u32 v1, $0x2;
	v2 =	vld.idx.msk [tilespmem:v2+s3+$0x0], $0xffff  }
0x1f0: {  	v1 =	vand.u32 $0x7F, v1;
	v9 =	vand.u32 $0xFFFFFE00, v60;
	v17 =	vld.idx.msk [tilespmem:v17+s3+$0x0], $0xffff  }
0x1f1: {  	v19 =	vld.idx.msk [tilespmem:v33+s3+$0x0], $0xffff;
	v1 =	vor.u32 v1, v9  }
0x1f2: {  	v21 =	vld.idx.msk [tilespmem:v35+s3+$0x0], $0xffff;
	v9 =	vor.u32 $0x80, v1  }
0x1f3: {  	v34 =	vshll.u32 v3, $0x2;
	v6 =	vld.idx.msk [tilespmem:v57+s3+$0x0], $0xffff;
	v27 =	vor.u32 $0x100, v1  }
0x1f4: {  	v3 =	vand.u32 $0x7F, v3;
	v20 =	vand.u32 $0xFFFFFE00, v34;
	v8 =	vld.idx.msk [tilespmem:v59+s3+$0x0], $0xffff;
	v29 =	vor.u32 $0x180, v1  }
0x1f5: {  	v3 =	vor.u32 v3, v20;
	v11 =	vld.idx.msk [tilespmem:v62+s3+$0x0], $0xffff  }
0x1f6: {  	v20 =	vor.u32 $0x80, v3;
	v1 =	vld.idx.msk [tilespmem:v1+s3+$0x0], $0xffff  }
0x1f7: {  	v9 =	vld.idx.msk [tilespmem:v9+s3+$0x0], $0xffff  }
0x1f8: {  	v36 =	vor.u32 $0x100, v3;
	v13 =	vld.idx.msk [tilespmem:v27+s3+$0x0], $0xffff  }
0x1f9: {  	v15 =	vld.idx.msk [tilespmem:v29+s3+$0x0], $0xffff  }
0x1fa: {  	v37 =	vshll.u32 v55, $0x2;
	v38 =	vor.u32 $0x180, v3;
	[tilespmem:v3+s13+$0x0] =	vst.idx.add.f32.msk $0xffff, v2  }
0x1fb: {  	v39 =	vshll.u32 v58, $0x2;
	v23 =	vand.u32 $0xFFFFFE00, v37;
	v5 =	vand.u32 $0x7F, v55;
	[tilespmem:v20+s13+$0x0] =	vst.idx.add.f32.msk $0xffff, v6  }
0x1fc: {  	v5 =	vor.u32 v5, v23;
	v6 =	vand.u32 $0xFFFFFE00, v39;
	v39 =	vld [tilespmem:s18+$0x60]  }
0x1fd: {  	[tilespmem:v36+s13+$0x0] =	vst.idx.add.f32.msk $0xffff, v8  }
0x1fe: {  	v2 =	vor.u32 $0x80, v5;
	v36 =	vld [tilespmem:s18+$0x40]  }
0x1ff: {  	v3 =	vor.u32 $0x100, v5;
	[tilespmem:v38+s13+$0x0] =	vst.idx.add.f32.msk $0xffff, v11  }
0x200: {  	v7 =	vand.u32 $0x7F, v58;
	v40 =	vor.u32 $0x180, v5;
	v38 =	vld [tilespmem:s17+$0x50]  }
0x201: {  	v41 =	vshll.u32 v63, $0x2;
	v6 =	vor.u32 v7, v6;
	[tilespmem:v5+s13+$0x0] =	vst.idx.add.f32.msk $0xffff, v1  }
0x202: {  	v1 =	vor.u32 $0x80, v6;
	v5 =	vand.u32 $0xFFFFFE00, v41;
	v41 =	vld [tilespmem:s17+$0x60]  }
0x203: {  	[tilespmem:v2+s13+$0x0] =	vst.idx.add.f32.msk $0xffff, v9  }
0x204: {  	v2 =	vor.u32 $0x100, v6;
	[tilespmem:v3+s13+$0x0] =	vst.idx.add.f32.msk $0xffff, v13  }
0x205: {  	v42 =	vand.u32 $0x7F, v63;
	v3 =	vor.u32 $0x180, v6;
	[tilespmem:v40+s13+$0x0] =	vst.idx.add.f32.msk $0xffff, v15  }
0x206: {  	v43 =	vor.u32 v42, v5;
	[tilespmem:v6+s13+$0x0] =	vst.idx.add.f32.msk $0xffff, v4  }
0x207: {  	[tilespmem:v1+s13+$0x0] =	vst.idx.add.f32.msk $0xffff, v14;
	v1 =	vor.u32 $0x80, v43  }
0x208: {  	v56 =	vshll.u32 v47, $0x2;
	v29 =	vshll.u32 v46, $0x2;
	v5 =	vand.u32 $0x7F, v46;
	v46 =	vld [tilespmem:s17+$0x70]  }
0x209: {  	v4 =	vand.u32 $0x7F, v47;
	v14 =	vand.u32 $0xFFFFFE00, v56;
	[tilespmem:v2+s13+$0x0] =	vst.idx.add.f32.msk $0xffff, v16;
	v2 =	vor.u32 $0x100, v43  }
0x20a: {  	v4 =	vor.u32 v4, v14;
	[tilespmem:v3+s13+$0x0] =	vst.idx.add.f32.msk $0xffff, v18  }
0x20b: {  	v3 =	vor.u32 $0x180, v43;
	[tilespmem:v43+s13+$0x0] =	vst.idx.add.f32.msk $0xffff, v10  }
0x20c: {  	[tilespmem:v1+s13+$0x0] =	vst.idx.add.f32.msk $0xffff, v17  }
0x20d: {  	v14 =	vor.u32 $0x80, v4;
	v1 =	vld [tilespmem:s18+$0x10]  }
0x20e: {  	v59 =	vshll.u32 v52, $0x2;
	v58 =	vor.u32 $0x100, v4;
	[tilespmem:v2+s13+$0x0] =	vst.idx.add.f32.msk $0xffff, v19  }
0x20f: {  	v60 =	vor.u32 $0x180, v4;
	v10 =	vand.u32 $0x7F, v52;
	v17 =	vand.u32 $0xFFFFFE00, v59;
	v4 =	vld.idx.msk [tilespmem:v4+s3+$0x0], $0xffff  }
0x210: {  	v10 =	vor.u32 v10, v17;
	[tilespmem:v3+s13+$0x0] =	vst.idx.add.f32.msk $0xffff, v21  }
0x211: {  	v3 =	vld [tilespmem:s17+$0x0];
	v17 =	vor.u32 $0x80, v10  }
0x212: {  	v2 =	vshll.u32 v44, $0x2;
	v14 =	vld.idx.msk [tilespmem:v14+s3+$0x0], $0xffff;
	v61 =	vor.u32 $0x100, v10  }
0x213: {  	v45 =	vand.u32 $0x7F, v44;
	v2 =	vand.u32 $0xFFFFFE00, v2;
	v16 =	vld.idx.msk [tilespmem:v58+s3+$0x0], $0xffff;
	v63 =	vor.u32 $0x180, v10  }
0x214: {  	v18 =	vld.idx.msk [tilespmem:v60+s3+$0x0], $0xffff;
	v2 =	vor.u32 v45, v2  }
0x215: {  	v48 =	vor.u32 $0x80, v2;
	v10 =	vld.idx.msk [tilespmem:v10+s3+$0x0], $0xffff  }
0x216: {  	v50 =	vor.u32 $0x100, v2;
	v51 =	vshll.u32 v1, $0x2;
	v17 =	vld.idx.msk [tilespmem:v17+s3+$0x0], $0xffff  }
0x217: {  	v53 =	vor.u32 $0x180, v2;
	v1 =	vand.u32 $0x7F, v1;
	v9 =	vand.u32 $0xFFFFFE00, v51;
	v19 =	vld.idx.msk [tilespmem:v61+s3+$0x0], $0xffff  }
0x218: {  	v1 =	vor.u32 v1, v9;
	v21 =	vld.idx.msk [tilespmem:v63+s3+$0x0], $0xffff  }
0x219: {  	v2 =	vld.idx.msk [tilespmem:v2+s3+$0x0], $0xffff;
	v9 =	vor.u32 $0x80, v1  }
0x21a: {  	v62 =	vshll.u32 v3, $0x2;
	v55 =	vor.u32 $0x100, v1;
	v6 =	vld.idx.msk [tilespmem:v48+s3+$0x0], $0xffff  }
0x21b: {  	v3 =	vand.u32 $0x7F, v3;
	v57 =	vor.u32 $0x180, v1;
	v20 =	vand.u32 $0xFFFFFE00, v62;
	v8 =	vld.idx.msk [tilespmem:v50+s3+$0x0], $0xffff  }
0x21c: {  	v11 =	vld.idx.msk [tilespmem:v53+s3+$0x0], $0xffff;
	v3 =	vor.u32 v3, v20  }
0x21d: {  	v20 =	vor.u32 $0x80, v3;
	v1 =	vld.idx.msk [tilespmem:v1+s3+$0x0], $0xffff  }
0x21e: {  	v28 =	vor.u32 $0x100, v3;
	v9 =	vld.idx.msk [tilespmem:v9+s3+$0x0], $0xffff  }
0x21f: {  	v23 =	vand.u32 $0xFFFFFE00, v29;
	v30 =	vor.u32 $0x180, v3;
	v13 =	vld.idx.msk [tilespmem:v55+s3+$0x0], $0xffff  }
0x220: {  	v5 =	vor.u32 v5, v23;
	v15 =	vld.idx.msk [tilespmem:v57+s3+$0x0], $0xffff  }
0x221: {  	[tilespmem:v3+s13+$0x0] =	vst.idx.add.f32.msk $0xffff, v2;
	v2 =	vor.u32 $0x80, v5  }
0x222: {  	v31 =	vshll.u32 v49, $0x2;
	v3 =	vor.u32 $0x100, v5;
	[tilespmem:v20+s13+$0x0] =	vst.idx.add.f32.msk $0xffff, v6  }
0x223: {  	v7 =	vand.u32 $0x7F, v49;
	v32 =	vor.u32 $0x180, v5;
	v6 =	vand.u32 $0xFFFFFE00, v31;
	[tilespmem:v28+s13+$0x0] =	vst.idx.add.f32.msk $0xffff, v8  }
0x224: {  	v6 =	vor.u32 v7, v6;
	[tilespmem:v30+s13+$0x0] =	vst.idx.add.f32.msk $0xffff, v11  }
0x225: {  	[tilespmem:v5+s13+$0x0] =	vst.idx.add.f32.msk $0xffff, v1;
	v1 =	vor.u32 $0x80, v6  }
0x226: {  	[tilespmem:v2+s13+$0x0] =	vst.idx.add.f32.msk $0xffff, v9  }
0x227: {  	v33 =	vshll.u32 v54, $0x2;
	v2 =	vor.u32 $0x100, v6;
	[tilespmem:v3+s13+$0x0] =	vst.idx.add.f32.msk $0xffff, v13  }
0x228: {  	v34 =	vand.u32 $0x7F, v54;
	v5 =	vand.u32 $0xFFFFFE00, v33;
	v3 =	vor.u32 $0x180, v6;
	[tilespmem:v32+s13+$0x0] =	vst.idx.add.f32.msk $0xffff, v15  }
0x229: {  	v35 =	vor.u32 v34, v5;
	[tilespmem:v6+s13+$0x0] =	vst.idx.add.f32.msk $0xffff, v4  }
0x22a: {  	[tilespmem:v1+s13+$0x0] =	vst.idx.add.f32.msk $0xffff, v14;
	v1 =	vor.u32 $0x80, v35  }
0x22b: {  	v44 =	vld [tilespmem:s18+$0x70];
	v48 =	vshll.u32 v39, $0x2  }
0x22c: {  	v4 =	vand.u32 $0x7F, v39;
	v14 =	vand.u32 $0xFFFFFE00, v48;
	[tilespmem:v2+s13+$0x0] =	vst.idx.add.f32.msk $0xffff, v16;
	v2 =	vor.u32 $0x100, v35  }
0x22d: {  	v4 =	vor.u32 v4, v14;
	[tilespmem:v3+s13+$0x0] =	vst.idx.add.f32.msk $0xffff, v18  }
0x22e: {  	v3 =	vor.u32 $0x180, v35;
	[tilespmem:v35+s13+$0x0] =	vst.idx.add.f32.msk $0xffff, v10  }
0x22f: {  	[tilespmem:v1+s13+$0x0] =	vst.idx.add.f32.msk $0xffff, v17  }
0x230: {  	v14 =	vor.u32 $0x80, v4;
	v1 =	vld [tilespmem:s18+$0x50]  }
0x231: {  	v51 =	vshll.u32 v44, $0x2;
	v50 =	vor.u32 $0x100, v4;
	[tilespmem:v2+s13+$0x0] =	vst.idx.add.f32.msk $0xffff, v19  }
0x232: {  	v52 =	vor.u32 $0x180, v4;
	v10 =	vand.u32 $0x7F, v44;
	v17 =	vand.u32 $0xFFFFFE00, v51;
	v4 =	vld.idx.msk [tilespmem:v4+s3+$0x0], $0xffff  }
0x233: {  	v10 =	vor.u32 v10, v17;
	[tilespmem:v3+s13+$0x0] =	vst.idx.add.f32.msk $0xffff, v21  }
0x234: {  	v3 =	vld [tilespmem:s17+$0x40];
	v17 =	vor.u32 $0x80, v10  }
0x235: {  	v2 =	vshll.u32 v36, $0x2;
	v14 =	vld.idx.msk [tilespmem:v14+s3+$0x0], $0xffff;
	v53 =	vor.u32 $0x100, v10  }
0x236: {  	v37 =	vand.u32 $0x7F, v36;
	v2 =	vand.u32 $0xFFFFFE00, v2;
	v16 =	vld.idx.msk [tilespmem:v50+s3+$0x0], $0xffff;
	v55 =	vor.u32 $0x180, v10  }
0x237: {  	v18 =	vld.idx.msk [tilespmem:v52+s3+$0x0], $0xffff;
	v2 =	vor.u32 v37, v2  }
0x238: {  	v40 =	vor.u32 $0x80, v2;
	v10 =	vld.idx.msk [tilespmem:v10+s3+$0x0], $0xffff  }
0x239: {  	v42 =	vor.u32 $0x100, v2;
	v43 =	vshll.u32 v1, $0x2;
	v17 =	vld.idx.msk [tilespmem:v17+s3+$0x0], $0xffff  }
0x23a: {  	v45 =	vor.u32 $0x180, v2;
	v1 =	vand.u32 $0x7F, v1;
	v9 =	vand.u32 $0xFFFFFE00, v43;
	v19 =	vld.idx.msk [tilespmem:v53+s3+$0x0], $0xffff  }
0x23b: {  	v1 =	vor.u32 v1, v9;
	v21 =	vld.idx.msk [tilespmem:v55+s3+$0x0], $0xffff  }
0x23c: {  	v2 =	vld.idx.msk [tilespmem:v2+s3+$0x0], $0xffff;
	v9 =	vor.u32 $0x80, v1  }
0x23d: {  	v54 =	vshll.u32 v3, $0x2;
	v47 =	vor.u32 $0x100, v1;
	v6 =	vld.idx.msk [tilespmem:v40+s3+$0x0], $0xffff  }
0x23e: {  	v3 =	vand.u32 $0x7F, v3;
	v49 =	vor.u32 $0x180, v1;
	v20 =	vand.u32 $0xFFFFFE00, v54;
	v8 =	vld.idx.msk [tilespmem:v42+s3+$0x0], $0xffff  }
0x23f: {  	v11 =	vld.idx.msk [tilespmem:v45+s3+$0x0], $0xffff;
	v3 =	vor.u32 v3, v20  }
0x240: {  	v20 =	vor.u32 $0x80, v3;
	v1 =	vld.idx.msk [tilespmem:v1+s3+$0x0], $0xffff  }
0x241: {  	v57 =	vshll.u32 v38, $0x2;
	v56 =	vor.u32 $0x100, v3;
	v9 =	vld.idx.msk [tilespmem:v9+s3+$0x0], $0xffff  }
0x242: {  	v23 =	vand.u32 $0xFFFFFE00, v57;
	v5 =	vand.u32 $0x7F, v38;
	v58 =	vor.u32 $0x180, v3;
	v13 =	vld.idx.msk [tilespmem:v47+s3+$0x0], $0xffff  }
0x243: {  	v5 =	vor.u32 v5, v23;
	v15 =	vld.idx.msk [tilespmem:v49+s3+$0x0], $0xffff  }
0x244: {  	[tilespmem:v3+s13+$0x0] =	vst.idx.add.f32.msk $0xffff, v2;
	v2 =	vor.u32 $0x80, v5  }
0x245: {  	v59 =	vshll.u32 v41, $0x2;
	v3 =	vor.u32 $0x100, v5;
	[tilespmem:v20+s13+$0x0] =	vst.idx.add.f32.msk $0xffff, v6  }
0x246: {  	v7 =	vand.u32 $0x7F, v41;
	v60 =	vor.u32 $0x180, v5;
	v6 =	vand.u32 $0xFFFFFE00, v59;
	[tilespmem:v56+s13+$0x0] =	vst.idx.add.f32.msk $0xffff, v8  }
0x247: {  	v6 =	vor.u32 v7, v6;
	[tilespmem:v58+s13+$0x0] =	vst.idx.add.f32.msk $0xffff, v11  }
0x248: {  	[tilespmem:v5+s13+$0x0] =	vst.idx.add.f32.msk $0xffff, v1;
	v1 =	vor.u32 $0x80, v6  }
0x249: {  	v61 =	vshll.u32 v46, $0x2;
	[tilespmem:v2+s13+$0x0] =	vst.idx.add.f32.msk $0xffff, v9;
	v2 =	vor.u32 $0x100, v6  }
0x24a: {  	v62 =	vand.u32 $0x7F, v46;
	v5 =	vand.u32 $0xFFFFFE00, v61;
	[tilespmem:v3+s13+$0x0] =	vst.idx.add.f32.msk $0xffff, v13;
	v3 =	vor.u32 $0x180, v6  }
0x24b: {  	v5 =	vor.u32 v62, v5;
	[tilespmem:v60+s13+$0x0] =	vst.idx.add.f32.msk $0xffff, v15  }
0x24c: {  	v63 =	vor.u32 $0x80, v5;
	[tilespmem:v6+s13+$0x0] =	vst.idx.add.f32.msk $0xffff, v4  }
0x24d: {  	s16 =	sadd.s32 $0x4, s16;
	[tilespmem:v1+s13+$0x0] =	vst.idx.add.f32.msk $0xffff, v14;
	v1 =	vor.u32 $0x100, v5  }
0x24e: {  	p0 =	slt.u32 s16, $0x3C;
	[tilespmem:v2+s13+$0x0] =	vst.idx.add.f32.msk $0xffff, v16;
	v2 =	vor.u32 $0x180, v5  }
.Ltmp14:
0x24f: {  	[tilespmem:v3+s13+$0x0] =	vst.idx.add.f32.msk $0xffff, v18;
	(pc) =	sbr.rel @p0 .LBB2_22-.Ltmp14, $4  }
0x250: {  	[tilespmem:v5+s13+$0x0] =	vst.idx.add.f32.msk $0xffff, v10  }
0x251: {  	[tilespmem:v63+s13+$0x0] =	vst.idx.add.f32.msk $0xffff, v17  }
0x252: {  	[tilespmem:v1+s13+$0x0] =	vst.idx.add.f32.msk $0xffff, v19  }
0x253: {  	s18 =	sadd.s32 $0x200, s18;
	s17 =	sadd.s32 $0x200, s17;
	[tilespmem:v2+s13+$0x0] =	vst.idx.add.f32.msk $0xffff, v21  }
0x254: {  	s15 =	sadd.s32 $0x1, s15  }
0x255: {  	p0 =	sne.s32 s15, s7  }
.Ltmp15:
0x256: {  	_ = 	snop;
	(pc) =	sbr.rel @p0 .LBB2_1-.Ltmp15, $4  }
0x257: {  	[hbm4b:s6+s8] =	stream.strided.scatter [tilespmem:s13], [sflag:$0x4], $0xA000, s9, s8, $0x38;
	[tilespmem:$0x17E00] =	vst v63  }
0x258: {  	_ =	swait.ge [sflag:s14], $0xA000  }
0x259: {  	[sflag:s14] =	ssyncset.done $0x0  }
0x25a: {  	[sflag:s14] =	ssyncadd.s32 $0xFFFF6000  }
0x25b: {  	_ =	sfence.sel $0x180000  }
0x25c: {  	[bflag:$0x0] =	sbarrier.arrive $0xFFFF  }
0x25d: {  	p0 =	sne.s32 s0, $0x0;
	_ =	strace $0x9000004D  }
0x25e: {  	s0 =	sadd.s32 @!p0 $0x100000, s1;
	[bflag:$0x2] =	sbarrier.arrive $0xFFFF  }
0x25f: {  	[sflag:s0] =	ssyncadd.tile.s32 @!p0 $0x1;
	_ =	shalt  }
.Lfunc_end2:
_tile_overlayer_lowered:
.L_overlay_start_2:
0x260: {  	(tag) =	ssettag $0x2  }
0x261: {  	s0 =	rddreg [dreg:$0x0];
	s2 =	stileid.u32  }
0x262: {  	s1 =	rddreg [dreg:$0x1];
	p0 =	sne.s32 s2, $0x0  }
0x263: {  	s3 =	rddreg [dreg:$0x2];
	[bflag:$0x3] =	sbarrier.arrive $0xFFFF;
	s2 =	simm.s32 @!p0 $0x1C04  }
0x264: {  	[timem:s3], [sflag:s2] =	dma.local @!p0 [hbm:s0], s1  }
0x265: {  	s0 =	simm.s32 @!p0 $0x4  }
0x266: {  	_ =	swait.ge @!p0 [sflag:s0], s1  }
0x267: {  	s1 =	ssub.s32 @!p0 $0x0, s1;
	[sflag:s0] =	ssyncset.done @!p0 $0x0  }
0x268: {  	[sflag:s0] =	ssyncadd.s32 @!p0 s1  }
0x269: {  	[bflag:$0x3] =	sbarrier.arrive $0xFFFF  }
0x26a: {  	_ =	shalt  }

// kernel: kernel.19.cloned.1.call-start
scs
__scs_entry_jumppad:
0x0: {  	(pc) =	sbr.rel $0x88, $3  }
0x1: {  	(tag) =	ssettag $0x0;
	lr =	simm.s32 $0x1  }
0x2: {  	[smem:$0x3F99] =	sst lr;
	_ =	strace $0xD0000000  }
0x3: {  	_ = 	snop  }
0x4: {  	_ = 	snop  }
0x5: {  	_ = 	snop  }
0x6: {  	_ = 	snop  }
0x7: {  	_ = 	snop  }
__scs_overlays_trampoline_lowered:
0x8: {  	[smem:$0x3FA8] =	sst s0  }
0x9: {  	[smem:$0x3FA9] =	sst s1  }
0xa: {  	[smem:$0x3FAA] =	sst s2  }
0xb: {  	[smem:$0x3FAB] =	sst s3  }
0xc: {  	[smem:$0x3FAC] =	sst s4  }
0xd: {  	[smem:$0x3FAD] =	sst s5  }
0xe: {  	[smem:$0x3FAE] =	sst s6  }
0xf: {  	[smem:$0x3FAF] =	sst s7  }
0x10: {  	[smem:$0x3FB0] =	sst s8  }
0x11: {  	[smem:$0x3FB1] =	sst s9;
	s0 =	simm.s32 @!p0 $0x0  }
0x12: {  	s1 =	sld [smem:$0x3F97];
	s0 =	simm.s32 @p0 $0x1  }
0x13: {  	[smem:$0x3FB2] =	sst s0;
	s0 =	simm.s32 @!p1 $0x0  }
0x14: {  	s2 =	sld [smem:$0x3F96];
	s0 =	simm.s32 @p1 $0x1  }
0x15: {  	[smem:$0x3FB3] =	sst s0;
	s0 =	simm.s32 @!p2 $0x0  }
0x16: {  	s3 =	sld [smem:$0x3FDB];
	s0 =	simm.s32 @p2 $0x1  }
0x17: {  	s4 =	simm.s32 $0x1BF5;
	[smem:$0x3FB5] =	sst s0  }
0x18: {  	s0 =	sld [smem:$0x3F98];
	_ =	swait.ge [sflag:s4], $0x0  }
0x19: {  	s7 =	sld [smem:$0x3F99]  }
0x1a: {  	s8 =	sadd.s32 $0xFFFFE003, lr  }
0x1b: {  	s9 =	sadd.s32 $0xFFFFFEF7, lr;
	s5 =	simm.s32 $0xFFFFFFFF;
	p2 =	slt.u32 s8, $0xFFFFF086  }
0x1c: {  	p1 =	slt.u32 s9, $0xF7A;
	s5 =	simm.s32 @!p2 $0x0  }
0x1d: {  	s5 =	simm.s32 @p1 $0x1;
	p0 =	seq.s32 s7, s2  }
0x1e: {  	s7 =	smul.u32 @!p0 $0xF7A, s2;
	p2 =	seq.s32 @!p0 s5, $0x0  }
0x1f: {  	s9 =	smul.u32 $0xF7A, s1;
	s8 =	simm.s32 @!p0 $0x1BF5;
	p2 =	por !p2, p0  }
0x20: {  	[sflag:s8] =	ssyncset.s32 @!p0 $0xFFFFF086;
	s6 =	sadd.s32 @!p0 s3, s7;
	s7 =	simm.s32 @!p0 $0x108  }
0x21: {  	s3 =	sadd.s32 s3, s9;
	s6 =	sadd.s32 @!p0 $0x88, s6;
	s7 =	simm.s32 @p2 $0x1082  }
0x22: {  	[simem:s7], [sflag:s8] =	dma.local @!p0 [hbm:s6], $0xF7A  }
0x23: {  	s9 =	sor.u32 $0xD0000000, s2;
	s6 =	simm.s32 $0x108;
	_ =	swait.ge @!p0 [sflag:s8], $0x0  }
0x24: {  	s3 =	sadd.s32 $0x88, s3;
	s6 =	simm.s32 @!p1 $0x1082;
	[sflag:s4] =	ssyncset.s32 $0xFFFFF086  }
0x25: {  	[simem:s6], [sflag:s4] =	dma.local [hbm:s3], $0xF7A  }
0x26: {  	[smem:$0x3F99] =	sst s1;
	(tag) =	ssettag s2;
	_ =	strace s9  }
0x27: {  	s1 =	sld [smem:$0x3FA9]  }
0x28: {  	s2 =	sld [smem:$0x3FAA]  }
0x29: {  	s4 =	sld [smem:$0x3FAC]  }
0x2a: {  	p0 =	seq.s32 s5, $0x0;
	s5 =	sld [smem:$0x3FAD]  }
0x2b: {  	s6 =	sld [smem:$0x3FAE]  }
0x2c: {  	s7 =	sld [smem:$0x3FAF]  }
0x2d: {  	s3 =	simm.s32 $0x108;
	s8 =	sld [smem:$0x3FB0]  }
0x2e: {  	s3 =	simm.s32 @!p0 $0x1082;
	s9 =	sld [smem:$0x3FB1]  }
0x2f: {  	lr =	sadd.s32 s0, s3;
	s0 =	sld [smem:$0x3FA8]  }
0x30: {  	s3 =	sld [smem:$0x3FAB]  }
0x31: {  	[smem:$0x3FB4] =	sst s10  }
0x32: {  	s10 =	sld [smem:$0x3FB2];
	_ =	sdelay $0x3  }
0x33: {  	p0 =	seq.s32 s10, $0x1;
	s10 =	sld [smem:$0x3FB4];
	_ =	sdelay $0x3  }
0x34: {  	[smem:$0x3FB4] =	sst s10  }
0x35: {  	s10 =	sld [smem:$0x3FB3];
	_ =	sdelay $0x3  }
0x36: {  	p1 =	seq.s32 s10, $0x1;
	s10 =	sld [smem:$0x3FB4];
	_ =	sdelay $0x3  }
0x37: {  	[smem:$0x3FB4] =	sst s10  }
0x38: {  	s10 =	sld [smem:$0x3FB5]  }
0x39: {  	_ = 	snop;
	(pc) =	sbr.ind lr, $3  }
0x3a: {  	_ = 	snop  }
0x3b: {  	_ = 	snop  }
0x3c: {  	p2 =	seq.s32 s10, $0x1;
	s10 =	sld [smem:$0x3FB4]  }
0x3d: {  	_ =	shalt  }
0x3e: {  	_ =	shalt  }
0x3f: {  	_ =	shalt  }
0x40: {  	_ =	shalt  }
0x41: {  	_ =	shalt  }
0x42: {  	_ =	shalt  }
0x43: {  	_ =	shalt  }
0x44: {  	_ =	shalt  }
0x45: {  	_ =	shalt  }
0x46: {  	_ =	shalt  }
0x47: {  	_ =	shalt  }
0x48: {  	_ =	shalt  }
0x49: {  	_ =	shalt  }
0x4a: {  	_ =	shalt  }
0x4b: {  	_ =	shalt  }
0x4c: {  	_ =	shalt  }
0x4d: {  	_ =	shalt  }
0x4e: {  	_ =	shalt  }
0x4f: {  	_ =	shalt  }
0x50: {  	_ =	shalt  }
0x51: {  	_ =	shalt  }
0x52: {  	_ =	shalt  }
0x53: {  	_ =	shalt  }
0x54: {  	_ =	shalt  }
0x55: {  	_ =	shalt  }
0x56: {  	_ =	shalt  }
0x57: {  	_ =	shalt  }
0x58: {  	_ =	shalt  }
0x59: {  	_ =	shalt  }
0x5a: {  	_ =	shalt  }
0x5b: {  	_ =	shalt  }
0x5c: {  	_ =	shalt  }
0x5d: {  	_ =	shalt  }
0x5e: {  	_ =	shalt  }
0x5f: {  	_ =	shalt  }
0x60: {  	_ =	shalt  }
0x61: {  	_ =	shalt  }
0x62: {  	_ =	shalt  }
0x63: {  	_ =	shalt  }
0x64: {  	_ =	shalt  }
0x65: {  	_ =	shalt  }
0x66: {  	_ =	shalt  }
0x67: {  	_ =	shalt  }
0x68: {  	_ =	shalt  }
0x69: {  	_ =	shalt  }
0x6a: {  	_ =	shalt  }
0x6b: {  	_ =	shalt  }
0x6c: {  	_ =	shalt  }
0x6d: {  	_ =	shalt  }
0x6e: {  	_ =	shalt  }
0x6f: {  	_ =	shalt  }
0x70: {  	_ =	shalt  }
0x71: {  	_ =	shalt  }
0x72: {  	_ =	shalt  }
0x73: {  	_ =	shalt  }
0x74: {  	_ =	shalt  }
0x75: {  	_ =	shalt  }
0x76: {  	_ =	shalt  }
0x77: {  	_ =	shalt  }
0x78: {  	_ =	shalt  }
0x79: {  	_ =	shalt  }
0x7a: {  	_ =	shalt  }
0x7b: {  	_ =	shalt  }
0x7c: {  	_ =	shalt  }
0x7d: {  	_ =	shalt  }
0x7e: {  	_ =	shalt  }
0x7f: {  	_ =	shalt  }
0x80: {  	_ =	shalt  }
0x81: {  	_ =	shalt  }
0x82: {  	_ =	shalt  }
0x83: {  	_ =	shalt  }
0x84: {  	_ =	shalt  }
0x85: {  	_ =	shalt  }
0x86: {  	_ =	shalt  }
0x87: {  	_ =	shalt  }
.Lfunc_end0:
.L_simem_size_0:
called_computation.3_lowered:
.L_overlay_start_0:
0x88: {  	s2 =	sld [smem:$0x3FD9]  }
0x89: {  	s3 =	sld [smem:$0x3FFE];
	_ =	sdelay $0x1  }
0x8a: {  	s1 =	srdreg.scid  }
0x8b: {  	s0 =	sand.u32 $0x1, s1  }
0x8c: {  	s17 =	sshll.u32 s0, $0xA;
	s2 =	sadd.s32 s3, s2  }
0x8d: {  	s2 =	sadd.s32 s2, s17  }
0x8e: {  	[smem:$0x3FC0] =	sst s2  }
0x8f: {  	_ = 	snop  }
0x90: {  	s2 =	sld [smem:$0x3FD0];
	(tm) =	ssettm $0x1  }
0x91: {  	s18 =	sld [smem:$0x3FFB];
	_ =	sdelay $0x3  }
0x92: {  	_ =	strace s18  }
0x93: {  	s3 =	sld [smem:$0x3FFC];
	_ =	sdelay $0x3  }
0x94: {  	_ =	strace s3  }
0x95: {  	s3 =	sld [smem:$0x3FFD];
	_ =	sdelay $0x3  }
0x96: {  	_ =	strace s3  }
0x97: {  	_ =	strace $0x8FFFFFFF  }
0x98: {  	s19 =	sld [smem:$0x3FDB];
	_ =	sdelay $0x1  }
0x99: {  	s4 =	simm.s32 $_scs_section_size  }
0x9a: {  	s5 =	simm.s32 $_size__tile_overlayer_lowered;
	s6 =	simm.s32 $_tile_overlayer_lowered  }
0x9b: {  	s22 =	simm.s32 $0x1BFF;
	s21 =	sshll.u32 s6, $0x1;
	s3 =	sadd.s32 s4, s19  }
0x9c: {  	s7 =	simm.s32 $0x0;
	s20 =	sshll.u32 s5, $0x1;
	s5 =	sadd.s32 s21, s3  }
0x9d: {  	[timem:s7], [sflag:s22] =	dma.local [hbm:s5], s20  }
0x9e: {  	_ =	swait.ge [sflag:s22], s20  }
0x9f: {  	s4 =	ssub.s32 $0x0, s20;
	[sflag:s22] =	ssyncset.done $0x0  }
0xa0: {  	[sflag:s22] =	ssyncadd.s32 s4;
	_ =	sdelay $0x1  }
0xa1: {  	s23 =	simm.s32 $0x1B8B  }
0xa2: {  	_ =	swait.ge [sflag:s23], $0x1  }
0xa3: {  	[sflag:s23] =	ssyncset.done $0x0  }
0xa4: {  	s25 =	simm.s32 $0x1B8E;
	s24 =	sld [smem:$0x3FFE];
	[sflag:s23] =	ssyncadd.s32 $0xFFFFFFFF  }
0xa5: {  	s26 =	simm.s32 $execute0_lowered;
	[smem:$0x3FD2] =	sst s25  }
0xa6: {  	s5 =	sshll.u32 s26, $0x1;
	_ =	strace $0x8000004F;
	[dreg:$0x1] =	wrdreg $0xFFFFFFFF  }
0xa7: {  	s28 =	simm.s32 $_size_execute0_lowered;
	s3 =	sadd.s32 s3, s5;
	[dreg:$0x0] =	wrdreg $0x0  }
0xa8: {  	s5 =	sshll.u32 s28, $0x1;
	[dreg:$0x2] =	wrdreg s3  }
0xa9: {  	[dreg:$0x3] =	wrdreg s5  }
0xaa: {  	[dreg:$0x4] =	wrdreg $0xC0  }
0xab: {  	_ =	task [dreg:s7], $0x5FFFF  }
0xac: {  	[dreg:$0x1] =	wrdreg $0xFFFFFFFF  }
0xad: {  	[dreg:$0x0] =	wrdreg $0x60  }
0xae: {  	[dreg:$0x2] =	wrdreg s24  }
0xaf: {  	[dreg:$0x3] =	wrdreg s2  }
0xb0: {  	[dreg:$0x4] =	wrdreg $0x9  }
0xb1: {  	_ =	task.clear_ibuf [dreg:s7], $0x5FFFF;
	_ =	strace $0x9000004F  }
0xb2: {  	s29 =	simm.s32 $0x9;
	_ =	strace $0x80000051  }
0xb3: {  	_ =	swait.ge [sflag:s29], $0x1  }
0xb4: {  	[sflag:s29] =	ssyncadd.s32 $0xFFFFFFFF  }
0xb5: {  	_ =	strace $0x90000051  }
0xb6: {  	_ =	sfence  }
0xb7: {  	s30 =	sld [smem:$0x0];
	_ =	sdelay $0x2  }
0xb8: {  	s31 =	sshll.u32 s1, $0xD;
	s1 =	sshrl.u32 s1, $0x2  }
0xb9: {  	s3 =	sand.u32 $0x4000, s31;
	s1 =	sadd.s32 s1, s30  }
0xba: {  	s0 =	sor.u32 s3, s0;
	s1 =	sshll.u32 s1, $0x11  }
0xbb: {  	s0 =	sor.u32 s1, s0  }
0xbc: {  	s0 =	sadd.s32 $0x8F2B, s0  }
0xbd: {  	[sflag:s0] =	ssyncadd.remote.s32 $0x1  }
0xbe: {  	_ =	sfence.sel $0xFFFF  }
0xbf: {  	[dreg:$0x0] =	wrdreg $0xFFFFFFFF;
	(pc) =	sbr.abs _section_cstart, $3  }
0xc0: {  	[dreg:$0x1] =	wrdreg $0xFFFFFFFF  }
0xc1: {  	_ =	task.clear_ibuf [dreg:s7], $0x2FFFF;
	_ =	strace $0x9FFFFFFF  }
0xc2: {  	(tm) =	ssettm $0x7FFFFFFF  }
0xc3: {  	_ =	shalt  }
tec
execute0_lowered:
.L_overlay_start_1:
0x0: {  	(tag) =	ssettag $0x1  }
0x1: {  	s1 =	srdreg.scid;
	s0 =	stileid.u32  }
0x2: {  	s5 =	rddreg [dreg:$0x0];
	s3 =	simm.s32 $0x0;
	s9 =	simm.s32 $0x400  }
0x3: {  	s10 =	simm.s32 $0x2;
	s11 =	simm.s32 $0x3;
	s4 =	sand.u32 $0x1, s1  }
0x4: {  	s12 =	simm.s32 $0x1;
	s2 =	sshll.u32 s0, $0x2;
	s1 =	sshll.u32 s4, $0x6  }
0x5: {  	s13 =	simm.s32 $0x9E00;
	s14 =	simm.s32 $0x4;
	s1 =	sor.u32 s2, s1  }
0x6: {  	s15 =	simm.s32 $0x0;
	s7 =	sshll.u32 s0, $0x9;
	s6 =	sshrl.u32 s1, $0x3  }
0x7: {  	[smem:$0x7FF] =	sst s3;
	s7 =	sand.u32 $0x200, s7;
	s8 =	smul.u32 $0x13C00, s6  }
0x8: {  	s30 =	ssub.s32 $0x2, s4;
	s4 =	sadd.s32 $0x3200, s5;
	s6 =	smul.u32 $0x14000, s6  }
0x9: {  	s2 =	rddreg [dreg:$0x1];
	s31 =	sshrl.u32 s30, $0x1;
	s8 =	sor.u32 s7, s8  }
0xa: {  	s1 =	rddreg [dreg:$0x2];
	s6 =	sor.u32 s7, s6;
	s8 =	sshrl.u32 s8, $0x3  }
0xb: {  	_ =	strace $0x80000050;
	s6 =	sshrl.u32 s6, $0x3;
	s29 =	sadd.s32 s8, s5  }
0xc: {  	s6 =	sadd.s32 s6, s5;
	s8 =	ssub.s32 s30, s31;
	s5 =	sadd.s32 $0xF200, s29  }
0xd: {  	v0 =	vimm.f32 $0.0e+00;
	s6 =	sadd.s32 $0x36A00, s6;
	s7 =	smax.u32 s8, $0x1;
	s8 =	simm.s32 $0x200  }
.LBB2_1:
0xe: {  	[tilespmem:s3], [sflag:$0x1] =	stream.strided.gather [hbm4b:s5+s8], $0x9E00, s9, s8, $0x38;
	[tilespmem:$0x17E00] =	vst v63  }
0xf: {  	s16 =	simm.s32 $0x13E00  }
0x10: {  	s17 =	simm.s32 $0x10;
	s19 =	sadd.s32 $0x0, s2;
	s18 =	simm.s32 $0x13F00  }
.LBB2_2:
0x11: {  	[tilespmem:s16], [sflag:$0x2] =	stream.linear.gather [hbm4b:s19+s3], $0x80, $0x38;
	[tilespmem:$0x17E00] =	vst v63  }
0x12: {  	s19 =	smov.u32 s17;
	s16 =	smov.u32 s18;
	p0 =	sne.s32 s17, $0x1F0  }
.Ltmp0:
0x13: {  	s17 =	sadd.s32 $0x10, s17;
	(pc) =	sbr.rel @p0 .LBB2_2-.Ltmp0, $2  }
0x14: {  	_ =	sdelay $0x2  }
0x15: {  	s18 =	sadd.s32 $0x100, s18;
	s19 =	sadd.s32 s19, s2  }
0x16: {  	[tilespmem:s16], [sflag:$0x2] =	stream.linear.gather [hbm4b:s19+s3], $0x80, $0x38;
	[tilespmem:$0x17E00] =	vst v63  }
0x17: {  	_ =	swait.ge [sflag:s10], $0x1000  }
0x18: {  	s16 =	simm.s32 $0x15E00;
	s17 =	simm.s32 $0x10;
	[sflag:s10] =	ssyncset.done $0x0  }
0x19: {  	s19 =	sadd.s32 $0x0, s4;
	s18 =	simm.s32 $0x15F00;
	[sflag:s10] =	ssyncadd.s32 $0xFFFFF000  }
.LBB2_4:
0x1a: {  	[tilespmem:s16], [sflag:$0x3] =	stream.linear.gather [hbm4b:s19+s3], $0x80, $0x38;
	[tilespmem:$0x17E00] =	vst v63  }
0x1b: {  	s19 =	smov.u32 s17;
	s16 =	smov.u32 s18;
	p0 =	sne.s32 s17, $0x1F0  }
.Ltmp1:
0x1c: {  	s17 =	sadd.s32 $0x10, s17;
	(pc) =	sbr.rel @p0 .LBB2_4-.Ltmp1, $2  }
0x1d: {  	_ =	sdelay $0x2  }
0x1e: {  	s18 =	sadd.s32 $0x100, s18;
	s19 =	sadd.s32 s19, s4  }
0x1f: {  	[tilespmem:s16], [sflag:$0x3] =	stream.linear.gather [hbm4b:s19+s3], $0x80, $0x38;
	[tilespmem:$0x17E00] =	vst v63  }
0x20: {  	s16 =	simm.s32 $0x0;
	_ =	swait.ge [sflag:s11], $0x1000  }
0x21: {  	s17 =	sand.u32 $0x70, s16;
	s18 =	sand.u32 $0xFE00, s16;
	[sflag:s11] =	ssyncset.done $0x0  }
0x22: {  	s17 =	sor.u32 s17, s18;
	[sflag:s11] =	ssyncadd.s32 $0xFFFFF000  }
0x23: {  	s19 =	simm.s32 $0x0;
	s18 =	simm.s32 $0x10;
	[tilespmem:s17+$0x9E00] =	vst v0  }
.LBB2_6:
0x24: {  	p0 =	sne.s32 s18, $0x27F0  }
.Ltmp2:
0x25: {  	_ = 	snop;
	(pc) =	sbr.rel @p0 .LBB2_6-.Ltmp2, $4  }
0x26: {  	s19 =	sadd.s32 $0x40, s19  }
0x27: {  	s20 =	sand.u32 $0x70, s18;
	s21 =	sand.u32 $0xFE00, s19  }
0x28: {  	s20 =	sor.u32 s20, s21  }
0x29: {  	s18 =	sadd.s32 $0x10, s18;
	[tilespmem:s20+$0x9E00] =	vst v0  }
0x2a: {  	s18 =	simm.s32 $0x10;
	[tilespmem:s17+$0x9E80] =	vst v0  }
.LBB2_8:
0x2b: {  	p0 =	sne.s32 s18, $0x27F0  }
.Ltmp3:
0x2c: {  	_ = 	snop;
	(pc) =	sbr.rel @p0 .LBB2_8-.Ltmp3, $4  }
0x2d: {  	s16 =	sadd.s32 $0x40, s16  }
0x2e: {  	s17 =	sand.u32 $0x70, s18;
	s19 =	sand.u32 $0xFE00, s16  }
0x2f: {  	s17 =	sor.u32 s17, s19  }
0x30: {  	s18 =	sadd.s32 $0x10, s18;
	[tilespmem:s17+$0x9E80] =	vst v0;
	s17 =	simm.s32 $0x0  }
0x31: {  	s16 =	sand.u32 $0x70, s17;
	s18 =	sand.u32 $0xFE00, s17  }
0x32: {  	s16 =	sor.u32 s16, s18  }
0x33: {  	s19 =	simm.s32 $0x0;
	s18 =	simm.s32 $0x10;
	[tilespmem:s16+$0x9F00] =	vst v0  }
.LBB2_10:
0x34: {  	p0 =	sne.s32 s18, $0x27F0  }
.Ltmp4:
0x35: {  	_ = 	snop;
	(pc) =	sbr.rel @p0 .LBB2_10-.Ltmp4, $4  }
0x36: {  	s19 =	sadd.s32 $0x40, s19  }
0x37: {  	s20 =	sand.u32 $0x70, s18;
	s21 =	sand.u32 $0xFE00, s19  }
0x38: {  	s20 =	sor.u32 s20, s21  }
0x39: {  	s18 =	sadd.s32 $0x10, s18;
	[tilespmem:s20+$0x9F00] =	vst v0  }
0x3a: {  	s18 =	simm.s32 $0x10;
	[tilespmem:s16+$0x9F80] =	vst v0  }
.LBB2_12:
0x3b: {  	p0 =	sne.s32 s18, $0x27F0  }
.Ltmp5:
0x3c: {  	_ = 	snop;
	(pc) =	sbr.rel @p0 .LBB2_12-.Ltmp5, $4  }
0x3d: {  	s17 =	sadd.s32 $0x40, s17  }
0x3e: {  	s16 =	sand.u32 $0x70, s18;
	s19 =	sand.u32 $0xFE00, s17  }
0x3f: {  	s16 =	sor.u32 s16, s19  }
0x40: {  	s18 =	sadd.s32 $0x10, s18;
	[tilespmem:s16+$0x9F80] =	vst v0  }
0x41: {  	_ =	swait.ge [sflag:s12], $0x9E00  }
0x42: {  	[sflag:s12] =	ssyncset.done $0x0  }
0x43: {  	s16 =	simm.s32 $0x0;
	[sflag:s12] =	ssyncadd.s32 $0xFFFF6200  }
.LBB2_14:
0x44: {  	s17 =	sshll.u32 s16, $0xA  }
0x45: {  	s18 =	sor.u32 $0x200, s17  }
0x46: {  	s20 =	simm.s32 $0x13E80;
	s19 =	sadd.s32 s2, s18  }
0x47: {  	s21 =	simm.s32 $0x10;
	s22 =	simm.s32 $0x13F80;
	s23 =	sadd.s32 $0x0, s19  }
.LBB2_15:
0x48: {  	[tilespmem:s20], [sflag:$0x2] =	stream.linear.gather [hbm4b:s23+s3], $0x80, $0x38;
	[tilespmem:$0x17E00] =	vst v63  }
0x49: {  	s23 =	smov.u32 s21;
	s20 =	smov.u32 s22;
	p0 =	sne.s32 s21, $0x1F0  }
.Ltmp6:
0x4a: {  	s21 =	sadd.s32 $0x10, s21;
	(pc) =	sbr.rel @p0 .LBB2_15-.Ltmp6, $2  }
0x4b: {  	_ =	sdelay $0x2  }
0x4c: {  	s22 =	sadd.s32 $0x100, s22;
	s23 =	sadd.s32 s23, s19  }
0x4d: {  	[tilespmem:s20], [sflag:$0x2] =	stream.linear.gather [hbm4b:s23+s3], $0x80, $0x38;
	[tilespmem:$0x17E00] =	vst v63  }
0x4e: {  	s18 =	sadd.s32 s4, s18;
	s19 =	simm.s32 $0x0;
	s20 =	simm.s32 $0x15E80  }
.LBB2_17:
0x4f: {  	p0 =	sne.s32 s19, $0x1F0  }
.Ltmp7:
0x50: {  	_ = 	snop;
	(pc) =	sbr.rel @p0 .LBB2_17-.Ltmp7, $4  }
0x51: {  	_ = 	snop  }
0x52: {  	s21 =	sadd.s32 s19, s18  }
0x53: {  	[tilespmem:s20], [sflag:$0x3] =	stream.linear.gather [hbm4b:s21+s3], $0x80, $0x38;
	[tilespmem:$0x17E00] =	vst v63  }
0x54: {  	s19 =	sadd.s32 $0x10, s19;
	s20 =	sadd.s32 $0x100, s20  }
0x55: {  	s18 =	simm.s32 $0xFFFFFFFC;
	s19 =	simm.s32 $0x15F00;
	s20 =	simm.s32 $0x13F00  }
.LBB2_19:
0x56: {  	v1 =	vld [tilespmem:s20+$0xFFFFFF00]  }
0x57: {  	v2 =	vld [tilespmem:s20+$0xFFFFFF10]  }
0x58: {  	v4 =	vld [tilespmem:s19+$0xFFFFFF00]  }
0x59: {  	v5 =	vld [tilespmem:s19+$0xFFFFFF10]  }
0x5a: {  	v7 =	vld [tilespmem:s19+$0xFFFFFF20]  }
0x5b: {  	v10 =	vld [tilespmem:s20+$0xFFFFFF30]  }
0x5c: {  	v12 =	vld [tilespmem:s19+$0xFFFFFF30]  }
0x5d: {  	v53 =	vld [tilespmem:s20+$0xFFFFFF40]  }
0x5e: {  	v55 =	vld [tilespmem:s19+$0xFFFFFF50];
	v3 =	vshll.u32 v1, $0x2;
	v1 =	vand.u32 $0x7F, v1  }
0x5f: {  	v56 =	vld [tilespmem:s20+$0xFFFFFF60];
	v9 =	vshll.u32 v2, $0x2;
	v2 =	vand.u32 $0x7F, v2;
	v3 =	vand.u32 $0xFFFFFE00, v3  }
0x60: {  	v58 =	vld [tilespmem:s19+$0xFFFFFF60];
	v17 =	vshll.u32 v10, $0x2;
	v9 =	vand.u32 $0xFFFFFE00, v9;
	v1 =	vor.u32 v1, v3  }
0x61: {  	v61 =	vld [tilespmem:s20+$0xFFFFFF70];
	v10 =	vand.u32 $0x7F, v10;
	v17 =	vand.u32 $0xFFFFFE00, v17;
	v2 =	vor.u32 v2, v9  }
0x62: {  	v63 =	vld [tilespmem:s19+$0xFFFFFF70];
	v10 =	vor.u32 v10, v17  }
0x63: {  	v44 =	vld [tilespmem:s20+$0x0];
	v6 =	vor.u32 $0x80, v1  }
0x64: {  	v3 =	vld [tilespmem:s20+$0xFFFFFF20];
	v8 =	vor.u32 $0x100, v1  }
0x65: {  	v11 =	vor.u32 $0x180, v1;
	v1 =	vld.idx.msk [tilespmem:v1+s3+$0x0], $0xffff  }
0x66: {  	v9 =	vor.u32 $0x80, v2;
	v13 =	vor.u32 $0x100, v2;
	v15 =	vor.u32 $0x180, v2;
	v2 =	vld.idx.msk [tilespmem:v2+s3+$0x0], $0xffff  }
0x67: {  	v17 =	vor.u32 $0x80, v10;
	v19 =	vor.u32 $0x100, v10;
	v21 =	vor.u32 $0x180, v10;
	v10 =	vld.idx.msk [tilespmem:v10+s3+$0x0], $0xffff  }
0x68: {  	v6 =	vld.idx.msk [tilespmem:v6+s3+$0x0], $0xffff  }
0x69: {  	v8 =	vld.idx.msk [tilespmem:v8+s3+$0x0], $0xffff  }
0x6a: {  	v14 =	vshll.u32 v3, $0x2;
	v11 =	vld.idx.msk [tilespmem:v11+s3+$0x0], $0xffff  }
0x6b: {  	v3 =	vand.u32 $0x7F, v3;
	v14 =	vand.u32 $0xFFFFFE00, v14;
	v9 =	vld.idx.msk [tilespmem:v9+s3+$0x0], $0xffff  }
0x6c: {  	v13 =	vld.idx.msk [tilespmem:v13+s3+$0x0], $0xffff;
	v3 =	vor.u32 v3, v14  }
0x6d: {  	v15 =	vld.idx.msk [tilespmem:v15+s3+$0x0], $0xffff;
	v14 =	vor.u32 $0x80, v3  }
0x6e: {  	v20 =	vshll.u32 v4, $0x2;
	v17 =	vld.idx.msk [tilespmem:v17+s3+$0x0], $0xffff;
	v16 =	vor.u32 $0x100, v3  }
0x6f: {  	v4 =	vand.u32 $0x7F, v4;
	v20 =	vand.u32 $0xFFFFFE00, v20;
	v19 =	vld.idx.msk [tilespmem:v19+s3+$0x0], $0xffff;
	v18 =	vor.u32 $0x180, v3  }
0x70: {  	v4 =	vor.u32 v4, v20;
	v21 =	vld.idx.msk [tilespmem:v21+s3+$0x0], $0xffff  }
0x71: {  	v20 =	vor.u32 $0x80, v4;
	v3 =	vld.idx.msk [tilespmem:v3+s3+$0x0], $0xffff  }
0x72: {  	v14 =	vld.idx.msk [tilespmem:v14+s3+$0x0], $0xffff  }
0x73: {  	v23 =	vshll.u32 v5, $0x2;
	v22 =	vor.u32 $0x100, v4;
	v16 =	vld.idx.msk [tilespmem:v16+s3+$0x0], $0xffff  }
0x74: {  	v5 =	vand.u32 $0x7F, v5;
	v23 =	vand.u32 $0xFFFFFE00, v23;
	v24 =	vor.u32 $0x180, v4;
	v18 =	vld.idx.msk [tilespmem:v18+s3+$0x0], $0xffff  }
0x75: {  	v5 =	vor.u32 v5, v23;
	[tilespmem:v4+s13+$0x0] =	vst.idx.add.f32.msk $0xffff, v1  }
0x76: {  	v47 =	vshll.u32 v7, $0x2;
	v1 =	vor.u32 $0x80, v5;
	[tilespmem:v20+s13+$0x0] =	vst.idx.add.f32.msk $0xffff, v6  }
0x77: {  	v46 =	vor.u32 $0x100, v5;
	v6 =	vand.u32 $0xFFFFFE00, v47;
	v47 =	vld [tilespmem:s20+$0x20]  }
0x78: {  	[tilespmem:v22+s13+$0x0] =	vst.idx.add.f32.msk $0xffff, v8  }
0x79: {  	v7 =	vand.u32 $0x7F, v7;
	v48 =	vor.u32 $0x180, v5;
	[tilespmem:v24+s13+$0x0] =	vst.idx.add.f32.msk $0xffff, v11  }
0x7a: {  	v6 =	vor.u32 v7, v6;
	[tilespmem:v5+s13+$0x0] =	vst.idx.add.f32.msk $0xffff, v2  }
0x7b: {  	v2 =	vor.u32 $0x80, v6;
	[tilespmem:v1+s13+$0x0] =	vst.idx.add.f32.msk $0xffff, v9  }
0x7c: {  	v1 =	vor.u32 $0x100, v6;
	[tilespmem:v46+s13+$0x0] =	vst.idx.add.f32.msk $0xffff, v13  }
0x7d: {  	v50 =	vshll.u32 v12, $0x2;
	v49 =	vor.u32 $0x180, v6;
	v46 =	vld [tilespmem:s19+$0x10]  }
0x7e: {  	v51 =	vand.u32 $0x7F, v12;
	v5 =	vand.u32 $0xFFFFFE00, v50;
	[tilespmem:v48+s13+$0x0] =	vst.idx.add.f32.msk $0xffff, v15  }
0x7f: {  	[tilespmem:v6+s13+$0x0] =	vst.idx.add.f32.msk $0xffff, v3;
	v3 =	vor.u32 v51, v5  }
0x80: {  	[tilespmem:v2+s13+$0x0] =	vst.idx.add.f32.msk $0xffff, v14  }
0x81: {  	v2 =	vor.u32 $0x80, v3;
	[tilespmem:v1+s13+$0x0] =	vst.idx.add.f32.msk $0xffff, v16  }
0x82: {  	v28 =	vshll.u32 v56, $0x2;
	v1 =	vor.u32 $0x100, v3;
	[tilespmem:v49+s13+$0x0] =	vst.idx.add.f32.msk $0xffff, v18  }
0x83: {  	v4 =	vand.u32 $0x7F, v56;
	v14 =	vand.u32 $0xFFFFFE00, v28;
	v49 =	vld [tilespmem:s19+$0x20]  }
0x84: {  	v4 =	vor.u32 v4, v14;
	[tilespmem:v3+s13+$0x0] =	vst.idx.add.f32.msk $0xffff, v10  }
0x85: {  	v52 =	vor.u32 $0x180, v3;
	v3 =	vld [tilespmem:s19+$0xFFFFFF40]  }
0x86: {  	v14 =	vor.u32 $0x80, v4;
	[tilespmem:v2+s13+$0x0] =	vst.idx.add.f32.msk $0xffff, v17  }
0x87: {  	v30 =	vor.u32 $0x100, v4;
	[tilespmem:v1+s13+$0x0] =	vst.idx.add.f32.msk $0xffff, v19  }
0x88: {  	v32 =	vor.u32 $0x180, v4;
	v1 =	vld [tilespmem:s20+$0xFFFFFF50]  }
0x89: {  	v31 =	vshll.u32 v61, $0x2;
	v4 =	vld.idx.msk [tilespmem:v4+s3+$0x0], $0xffff  }
0x8a: {  	v10 =	vand.u32 $0x7F, v61;
	v2 =	vshll.u32 v53, $0x2;
	v17 =	vand.u32 $0xFFFFFE00, v31;
	[tilespmem:v52+s13+$0x0] =	vst.idx.add.f32.msk $0xffff, v21  }
0x8b: {  	v54 =	vand.u32 $0x7F, v53;
	v2 =	vand.u32 $0xFFFFFE00, v2;
	v10 =	vor.u32 v10, v17;
	v14 =	vld.idx.msk [tilespmem:v14+s3+$0x0], $0xffff  }
0x8c: {  	v2 =	vor.u32 v54, v2;
	v16 =	vld.idx.msk [tilespmem:v30+s3+$0x0], $0xffff  }
0x8d: {  	v17 =	vor.u32 $0x80, v10;
	v18 =	vld.idx.msk [tilespmem:v32+s3+$0x0], $0xffff  }
0x8e: {  	v33 =	vor.u32 $0x100, v10;
	v52 =	vld [tilespmem:s20+$0x30]  }
0x8f: {  	v35 =	vor.u32 $0x180, v10;
	v54 =	vld [tilespmem:s19+$0x30]  }
0x90: {  	v57 =	vor.u32 $0x80, v2;
	v10 =	vld.idx.msk [tilespmem:v10+s3+$0x0], $0xffff  }
0x91: {  	v59 =	vor.u32 $0x100, v2;
	v62 =	vor.u32 $0x180, v2;
	v60 =	vshll.u32 v1, $0x2;
	v2 =	vld.idx.msk [tilespmem:v2+s3+$0x0], $0xffff  }
0x92: {  	v1 =	vand.u32 $0x7F, v1;
	v9 =	vand.u32 $0xFFFFFE00, v60;
	v17 =	vld.idx.msk [tilespmem:v17+s3+$0x0], $0xffff  }
0x93: {  	v19 =	vld.idx.msk [tilespmem:v33+s3+$0x0], $0xffff;
	v1 =	vor.u32 v1, v9  }
0x94: {  	v21 =	vld.idx.msk [tilespmem:v35+s3+$0x0], $0xffff;
	v9 =	vor.u32 $0x80, v1  }
0x95: {  	v34 =	vshll.u32 v3, $0x2;
	v6 =	vld.idx.msk [tilespmem:v57+s3+$0x0], $0xffff;
	v27 =	vor.u32 $0x100, v1  }
0x96: {  	v3 =	vand.u32 $0x7F, v3;
	v20 =	vand.u32 $0xFFFFFE00, v34;
	v8 =	vld.idx.msk [tilespmem:v59+s3+$0x0], $0xffff;
	v29 =	vor.u32 $0x180, v1  }
0x97: {  	v3 =	vor.u32 v3, v20;
	v11 =	vld.idx.msk [tilespmem:v62+s3+$0x0], $0xffff  }
0x98: {  	v20 =	vor.u32 $0x80, v3;
	v1 =	vld.idx.msk [tilespmem:v1+s3+$0x0], $0xffff  }
0x99: {  	v9 =	vld.idx.msk [tilespmem:v9+s3+$0x0], $0xffff  }
0x9a: {  	v36 =	vor.u32 $0x100, v3;
	v13 =	vld.idx.msk [tilespmem:v27+s3+$0x0], $0xffff  }
0x9b: {  	v15 =	vld.idx.msk [tilespmem:v29+s3+$0x0], $0xffff  }
0x9c: {  	v37 =	vshll.u32 v55, $0x2;
	v38 =	vor.u32 $0x180, v3;
	[tilespmem:v3+s13+$0x0] =	vst.idx.add.f32.msk $0xffff, v2  }
0x9d: {  	v39 =	vshll.u32 v58, $0x2;
	v23 =	vand.u32 $0xFFFFFE00, v37;
	v5 =	vand.u32 $0x7F, v55;
	[tilespmem:v20+s13+$0x0] =	vst.idx.add.f32.msk $0xffff, v6  }
0x9e: {  	v5 =	vor.u32 v5, v23;
	v6 =	vand.u32 $0xFFFFFE00, v39;
	v39 =	vld [tilespmem:s20+$0x60]  }
0x9f: {  	[tilespmem:v36+s13+$0x0] =	vst.idx.add.f32.msk $0xffff, v8  }
0xa0: {  	v2 =	vor.u32 $0x80, v5;
	v36 =	vld [tilespmem:s20+$0x40]  }
0xa1: {  	v3 =	vor.u32 $0x100, v5;
	[tilespmem:v38+s13+$0x0] =	vst.idx.add.f32.msk $0xffff, v11  }
0xa2: {  	v7 =	vand.u32 $0x7F, v58;
	v40 =	vor.u32 $0x180, v5;
	v38 =	vld [tilespmem:s19+$0x50]  }
0xa3: {  	v41 =	vshll.u32 v63, $0x2;
	v6 =	vor.u32 v7, v6;
	[tilespmem:v5+s13+$0x0] =	vst.idx.add.f32.msk $0xffff, v1  }
0xa4: {  	v1 =	vor.u32 $0x80, v6;
	v5 =	vand.u32 $0xFFFFFE00, v41;
	v41 =	vld [tilespmem:s19+$0x60]  }
0xa5: {  	[tilespmem:v2+s13+$0x0] =	vst.idx.add.f32.msk $0xffff, v9  }
0xa6: {  	v2 =	vor.u32 $0x100, v6;
	[tilespmem:v3+s13+$0x0] =	vst.idx.add.f32.msk $0xffff, v13  }
0xa7: {  	v42 =	vand.u32 $0x7F, v63;
	v3 =	vor.u32 $0x180, v6;
	[tilespmem:v40+s13+$0x0] =	vst.idx.add.f32.msk $0xffff, v15  }
0xa8: {  	v43 =	vor.u32 v42, v5;
	[tilespmem:v6+s13+$0x0] =	vst.idx.add.f32.msk $0xffff, v4  }
0xa9: {  	[tilespmem:v1+s13+$0x0] =	vst.idx.add.f32.msk $0xffff, v14;
	v1 =	vor.u32 $0x80, v43  }
0xaa: {  	v56 =	vshll.u32 v47, $0x2;
	v29 =	vshll.u32 v46, $0x2;
	v5 =	vand.u32 $0x7F, v46;
	v46 =	vld [tilespmem:s19+$0x70]  }
0xab: {  	v4 =	vand.u32 $0x7F, v47;
	v14 =	vand.u32 $0xFFFFFE00, v56;
	[tilespmem:v2+s13+$0x0] =	vst.idx.add.f32.msk $0xffff, v16;
	v2 =	vor.u32 $0x100, v43  }
0xac: {  	v4 =	vor.u32 v4, v14;
	[tilespmem:v3+s13+$0x0] =	vst.idx.add.f32.msk $0xffff, v18  }
0xad: {  	v3 =	vor.u32 $0x180, v43;
	[tilespmem:v43+s13+$0x0] =	vst.idx.add.f32.msk $0xffff, v10  }
0xae: {  	[tilespmem:v1+s13+$0x0] =	vst.idx.add.f32.msk $0xffff, v17  }
0xaf: {  	v14 =	vor.u32 $0x80, v4;
	v1 =	vld [tilespmem:s20+$0x10]  }
0xb0: {  	v59 =	vshll.u32 v52, $0x2;
	v58 =	vor.u32 $0x100, v4;
	[tilespmem:v2+s13+$0x0] =	vst.idx.add.f32.msk $0xffff, v19  }
0xb1: {  	v60 =	vor.u32 $0x180, v4;
	v10 =	vand.u32 $0x7F, v52;
	v17 =	vand.u32 $0xFFFFFE00, v59;
	v4 =	vld.idx.msk [tilespmem:v4+s3+$0x0], $0xffff  }
0xb2: {  	v10 =	vor.u32 v10, v17;
	[tilespmem:v3+s13+$0x0] =	vst.idx.add.f32.msk $0xffff, v21  }
0xb3: {  	v3 =	vld [tilespmem:s19+$0x0];
	v17 =	vor.u32 $0x80, v10  }
0xb4: {  	v2 =	vshll.u32 v44, $0x2;
	v14 =	vld.idx.msk [tilespmem:v14+s3+$0x0], $0xffff;
	v61 =	vor.u32 $0x100, v10  }
0xb5: {  	v45 =	vand.u32 $0x7F, v44;
	v2 =	vand.u32 $0xFFFFFE00, v2;
	v16 =	vld.idx.msk [tilespmem:v58+s3+$0x0], $0xffff;
	v63 =	vor.u32 $0x180, v10  }
0xb6: {  	v18 =	vld.idx.msk [tilespmem:v60+s3+$0x0], $0xffff;
	v2 =	vor.u32 v45, v2  }
0xb7: {  	v48 =	vor.u32 $0x80, v2;
	v10 =	vld.idx.msk [tilespmem:v10+s3+$0x0], $0xffff  }
0xb8: {  	v50 =	vor.u32 $0x100, v2;
	v51 =	vshll.u32 v1, $0x2;
	v17 =	vld.idx.msk [tilespmem:v17+s3+$0x0], $0xffff  }
0xb9: {  	v53 =	vor.u32 $0x180, v2;
	v1 =	vand.u32 $0x7F, v1;
	v9 =	vand.u32 $0xFFFFFE00, v51;
	v19 =	vld.idx.msk [tilespmem:v61+s3+$0x0], $0xffff  }
0xba: {  	v1 =	vor.u32 v1, v9;
	v21 =	vld.idx.msk [tilespmem:v63+s3+$0x0], $0xffff  }
0xbb: {  	v2 =	vld.idx.msk [tilespmem:v2+s3+$0x0], $0xffff;
	v9 =	vor.u32 $0x80, v1  }
0xbc: {  	v62 =	vshll.u32 v3, $0x2;
	v55 =	vor.u32 $0x100, v1;
	v6 =	vld.idx.msk [tilespmem:v48+s3+$0x0], $0xffff  }
0xbd: {  	v3 =	vand.u32 $0x7F, v3;
	v57 =	vor.u32 $0x180, v1;
	v20 =	vand.u32 $0xFFFFFE00, v62;
	v8 =	vld.idx.msk [tilespmem:v50+s3+$0x0], $0xffff  }
0xbe: {  	v11 =	vld.idx.msk [tilespmem:v53+s3+$0x0], $0xffff;
	v3 =	vor.u32 v3, v20  }
0xbf: {  	v20 =	vor.u32 $0x80, v3;
	v1 =	vld.idx.msk [tilespmem:v1+s3+$0x0], $0xffff  }
0xc0: {  	v28 =	vor.u32 $0x100, v3;
	v9 =	vld.idx.msk [tilespmem:v9+s3+$0x0], $0xffff  }
0xc1: {  	v23 =	vand.u32 $0xFFFFFE00, v29;
	v30 =	vor.u32 $0x180, v3;
	v13 =	vld.idx.msk [tilespmem:v55+s3+$0x0], $0xffff  }
0xc2: {  	v5 =	vor.u32 v5, v23;
	v15 =	vld.idx.msk [tilespmem:v57+s3+$0x0], $0xffff  }
0xc3: {  	[tilespmem:v3+s13+$0x0] =	vst.idx.add.f32.msk $0xffff, v2;
	v2 =	vor.u32 $0x80, v5  }
0xc4: {  	v31 =	vshll.u32 v49, $0x2;
	v3 =	vor.u32 $0x100, v5;
	[tilespmem:v20+s13+$0x0] =	vst.idx.add.f32.msk $0xffff, v6  }
0xc5: {  	v7 =	vand.u32 $0x7F, v49;
	v32 =	vor.u32 $0x180, v5;
	v6 =	vand.u32 $0xFFFFFE00, v31;
	[tilespmem:v28+s13+$0x0] =	vst.idx.add.f32.msk $0xffff, v8  }
0xc6: {  	v6 =	vor.u32 v7, v6;
	[tilespmem:v30+s13+$0x0] =	vst.idx.add.f32.msk $0xffff, v11  }
0xc7: {  	[tilespmem:v5+s13+$0x0] =	vst.idx.add.f32.msk $0xffff, v1;
	v1 =	vor.u32 $0x80, v6  }
0xc8: {  	[tilespmem:v2+s13+$0x0] =	vst.idx.add.f32.msk $0xffff, v9  }
0xc9: {  	v33 =	vshll.u32 v54, $0x2;
	v2 =	vor.u32 $0x100, v6;
	[tilespmem:v3+s13+$0x0] =	vst.idx.add.f32.msk $0xffff, v13  }
0xca: {  	v34 =	vand.u32 $0x7F, v54;
	v5 =	vand.u32 $0xFFFFFE00, v33;
	v3 =	vor.u32 $0x180, v6;
	[tilespmem:v32+s13+$0x0] =	vst.idx.add.f32.msk $0xffff, v15  }
0xcb: {  	v35 =	vor.u32 v34, v5;
	[tilespmem:v6+s13+$0x0] =	vst.idx.add.f32.msk $0xffff, v4  }
0xcc: {  	[tilespmem:v1+s13+$0x0] =	vst.idx.add.f32.msk $0xffff, v14;
	v1 =	vor.u32 $0x80, v35  }
0xcd: {  	v44 =	vld [tilespmem:s20+$0x70];
	v48 =	vshll.u32 v39, $0x2  }
0xce: {  	v4 =	vand.u32 $0x7F, v39;
	v14 =	vand.u32 $0xFFFFFE00, v48;
	[tilespmem:v2+s13+$0x0] =	vst.idx.add.f32.msk $0xffff, v16;
	v2 =	vor.u32 $0x100, v35  }
0xcf: {  	v4 =	vor.u32 v4, v14;
	[tilespmem:v3+s13+$0x0] =	vst.idx.add.f32.msk $0xffff, v18  }
0xd0: {  	v3 =	vor.u32 $0x180, v35;
	[tilespmem:v35+s13+$0x0] =	vst.idx.add.f32.msk $0xffff, v10  }
0xd1: {  	[tilespmem:v1+s13+$0x0] =	vst.idx.add.f32.msk $0xffff, v17  }
0xd2: {  	v14 =	vor.u32 $0x80, v4;
	v1 =	vld [tilespmem:s20+$0x50]  }
0xd3: {  	v51 =	vshll.u32 v44, $0x2;
	v50 =	vor.u32 $0x100, v4;
	[tilespmem:v2+s13+$0x0] =	vst.idx.add.f32.msk $0xffff, v19  }
0xd4: {  	v52 =	vor.u32 $0x180, v4;
	v10 =	vand.u32 $0x7F, v44;
	v17 =	vand.u32 $0xFFFFFE00, v51;
	v4 =	vld.idx.msk [tilespmem:v4+s3+$0x0], $0xffff  }
0xd5: {  	v10 =	vor.u32 v10, v17;
	[tilespmem:v3+s13+$0x0] =	vst.idx.add.f32.msk $0xffff, v21  }
0xd6: {  	v3 =	vld [tilespmem:s19+$0x40];
	v17 =	vor.u32 $0x80, v10  }
0xd7: {  	v2 =	vshll.u32 v36, $0x2;
	v14 =	vld.idx.msk [tilespmem:v14+s3+$0x0], $0xffff;
	v53 =	vor.u32 $0x100, v10  }
0xd8: {  	v37 =	vand.u32 $0x7F, v36;
	v2 =	vand.u32 $0xFFFFFE00, v2;
	v16 =	vld.idx.msk [tilespmem:v50+s3+$0x0], $0xffff;
	v55 =	vor.u32 $0x180, v10  }
0xd9: {  	v18 =	vld.idx.msk [tilespmem:v52+s3+$0x0], $0xffff;
	v2 =	vor.u32 v37, v2  }
0xda: {  	v40 =	vor.u32 $0x80, v2;
	v10 =	vld.idx.msk [tilespmem:v10+s3+$0x0], $0xffff  }
0xdb: {  	v42 =	vor.u32 $0x100, v2;
	v43 =	vshll.u32 v1, $0x2;
	v17 =	vld.idx.msk [tilespmem:v17+s3+$0x0], $0xffff  }
0xdc: {  	v45 =	vor.u32 $0x180, v2;
	v1 =	vand.u32 $0x7F, v1;
	v9 =	vand.u32 $0xFFFFFE00, v43;
	v19 =	vld.idx.msk [tilespmem:v53+s3+$0x0], $0xffff  }
0xdd: {  	v1 =	vor.u32 v1, v9;
	v21 =	vld.idx.msk [tilespmem:v55+s3+$0x0], $0xffff  }
0xde: {  	v2 =	vld.idx.msk [tilespmem:v2+s3+$0x0], $0xffff;
	v9 =	vor.u32 $0x80, v1  }
0xdf: {  	v54 =	vshll.u32 v3, $0x2;
	v47 =	vor.u32 $0x100, v1;
	v6 =	vld.idx.msk [tilespmem:v40+s3+$0x0], $0xffff  }
0xe0: {  	v3 =	vand.u32 $0x7F, v3;
	v49 =	vor.u32 $0x180, v1;
	v20 =	vand.u32 $0xFFFFFE00, v54;
	v8 =	vld.idx.msk [tilespmem:v42+s3+$0x0], $0xffff  }
0xe1: {  	v11 =	vld.idx.msk [tilespmem:v45+s3+$0x0], $0xffff;
	v3 =	vor.u32 v3, v20  }
0xe2: {  	v20 =	vor.u32 $0x80, v3;
	v1 =	vld.idx.msk [tilespmem:v1+s3+$0x0], $0xffff  }
0xe3: {  	v57 =	vshll.u32 v38, $0x2;
	v56 =	vor.u32 $0x100, v3;
	v9 =	vld.idx.msk [tilespmem:v9+s3+$0x0], $0xffff  }
0xe4: {  	v23 =	vand.u32 $0xFFFFFE00, v57;
	v5 =	vand.u32 $0x7F, v38;
	v58 =	vor.u32 $0x180, v3;
	v13 =	vld.idx.msk [tilespmem:v47+s3+$0x0], $0xffff  }
0xe5: {  	v5 =	vor.u32 v5, v23;
	v15 =	vld.idx.msk [tilespmem:v49+s3+$0x0], $0xffff  }
0xe6: {  	[tilespmem:v3+s13+$0x0] =	vst.idx.add.f32.msk $0xffff, v2;
	v2 =	vor.u32 $0x80, v5  }
0xe7: {  	v59 =	vshll.u32 v41, $0x2;
	v3 =	vor.u32 $0x100, v5;
	[tilespmem:v20+s13+$0x0] =	vst.idx.add.f32.msk $0xffff, v6  }
0xe8: {  	v7 =	vand.u32 $0x7F, v41;
	v60 =	vor.u32 $0x180, v5;
	v6 =	vand.u32 $0xFFFFFE00, v59;
	[tilespmem:v56+s13+$0x0] =	vst.idx.add.f32.msk $0xffff, v8  }
0xe9: {  	v6 =	vor.u32 v7, v6;
	[tilespmem:v58+s13+$0x0] =	vst.idx.add.f32.msk $0xffff, v11  }
0xea: {  	[tilespmem:v5+s13+$0x0] =	vst.idx.add.f32.msk $0xffff, v1;
	v1 =	vor.u32 $0x80, v6  }
0xeb: {  	v61 =	vshll.u32 v46, $0x2;
	[tilespmem:v2+s13+$0x0] =	vst.idx.add.f32.msk $0xffff, v9;
	v2 =	vor.u32 $0x100, v6  }
0xec: {  	v62 =	vand.u32 $0x7F, v46;
	v5 =	vand.u32 $0xFFFFFE00, v61;
	[tilespmem:v3+s13+$0x0] =	vst.idx.add.f32.msk $0xffff, v13;
	v3 =	vor.u32 $0x180, v6  }
0xed: {  	v5 =	vor.u32 v62, v5;
	[tilespmem:v60+s13+$0x0] =	vst.idx.add.f32.msk $0xffff, v15  }
0xee: {  	v63 =	vor.u32 $0x80, v5;
	[tilespmem:v6+s13+$0x0] =	vst.idx.add.f32.msk $0xffff, v4  }
0xef: {  	s18 =	sadd.s32 $0x4, s18;
	[tilespmem:v1+s13+$0x0] =	vst.idx.add.f32.msk $0xffff, v14;
	v1 =	vor.u32 $0x100, v5  }
0xf0: {  	p0 =	slt.u32 s18, $0x3C;
	[tilespmem:v2+s13+$0x0] =	vst.idx.add.f32.msk $0xffff, v16;
	v2 =	vor.u32 $0x180, v5  }
.Ltmp8:
0xf1: {  	[tilespmem:v3+s13+$0x0] =	vst.idx.add.f32.msk $0xffff, v18;
	(pc) =	sbr.rel @p0 .LBB2_19-.Ltmp8, $4  }
0xf2: {  	[tilespmem:v5+s13+$0x0] =	vst.idx.add.f32.msk $0xffff, v10  }
0xf3: {  	[tilespmem:v63+s13+$0x0] =	vst.idx.add.f32.msk $0xffff, v17  }
0xf4: {  	[tilespmem:v1+s13+$0x0] =	vst.idx.add.f32.msk $0xffff, v19  }
0xf5: {  	s20 =	sadd.s32 $0x200, s20;
	s19 =	sadd.s32 $0x200, s19;
	[tilespmem:v2+s13+$0x0] =	vst.idx.add.f32.msk $0xffff, v21  }
0xf6: {  	_ =	swait.ge [sflag:s10], $0x1000;
	p0 =	seq.s32 s16, $0x2F  }
.Ltmp9:
0xf7: {  	[sflag:s10] =	ssyncset.done $0x0;
	(pc) =	sbr.rel @p0 .LBB2_21-.Ltmp9, $4  }
0xf8: {  	[sflag:s10] =	ssyncadd.s32 $0xFFFFF000  }
0xf9: {  	_ =	swait.ge [sflag:s11], $0x1000  }
0xfa: {  	[sflag:s11] =	ssyncset.done $0x0  }
0xfb: {  	[sflag:s11] =	ssyncadd.s32 $0xFFFFF000  }
0xfc: {  	s17 =	sadd.s32 $0x400, s17  }
0xfd: {  	s19 =	simm.s32 $0x13E00;
	s18 =	sadd.s32 s2, s17  }
0xfe: {  	s20 =	simm.s32 $0x10;
	s21 =	simm.s32 $0x13F00;
	s22 =	sadd.s32 $0x0, s18  }
.LBB2_26:
0xff: {  	[tilespmem:s19], [sflag:$0x2] =	stream.linear.gather [hbm4b:s22+s3], $0x80, $0x38;
	[tilespmem:$0x17E00] =	vst v63  }
0x100: {  	s22 =	smov.u32 s20;
	s19 =	smov.u32 s21;
	p0 =	sne.s32 s20, $0x1F0  }
.Ltmp10:
0x101: {  	s20 =	sadd.s32 $0x10, s20;
	(pc) =	sbr.rel @p0 .LBB2_26-.Ltmp10, $2  }
0x102: {  	_ =	sdelay $0x2  }
0x103: {  	s21 =	sadd.s32 $0x100, s21;
	s22 =	sadd.s32 s22, s18  }
0x104: {  	[tilespmem:s19], [sflag:$0x2] =	stream.linear.gather [hbm4b:s22+s3], $0x80, $0x38;
	[tilespmem:$0x17E00] =	vst v63  }
0x105: {  	s17 =	sadd.s32 s4, s17;
	s18 =	simm.s32 $0x0;
	s19 =	simm.s32 $0x15E00  }
.LBB2_28:
0x106: {  	p0 =	sne.s32 s18, $0x1F0  }
.Ltmp11:
0x107: {  	_ = 	snop;
	(pc) =	sbr.rel @p0 .LBB2_28-.Ltmp11, $4  }
0x108: {  	_ = 	snop  }
0x109: {  	s20 =	sadd.s32 s18, s17  }
0x10a: {  	[tilespmem:s19], [sflag:$0x3] =	stream.linear.gather [hbm4b:s20+s3], $0x80, $0x38;
	[tilespmem:$0x17E00] =	vst v63  }
0x10b: {  	s18 =	sadd.s32 $0x10, s18;
	s19 =	sadd.s32 $0x100, s19  }
0x10c: {  	s17 =	simm.s32 $0xFFFFFFFC;
	s18 =	simm.s32 $0x15F80;
	s19 =	simm.s32 $0x13F80  }
.LBB2_30:
0x10d: {  	v1 =	vld [tilespmem:s19+$0xFFFFFF00]  }
0x10e: {  	v2 =	vld [tilespmem:s19+$0xFFFFFF10]  }
0x10f: {  	v4 =	vld [tilespmem:s18+$0xFFFFFF00]  }
0x110: {  	v5 =	vld [tilespmem:s18+$0xFFFFFF10]  }
0x111: {  	v7 =	vld [tilespmem:s18+$0xFFFFFF20]  }
0x112: {  	v10 =	vld [tilespmem:s19+$0xFFFFFF30]  }
0x113: {  	v12 =	vld [tilespmem:s18+$0xFFFFFF30]  }
0x114: {  	v53 =	vld [tilespmem:s19+$0xFFFFFF40]  }
0x115: {  	v55 =	vld [tilespmem:s18+$0xFFFFFF50];
	v3 =	vshll.u32 v1, $0x2;
	v1 =	vand.u32 $0x7F, v1  }
0x116: {  	v56 =	vld [tilespmem:s19+$0xFFFFFF60];
	v9 =	vshll.u32 v2, $0x2;
	v2 =	vand.u32 $0x7F, v2;
	v3 =	vand.u32 $0xFFFFFE00, v3  }
0x117: {  	v58 =	vld [tilespmem:s18+$0xFFFFFF60];
	v17 =	vshll.u32 v10, $0x2;
	v9 =	vand.u32 $0xFFFFFE00, v9;
	v1 =	vor.u32 v1, v3  }
0x118: {  	v61 =	vld [tilespmem:s19+$0xFFFFFF70];
	v10 =	vand.u32 $0x7F, v10;
	v17 =	vand.u32 $0xFFFFFE00, v17;
	v2 =	vor.u32 v2, v9  }
0x119: {  	v63 =	vld [tilespmem:s18+$0xFFFFFF70];
	v10 =	vor.u32 v10, v17  }
0x11a: {  	v44 =	vld [tilespmem:s19+$0x0];
	v6 =	vor.u32 $0x80, v1  }
0x11b: {  	v3 =	vld [tilespmem:s19+$0xFFFFFF20];
	v8 =	vor.u32 $0x100, v1  }
0x11c: {  	v11 =	vor.u32 $0x180, v1;
	v1 =	vld.idx.msk [tilespmem:v1+s3+$0x0], $0xffff  }
0x11d: {  	v9 =	vor.u32 $0x80, v2;
	v13 =	vor.u32 $0x100, v2;
	v15 =	vor.u32 $0x180, v2;
	v2 =	vld.idx.msk [tilespmem:v2+s3+$0x0], $0xffff  }
0x11e: {  	v17 =	vor.u32 $0x80, v10;
	v19 =	vor.u32 $0x100, v10;
	v21 =	vor.u32 $0x180, v10;
	v10 =	vld.idx.msk [tilespmem:v10+s3+$0x0], $0xffff  }
0x11f: {  	v6 =	vld.idx.msk [tilespmem:v6+s3+$0x0], $0xffff  }
0x120: {  	v8 =	vld.idx.msk [tilespmem:v8+s3+$0x0], $0xffff  }
0x121: {  	v14 =	vshll.u32 v3, $0x2;
	v11 =	vld.idx.msk [tilespmem:v11+s3+$0x0], $0xffff  }
0x122: {  	v3 =	vand.u32 $0x7F, v3;
	v14 =	vand.u32 $0xFFFFFE00, v14;
	v9 =	vld.idx.msk [tilespmem:v9+s3+$0x0], $0xffff  }
0x123: {  	v13 =	vld.idx.msk [tilespmem:v13+s3+$0x0], $0xffff;
	v3 =	vor.u32 v3, v14  }
0x124: {  	v15 =	vld.idx.msk [tilespmem:v15+s3+$0x0], $0xffff;
	v14 =	vor.u32 $0x80, v3  }
0x125: {  	v20 =	vshll.u32 v4, $0x2;
	v17 =	vld.idx.msk [tilespmem:v17+s3+$0x0], $0xffff;
	v16 =	vor.u32 $0x100, v3  }
0x126: {  	v4 =	vand.u32 $0x7F, v4;
	v20 =	vand.u32 $0xFFFFFE00, v20;
	v19 =	vld.idx.msk [tilespmem:v19+s3+$0x0], $0xffff;
	v18 =	vor.u32 $0x180, v3  }
0x127: {  	v4 =	vor.u32 v4, v20;
	v21 =	vld.idx.msk [tilespmem:v21+s3+$0x0], $0xffff  }
0x128: {  	v20 =	vor.u32 $0x80, v4;
	v3 =	vld.idx.msk [tilespmem:v3+s3+$0x0], $0xffff  }
0x129: {  	v14 =	vld.idx.msk [tilespmem:v14+s3+$0x0], $0xffff  }
0x12a: {  	v23 =	vshll.u32 v5, $0x2;
	v22 =	vor.u32 $0x100, v4;
	v16 =	vld.idx.msk [tilespmem:v16+s3+$0x0], $0xffff  }
0x12b: {  	v5 =	vand.u32 $0x7F, v5;
	v23 =	vand.u32 $0xFFFFFE00, v23;
	v24 =	vor.u32 $0x180, v4;
	v18 =	vld.idx.msk [tilespmem:v18+s3+$0x0], $0xffff  }
0x12c: {  	v5 =	vor.u32 v5, v23;
	[tilespmem:v4+s13+$0x0] =	vst.idx.add.f32.msk $0xffff, v1  }
0x12d: {  	v47 =	vshll.u32 v7, $0x2;
	v1 =	vor.u32 $0x80, v5;
	[tilespmem:v20+s13+$0x0] =	vst.idx.add.f32.msk $0xffff, v6  }
0x12e: {  	v46 =	vor.u32 $0x100, v5;
	v6 =	vand.u32 $0xFFFFFE00, v47;
	v47 =	vld [tilespmem:s19+$0x20]  }
0x12f: {  	[tilespmem:v22+s13+$0x0] =	vst.idx.add.f32.msk $0xffff, v8  }
0x130: {  	v7 =	vand.u32 $0x7F, v7;
	v48 =	vor.u32 $0x180, v5;
	[tilespmem:v24+s13+$0x0] =	vst.idx.add.f32.msk $0xffff, v11  }
0x131: {  	v6 =	vor.u32 v7, v6;
	[tilespmem:v5+s13+$0x0] =	vst.idx.add.f32.msk $0xffff, v2  }
0x132: {  	v2 =	vor.u32 $0x80, v6;
	[tilespmem:v1+s13+$0x0] =	vst.idx.add.f32.msk $0xffff, v9  }
0x133: {  	v1 =	vor.u32 $0x100, v6;
	[tilespmem:v46+s13+$0x0] =	vst.idx.add.f32.msk $0xffff, v13  }
0x134: {  	v50 =	vshll.u32 v12, $0x2;
	v49 =	vor.u32 $0x180, v6;
	v46 =	vld [tilespmem:s18+$0x10]  }
0x135: {  	v51 =	vand.u32 $0x7F, v12;
	v5 =	vand.u32 $0xFFFFFE00, v50;
	[tilespmem:v48+s13+$0x0] =	vst.idx.add.f32.msk $0xffff, v15  }
0x136: {  	[tilespmem:v6+s13+$0x0] =	vst.idx.add.f32.msk $0xffff, v3;
	v3 =	vor.u32 v51, v5  }
0x137: {  	[tilespmem:v2+s13+$0x0] =	vst.idx.add.f32.msk $0xffff, v14  }
0x138: {  	v2 =	vor.u32 $0x80, v3;
	[tilespmem:v1+s13+$0x0] =	vst.idx.add.f32.msk $0xffff, v16  }
0x139: {  	v28 =	vshll.u32 v56, $0x2;
	v1 =	vor.u32 $0x100, v3;
	[tilespmem:v49+s13+$0x0] =	vst.idx.add.f32.msk $0xffff, v18  }
0x13a: {  	v4 =	vand.u32 $0x7F, v56;
	v14 =	vand.u32 $0xFFFFFE00, v28;
	v49 =	vld [tilespmem:s18+$0x20]  }
0x13b: {  	v4 =	vor.u32 v4, v14;
	[tilespmem:v3+s13+$0x0] =	vst.idx.add.f32.msk $0xffff, v10  }
0x13c: {  	v52 =	vor.u32 $0x180, v3;
	v3 =	vld [tilespmem:s18+$0xFFFFFF40]  }
0x13d: {  	v14 =	vor.u32 $0x80, v4;
	[tilespmem:v2+s13+$0x0] =	vst.idx.add.f32.msk $0xffff, v17  }
0x13e: {  	v30 =	vor.u32 $0x100, v4;
	[tilespmem:v1+s13+$0x0] =	vst.idx.add.f32.msk $0xffff, v19  }
0x13f: {  	v32 =	vor.u32 $0x180, v4;
	v1 =	vld [tilespmem:s19+$0xFFFFFF50]  }
0x140: {  	v31 =	vshll.u32 v61, $0x2;
	v4 =	vld.idx.msk [tilespmem:v4+s3+$0x0], $0xffff  }
0x141: {  	v10 =	vand.u32 $0x7F, v61;
	v2 =	vshll.u32 v53, $0x2;
	v17 =	vand.u32 $0xFFFFFE00, v31;
	[tilespmem:v52+s13+$0x0] =	vst.idx.add.f32.msk $0xffff, v21  }
0x142: {  	v54 =	vand.u32 $0x7F, v53;
	v2 =	vand.u32 $0xFFFFFE00, v2;
	v10 =	vor.u32 v10, v17;
	v14 =	vld.idx.msk [tilespmem:v14+s3+$0x0], $0xffff  }
0x143: {  	v2 =	vor.u32 v54, v2;
	v16 =	vld.idx.msk [tilespmem:v30+s3+$0x0], $0xffff  }
0x144: {  	v17 =	vor.u32 $0x80, v10;
	v18 =	vld.idx.msk [tilespmem:v32+s3+$0x0], $0xffff  }
0x145: {  	v33 =	vor.u32 $0x100, v10;
	v52 =	vld [tilespmem:s19+$0x30]  }
0x146: {  	v35 =	vor.u32 $0x180, v10;
	v54 =	vld [tilespmem:s18+$0x30]  }
0x147: {  	v57 =	vor.u32 $0x80, v2;
	v10 =	vld.idx.msk [tilespmem:v10+s3+$0x0], $0xffff  }
0x148: {  	v59 =	vor.u32 $0x100, v2;
	v62 =	vor.u32 $0x180, v2;
	v60 =	vshll.u32 v1, $0x2;
	v2 =	vld.idx.msk [tilespmem:v2+s3+$0x0], $0xffff  }
0x149: {  	v1 =	vand.u32 $0x7F, v1;
	v9 =	vand.u32 $0xFFFFFE00, v60;
	v17 =	vld.idx.msk [tilespmem:v17+s3+$0x0], $0xffff  }
0x14a: {  	v19 =	vld.idx.msk [tilespmem:v33+s3+$0x0], $0xffff;
	v1 =	vor.u32 v1, v9  }
0x14b: {  	v21 =	vld.idx.msk [tilespmem:v35+s3+$0x0], $0xffff;
	v9 =	vor.u32 $0x80, v1  }
0x14c: {  	v34 =	vshll.u32 v3, $0x2;
	v6 =	vld.idx.msk [tilespmem:v57+s3+$0x0], $0xffff;
	v27 =	vor.u32 $0x100, v1  }
0x14d: {  	v3 =	vand.u32 $0x7F, v3;
	v20 =	vand.u32 $0xFFFFFE00, v34;
	v8 =	vld.idx.msk [tilespmem:v59+s3+$0x0], $0xffff;
	v29 =	vor.u32 $0x180, v1  }
0x14e: {  	v3 =	vor.u32 v3, v20;
	v11 =	vld.idx.msk [tilespmem:v62+s3+$0x0], $0xffff  }
0x14f: {  	v20 =	vor.u32 $0x80, v3;
	v1 =	vld.idx.msk [tilespmem:v1+s3+$0x0], $0xffff  }
0x150: {  	v9 =	vld.idx.msk [tilespmem:v9+s3+$0x0], $0xffff  }
0x151: {  	v36 =	vor.u32 $0x100, v3;
	v13 =	vld.idx.msk [tilespmem:v27+s3+$0x0], $0xffff  }
0x152: {  	v15 =	vld.idx.msk [tilespmem:v29+s3+$0x0], $0xffff  }
0x153: {  	v37 =	vshll.u32 v55, $0x2;
	v38 =	vor.u32 $0x180, v3;
	[tilespmem:v3+s13+$0x0] =	vst.idx.add.f32.msk $0xffff, v2  }
0x154: {  	v39 =	vshll.u32 v58, $0x2;
	v23 =	vand.u32 $0xFFFFFE00, v37;
	v5 =	vand.u32 $0x7F, v55;
	[tilespmem:v20+s13+$0x0] =	vst.idx.add.f32.msk $0xffff, v6  }
0x155: {  	v5 =	vor.u32 v5, v23;
	v6 =	vand.u32 $0xFFFFFE00, v39;
	v39 =	vld [tilespmem:s19+$0x60]  }
0x156: {  	[tilespmem:v36+s13+$0x0] =	vst.idx.add.f32.msk $0xffff, v8  }
0x157: {  	v2 =	vor.u32 $0x80, v5;
	v36 =	vld [tilespmem:s19+$0x40]  }
0x158: {  	v3 =	vor.u32 $0x100, v5;
	[tilespmem:v38+s13+$0x0] =	vst.idx.add.f32.msk $0xffff, v11  }
0x159: {  	v7 =	vand.u32 $0x7F, v58;
	v40 =	vor.u32 $0x180, v5;
	v38 =	vld [tilespmem:s18+$0x50]  }
0x15a: {  	v41 =	vshll.u32 v63, $0x2;
	v6 =	vor.u32 v7, v6;
	[tilespmem:v5+s13+$0x0] =	vst.idx.add.f32.msk $0xffff, v1  }
0x15b: {  	v1 =	vor.u32 $0x80, v6;
	v5 =	vand.u32 $0xFFFFFE00, v41;
	v41 =	vld [tilespmem:s18+$0x60]  }
0x15c: {  	[tilespmem:v2+s13+$0x0] =	vst.idx.add.f32.msk $0xffff, v9  }
0x15d: {  	v2 =	vor.u32 $0x100, v6;
	[tilespmem:v3+s13+$0x0] =	vst.idx.add.f32.msk $0xffff, v13  }
0x15e: {  	v42 =	vand.u32 $0x7F, v63;
	v3 =	vor.u32 $0x180, v6;
	[tilespmem:v40+s13+$0x0] =	vst.idx.add.f32.msk $0xffff, v15  }
0x15f: {  	v43 =	vor.u32 v42, v5;
	[tilespmem:v6+s13+$0x0] =	vst.idx.add.f32.msk $0xffff, v4  }
0x160: {  	[tilespmem:v1+s13+$0x0] =	vst.idx.add.f32.msk $0xffff, v14;
	v1 =	vor.u32 $0x80, v43  }
0x161: {  	v56 =	vshll.u32 v47, $0x2;
	v29 =	vshll.u32 v46, $0x2;
	v5 =	vand.u32 $0x7F, v46;
	v46 =	vld [tilespmem:s18+$0x70]  }
0x162: {  	v4 =	vand.u32 $0x7F, v47;
	v14 =	vand.u32 $0xFFFFFE00, v56;
	[tilespmem:v2+s13+$0x0] =	vst.idx.add.f32.msk $0xffff, v16;
	v2 =	vor.u32 $0x100, v43  }
0x163: {  	v4 =	vor.u32 v4, v14;
	[tilespmem:v3+s13+$0x0] =	vst.idx.add.f32.msk $0xffff, v18  }
0x164: {  	v3 =	vor.u32 $0x180, v43;
	[tilespmem:v43+s13+$0x0] =	vst.idx.add.f32.msk $0xffff, v10  }
0x165: {  	[tilespmem:v1+s13+$0x0] =	vst.idx.add.f32.msk $0xffff, v17  }
0x166: {  	v14 =	vor.u32 $0x80, v4;
	v1 =	vld [tilespmem:s19+$0x10]  }
0x167: {  	v59 =	vshll.u32 v52, $0x2;
	v58 =	vor.u32 $0x100, v4;
	[tilespmem:v2+s13+$0x0] =	vst.idx.add.f32.msk $0xffff, v19  }
0x168: {  	v60 =	vor.u32 $0x180, v4;
	v10 =	vand.u32 $0x7F, v52;
	v17 =	vand.u32 $0xFFFFFE00, v59;
	v4 =	vld.idx.msk [tilespmem:v4+s3+$0x0], $0xffff  }
0x169: {  	v10 =	vor.u32 v10, v17;
	[tilespmem:v3+s13+$0x0] =	vst.idx.add.f32.msk $0xffff, v21  }
0x16a: {  	v3 =	vld [tilespmem:s18+$0x0];
	v17 =	vor.u32 $0x80, v10  }
0x16b: {  	v2 =	vshll.u32 v44, $0x2;
	v14 =	vld.idx.msk [tilespmem:v14+s3+$0x0], $0xffff;
	v61 =	vor.u32 $0x100, v10  }
0x16c: {  	v45 =	vand.u32 $0x7F, v44;
	v2 =	vand.u32 $0xFFFFFE00, v2;
	v16 =	vld.idx.msk [tilespmem:v58+s3+$0x0], $0xffff;
	v63 =	vor.u32 $0x180, v10  }
0x16d: {  	v18 =	vld.idx.msk [tilespmem:v60+s3+$0x0], $0xffff;
	v2 =	vor.u32 v45, v2  }
0x16e: {  	v48 =	vor.u32 $0x80, v2;
	v10 =	vld.idx.msk [tilespmem:v10+s3+$0x0], $0xffff  }
0x16f: {  	v50 =	vor.u32 $0x100, v2;
	v51 =	vshll.u32 v1, $0x2;
	v17 =	vld.idx.msk [tilespmem:v17+s3+$0x0], $0xffff  }
0x170: {  	v53 =	vor.u32 $0x180, v2;
	v1 =	vand.u32 $0x7F, v1;
	v9 =	vand.u32 $0xFFFFFE00, v51;
	v19 =	vld.idx.msk [tilespmem:v61+s3+$0x0], $0xffff  }
0x171: {  	v1 =	vor.u32 v1, v9;
	v21 =	vld.idx.msk [tilespmem:v63+s3+$0x0], $0xffff  }
0x172: {  	v2 =	vld.idx.msk [tilespmem:v2+s3+$0x0], $0xffff;
	v9 =	vor.u32 $0x80, v1  }
0x173: {  	v62 =	vshll.u32 v3, $0x2;
	v55 =	vor.u32 $0x100, v1;
	v6 =	vld.idx.msk [tilespmem:v48+s3+$0x0], $0xffff  }
0x174: {  	v3 =	vand.u32 $0x7F, v3;
	v57 =	vor.u32 $0x180, v1;
	v20 =	vand.u32 $0xFFFFFE00, v62;
	v8 =	vld.idx.msk [tilespmem:v50+s3+$0x0], $0xffff  }
0x175: {  	v11 =	vld.idx.msk [tilespmem:v53+s3+$0x0], $0xffff;
	v3 =	vor.u32 v3, v20  }
0x176: {  	v20 =	vor.u32 $0x80, v3;
	v1 =	vld.idx.msk [tilespmem:v1+s3+$0x0], $0xffff  }
0x177: {  	v28 =	vor.u32 $0x100, v3;
	v9 =	vld.idx.msk [tilespmem:v9+s3+$0x0], $0xffff  }
0x178: {  	v23 =	vand.u32 $0xFFFFFE00, v29;
	v30 =	vor.u32 $0x180, v3;
	v13 =	vld.idx.msk [tilespmem:v55+s3+$0x0], $0xffff  }
0x179: {  	v5 =	vor.u32 v5, v23;
	v15 =	vld.idx.msk [tilespmem:v57+s3+$0x0], $0xffff  }
0x17a: {  	[tilespmem:v3+s13+$0x0] =	vst.idx.add.f32.msk $0xffff, v2;
	v2 =	vor.u32 $0x80, v5  }
0x17b: {  	v31 =	vshll.u32 v49, $0x2;
	v3 =	vor.u32 $0x100, v5;
	[tilespmem:v20+s13+$0x0] =	vst.idx.add.f32.msk $0xffff, v6  }
0x17c: {  	v7 =	vand.u32 $0x7F, v49;
	v32 =	vor.u32 $0x180, v5;
	v6 =	vand.u32 $0xFFFFFE00, v31;
	[tilespmem:v28+s13+$0x0] =	vst.idx.add.f32.msk $0xffff, v8  }
0x17d: {  	v6 =	vor.u32 v7, v6;
	[tilespmem:v30+s13+$0x0] =	vst.idx.add.f32.msk $0xffff, v11  }
0x17e: {  	[tilespmem:v5+s13+$0x0] =	vst.idx.add.f32.msk $0xffff, v1;
	v1 =	vor.u32 $0x80, v6  }
0x17f: {  	[tilespmem:v2+s13+$0x0] =	vst.idx.add.f32.msk $0xffff, v9  }
0x180: {  	v33 =	vshll.u32 v54, $0x2;
	v2 =	vor.u32 $0x100, v6;
	[tilespmem:v3+s13+$0x0] =	vst.idx.add.f32.msk $0xffff, v13  }
0x181: {  	v34 =	vand.u32 $0x7F, v54;
	v5 =	vand.u32 $0xFFFFFE00, v33;
	v3 =	vor.u32 $0x180, v6;
	[tilespmem:v32+s13+$0x0] =	vst.idx.add.f32.msk $0xffff, v15  }
0x182: {  	v35 =	vor.u32 v34, v5;
	[tilespmem:v6+s13+$0x0] =	vst.idx.add.f32.msk $0xffff, v4  }
0x183: {  	[tilespmem:v1+s13+$0x0] =	vst.idx.add.f32.msk $0xffff, v14;
	v1 =	vor.u32 $0x80, v35  }
0x184: {  	v44 =	vld [tilespmem:s19+$0x70];
	v48 =	vshll.u32 v39, $0x2  }
0x185: {  	v4 =	vand.u32 $0x7F, v39;
	v14 =	vand.u32 $0xFFFFFE00, v48;
	[tilespmem:v2+s13+$0x0] =	vst.idx.add.f32.msk $0xffff, v16;
	v2 =	vor.u32 $0x100, v35  }
0x186: {  	v4 =	vor.u32 v4, v14;
	[tilespmem:v3+s13+$0x0] =	vst.idx.add.f32.msk $0xffff, v18  }
0x187: {  	v3 =	vor.u32 $0x180, v35;
	[tilespmem:v35+s13+$0x0] =	vst.idx.add.f32.msk $0xffff, v10  }
0x188: {  	[tilespmem:v1+s13+$0x0] =	vst.idx.add.f32.msk $0xffff, v17  }
0x189: {  	v14 =	vor.u32 $0x80, v4;
	v1 =	vld [tilespmem:s19+$0x50]  }
0x18a: {  	v51 =	vshll.u32 v44, $0x2;
	v50 =	vor.u32 $0x100, v4;
	[tilespmem:v2+s13+$0x0] =	vst.idx.add.f32.msk $0xffff, v19  }
0x18b: {  	v52 =	vor.u32 $0x180, v4;
	v10 =	vand.u32 $0x7F, v44;
	v17 =	vand.u32 $0xFFFFFE00, v51;
	v4 =	vld.idx.msk [tilespmem:v4+s3+$0x0], $0xffff  }
0x18c: {  	v10 =	vor.u32 v10, v17;
	[tilespmem:v3+s13+$0x0] =	vst.idx.add.f32.msk $0xffff, v21  }
0x18d: {  	v3 =	vld [tilespmem:s18+$0x40];
	v17 =	vor.u32 $0x80, v10  }
0x18e: {  	v2 =	vshll.u32 v36, $0x2;
	v14 =	vld.idx.msk [tilespmem:v14+s3+$0x0], $0xffff;
	v53 =	vor.u32 $0x100, v10  }
0x18f: {  	v37 =	vand.u32 $0x7F, v36;
	v2 =	vand.u32 $0xFFFFFE00, v2;
	v16 =	vld.idx.msk [tilespmem:v50+s3+$0x0], $0xffff;
	v55 =	vor.u32 $0x180, v10  }
0x190: {  	v18 =	vld.idx.msk [tilespmem:v52+s3+$0x0], $0xffff;
	v2 =	vor.u32 v37, v2  }
0x191: {  	v40 =	vor.u32 $0x80, v2;
	v10 =	vld.idx.msk [tilespmem:v10+s3+$0x0], $0xffff  }
0x192: {  	v42 =	vor.u32 $0x100, v2;
	v43 =	vshll.u32 v1, $0x2;
	v17 =	vld.idx.msk [tilespmem:v17+s3+$0x0], $0xffff  }
0x193: {  	v45 =	vor.u32 $0x180, v2;
	v1 =	vand.u32 $0x7F, v1;
	v9 =	vand.u32 $0xFFFFFE00, v43;
	v19 =	vld.idx.msk [tilespmem:v53+s3+$0x0], $0xffff  }
0x194: {  	v1 =	vor.u32 v1, v9;
	v21 =	vld.idx.msk [tilespmem:v55+s3+$0x0], $0xffff  }
0x195: {  	v2 =	vld.idx.msk [tilespmem:v2+s3+$0x0], $0xffff;
	v9 =	vor.u32 $0x80, v1  }
0x196: {  	v54 =	vshll.u32 v3, $0x2;
	v47 =	vor.u32 $0x100, v1;
	v6 =	vld.idx.msk [tilespmem:v40+s3+$0x0], $0xffff  }
0x197: {  	v3 =	vand.u32 $0x7F, v3;
	v49 =	vor.u32 $0x180, v1;
	v20 =	vand.u32 $0xFFFFFE00, v54;
	v8 =	vld.idx.msk [tilespmem:v42+s3+$0x0], $0xffff  }
0x198: {  	v11 =	vld.idx.msk [tilespmem:v45+s3+$0x0], $0xffff;
	v3 =	vor.u32 v3, v20  }
0x199: {  	v20 =	vor.u32 $0x80, v3;
	v1 =	vld.idx.msk [tilespmem:v1+s3+$0x0], $0xffff  }
0x19a: {  	v57 =	vshll.u32 v38, $0x2;
	v56 =	vor.u32 $0x100, v3;
	v9 =	vld.idx.msk [tilespmem:v9+s3+$0x0], $0xffff  }
0x19b: {  	v23 =	vand.u32 $0xFFFFFE00, v57;
	v5 =	vand.u32 $0x7F, v38;
	v58 =	vor.u32 $0x180, v3;
	v13 =	vld.idx.msk [tilespmem:v47+s3+$0x0], $0xffff  }
0x19c: {  	v5 =	vor.u32 v5, v23;
	v15 =	vld.idx.msk [tilespmem:v49+s3+$0x0], $0xffff  }
0x19d: {  	[tilespmem:v3+s13+$0x0] =	vst.idx.add.f32.msk $0xffff, v2;
	v2 =	vor.u32 $0x80, v5  }
0x19e: {  	v59 =	vshll.u32 v41, $0x2;
	v3 =	vor.u32 $0x100, v5;
	[tilespmem:v20+s13+$0x0] =	vst.idx.add.f32.msk $0xffff, v6  }
0x19f: {  	v7 =	vand.u32 $0x7F, v41;
	v60 =	vor.u32 $0x180, v5;
	v6 =	vand.u32 $0xFFFFFE00, v59;
	[tilespmem:v56+s13+$0x0] =	vst.idx.add.f32.msk $0xffff, v8  }
0x1a0: {  	v6 =	vor.u32 v7, v6;
	[tilespmem:v58+s13+$0x0] =	vst.idx.add.f32.msk $0xffff, v11  }
0x1a1: {  	[tilespmem:v5+s13+$0x0] =	vst.idx.add.f32.msk $0xffff, v1;
	v1 =	vor.u32 $0x80, v6  }
0x1a2: {  	v61 =	vshll.u32 v46, $0x2;
	[tilespmem:v2+s13+$0x0] =	vst.idx.add.f32.msk $0xffff, v9;
	v2 =	vor.u32 $0x100, v6  }
0x1a3: {  	v62 =	vand.u32 $0x7F, v46;
	v5 =	vand.u32 $0xFFFFFE00, v61;
	[tilespmem:v3+s13+$0x0] =	vst.idx.add.f32.msk $0xffff, v13;
	v3 =	vor.u32 $0x180, v6  }
0x1a4: {  	v5 =	vor.u32 v62, v5;
	[tilespmem:v60+s13+$0x0] =	vst.idx.add.f32.msk $0xffff, v15  }
0x1a5: {  	v63 =	vor.u32 $0x80, v5;
	[tilespmem:v6+s13+$0x0] =	vst.idx.add.f32.msk $0xffff, v4  }
0x1a6: {  	s17 =	sadd.s32 $0x4, s17;
	[tilespmem:v1+s13+$0x0] =	vst.idx.add.f32.msk $0xffff, v14;
	v1 =	vor.u32 $0x100, v5  }
0x1a7: {  	p0 =	slt.u32 s17, $0x3C;
	[tilespmem:v2+s13+$0x0] =	vst.idx.add.f32.msk $0xffff, v16;
	v2 =	vor.u32 $0x180, v5  }
.Ltmp12:
0x1a8: {  	[tilespmem:v3+s13+$0x0] =	vst.idx.add.f32.msk $0xffff, v18;
	(pc) =	sbr.rel @p0 .LBB2_30-.Ltmp12, $4  }
0x1a9: {  	[tilespmem:v5+s13+$0x0] =	vst.idx.add.f32.msk $0xffff, v10  }
0x1aa: {  	[tilespmem:v63+s13+$0x0] =	vst.idx.add.f32.msk $0xffff, v17  }
0x1ab: {  	[tilespmem:v1+s13+$0x0] =	vst.idx.add.f32.msk $0xffff, v19  }
0x1ac: {  	s19 =	sadd.s32 $0x200, s19;
	s18 =	sadd.s32 $0x200, s18;
	[tilespmem:v2+s13+$0x0] =	vst.idx.add.f32.msk $0xffff, v21  }
0x1ad: {  	_ =	swait.ge [sflag:s10], $0x1000  }
.Ltmp13:
0x1ae: {  	[sflag:s10] =	ssyncset.done $0x0;
	(pc) =	sbr.rel .LBB2_14-.Ltmp13, $4  }
0x1af: {  	[sflag:s10] =	ssyncadd.s32 $0xFFFFF000  }
0x1b0: {  	_ =	swait.ge [sflag:s11], $0x1000  }
0x1b1: {  	[sflag:s11] =	ssyncset.done $0x0  }
0x1b2: {  	s16 =	sadd.s32 $0x1, s16;
	[sflag:s11] =	ssyncadd.s32 $0xFFFFF000  }
.LBB2_21:
0x1b3: {  	s16 =	simm.s32 $0xFFFFFFFC;
	s17 =	simm.s32 $0x15F80;
	s18 =	simm.s32 $0x13F80  }
.LBB2_22:
0x1b4: {  	v1 =	vld [tilespmem:s18+$0xFFFFFF00]  }
0x1b5: {  	v2 =	vld [tilespmem:s18+$0xFFFFFF10]  }
0x1b6: {  	v4 =	vld [tilespmem:s17+$0xFFFFFF00]  }
0x1b7: {  	v5 =	vld [tilespmem:s17+$0xFFFFFF10]  }
0x1b8: {  	v7 =	vld [tilespmem:s17+$0xFFFFFF20]  }
0x1b9: {  	v10 =	vld [tilespmem:s18+$0xFFFFFF30]  }
0x1ba: {  	v12 =	vld [tilespmem:s17+$0xFFFFFF30]  }
0x1bb: {  	v53 =	vld [tilespmem:s18+$0xFFFFFF40]  }
0x1bc: {  	v55 =	vld [tilespmem:s17+$0xFFFFFF50];
	v3 =	vshll.u32 v1, $0x2;
	v1 =	vand.u32 $0x7F, v1  }
0x1bd: {  	v56 =	vld [tilespmem:s18+$0xFFFFFF60];
	v9 =	vshll.u32 v2, $0x2;
	v2 =	vand.u32 $0x7F, v2;
	v3 =	vand.u32 $0xFFFFFE00, v3  }
0x1be: {  	v58 =	vld [tilespmem:s17+$0xFFFFFF60];
	v17 =	vshll.u32 v10, $0x2;
	v9 =	vand.u32 $0xFFFFFE00, v9;
	v1 =	vor.u32 v1, v3  }
0x1bf: {  	v61 =	vld [tilespmem:s18+$0xFFFFFF70];
	v10 =	vand.u32 $0x7F, v10;
	v17 =	vand.u32 $0xFFFFFE00, v17;
	v2 =	vor.u32 v2, v9  }
0x1c0: {  	v63 =	vld [tilespmem:s17+$0xFFFFFF70];
	v10 =	vor.u32 v10, v17  }
0x1c1: {  	v44 =	vld [tilespmem:s18+$0x0];
	v6 =	vor.u32 $0x80, v1  }
0x1c2: {  	v3 =	vld [tilespmem:s18+$0xFFFFFF20];
	v8 =	vor.u32 $0x100, v1  }
0x1c3: {  	v11 =	vor.u32 $0x180, v1;
	v1 =	vld.idx.msk [tilespmem:v1+s3+$0x0], $0xffff  }
0x1c4: {  	v9 =	vor.u32 $0x80, v2;
	v13 =	vor.u32 $0x100, v2;
	v15 =	vor.u32 $0x180, v2;
	v2 =	vld.idx.msk [tilespmem:v2+s3+$0x0], $0xffff  }
0x1c5: {  	v17 =	vor.u32 $0x80, v10;
	v19 =	vor.u32 $0x100, v10;
	v21 =	vor.u32 $0x180, v10;
	v10 =	vld.idx.msk [tilespmem:v10+s3+$0x0], $0xffff  }
0x1c6: {  	v6 =	vld.idx.msk [tilespmem:v6+s3+$0x0], $0xffff  }
0x1c7: {  	v8 =	vld.idx.msk [tilespmem:v8+s3+$0x0], $0xffff  }
0x1c8: {  	v14 =	vshll.u32 v3, $0x2;
	v11 =	vld.idx.msk [tilespmem:v11+s3+$0x0], $0xffff  }
0x1c9: {  	v3 =	vand.u32 $0x7F, v3;
	v14 =	vand.u32 $0xFFFFFE00, v14;
	v9 =	vld.idx.msk [tilespmem:v9+s3+$0x0], $0xffff  }
0x1ca: {  	v13 =	vld.idx.msk [tilespmem:v13+s3+$0x0], $0xffff;
	v3 =	vor.u32 v3, v14  }
0x1cb: {  	v15 =	vld.idx.msk [tilespmem:v15+s3+$0x0], $0xffff;
	v14 =	vor.u32 $0x80, v3  }
0x1cc: {  	v20 =	vshll.u32 v4, $0x2;
	v17 =	vld.idx.msk [tilespmem:v17+s3+$0x0], $0xffff;
	v16 =	vor.u32 $0x100, v3  }
0x1cd: {  	v4 =	vand.u32 $0x7F, v4;
	v20 =	vand.u32 $0xFFFFFE00, v20;
	v19 =	vld.idx.msk [tilespmem:v19+s3+$0x0], $0xffff;
	v18 =	vor.u32 $0x180, v3  }
0x1ce: {  	v4 =	vor.u32 v4, v20;
	v21 =	vld.idx.msk [tilespmem:v21+s3+$0x0], $0xffff  }
0x1cf: {  	v20 =	vor.u32 $0x80, v4;
	v3 =	vld.idx.msk [tilespmem:v3+s3+$0x0], $0xffff  }
0x1d0: {  	v14 =	vld.idx.msk [tilespmem:v14+s3+$0x0], $0xffff  }
0x1d1: {  	v23 =	vshll.u32 v5, $0x2;
	v22 =	vor.u32 $0x100, v4;
	v16 =	vld.idx.msk [tilespmem:v16+s3+$0x0], $0xffff  }
0x1d2: {  	v5 =	vand.u32 $0x7F, v5;
	v23 =	vand.u32 $0xFFFFFE00, v23;
	v24 =	vor.u32 $0x180, v4;
	v18 =	vld.idx.msk [tilespmem:v18+s3+$0x0], $0xffff  }
0x1d3: {  	v5 =	vor.u32 v5, v23;
	[tilespmem:v4+s13+$0x0] =	vst.idx.add.f32.msk $0xffff, v1  }
0x1d4: {  	v47 =	vshll.u32 v7, $0x2;
	v1 =	vor.u32 $0x80, v5;
	[tilespmem:v20+s13+$0x0] =	vst.idx.add.f32.msk $0xffff, v6  }
0x1d5: {  	v46 =	vor.u32 $0x100, v5;
	v6 =	vand.u32 $0xFFFFFE00, v47;
	v47 =	vld [tilespmem:s18+$0x20]  }
0x1d6: {  	[tilespmem:v22+s13+$0x0] =	vst.idx.add.f32.msk $0xffff, v8  }
0x1d7: {  	v7 =	vand.u32 $0x7F, v7;
	v48 =	vor.u32 $0x180, v5;
	[tilespmem:v24+s13+$0x0] =	vst.idx.add.f32.msk $0xffff, v11  }
0x1d8: {  	v6 =	vor.u32 v7, v6;
	[tilespmem:v5+s13+$0x0] =	vst.idx.add.f32.msk $0xffff, v2  }
0x1d9: {  	v2 =	vor.u32 $0x80, v6;
	[tilespmem:v1+s13+$0x0] =	vst.idx.add.f32.msk $0xffff, v9  }
0x1da: {  	v1 =	vor.u32 $0x100, v6;
	[tilespmem:v46+s13+$0x0] =	vst.idx.add.f32.msk $0xffff, v13  }
0x1db: {  	v50 =	vshll.u32 v12, $0x2;
	v49 =	vor.u32 $0x180, v6;
	v46 =	vld [tilespmem:s17+$0x10]  }
0x1dc: {  	v51 =	vand.u32 $0x7F, v12;
	v5 =	vand.u32 $0xFFFFFE00, v50;
	[tilespmem:v48+s13+$0x0] =	vst.idx.add.f32.msk $0xffff, v15  }
0x1dd: {  	[tilespmem:v6+s13+$0x0] =	vst.idx.add.f32.msk $0xffff, v3;
	v3 =	vor.u32 v51, v5  }
0x1de: {  	[tilespmem:v2+s13+$0x0] =	vst.idx.add.f32.msk $0xffff, v14  }
0x1df: {  	v2 =	vor.u32 $0x80, v3;
	[tilespmem:v1+s13+$0x0] =	vst.idx.add.f32.msk $0xffff, v16  }
0x1e0: {  	v28 =	vshll.u32 v56, $0x2;
	v1 =	vor.u32 $0x100, v3;
	[tilespmem:v49+s13+$0x0] =	vst.idx.add.f32.msk $0xffff, v18  }
0x1e1: {  	v4 =	vand.u32 $0x7F, v56;
	v14 =	vand.u32 $0xFFFFFE00, v28;
	v49 =	vld [tilespmem:s17+$0x20]  }
0x1e2: {  	v4 =	vor.u32 v4, v14;
	[tilespmem:v3+s13+$0x0] =	vst.idx.add.f32.msk $0xffff, v10  }
0x1e3: {  	v52 =	vor.u32 $0x180, v3;
	v3 =	vld [tilespmem:s17+$0xFFFFFF40]  }
0x1e4: {  	v14 =	vor.u32 $0x80, v4;
	[tilespmem:v2+s13+$0x0] =	vst.idx.add.f32.msk $0xffff, v17  }
0x1e5: {  	v30 =	vor.u32 $0x100, v4;
	[tilespmem:v1+s13+$0x0] =	vst.idx.add.f32.msk $0xffff, v19  }
0x1e6: {  	v32 =	vor.u32 $0x180, v4;
	v1 =	vld [tilespmem:s18+$0xFFFFFF50]  }
0x1e7: {  	v31 =	vshll.u32 v61, $0x2;
	v4 =	vld.idx.msk [tilespmem:v4+s3+$0x0], $0xffff  }
0x1e8: {  	v10 =	vand.u32 $0x7F, v61;
	v2 =	vshll.u32 v53, $0x2;
	v17 =	vand.u32 $0xFFFFFE00, v31;
	[tilespmem:v52+s13+$0x0] =	vst.idx.add.f32.msk $0xffff, v21  }
0x1e9: {  	v54 =	vand.u32 $0x7F, v53;
	v2 =	vand.u32 $0xFFFFFE00, v2;
	v10 =	vor.u32 v10, v17;
	v14 =	vld.idx.msk [tilespmem:v14+s3+$0x0], $0xffff  }
0x1ea: {  	v2 =	vor.u32 v54, v2;
	v16 =	vld.idx.msk [tilespmem:v30+s3+$0x0], $0xffff  }
0x1eb: {  	v17 =	vor.u32 $0x80, v10;
	v18 =	vld.idx.msk [tilespmem:v32+s3+$0x0], $0xffff  }
0x1ec: {  	v33 =	vor.u32 $0x100, v10;
	v52 =	vld [tilespmem:s18+$0x30]  }
0x1ed: {  	v35 =	vor.u32 $0x180, v10;
	v54 =	vld [tilespmem:s17+$0x30]  }
0x1ee: {  	v57 =	vor.u32 $0x80, v2;
	v10 =	vld.idx.msk [tilespmem:v10+s3+$0x0], $0xffff  }
0x1ef: {  	v59 =	vor.u32 $0x100, v2;
	v62 =	vor.u32 $0x180, v2;
	v60 =	vshll.u32 v1, $0x2;
	v2 =	vld.idx.msk [tilespmem:v2+s3+$0x0], $0xffff  }
0x1f0: {  	v1 =	vand.u32 $0x7F, v1;
	v9 =	vand.u32 $0xFFFFFE00, v60;
	v17 =	vld.idx.msk [tilespmem:v17+s3+$0x0], $0xffff  }
0x1f1: {  	v19 =	vld.idx.msk [tilespmem:v33+s3+$0x0], $0xffff;
	v1 =	vor.u32 v1, v9  }
0x1f2: {  	v21 =	vld.idx.msk [tilespmem:v35+s3+$0x0], $0xffff;
	v9 =	vor.u32 $0x80, v1  }
0x1f3: {  	v34 =	vshll.u32 v3, $0x2;
	v6 =	vld.idx.msk [tilespmem:v57+s3+$0x0], $0xffff;
	v27 =	vor.u32 $0x100, v1  }
0x1f4: {  	v3 =	vand.u32 $0x7F, v3;
	v20 =	vand.u32 $0xFFFFFE00, v34;
	v8 =	vld.idx.msk [tilespmem:v59+s3+$0x0], $0xffff;
	v29 =	vor.u32 $0x180, v1  }
0x1f5: {  	v3 =	vor.u32 v3, v20;
	v11 =	vld.idx.msk [tilespmem:v62+s3+$0x0], $0xffff  }
0x1f6: {  	v20 =	vor.u32 $0x80, v3;
	v1 =	vld.idx.msk [tilespmem:v1+s3+$0x0], $0xffff  }
0x1f7: {  	v9 =	vld.idx.msk [tilespmem:v9+s3+$0x0], $0xffff  }
0x1f8: {  	v36 =	vor.u32 $0x100, v3;
	v13 =	vld.idx.msk [tilespmem:v27+s3+$0x0], $0xffff  }
0x1f9: {  	v15 =	vld.idx.msk [tilespmem:v29+s3+$0x0], $0xffff  }
0x1fa: {  	v37 =	vshll.u32 v55, $0x2;
	v38 =	vor.u32 $0x180, v3;
	[tilespmem:v3+s13+$0x0] =	vst.idx.add.f32.msk $0xffff, v2  }
0x1fb: {  	v39 =	vshll.u32 v58, $0x2;
	v23 =	vand.u32 $0xFFFFFE00, v37;
	v5 =	vand.u32 $0x7F, v55;
	[tilespmem:v20+s13+$0x0] =	vst.idx.add.f32.msk $0xffff, v6  }
0x1fc: {  	v5 =	vor.u32 v5, v23;
	v6 =	vand.u32 $0xFFFFFE00, v39;
	v39 =	vld [tilespmem:s18+$0x60]  }
0x1fd: {  	[tilespmem:v36+s13+$0x0] =	vst.idx.add.f32.msk $0xffff, v8  }
0x1fe: {  	v2 =	vor.u32 $0x80, v5;
	v36 =	vld [tilespmem:s18+$0x40]  }
0x1ff: {  	v3 =	vor.u32 $0x100, v5;
	[tilespmem:v38+s13+$0x0] =	vst.idx.add.f32.msk $0xffff, v11  }
0x200: {  	v7 =	vand.u32 $0x7F, v58;
	v40 =	vor.u32 $0x180, v5;
	v38 =	vld [tilespmem:s17+$0x50]  }
0x201: {  	v41 =	vshll.u32 v63, $0x2;
	v6 =	vor.u32 v7, v6;
	[tilespmem:v5+s13+$0x0] =	vst.idx.add.f32.msk $0xffff, v1  }
0x202: {  	v1 =	vor.u32 $0x80, v6;
	v5 =	vand.u32 $0xFFFFFE00, v41;
	v41 =	vld [tilespmem:s17+$0x60]  }
0x203: {  	[tilespmem:v2+s13+$0x0] =	vst.idx.add.f32.msk $0xffff, v9  }
0x204: {  	v2 =	vor.u32 $0x100, v6;
	[tilespmem:v3+s13+$0x0] =	vst.idx.add.f32.msk $0xffff, v13  }
0x205: {  	v42 =	vand.u32 $0x7F, v63;
	v3 =	vor.u32 $0x180, v6;
	[tilespmem:v40+s13+$0x0] =	vst.idx.add.f32.msk $0xffff, v15  }
0x206: {  	v43 =	vor.u32 v42, v5;
	[tilespmem:v6+s13+$0x0] =	vst.idx.add.f32.msk $0xffff, v4  }
0x207: {  	[tilespmem:v1+s13+$0x0] =	vst.idx.add.f32.msk $0xffff, v14;
	v1 =	vor.u32 $0x80, v43  }
0x208: {  	v56 =	vshll.u32 v47, $0x2;
	v29 =	vshll.u32 v46, $0x2;
	v5 =	vand.u32 $0x7F, v46;
	v46 =	vld [tilespmem:s17+$0x70]  }
0x209: {  	v4 =	vand.u32 $0x7F, v47;
	v14 =	vand.u32 $0xFFFFFE00, v56;
	[tilespmem:v2+s13+$0x0] =	vst.idx.add.f32.msk $0xffff, v16;
	v2 =	vor.u32 $0x100, v43  }
0x20a: {  	v4 =	vor.u32 v4, v14;
	[tilespmem:v3+s13+$0x0] =	vst.idx.add.f32.msk $0xffff, v18  }
0x20b: {  	v3 =	vor.u32 $0x180, v43;
	[tilespmem:v43+s13+$0x0] =	vst.idx.add.f32.msk $0xffff, v10  }
0x20c: {  	[tilespmem:v1+s13+$0x0] =	vst.idx.add.f32.msk $0xffff, v17  }
0x20d: {  	v14 =	vor.u32 $0x80, v4;
	v1 =	vld [tilespmem:s18+$0x10]  }
0x20e: {  	v59 =	vshll.u32 v52, $0x2;
	v58 =	vor.u32 $0x100, v4;
	[tilespmem:v2+s13+$0x0] =	vst.idx.add.f32.msk $0xffff, v19  }
0x20f: {  	v60 =	vor.u32 $0x180, v4;
	v10 =	vand.u32 $0x7F, v52;
	v17 =	vand.u32 $0xFFFFFE00, v59;
	v4 =	vld.idx.msk [tilespmem:v4+s3+$0x0], $0xffff  }
0x210: {  	v10 =	vor.u32 v10, v17;
	[tilespmem:v3+s13+$0x0] =	vst.idx.add.f32.msk $0xffff, v21  }
0x211: {  	v3 =	vld [tilespmem:s17+$0x0];
	v17 =	vor.u32 $0x80, v10  }
0x212: {  	v2 =	vshll.u32 v44, $0x2;
	v14 =	vld.idx.msk [tilespmem:v14+s3+$0x0], $0xffff;
	v61 =	vor.u32 $0x100, v10  }
0x213: {  	v45 =	vand.u32 $0x7F, v44;
	v2 =	vand.u32 $0xFFFFFE00, v2;
	v16 =	vld.idx.msk [tilespmem:v58+s3+$0x0], $0xffff;
	v63 =	vor.u32 $0x180, v10  }
0x214: {  	v18 =	vld.idx.msk [tilespmem:v60+s3+$0x0], $0xffff;
	v2 =	vor.u32 v45, v2  }
0x215: {  	v48 =	vor.u32 $0x80, v2;
	v10 =	vld.idx.msk [tilespmem:v10+s3+$0x0], $0xffff  }
0x216: {  	v50 =	vor.u32 $0x100, v2;
	v51 =	vshll.u32 v1, $0x2;
	v17 =	vld.idx.msk [tilespmem:v17+s3+$0x0], $0xffff  }
0x217: {  	v53 =	vor.u32 $0x180, v2;
	v1 =	vand.u32 $0x7F, v1;
	v9 =	vand.u32 $0xFFFFFE00, v51;
	v19 =	vld.idx.msk [tilespmem:v61+s3+$0x0], $0xffff  }
0x218: {  	v1 =	vor.u32 v1, v9;
	v21 =	vld.idx.msk [tilespmem:v63+s3+$0x0], $0xffff  }
0x219: {  	v2 =	vld.idx.msk [tilespmem:v2+s3+$0x0], $0xffff;
	v9 =	vor.u32 $0x80, v1  }
0x21a: {  	v62 =	vshll.u32 v3, $0x2;
	v55 =	vor.u32 $0x100, v1;
	v6 =	vld.idx.msk [tilespmem:v48+s3+$0x0], $0xffff  }
0x21b: {  	v3 =	vand.u32 $0x7F, v3;
	v57 =	vor.u32 $0x180, v1;
	v20 =	vand.u32 $0xFFFFFE00, v62;
	v8 =	vld.idx.msk [tilespmem:v50+s3+$0x0], $0xffff  }
0x21c: {  	v11 =	vld.idx.msk [tilespmem:v53+s3+$0x0], $0xffff;
	v3 =	vor.u32 v3, v20  }
0x21d: {  	v20 =	vor.u32 $0x80, v3;
	v1 =	vld.idx.msk [tilespmem:v1+s3+$0x0], $0xffff  }
0x21e: {  	v28 =	vor.u32 $0x100, v3;
	v9 =	vld.idx.msk [tilespmem:v9+s3+$0x0], $0xffff  }
0x21f: {  	v23 =	vand.u32 $0xFFFFFE00, v29;
	v30 =	vor.u32 $0x180, v3;
	v13 =	vld.idx.msk [tilespmem:v55+s3+$0x0], $0xffff  }
0x220: {  	v5 =	vor.u32 v5, v23;
	v15 =	vld.idx.msk [tilespmem:v57+s3+$0x0], $0xffff  }
0x221: {  	[tilespmem:v3+s13+$0x0] =	vst.idx.add.f32.msk $0xffff, v2;
	v2 =	vor.u32 $0x80, v5  }
0x222: {  	v31 =	vshll.u32 v49, $0x2;
	v3 =	vor.u32 $0x100, v5;
	[tilespmem:v20+s13+$0x0] =	vst.idx.add.f32.msk $0xffff, v6  }
0x223: {  	v7 =	vand.u32 $0x7F, v49;
	v32 =	vor.u32 $0x180, v5;
	v6 =	vand.u32 $0xFFFFFE00, v31;
	[tilespmem:v28+s13+$0x0] =	vst.idx.add.f32.msk $0xffff, v8  }
0x224: {  	v6 =	vor.u32 v7, v6;
	[tilespmem:v30+s13+$0x0] =	vst.idx.add.f32.msk $0xffff, v11  }
0x225: {  	[tilespmem:v5+s13+$0x0] =	vst.idx.add.f32.msk $0xffff, v1;
	v1 =	vor.u32 $0x80, v6  }
0x226: {  	[tilespmem:v2+s13+$0x0] =	vst.idx.add.f32.msk $0xffff, v9  }
0x227: {  	v33 =	vshll.u32 v54, $0x2;
	v2 =	vor.u32 $0x100, v6;
	[tilespmem:v3+s13+$0x0] =	vst.idx.add.f32.msk $0xffff, v13  }
0x228: {  	v34 =	vand.u32 $0x7F, v54;
	v5 =	vand.u32 $0xFFFFFE00, v33;
	v3 =	vor.u32 $0x180, v6;
	[tilespmem:v32+s13+$0x0] =	vst.idx.add.f32.msk $0xffff, v15  }
0x229: {  	v35 =	vor.u32 v34, v5;
	[tilespmem:v6+s13+$0x0] =	vst.idx.add.f32.msk $0xffff, v4  }
0x22a: {  	[tilespmem:v1+s13+$0x0] =	vst.idx.add.f32.msk $0xffff, v14;
	v1 =	vor.u32 $0x80, v35  }
0x22b: {  	v44 =	vld [tilespmem:s18+$0x70];
	v48 =	vshll.u32 v39, $0x2  }
0x22c: {  	v4 =	vand.u32 $0x7F, v39;
	v14 =	vand.u32 $0xFFFFFE00, v48;
	[tilespmem:v2+s13+$0x0] =	vst.idx.add.f32.msk $0xffff, v16;
	v2 =	vor.u32 $0x100, v35  }
0x22d: {  	v4 =	vor.u32 v4, v14;
	[tilespmem:v3+s13+$0x0] =	vst.idx.add.f32.msk $0xffff, v18  }
0x22e: {  	v3 =	vor.u32 $0x180, v35;
	[tilespmem:v35+s13+$0x0] =	vst.idx.add.f32.msk $0xffff, v10  }
0x22f: {  	[tilespmem:v1+s13+$0x0] =	vst.idx.add.f32.msk $0xffff, v17  }
0x230: {  	v14 =	vor.u32 $0x80, v4;
	v1 =	vld [tilespmem:s18+$0x50]  }
0x231: {  	v51 =	vshll.u32 v44, $0x2;
	v50 =	vor.u32 $0x100, v4;
	[tilespmem:v2+s13+$0x0] =	vst.idx.add.f32.msk $0xffff, v19  }
0x232: {  	v52 =	vor.u32 $0x180, v4;
	v10 =	vand.u32 $0x7F, v44;
	v17 =	vand.u32 $0xFFFFFE00, v51;
	v4 =	vld.idx.msk [tilespmem:v4+s3+$0x0], $0xffff  }
0x233: {  	v10 =	vor.u32 v10, v17;
	[tilespmem:v3+s13+$0x0] =	vst.idx.add.f32.msk $0xffff, v21  }
0x234: {  	v3 =	vld [tilespmem:s17+$0x40];
	v17 =	vor.u32 $0x80, v10  }
0x235: {  	v2 =	vshll.u32 v36, $0x2;
	v14 =	vld.idx.msk [tilespmem:v14+s3+$0x0], $0xffff;
	v53 =	vor.u32 $0x100, v10  }
0x236: {  	v37 =	vand.u32 $0x7F, v36;
	v2 =	vand.u32 $0xFFFFFE00, v2;
	v16 =	vld.idx.msk [tilespmem:v50+s3+$0x0], $0xffff;
	v55 =	vor.u32 $0x180, v10  }
0x237: {  	v18 =	vld.idx.msk [tilespmem:v52+s3+$0x0], $0xffff;
	v2 =	vor.u32 v37, v2  }
0x238: {  	v40 =	vor.u32 $0x80, v2;
	v10 =	vld.idx.msk [tilespmem:v10+s3+$0x0], $0xffff  }
0x239: {  	v42 =	vor.u32 $0x100, v2;
	v43 =	vshll.u32 v1, $0x2;
	v17 =	vld.idx.msk [tilespmem:v17+s3+$0x0], $0xffff  }
0x23a: {  	v45 =	vor.u32 $0x180, v2;
	v1 =	vand.u32 $0x7F, v1;
	v9 =	vand.u32 $0xFFFFFE00, v43;
	v19 =	vld.idx.msk [tilespmem:v53+s3+$0x0], $0xffff  }
0x23b: {  	v1 =	vor.u32 v1, v9;
	v21 =	vld.idx.msk [tilespmem:v55+s3+$0x0], $0xffff  }
0x23c: {  	v2 =	vld.idx.msk [tilespmem:v2+s3+$0x0], $0xffff;
	v9 =	vor.u32 $0x80, v1  }
0x23d: {  	v54 =	vshll.u32 v3, $0x2;
	v47 =	vor.u32 $0x100, v1;
	v6 =	vld.idx.msk [tilespmem:v40+s3+$0x0], $0xffff  }
0x23e: {  	v3 =	vand.u32 $0x7F, v3;
	v49 =	vor.u32 $0x180, v1;
	v20 =	vand.u32 $0xFFFFFE00, v54;
	v8 =	vld.idx.msk [tilespmem:v42+s3+$0x0], $0xffff  }
0x23f: {  	v11 =	vld.idx.msk [tilespmem:v45+s3+$0x0], $0xffff;
	v3 =	vor.u32 v3, v20  }
0x240: {  	v20 =	vor.u32 $0x80, v3;
	v1 =	vld.idx.msk [tilespmem:v1+s3+$0x0], $0xffff  }
0x241: {  	v57 =	vshll.u32 v38, $0x2;
	v56 =	vor.u32 $0x100, v3;
	v9 =	vld.idx.msk [tilespmem:v9+s3+$0x0], $0xffff  }
0x242: {  	v23 =	vand.u32 $0xFFFFFE00, v57;
	v5 =	vand.u32 $0x7F, v38;
	v58 =	vor.u32 $0x180, v3;
	v13 =	vld.idx.msk [tilespmem:v47+s3+$0x0], $0xffff  }
0x243: {  	v5 =	vor.u32 v5, v23;
	v15 =	vld.idx.msk [tilespmem:v49+s3+$0x0], $0xffff  }
0x244: {  	[tilespmem:v3+s13+$0x0] =	vst.idx.add.f32.msk $0xffff, v2;
	v2 =	vor.u32 $0x80, v5  }
0x245: {  	v59 =	vshll.u32 v41, $0x2;
	v3 =	vor.u32 $0x100, v5;
	[tilespmem:v20+s13+$0x0] =	vst.idx.add.f32.msk $0xffff, v6  }
0x246: {  	v7 =	vand.u32 $0x7F, v41;
	v60 =	vor.u32 $0x180, v5;
	v6 =	vand.u32 $0xFFFFFE00, v59;
	[tilespmem:v56+s13+$0x0] =	vst.idx.add.f32.msk $0xffff, v8  }
0x247: {  	v6 =	vor.u32 v7, v6;
	[tilespmem:v58+s13+$0x0] =	vst.idx.add.f32.msk $0xffff, v11  }
0x248: {  	[tilespmem:v5+s13+$0x0] =	vst.idx.add.f32.msk $0xffff, v1;
	v1 =	vor.u32 $0x80, v6  }
0x249: {  	v61 =	vshll.u32 v46, $0x2;
	[tilespmem:v2+s13+$0x0] =	vst.idx.add.f32.msk $0xffff, v9;
	v2 =	vor.u32 $0x100, v6  }
0x24a: {  	v62 =	vand.u32 $0x7F, v46;
	v5 =	vand.u32 $0xFFFFFE00, v61;
	[tilespmem:v3+s13+$0x0] =	vst.idx.add.f32.msk $0xffff, v13;
	v3 =	vor.u32 $0x180, v6  }
0x24b: {  	v5 =	vor.u32 v62, v5;
	[tilespmem:v60+s13+$0x0] =	vst.idx.add.f32.msk $0xffff, v15  }
0x24c: {  	v63 =	vor.u32 $0x80, v5;
	[tilespmem:v6+s13+$0x0] =	vst.idx.add.f32.msk $0xffff, v4  }
0x24d: {  	s16 =	sadd.s32 $0x4, s16;
	[tilespmem:v1+s13+$0x0] =	vst.idx.add.f32.msk $0xffff, v14;
	v1 =	vor.u32 $0x100, v5  }
0x24e: {  	p0 =	slt.u32 s16, $0x3C;
	[tilespmem:v2+s13+$0x0] =	vst.idx.add.f32.msk $0xffff, v16;
	v2 =	vor.u32 $0x180, v5  }
.Ltmp14:
0x24f: {  	[tilespmem:v3+s13+$0x0] =	vst.idx.add.f32.msk $0xffff, v18;
	(pc) =	sbr.rel @p0 .LBB2_22-.Ltmp14, $4  }
0x250: {  	[tilespmem:v5+s13+$0x0] =	vst.idx.add.f32.msk $0xffff, v10  }
0x251: {  	[tilespmem:v63+s13+$0x0] =	vst.idx.add.f32.msk $0xffff, v17  }
0x252: {  	[tilespmem:v1+s13+$0x0] =	vst.idx.add.f32.msk $0xffff, v19  }
0x253: {  	s18 =	sadd.s32 $0x200, s18;
	s17 =	sadd.s32 $0x200, s17;
	[tilespmem:v2+s13+$0x0] =	vst.idx.add.f32.msk $0xffff, v21  }
0x254: {  	s15 =	sadd.s32 $0x1, s15  }
0x255: {  	p0 =	sne.s32 s15, s7  }
.Ltmp15:
0x256: {  	_ = 	snop;
	(pc) =	sbr.rel @p0 .LBB2_1-.Ltmp15, $4  }
0x257: {  	[hbm4b:s6+s8] =	stream.strided.scatter [tilespmem:s13], [sflag:$0x4], $0xA000, s9, s8, $0x38;
	[tilespmem:$0x17E00] =	vst v63  }
0x258: {  	_ =	swait.ge [sflag:s14], $0xA000  }
0x259: {  	[sflag:s14] =	ssyncset.done $0x0  }
0x25a: {  	[sflag:s14] =	ssyncadd.s32 $0xFFFF6000  }
0x25b: {  	_ =	sfence.sel $0x180000  }
0x25c: {  	[bflag:$0x0] =	sbarrier.arrive $0xFFFF  }
0x25d: {  	p0 =	sne.s32 s0, $0x0;
	_ =	strace $0x90000050  }
0x25e: {  	s0 =	sadd.s32 @!p0 $0x100000, s1;
	[bflag:$0x2] =	sbarrier.arrive $0xFFFF  }
0x25f: {  	[sflag:s0] =	ssyncadd.tile.s32 @!p0 $0x1;
	_ =	shalt  }
.Lfunc_end2:
_tile_overlayer_lowered:
.L_overlay_start_2:
0x260: {  	(tag) =	ssettag $0x2  }
0x261: {  	s0 =	rddreg [dreg:$0x0];
	s2 =	stileid.u32  }
0x262: {  	s1 =	rddreg [dreg:$0x1];
	p0 =	sne.s32 s2, $0x0  }
0x263: {  	s3 =	rddreg [dreg:$0x2];
	[bflag:$0x3] =	sbarrier.arrive $0xFFFF;
	s2 =	simm.s32 @!p0 $0x1C04  }
0x264: {  	[timem:s3], [sflag:s2] =	dma.local @!p0 [hbm:s0], s1  }
0x265: {  	s0 =	simm.s32 @!p0 $0x4  }
0x266: {  	_ =	swait.ge @!p0 [sflag:s0], s1  }
0x267: {  	s1 =	ssub.s32 @!p0 $0x0, s1;
	[sflag:s0] =	ssyncset.done @!p0 $0x0  }
0x268: {  	[sflag:s0] =	ssyncadd.s32 @!p0 s1  }
0x269: {  	[bflag:$0x3] =	sbarrier.arrive $0xFFFF  }
0x26a: {  	_ =	shalt  }

</sc_bundles>
